<compile_context>
chip_gen: v7x
topology: tpu7x:2x2x1
jax: 0.10.2.dev20260603
libtpu: 0.0.44.dev20260713+nightly
codegen_flags: <defaults>
</compile_context>

<pallas_src>
import jax
import jax.numpy as jnp
from jax import lax
from jax.experimental import pallas as pl
from jax.experimental.pallas import tpu as pltpu
from jax.experimental.pallas import tpu_sc as plsc

N = 10000
E = 160000
R = 2
D = 256
DA = 16
Q = 64
NSUB = 16
EPT = E // NSUB
CHUNK = 125
NCHUNK = EPT // CHUNK
NB = 4
NPAD = 10240
ROWS_PT = NPAD // NSUB
ZROWS = 128


def _sc_aggregate_body(t0, t1, src, dst, agg_out, cnt_out,
                       sidx, didx, rows, ones_v, zrow_v, zcnt_v,
                       agg_sh, cnt_sh, gsem, ssem, csem):
    cid = lax.axis_index("c")
    sid = lax.axis_index("s")
    coff = cid * N
    row0 = sid * ROWS_PT

    def init_ones(i, _):
        ones_v[i] = jnp.ones((16,), jnp.float32)
        return ()
    lax.fori_loop(0, CHUNK, init_ones, ())

    def init_zrow(i, _):
        r = i // (Q // 16)
        j = i % (Q // 16)
        zrow_v[r, pl.ds(j * 16, 16)] = jnp.zeros((16,), jnp.float32)
        return ()
    lax.fori_loop(0, ZROWS * (Q // 16), init_zrow, ())

    def init_zcnt(i, _):
        zcnt_v[i] = jnp.zeros((16,), jnp.float32)
        return ()
    lax.fori_loop(0, ROWS_PT, init_zcnt, ())

    pltpu.sync_copy(src.at[sid], sidx)
    pltpu.sync_copy(dst.at[sid], didx)

    def shift_row2(i, _):
        nfull = CHUNK // 16
        for k in range(nfull):
            s = sidx[i, pl.ds(k * 16, 16)]
            sidx[i, pl.ds(k * 16, 16)] = s + coff
        tail = CHUNK - nfull * 16
        s = sidx[i, pl.ds(nfull * 16 - (16 - tail), 16)]
        mask = lax.iota(jnp.int32, 16) >= (16 - tail)
        sidx[i, pl.ds(nfull * 16 - (16 - tail), 16)] = jnp.where(
            mask, s + coff, s)
        return ()
    lax.fori_loop(0, NCHUNK, shift_row2, ())

    for p in range(2):
        table = (t0, t1)[p]
        for k in range(ROWS_PT // ZROWS):
            pltpu.sync_copy(zrow_v, agg_sh.at[pl.ds(row0 + k * ZROWS, ZROWS)])
        if p == 0:
            pltpu.sync_copy(zcnt_v, cnt_sh.at[pl.ds(row0, ROWS_PT)])
        plsc.subcore_barrier()

        def outer(j, _):
            gds = []
            for b in range(NB):
                i = j * NB + b

                @pl.when(j > 0)
                def _(b=b):
                    pltpu.make_async_copy(
                        table.at[pl.ds(0, CHUNK)], rows.at[b],
                        ssem.at[b]).wait()
                    if p == 0:
                        pltpu.make_async_copy(cnt_out.at[pl.ds(0, CHUNK)],
                                              ones_v, csem.at[b]).wait()
                gds.append(pltpu.async_copy(
                    table.at[sidx.at[i]], rows.at[b], gsem.at[b]))
            for b in range(NB):
                i = j * NB + b
                gds[b].wait()
                pltpu.async_copy(rows.at[b], agg_sh.at[didx.at[i]],
                                 ssem.at[b], add=True)
                if p == 0:
                    pltpu.async_copy(ones_v, cnt_sh.at[didx.at[i]],
                                     csem.at[b], add=True)
            return ()
        lax.fori_loop(0, NCHUNK // NB, outer, ())
        for b in range(NB):
            pltpu.make_async_copy(table.at[pl.ds(0, CHUNK)], rows.at[b],
                                  ssem.at[b]).wait()
            if p == 0:
                pltpu.make_async_copy(cnt_out.at[pl.ds(0, CHUNK)], ones_v,
                                      csem.at[b]).wait()
        plsc.subcore_barrier()

        pltpu.sync_copy(agg_sh.at[pl.ds(row0, ROWS_PT)],
                        agg_out.at[2 * cid + p, pl.ds(row0, ROWS_PT)])
        if p == 0:
            @pl.when(cid == 0)
            def _():
                pltpu.sync_copy(cnt_sh.at[pl.ds(row0, ROWS_PT)],
                                cnt_out.at[pl.ds(row0, ROWS_PT)])


def _make_sc_aggregate():
    mesh = plsc.VectorSubcoreMesh(core_axis_name="c", subcore_axis_name="s")
    return pl.kernel(
        _sc_aggregate_body,
        out_type=(
            jax.ShapeDtypeStruct((4, NPAD, Q), jnp.float32),
            jax.ShapeDtypeStruct((NPAD, DA), jnp.float32),
        ),
        mesh=mesh,
        scratch_types=[
            pltpu.VMEM((NCHUNK, CHUNK), jnp.int32),
            pltpu.VMEM((NCHUNK, CHUNK), jnp.int32),
            pltpu.VMEM((NB, CHUNK, Q), jnp.float32),
            pltpu.VMEM((CHUNK, DA), jnp.float32),
            pltpu.VMEM((ZROWS, Q), jnp.float32),
            pltpu.VMEM((ROWS_PT, DA), jnp.float32),
            pltpu.VMEM_SHARED((NPAD, Q), jnp.float32),
            pltpu.VMEM_SHARED((NPAD, DA), jnp.float32),
            pltpu.SemaphoreType.DMA((NB,)),
            pltpu.SemaphoreType.DMA((NB,)),
            pltpu.SemaphoreType.DMA((NB,)),
        ],
        compiler_params=pltpu.CompilerParams(use_tc_tiling_on_sc=False),
    )


BLK = 2000


def _bf16_dot(a, b):
    return jnp.dot(a.astype(jnp.bfloat16), b.astype(jnp.bfloat16),
                   preferred_element_type=jnp.float32)


def _layer_norm(x, gg, b):
    mu = jnp.mean(x, axis=-1, keepdims=True)
    var = jnp.mean((x - mu) ** 2, axis=-1, keepdims=True)
    return (x - mu) / jnp.sqrt(var + 1e-5) * gg + b


def _mlp_block(feat, agg_ref, cnt_ref, Wa, ba, Wb, bb, g, lb):
    inv = 1.0 / jnp.maximum(cnt_ref[...][:, 0:1], 1.0)
    Waf = Wa[...]
    ga = g[...]
    bl = lb[...]
    x = _bf16_dot(feat, Waf)
    for q in range(4):
        x += _bf16_dot(agg_ref[q] * inv, Waf[q * Q:(q + 1) * Q])
    x = jax.nn.relu(_layer_norm(x + ba[...], ga, bl))
    x = _bf16_dot(x, Wb[...]) + bb[...]
    return jax.nn.relu(_layer_norm(x, ga, bl))


def _tc_mlp_body(feat_ref, agg_ref, cnt_ref, Wa, ba, Wb, bb, g, lb, h_ref):
    h_ref[...] = _mlp_block(feat_ref[...], agg_ref, cnt_ref,
                            Wa, ba, Wb, bb, g, lb)


def _make_tc_mlp():
    full = lambda *shape: pl.BlockSpec(shape, lambda i: (0,) * len(shape))
    row_blk = pl.BlockSpec((BLK, D), lambda i: (i, 0))
    return pl.pallas_call(
        _tc_mlp_body,
        grid=(N // BLK,),
        in_specs=[
            row_blk,
            pl.BlockSpec((4, BLK, Q), lambda i: (0, i, 0)),
            pl.BlockSpec((BLK, DA), lambda i: (i, 0)),
            full(D, D), full(D), full(D, D), full(D), full(D), full(D),
        ],
        out_specs=row_blk,
        out_shape=jax.ShapeDtypeStruct((N, D), jnp.float32),
    )


def _tc_mlp_combine_body(feat_ref, agg_ref, cnt_ref, Wa, ba, Wb, bb, g, lb,
                         h0_ref, ws1_ref, ws2_ref, out_ref):
    i = pl.program_id(0)
    h1 = _mlp_block(feat_ref[...], agg_ref, cnt_ref, Wa, ba, Wb, bb, g, lb)
    hs = (h0_ref[...], h1)
    ss = []
    for r in range(R):
        t = jnp.tanh(jnp.dot(hs[r], ws1_ref[r],
                             preferred_element_type=jnp.float32))
        ss.append(jnp.dot(t, ws2_ref[r][:, None],
                          preferred_element_type=jnp.float32))
    m = jnp.maximum(ss[0], ss[1])
    e0 = jnp.exp(ss[0] - m)
    e1 = jnp.exp(ss[1] - m)
    tot = e0 + e1
    h_out = (e0 / tot) * hs[0] + (e1 / tot) * hs[1]
    blk = jnp.sum(h_out, axis=0, keepdims=True) * (1.0 / N)

    @pl.when(i == 0)
    def _():
        out_ref[...] = jnp.zeros_like(out_ref)
    out_ref[...] += blk


def _make_tc_mlp_combine():
    full = lambda *shape: pl.BlockSpec(shape, lambda i: (0,) * len(shape))
    row_blk = pl.BlockSpec((BLK, D), lambda i: (i, 0))
    return pl.pallas_call(
        _tc_mlp_combine_body,
        grid=(N // BLK,),
        in_specs=[
            row_blk,
            pl.BlockSpec((4, BLK, Q), lambda i: (0, i, 0)),
            pl.BlockSpec((BLK, DA), lambda i: (i, 0)),
            full(D, D), full(D), full(D, D), full(D), full(D), full(D),
            row_blk, full(R, D, DA), full(R, DA),
        ],
        out_specs=pl.BlockSpec((1, D), lambda i: (0, 0)),
        out_shape=jax.ShapeDtypeStruct((1, D), jnp.float32),
    )


@jax.jit
def kernel(feat, edge_index, W0_0, b0_0, W0_1, b0_1, ln_g0, ln_b0,
           W1_0, b1_0, W1_1, b1_1, ln_g1, ln_b1, ws1, ws2):
    edge_index = edge_index.astype(jnp.int32)
    t0 = jnp.concatenate([feat[:, 0:Q], feat[:, 2 * Q:3 * Q]], axis=0)
    t1 = jnp.concatenate([feat[:, Q:2 * Q], feat[:, 3 * Q:4 * Q]], axis=0)
    eidx = edge_index.reshape(R, 2, NSUB, NCHUNK, CHUNK)
    sc = _make_sc_aggregate()
    agg0, cnt0 = sc(t0, t1, eidx[0, 0], eidx[0, 1])
    agg1, cnt1 = sc(t0, t1, eidx[1, 0], eidx[1, 1])
    h0 = _make_tc_mlp()(feat, agg0, cnt0,
                        W0_0, b0_0, W0_1, b0_1, ln_g0, ln_b0)
    return _make_tc_mlp_combine()(
        feat, agg1, cnt1, W1_0, b1_0, W1_1, b1_1, ln_g1, ln_b1,
        h0, ws1, ws2.reshape(R, DA))

# --- scband reference (transcript-rebuilt; emitter-appended) ---
"""Pipeline reference for scband-rahmen-11278584119614 (READ-ONLY COPY).

The authoritative reference and input builder live on the scoring server;
editing this copy changes nothing except your own understanding.
"""

import jax, jax.numpy as jnp
import numpy as np

N = 10000
E = 160000
R = 2
D = 256
DA = 16


def layer_norm(x, g, b, eps=1e-5):
    mu = jnp.mean(x, axis=-1, keepdims=True)
    var = jnp.mean((x - mu) ** 2, axis=-1, keepdims=True)
    return (x - mu) / jnp.sqrt(var + eps) * g + b


def message_transform(x, Wa, ba, Wb, bb, g, b):
    # MessageTransform: 2 x (dropout(p=0) -> Linear -> LayerNorm(shared) -> ReLU)
    x = jax.nn.relu(layer_norm(x @ Wa + ba, g, b))
    x = jax.nn.relu(layer_norm(x @ Wb + bb, g, b))
    return x


def setup_inputs(seed: int = 0) -> dict:
    key = jax.random.key(seed)
    ks = jax.random.split(key, 24)
    inp = {}
    inp["feat"] = jax.random.normal(ks[0], (N, D), dtype=jnp.float32)
    inp["edge_index"] = jax.random.randint(ks[1], (R, 2, E), 0, N)
    # per-relation MessageTransform params (2 linears + shared LayerNorm)
    for r in range(R):
        inp[f"W{r}_0"] = jax.random.normal(ks[2 + 6 * r], (D, D), dtype=jnp.float32) * 0.05
        inp[f"b{r}_0"] = jnp.zeros((D,), dtype=jnp.float32)
        inp[f"W{r}_1"] = jax.random.normal(ks[3 + 6 * r], (D, D), dtype=jnp.float32) * 0.05
        inp[f"b{r}_1"] = jnp.zeros((D,), dtype=jnp.float32)
        inp[f"ln_g{r}"] = jnp.ones((D,), dtype=jnp.float32)
        inp[f"ln_b{r}"] = jnp.zeros((D,), dtype=jnp.float32)
    # SemanticAttention params
    inp["ws1"] = jax.random.normal(ks[20], (R, D, DA), dtype=jnp.float32) * 0.1
    inp["ws2"] = jax.random.normal(ks[21], (R, DA, 1), dtype=jnp.float32) * 0.1
    return inp


def reference(feat, edge_index, W0_0, b0_0, W0_1, b0_1, ln_g0, ln_b0,
              W1_0, b1_0, W1_1, b1_1, ln_g1, ln_b1, ws1, ws2):
    params = [
        (W0_0, b0_0, W0_1, b0_1, ln_g0, ln_b0),
        (W1_0, b1_0, W1_1, b1_1, ln_g1, ln_b1),
    ]
    hs = []
    for r in range(R):
        src = edge_index[r, 0]
        dst = edge_index[r, 1]
        msg = feat[src]  # copy_u gather
        agg = jax.ops.segment_sum(msg, dst, num_segments=N)
        cnt = jax.ops.segment_sum(jnp.ones((E,), dtype=feat.dtype), dst, num_segments=N)
        neigh = agg / jnp.maximum(cnt, 1.0)[:, None]  # fn.mean (0 for isolated nodes)
        h_rel = feat + neigh
        Wa, ba, Wb, bb, g, b = params[r]
        hs.append(message_transform(h_rel, Wa, ba, Wb, bb, g, b))
    h = jnp.stack(hs, axis=0)  # [R, N, D]
    # SemanticAttention
    scores = jnp.matmul(jnp.tanh(jnp.matmul(h, ws1)), ws2)  # [R, N, 1]
    attention = jax.nn.softmax(scores, axis=0)[..., 0]  # [R, N]
    h_out = jnp.einsum('rb,rbd->bd', attention, h)  # [N, D]
    # AvgPooling readout over the single graph
    return jnp.mean(h_out, axis=0, keepdims=True)  # [1, D]

if __name__ == "__main__":
    import jax
    _d = setup_inputs()
    print(jax.jit(kernel)(*tuple(_d.values())))

</pallas_src>

<mosaic_0001>
#map = affine_map<(d0, d1) -> (0, 0)>
#map1 = affine_map<(d0, d1) -> (0, 0, 0)>
module attributes {stable_mosaic.version = 14 : i64} {
  func.func @_sc_aggregate_body(%arg0: i32, %arg1: i32, %arg2: memref<20000x64xf32, #tpu.memory_space<hbm>>, %arg3: memref<20000x64xf32, #tpu.memory_space<hbm>>, %arg4: memref<16x80x125xi32, #tpu.memory_space<hbm>>, %arg5: memref<16x80x125xi32, #tpu.memory_space<hbm>>, %arg6: memref<4x10240x64xf32, #tpu.memory_space<hbm>>, %arg7: memref<10240x16xf32, #tpu.memory_space<hbm>>, %arg8: memref<80x125xi32, #tpu.memory_space<vmem>>, %arg9: memref<80x125xi32, #tpu.memory_space<vmem>>, %arg10: memref<4x125x64xf32, #tpu.memory_space<vmem>>, %arg11: memref<125x16xf32, #tpu.memory_space<vmem>>, %arg12: memref<128x64xf32, #tpu.memory_space<vmem>>, %arg13: memref<640x16xf32, #tpu.memory_space<vmem>>, %arg14: memref<10240x64xf32, #tpu.memory_space<vmem_shared>>, %arg15: memref<10240x16xf32, #tpu.memory_space<vmem_shared>>, %arg16: memref<4x!tpu.dma_semaphore, #tpu.memory_space<semaphore_mem>>, %arg17: memref<4x!tpu.dma_semaphore, #tpu.memory_space<semaphore_mem>>, %arg18: memref<4x!tpu.dma_semaphore, #tpu.memory_space<semaphore_mem>>) attributes {dimension_semantics = [#tpu.dimension_semantics<core_parallel>, #tpu.dimension_semantics<subcore_parallel>], iteration_bounds = array<i64: 2, 16>, scalar_prefetch = 0 : i64, scratch_operands = 11 : i64, tpu.core_type = #tpu.core_type<sc_vector_subcore>, window_params = [{transform_indices = #map}, {transform_indices = #map}, {transform_indices = #map1}, {transform_indices = #map1}, {transform_indices = #map1}, {transform_indices = #map}]} {
    %mul3A = arith.constant 10000 : i32
    %mul3A_0 = arith.muli %arg0, %mul3A : i32
    %mul3A_1 = arith.constant 640 : i32
    %mul3A_2 = arith.muli %arg1, %mul3A_1 : i32
    %scan3A = arith.constant 0 : i32
    %scan3A_3 = arith.constant 125 : i32
    %scan3A_4 = arith.addi %scan3A, %scan3A_3 : i32
    %scan3A_5 = arith.constant 1 : i32
    scf.for %scan3A_243 = %scan3A to %scan3A_4 step %scan3A_5  : i32 {
      %broadcast_in_dim3A = arith.constant 1.000000e+00 : f32
      %broadcast_in_dim3A_244 = vector.broadcast %broadcast_in_dim3A : f32 to vector<16xf32>
      %swap3A = arith.index_cast %scan3A_243 : i32 to index
      %swap3A_245 = arith.constant 0 : index
      %swap3A_246 = tpu.vector_load %arg11[%swap3A, %swap3A_245] {strides = array<i32>} : memref<125x16xf32, #tpu.memory_space<vmem>>, vector<1x16xf32>,
      %swap3A_247 = vector.shape_cast %swap3A_246 : vector<1x16xf32> to vector<16xf32>
      %swap3A_248 = vector.shape_cast %broadcast_in_dim3A_244 : vector<16xf32> to vector<1x16xf32>
      tpu.vector_store %arg11[%swap3A, %swap3A_245], %swap3A_248 {strides = array<i32>} : memref<125x16xf32, #tpu.memory_space<vmem>>, vector<1x16xf32>,
    }
    %scan3A_6 = arith.constant 125 : i32
    %scan3A_7 = arith.constant 0 : i32
    %scan3A_8 = arith.constant 512 : i32
    %scan3A_9 = arith.addi %scan3A_7, %scan3A_8 : i32
    %scan3A_10 = arith.constant 1 : i32
    scf.for %scan3A_243 = %scan3A_7 to %scan3A_9 step %scan3A_10  : i32 {
      %jit3A = arith.constant 4 : i32
      %div3A = arith.divsi %scan3A_243, %jit3A : i32
      %sign3A = arith.constant 0 : i32
      %sign3A_244 = arith.cmpi sgt, %scan3A_243, %sign3A : i32
      %sign3A_245 = arith.extui %sign3A_244 : i1 to i32
      %sign3A_246 = arith.constant 0 : i32
      %sign3A_247 = arith.cmpi slt, %scan3A_243, %sign3A_246 : i32
      %sign3A_248 = arith.extui %sign3A_247 : i1 to i32
      %sign3A_249 = arith.subi %sign3A_245, %sign3A_248 : i32
      %sign3A_250 = arith.constant 0 : i32
      %sign3A_251 = arith.cmpi sgt, %jit3A, %sign3A_250 : i32
      %sign3A_252 = arith.extui %sign3A_251 : i1 to i32
      %sign3A_253 = arith.constant 0 : i32
      %sign3A_254 = arith.cmpi slt, %jit3A, %sign3A_253 : i32
      %sign3A_255 = arith.extui %sign3A_254 : i1 to i32
      %sign3A_256 = arith.subi %sign3A_252, %sign3A_255 : i32
      %ne3A = arith.cmpi ne, %sign3A_249, %sign3A_256 : i32
      %rem3A = arith.remsi %scan3A_243, %jit3A : i32
      %ne3A_257 = arith.constant 0 : i32
      %ne3A_258 = arith.cmpi ne, %rem3A, %ne3A_257 : i32
      %and3A = arith.andi %ne3A, %ne3A_258 : i1
      %sub3A = arith.constant 1 : i32
      %sub3A_259 = arith.subi %div3A, %sub3A : i32
      %select_n3A = arith.select %and3A, %sub3A_259, %div3A : i32
      %jit3A_260 = arith.constant 4 : i32
      %eq3A_261 = arith.constant 0 : i32
      %eq3A_262 = arith.cmpi eq, %jit3A_260, %eq3A_261 : i32
      %jit3A_263 = arith.constant 1 : i32
      %select_n3A_264 = arith.select %eq3A_262, %jit3A_263, %jit3A_260 : i32
      %rem3A_265 = arith.remsi %scan3A_243, %select_n3A_264 : i32
      %ne3A_266 = arith.constant 0 : i32
      %ne3A_267 = arith.cmpi ne, %rem3A_265, %ne3A_266 : i32
      %lt3A = arith.constant 0 : i32
      %lt3A_268 = arith.cmpi slt, %rem3A_265, %lt3A : i32
      %lt3A_269 = arith.constant 0 : i32
      %lt3A_270 = arith.cmpi slt, %select_n3A_264, %lt3A_269 : i32
      %ne3A_271 = arith.xori %lt3A_268, %lt3A_270 : i1
      %and3A_272 = arith.andi %ne3A_271, %ne3A_267 : i1
      %add3A_273 = arith.addi %rem3A_265, %select_n3A_264 : i32
      %select_n3A_274 = arith.select %and3A_272, %add3A_273, %rem3A_265 : i32
      %broadcast_in_dim3A = arith.constant 0.000000e+00 : f32
      %broadcast_in_dim3A_275 = vector.broadcast %broadcast_in_dim3A : f32 to vector<16xf32>
      %mul3A_276 = arith.constant 16 : i32
      %mul3A_277 = arith.muli %select_n3A_274, %mul3A_276 : i32
      %swap3A = arith.index_cast %select_n3A : i32 to index
      %swap3A_278 = arith.index_cast %mul3A_277 : i32 to index
      %swap3A_279 = tpu.vector_load %arg12[%swap3A, %swap3A_278] {strides = array<i32>} : memref<128x64xf32, #tpu.memory_space<vmem>>, vector<1x16xf32>,
      %swap3A_280 = vector.shape_cast %swap3A_279 : vector<1x16xf32> to vector<16xf32>
      %swap3A_281 = vector.shape_cast %broadcast_in_dim3A_275 : vector<16xf32> to vector<1x16xf32>
      tpu.vector_store %arg12[%swap3A, %swap3A_278], %swap3A_281 {strides = array<i32>} : memref<128x64xf32, #tpu.memory_space<vmem>>, vector<1x16xf32>,
    }
    %scan3A_11 = arith.constant 512 : i32
    %scan3A_12 = arith.constant 0 : i32
    %scan3A_13 = arith.constant 640 : i32
    %scan3A_14 = arith.addi %scan3A_12, %scan3A_13 : i32
    %scan3A_15 = arith.constant 1 : i32
    scf.for %scan3A_243 = %scan3A_12 to %scan3A_14 step %scan3A_15  : i32 {
      %broadcast_in_dim3A = arith.constant 0.000000e+00 : f32
      %broadcast_in_dim3A_244 = vector.broadcast %broadcast_in_dim3A : f32 to vector<16xf32>
      %swap3A = arith.index_cast %scan3A_243 : i32 to index
      %swap3A_245 = arith.constant 0 : index
      %swap3A_246 = tpu.vector_load %arg13[%swap3A, %swap3A_245] {strides = array<i32>} : memref<640x16xf32, #tpu.memory_space<vmem>>, vector<1x16xf32>,
      %swap3A_247 = vector.shape_cast %swap3A_246 : vector<1x16xf32> to vector<16xf32>
      %swap3A_248 = vector.shape_cast %broadcast_in_dim3A_244 : vector<16xf32> to vector<1x16xf32>
      tpu.vector_store %arg13[%swap3A, %swap3A_245], %swap3A_248 {strides = array<i32>} : memref<640x16xf32, #tpu.memory_space<vmem>>, vector<1x16xf32>,
    }
    %scan3A_16 = arith.constant 640 : i32
    "tpu.region"() ({
      %run_scoped3A = tpu.sem_alloc : memref<!tpu.dma_semaphore, #tpu.memory_space<semaphore_mem>>
      %dma_start3A = arith.constant 0 : i32
      %dma_start3A_243 = arith.constant 0 : i32
      %dma_start3A_244 = tpu.memref_slice %arg4[%arg1, %dma_start3A, %dma_start3A_243] : memref<16x80x125xi32, #tpu.memory_space<hbm>> -> memref<1x80x125xi32, #tpu.memory_space<hbm>>
      %dma_start3A_245 = tpu.memref_squeeze %dma_start3A_244 : memref<1x80x125xi32, #tpu.memory_space<hbm>> -> memref<80x125xi32, #tpu.memory_space<hbm>>
      %dma_start3A_246 = arith.constant 0 : i32
      %dma_start3A_247 = arith.constant 0 : i32
      %dma_start3A_248 = tpu.memref_slice %arg4[%arg1, %dma_start3A_246, %dma_start3A_247] : memref<16x80x125xi32, #tpu.memory_space<hbm>> -> memref<1x80x125xi32, #tpu.memory_space<hbm>>
      %dma_start3A_249 = tpu.memref_squeeze %dma_start3A_248 : memref<1x80x125xi32, #tpu.memory_space<hbm>> -> memref<80x125xi32, #tpu.memory_space<hbm>>
      tpu.enqueue_dma source(%dma_start3A_249 : memref<80x125xi32, #tpu.memory_space<hbm>>) target(%arg8 : memref<80x125xi32, #tpu.memory_space<vmem>>) target_semaphore(%run_scoped3A : memref<!tpu.dma_semaphore, #tpu.memory_space<semaphore_mem>>)
      %dma_wait3A_250 = arith.constant 0 : i32
      %dma_wait3A_251 = arith.constant 0 : i32
      %dma_wait3A_252 = tpu.memref_slice %arg4[%arg1, %dma_wait3A_250, %dma_wait3A_251] : memref<16x80x125xi32, #tpu.memory_space<hbm>> -> memref<1x80x125xi32, #tpu.memory_space<hbm>>
      %dma_wait3A_253 = tpu.memref_squeeze %dma_wait3A_252 : memref<1x80x125xi32, #tpu.memory_space<hbm>> -> memref<80x125xi32, #tpu.memory_space<hbm>>
      %dma_wait3A_254 = arith.constant 0 : i32
      %dma_wait3A_255 = arith.constant 0 : i32
      %dma_wait3A_256 = tpu.memref_slice %arg4[%arg1, %dma_wait3A_254, %dma_wait3A_255] : memref<16x80x125xi32, #tpu.memory_space<hbm>> -> memref<1x80x125xi32, #tpu.memory_space<hbm>>
      %dma_wait3A_257 = tpu.memref_squeeze %dma_wait3A_256 : memref<1x80x125xi32, #tpu.memory_space<hbm>> -> memref<80x125xi32, #tpu.memory_space<hbm>>
      tpu.wait_dma2 semaphore(%run_scoped3A : memref<!tpu.dma_semaphore, #tpu.memory_space<semaphore_mem>>) src(%dma_wait3A_257 : memref<80x125xi32, #tpu.memory_space<hbm>>) dst(%arg8 : memref<80x125xi32, #tpu.memory_space<vmem>>)
      tpu.yield
    }) : () -> ()
    "tpu.region"() ({
      %run_scoped3A = tpu.sem_alloc : memref<!tpu.dma_semaphore, #tpu.memory_space<semaphore_mem>>
      %dma_start3A = arith.constant 0 : i32
      %dma_start3A_243 = arith.constant 0 : i32
      %dma_start3A_244 = tpu.memref_slice %arg5[%arg1, %dma_start3A, %dma_start3A_243] : memref<16x80x125xi32, #tpu.memory_space<hbm>> -> memref<1x80x125xi32, #tpu.memory_space<hbm>>
      %dma_start3A_245 = tpu.memref_squeeze %dma_start3A_244 : memref<1x80x125xi32, #tpu.memory_space<hbm>> -> memref<80x125xi32, #tpu.memory_space<hbm>>
      %dma_start3A_246 = arith.constant 0 : i32
      %dma_start3A_247 = arith.constant 0 : i32
      %dma_start3A_248 = tpu.memref_slice %arg5[%arg1, %dma_start3A_246, %dma_start3A_247] : memref<16x80x125xi32, #tpu.memory_space<hbm>> -> memref<1x80x125xi32, #tpu.memory_space<hbm>>
      %dma_start3A_249 = tpu.memref_squeeze %dma_start3A_248 : memref<1x80x125xi32, #tpu.memory_space<hbm>> -> memref<80x125xi32, #tpu.memory_space<hbm>>
      tpu.enqueue_dma source(%dma_start3A_249 : memref<80x125xi32, #tpu.memory_space<hbm>>) target(%arg9 : memref<80x125xi32, #tpu.memory_space<vmem>>) target_semaphore(%run_scoped3A : memref<!tpu.dma_semaphore, #tpu.memory_space<semaphore_mem>>)
      %dma_wait3A_250 = arith.constant 0 : i32
      %dma_wait3A_251 = arith.constant 0 : i32
      %dma_wait3A_252 = tpu.memref_slice %arg5[%arg1, %dma_wait3A_250, %dma_wait3A_251] : memref<16x80x125xi32, #tpu.memory_space<hbm>> -> memref<1x80x125xi32, #tpu.memory_space<hbm>>
      %dma_wait3A_253 = tpu.memref_squeeze %dma_wait3A_252 : memref<1x80x125xi32, #tpu.memory_space<hbm>> -> memref<80x125xi32, #tpu.memory_space<hbm>>
      %dma_wait3A_254 = arith.constant 0 : i32
      %dma_wait3A_255 = arith.constant 0 : i32
      %dma_wait3A_256 = tpu.memref_slice %arg5[%arg1, %dma_wait3A_254, %dma_wait3A_255] : memref<16x80x125xi32, #tpu.memory_space<hbm>> -> memref<1x80x125xi32, #tpu.memory_space<hbm>>
      %dma_wait3A_257 = tpu.memref_squeeze %dma_wait3A_256 : memref<1x80x125xi32, #tpu.memory_space<hbm>> -> memref<80x125xi32, #tpu.memory_space<hbm>>
      tpu.wait_dma2 semaphore(%run_scoped3A : memref<!tpu.dma_semaphore, #tpu.memory_space<semaphore_mem>>) src(%dma_wait3A_257 : memref<80x125xi32, #tpu.memory_space<hbm>>) dst(%arg9 : memref<80x125xi32, #tpu.memory_space<vmem>>)
      tpu.yield
    }) : () -> ()
    %scan3A_17 = arith.constant 0 : i32
    %scan3A_18 = arith.constant 80 : i32
    %scan3A_19 = arith.addi %scan3A_17, %scan3A_18 : i32
    %scan3A_20 = arith.constant 1 : i32
    scf.for %scan3A_243 = %scan3A_17 to %scan3A_19 step %scan3A_20  : i32 {
      %get3A = arith.index_cast %scan3A_243 : i32 to index
      %get3A_244 = arith.constant 0 : index
      %get3A_245 = tpu.vector_load %arg8[%get3A, %get3A_244] {strides = array<i32>} : memref<80x125xi32, #tpu.memory_space<vmem>>, vector<1x16xi32>,
      %get3A_246 = vector.shape_cast %get3A_245 : vector<1x16xi32> to vector<16xi32>
      %add3A_247 = vector.broadcast %mul3A_0 : i32 to vector<16xi32>
      %add3A_248 = arith.addi %get3A_246, %add3A_247 : vector<16xi32>
      %swap3A = arith.index_cast %scan3A_243 : i32 to index
      %swap3A_249 = arith.constant 0 : index
      %swap3A_250 = tpu.vector_load %arg8[%swap3A, %swap3A_249] {strides = array<i32>} : memref<80x125xi32, #tpu.memory_space<vmem>>, vector<1x16xi32>,
      %swap3A_251 = vector.shape_cast %swap3A_250 : vector<1x16xi32> to vector<16xi32>
      %swap3A_252 = vector.shape_cast %add3A_248 : vector<16xi32> to vector<1x16xi32>
      tpu.vector_store %arg8[%swap3A, %swap3A_249], %swap3A_252 {strides = array<i32>} : memref<80x125xi32, #tpu.memory_space<vmem>>, vector<1x16xi32>,
      %get3A_253 = arith.index_cast %scan3A_243 : i32 to index
      %get3A_254 = arith.constant 16 : index
      %get3A_255 = tpu.vector_load %arg8[%get3A_253, %get3A_254] {strides = array<i32>} : memref<80x125xi32, #tpu.memory_space<vmem>>, vector<1x16xi32>,
      %get3A_256 = vector.shape_cast %get3A_255 : vector<1x16xi32> to vector<16xi32>
      %add3A_257 = vector.broadcast %mul3A_0 : i32 to vector<16xi32>
      %add3A_258 = arith.addi %get3A_256, %add3A_257 : vector<16xi32>
      %swap3A_259 = arith.index_cast %scan3A_243 : i32 to index
      %swap3A_260 = arith.constant 16 : index
      %swap3A_261 = tpu.vector_load %arg8[%swap3A_259, %swap3A_260] {strides = array<i32>} : memref<80x125xi32, #tpu.memory_space<vmem>>, vector<1x16xi32>,
      %swap3A_262 = vector.shape_cast %swap3A_261 : vector<1x16xi32> to vector<16xi32>
      %swap3A_263 = vector.shape_cast %add3A_258 : vector<16xi32> to vector<1x16xi32>
      tpu.vector_store %arg8[%swap3A_259, %swap3A_260], %swap3A_263 {strides = array<i32>} : memref<80x125xi32, #tpu.memory_space<vmem>>, vector<1x16xi32>,
      %get3A_264 = arith.index_cast %scan3A_243 : i32 to index
      %get3A_265 = arith.constant 32 : index
      %get3A_266 = tpu.vector_load %arg8[%get3A_264, %get3A_265] {strides = array<i32>} : memref<80x125xi32, #tpu.memory_space<vmem>>, vector<1x16xi32>,
      %get3A_267 = vector.shape_cast %get3A_266 : vector<1x16xi32> to vector<16xi32>
      %add3A_268 = vector.broadcast %mul3A_0 : i32 to vector<16xi32>
      %add3A_269 = arith.addi %get3A_267, %add3A_268 : vector<16xi32>
      %swap3A_270 = arith.index_cast %scan3A_243 : i32 to index
      %swap3A_271 = arith.constant 32 : index
      %swap3A_272 = tpu.vector_load %arg8[%swap3A_270, %swap3A_271] {strides = array<i32>} : memref<80x125xi32, #tpu.memory_space<vmem>>, vector<1x16xi32>,
      %swap3A_273 = vector.shape_cast %swap3A_272 : vector<1x16xi32> to vector<16xi32>
      %swap3A_274 = vector.shape_cast %add3A_269 : vector<16xi32> to vector<1x16xi32>
      tpu.vector_store %arg8[%swap3A_270, %swap3A_271], %swap3A_274 {strides = array<i32>} : memref<80x125xi32, #tpu.memory_space<vmem>>, vector<1x16xi32>,
      %get3A_275 = arith.index_cast %scan3A_243 : i32 to index
      %get3A_276 = arith.constant 48 : index
      %get3A_277 = tpu.vector_load %arg8[%get3A_275, %get3A_276] {strides = array<i32>} : memref<80x125xi32, #tpu.memory_space<vmem>>, vector<1x16xi32>,
      %get3A_278 = vector.shape_cast %get3A_277 : vector<1x16xi32> to vector<16xi32>
      %add3A_279 = vector.broadcast %mul3A_0 : i32 to vector<16xi32>
      %add3A_280 = arith.addi %get3A_278, %add3A_279 : vector<16xi32>
      %swap3A_281 = arith.index_cast %scan3A_243 : i32 to index
      %swap3A_282 = arith.constant 48 : index
      %swap3A_283 = tpu.vector_load %arg8[%swap3A_281, %swap3A_282] {strides = array<i32>} : memref<80x125xi32, #tpu.memory_space<vmem>>, vector<1x16xi32>,
      %swap3A_284 = vector.shape_cast %swap3A_283 : vector<1x16xi32> to vector<16xi32>
      %swap3A_285 = vector.shape_cast %add3A_280 : vector<16xi32> to vector<1x16xi32>
      tpu.vector_store %arg8[%swap3A_281, %swap3A_282], %swap3A_285 {strides = array<i32>} : memref<80x125xi32, #tpu.memory_space<vmem>>, vector<1x16xi32>,
      %get3A_286 = arith.index_cast %scan3A_243 : i32 to index
      %get3A_287 = arith.constant 64 : index
      %get3A_288 = tpu.vector_load %arg8[%get3A_286, %get3A_287] {strides = array<i32>} : memref<80x125xi32, #tpu.memory_space<vmem>>, vector<1x16xi32>,
      %get3A_289 = vector.shape_cast %get3A_288 : vector<1x16xi32> to vector<16xi32>
      %add3A_290 = vector.broadcast %mul3A_0 : i32 to vector<16xi32>
      %add3A_291 = arith.addi %get3A_289, %add3A_290 : vector<16xi32>
      %swap3A_292 = arith.index_cast %scan3A_243 : i32 to index
      %swap3A_293 = arith.constant 64 : index
      %swap3A_294 = tpu.vector_load %arg8[%swap3A_292, %swap3A_293] {strides = array<i32>} : memref<80x125xi32, #tpu.memory_space<vmem>>, vector<1x16xi32>,
      %swap3A_295 = vector.shape_cast %swap3A_294 : vector<1x16xi32> to vector<16xi32>
      %swap3A_296 = vector.shape_cast %add3A_291 : vector<16xi32> to vector<1x16xi32>
      tpu.vector_store %arg8[%swap3A_292, %swap3A_293], %swap3A_296 {strides = array<i32>} : memref<80x125xi32, #tpu.memory_space<vmem>>, vector<1x16xi32>,
      %get3A_297 = arith.index_cast %scan3A_243 : i32 to index
      %get3A_298 = arith.constant 80 : index
      %get3A_299 = tpu.vector_load %arg8[%get3A_297, %get3A_298] {strides = array<i32>} : memref<80x125xi32, #tpu.memory_space<vmem>>, vector<1x16xi32>,
      %get3A_300 = vector.shape_cast %get3A_299 : vector<1x16xi32> to vector<16xi32>
      %add3A_301 = vector.broadcast %mul3A_0 : i32 to vector<16xi32>
      %add3A_302 = arith.addi %get3A_300, %add3A_301 : vector<16xi32>
      %swap3A_303 = arith.index_cast %scan3A_243 : i32 to index
      %swap3A_304 = arith.constant 80 : index
      %swap3A_305 = tpu.vector_load %arg8[%swap3A_303, %swap3A_304] {strides = array<i32>} : memref<80x125xi32, #tpu.memory_space<vmem>>, vector<1x16xi32>,
      %swap3A_306 = vector.shape_cast %swap3A_305 : vector<1x16xi32> to vector<16xi32>
      %swap3A_307 = vector.shape_cast %add3A_302 : vector<16xi32> to vector<1x16xi32>
      tpu.vector_store %arg8[%swap3A_303, %swap3A_304], %swap3A_307 {strides = array<i32>} : memref<80x125xi32, #tpu.memory_space<vmem>>, vector<1x16xi32>,
      %get3A_308 = arith.index_cast %scan3A_243 : i32 to index
      %get3A_309 = arith.constant 96 : index
      %get3A_310 = tpu.vector_load %arg8[%get3A_308, %get3A_309] {strides = array<i32>} : memref<80x125xi32, #tpu.memory_space<vmem>>, vector<1x16xi32>,
      %get3A_311 = vector.shape_cast %get3A_310 : vector<1x16xi32> to vector<16xi32>
      %add3A_312 = vector.broadcast %mul3A_0 : i32 to vector<16xi32>
      %add3A_313 = arith.addi %get3A_311, %add3A_312 : vector<16xi32>
      %swap3A_314 = arith.index_cast %scan3A_243 : i32 to index
      %swap3A_315 = arith.constant 96 : index
      %swap3A_316 = tpu.vector_load %arg8[%swap3A_314, %swap3A_315] {strides = array<i32>} : memref<80x125xi32, #tpu.memory_space<vmem>>, vector<1x16xi32>,
      %swap3A_317 = vector.shape_cast %swap3A_316 : vector<1x16xi32> to vector<16xi32>
      %swap3A_318 = vector.shape_cast %add3A_313 : vector<16xi32> to vector<1x16xi32>
      tpu.vector_store %arg8[%swap3A_314, %swap3A_315], %swap3A_318 {strides = array<i32>} : memref<80x125xi32, #tpu.memory_space<vmem>>, vector<1x16xi32>,
      %get3A_319 = arith.index_cast %scan3A_243 : i32 to index
      %get3A_320 = arith.constant 109 : index
      %get3A_321 = tpu.vector_load %arg8[%get3A_319, %get3A_320] {strides = array<i32>} : memref<80x125xi32, #tpu.memory_space<vmem>>, vector<1x16xi32>,
      %get3A_322 = vector.shape_cast %get3A_321 : vector<1x16xi32> to vector<16xi32>
      %iota3A = tpu.iota {dimensions = array<i32: 0>} : vector<16xi32>
      %ge3A = arith.constant 3 : i32
      %ge3A_323 = vector.broadcast %ge3A : i32 to vector<16xi32>
      %ge3A_324 = arith.cmpi sge, %iota3A, %ge3A_323 : vector<16xi32>
      %add3A_325 = vector.broadcast %mul3A_0 : i32 to vector<16xi32>
      %add3A_326 = arith.addi %get3A_322, %add3A_325 : vector<16xi32>
      %select_n3A = arith.select %ge3A_324, %add3A_326, %get3A_322 : vector<16xi1>, vector<16xi32>
      %swap3A_327 = arith.index_cast %scan3A_243 : i32 to index
      %swap3A_328 = arith.constant 109 : index
      %swap3A_329 = tpu.vector_load %arg8[%swap3A_327, %swap3A_328] {strides = array<i32>} : memref<80x125xi32, #tpu.memory_space<vmem>>, vector<1x16xi32>,
      %swap3A_330 = vector.shape_cast %swap3A_329 : vector<1x16xi32> to vector<16xi32>
      %swap3A_331 = vector.shape_cast %select_n3A : vector<16xi32> to vector<1x16xi32>
      tpu.vector_store %arg8[%swap3A_327, %swap3A_328], %swap3A_331 {strides = array<i32>} : memref<80x125xi32, #tpu.memory_space<vmem>>, vector<1x16xi32>,
    }
    %scan3A_21 = arith.constant 80 : i32
    %add3A = arith.constant 0 : i32
    %add3A_22 = arith.addi %mul3A_2, %add3A : i32
    "tpu.region"() ({
      %run_scoped3A = tpu.sem_alloc : memref<!tpu.dma_semaphore, #tpu.memory_space<semaphore_mem>>
      %dma_start3A = arith.constant 0 : i32
      %dma_start3A_243 = tpu.memref_slice %arg14[%add3A_22, %dma_start3A] : memref<10240x64xf32, #tpu.memory_space<vmem_shared>> -> memref<128x64xf32, #tpu.memory_space<vmem_shared>>
      %dma_start3A_244 = arith.constant 0 : i32
      %dma_start3A_245 = tpu.memref_slice %arg14[%add3A_22, %dma_start3A_244] : memref<10240x64xf32, #tpu.memory_space<vmem_shared>> -> memref<128x64xf32, #tpu.memory_space<vmem_shared>>
      tpu.enqueue_dma source(%arg12 : memref<128x64xf32, #tpu.memory_space<vmem>>) target(%dma_start3A_245 : memref<128x64xf32, #tpu.memory_space<vmem_shared>>) target_semaphore(%run_scoped3A : memref<!tpu.dma_semaphore, #tpu.memory_space<semaphore_mem>>)
      %dma_wait3A_246 = arith.constant 0 : i32
      %dma_wait3A_247 = tpu.memref_slice %arg14[%add3A_22, %dma_wait3A_246] : memref<10240x64xf32, #tpu.memory_space<vmem_shared>> -> memref<128x64xf32, #tpu.memory_space<vmem_shared>>
      %dma_wait3A_248 = arith.constant 0 : i32
      %dma_wait3A_249 = tpu.memref_slice %arg14[%add3A_22, %dma_wait3A_248] : memref<10240x64xf32, #tpu.memory_space<vmem_shared>> -> memref<128x64xf32, #tpu.memory_space<vmem_shared>>
      tpu.wait_dma2 semaphore(%run_scoped3A : memref<!tpu.dma_semaphore, #tpu.memory_space<semaphore_mem>>) src(%arg12 : memref<128x64xf32, #tpu.memory_space<vmem>>) dst(%dma_wait3A_249 : memref<128x64xf32, #tpu.memory_space<vmem_shared>>)
      tpu.yield
    }) : () -> ()
    %add3A_23 = arith.constant 128 : i32
    %add3A_24 = arith.addi %mul3A_2, %add3A_23 : i32
    "tpu.region"() ({
      %run_scoped3A = tpu.sem_alloc : memref<!tpu.dma_semaphore, #tpu.memory_space<semaphore_mem>>
      %dma_start3A = arith.constant 0 : i32
      %dma_start3A_243 = tpu.memref_slice %arg14[%add3A_24, %dma_start3A] : memref<10240x64xf32, #tpu.memory_space<vmem_shared>> -> memref<128x64xf32, #tpu.memory_space<vmem_shared>>
      %dma_start3A_244 = arith.constant 0 : i32
      %dma_start3A_245 = tpu.memref_slice %arg14[%add3A_24, %dma_start3A_244] : memref<10240x64xf32, #tpu.memory_space<vmem_shared>> -> memref<128x64xf32, #tpu.memory_space<vmem_shared>>
      tpu.enqueue_dma source(%arg12 : memref<128x64xf32, #tpu.memory_space<vmem>>) target(%dma_start3A_245 : memref<128x64xf32, #tpu.memory_space<vmem_shared>>) target_semaphore(%run_scoped3A : memref<!tpu.dma_semaphore, #tpu.memory_space<semaphore_mem>>)
      %dma_wait3A_246 = arith.constant 0 : i32
      %dma_wait3A_247 = tpu.memref_slice %arg14[%add3A_24, %dma_wait3A_246] : memref<10240x64xf32, #tpu.memory_space<vmem_shared>> -> memref<128x64xf32, #tpu.memory_space<vmem_shared>>
      %dma_wait3A_248 = arith.constant 0 : i32
      %dma_wait3A_249 = tpu.memref_slice %arg14[%add3A_24, %dma_wait3A_248] : memref<10240x64xf32, #tpu.memory_space<vmem_shared>> -> memref<128x64xf32, #tpu.memory_space<vmem_shared>>
      tpu.wait_dma2 semaphore(%run_scoped3A : memref<!tpu.dma_semaphore, #tpu.memory_space<semaphore_mem>>) src(%arg12 : memref<128x64xf32, #tpu.memory_space<vmem>>) dst(%dma_wait3A_249 : memref<128x64xf32, #tpu.memory_space<vmem_shared>>)
      tpu.yield
    }) : () -> ()
    %add3A_25 = arith.constant 256 : i32
    %add3A_26 = arith.addi %mul3A_2, %add3A_25 : i32
    "tpu.region"() ({
      %run_scoped3A = tpu.sem_alloc : memref<!tpu.dma_semaphore, #tpu.memory_space<semaphore_mem>>
      %dma_start3A = arith.constant 0 : i32
      %dma_start3A_243 = tpu.memref_slice %arg14[%add3A_26, %dma_start3A] : memref<10240x64xf32, #tpu.memory_space<vmem_shared>> -> memref<128x64xf32, #tpu.memory_space<vmem_shared>>
      %dma_start3A_244 = arith.constant 0 : i32
      %dma_start3A_245 = tpu.memref_slice %arg14[%add3A_26, %dma_start3A_244] : memref<10240x64xf32, #tpu.memory_space<vmem_shared>> -> memref<128x64xf32, #tpu.memory_space<vmem_shared>>
      tpu.enqueue_dma source(%arg12 : memref<128x64xf32, #tpu.memory_space<vmem>>) target(%dma_start3A_245 : memref<128x64xf32, #tpu.memory_space<vmem_shared>>) target_semaphore(%run_scoped3A : memref<!tpu.dma_semaphore, #tpu.memory_space<semaphore_mem>>)
      %dma_wait3A_246 = arith.constant 0 : i32
      %dma_wait3A_247 = tpu.memref_slice %arg14[%add3A_26, %dma_wait3A_246] : memref<10240x64xf32, #tpu.memory_space<vmem_shared>> -> memref<128x64xf32, #tpu.memory_space<vmem_shared>>
      %dma_wait3A_248 = arith.constant 0 : i32
      %dma_wait3A_249 = tpu.memref_slice %arg14[%add3A_26, %dma_wait3A_248] : memref<10240x64xf32, #tpu.memory_space<vmem_shared>> -> memref<128x64xf32, #tpu.memory_space<vmem_shared>>
      tpu.wait_dma2 semaphore(%run_scoped3A : memref<!tpu.dma_semaphore, #tpu.memory_space<semaphore_mem>>) src(%arg12 : memref<128x64xf32, #tpu.memory_space<vmem>>) dst(%dma_wait3A_249 : memref<128x64xf32, #tpu.memory_space<vmem_shared>>)
      tpu.yield
    }) : () -> ()
    %add3A_27 = arith.constant 384 : i32
    %add3A_28 = arith.addi %mul3A_2, %add3A_27 : i32
    "tpu.region"() ({
      %run_scoped3A = tpu.sem_alloc : memref<!tpu.dma_semaphore, #tpu.memory_space<semaphore_mem>>
      %dma_start3A = arith.constant 0 : i32
      %dma_start3A_243 = tpu.memref_slice %arg14[%add3A_28, %dma_start3A] : memref<10240x64xf32, #tpu.memory_space<vmem_shared>> -> memref<128x64xf32, #tpu.memory_space<vmem_shared>>
      %dma_start3A_244 = arith.constant 0 : i32
      %dma_start3A_245 = tpu.memref_slice %arg14[%add3A_28, %dma_start3A_244] : memref<10240x64xf32, #tpu.memory_space<vmem_shared>> -> memref<128x64xf32, #tpu.memory_space<vmem_shared>>
      tpu.enqueue_dma source(%arg12 : memref<128x64xf32, #tpu.memory_space<vmem>>) target(%dma_start3A_245 : memref<128x64xf32, #tpu.memory_space<vmem_shared>>) target_semaphore(%run_scoped3A : memref<!tpu.dma_semaphore, #tpu.memory_space<semaphore_mem>>)
      %dma_wait3A_246 = arith.constant 0 : i32
      %dma_wait3A_247 = tpu.memref_slice %arg14[%add3A_28, %dma_wait3A_246] : memref<10240x64xf32, #tpu.memory_space<vmem_shared>> -> memref<128x64xf32, #tpu.memory_space<vmem_shared>>
      %dma_wait3A_248 = arith.constant 0 : i32
      %dma_wait3A_249 = tpu.memref_slice %arg14[%add3A_28, %dma_wait3A_248] : memref<10240x64xf32, #tpu.memory_space<vmem_shared>> -> memref<128x64xf32, #tpu.memory_space<vmem_shared>>
      tpu.wait_dma2 semaphore(%run_scoped3A : memref<!tpu.dma_semaphore, #tpu.memory_space<semaphore_mem>>) src(%arg12 : memref<128x64xf32, #tpu.memory_space<vmem>>) dst(%dma_wait3A_249 : memref<128x64xf32, #tpu.memory_space<vmem_shared>>)
      tpu.yield
    }) : () -> ()
    %add3A_29 = arith.constant 512 : i32
    %add3A_30 = arith.addi %mul3A_2, %add3A_29 : i32
    "tpu.region"() ({
      %run_scoped3A = tpu.sem_alloc : memref<!tpu.dma_semaphore, #tpu.memory_space<semaphore_mem>>
      %dma_start3A = arith.constant 0 : i32
      %dma_start3A_243 = tpu.memref_slice %arg14[%add3A_30, %dma_start3A] : memref<10240x64xf32, #tpu.memory_space<vmem_shared>> -> memref<128x64xf32, #tpu.memory_space<vmem_shared>>
      %dma_start3A_244 = arith.constant 0 : i32
      %dma_start3A_245 = tpu.memref_slice %arg14[%add3A_30, %dma_start3A_244] : memref<10240x64xf32, #tpu.memory_space<vmem_shared>> -> memref<128x64xf32, #tpu.memory_space<vmem_shared>>
      tpu.enqueue_dma source(%arg12 : memref<128x64xf32, #tpu.memory_space<vmem>>) target(%dma_start3A_245 : memref<128x64xf32, #tpu.memory_space<vmem_shared>>) target_semaphore(%run_scoped3A : memref<!tpu.dma_semaphore, #tpu.memory_space<semaphore_mem>>)
      %dma_wait3A_246 = arith.constant 0 : i32
      %dma_wait3A_247 = tpu.memref_slice %arg14[%add3A_30, %dma_wait3A_246] : memref<10240x64xf32, #tpu.memory_space<vmem_shared>> -> memref<128x64xf32, #tpu.memory_space<vmem_shared>>
      %dma_wait3A_248 = arith.constant 0 : i32
      %dma_wait3A_249 = tpu.memref_slice %arg14[%add3A_30, %dma_wait3A_248] : memref<10240x64xf32, #tpu.memory_space<vmem_shared>> -> memref<128x64xf32, #tpu.memory_space<vmem_shared>>
      tpu.wait_dma2 semaphore(%run_scoped3A : memref<!tpu.dma_semaphore, #tpu.memory_space<semaphore_mem>>) src(%arg12 : memref<128x64xf32, #tpu.memory_space<vmem>>) dst(%dma_wait3A_249 : memref<128x64xf32, #tpu.memory_space<vmem_shared>>)
      tpu.yield
    }) : () -> ()
    "tpu.region"() ({
      %run_scoped3A = tpu.sem_alloc : memref<!tpu.dma_semaphore, #tpu.memory_space<semaphore_mem>>
      %dma_start3A = arith.constant 0 : i32
      %dma_start3A_243 = tpu.memref_slice %arg15[%mul3A_2, %dma_start3A] : memref<10240x16xf32, #tpu.memory_space<vmem_shared>> -> memref<640x16xf32, #tpu.memory_space<vmem_shared>>
      %dma_start3A_244 = arith.constant 0 : i32
      %dma_start3A_245 = tpu.memref_slice %arg15[%mul3A_2, %dma_start3A_244] : memref<10240x16xf32, #tpu.memory_space<vmem_shared>> -> memref<640x16xf32, #tpu.memory_space<vmem_shared>>
      tpu.enqueue_dma source(%arg13 : memref<640x16xf32, #tpu.memory_space<vmem>>) target(%dma_start3A_245 : memref<640x16xf32, #tpu.memory_space<vmem_shared>>) target_semaphore(%run_scoped3A : memref<!tpu.dma_semaphore, #tpu.memory_space<semaphore_mem>>)
      %dma_wait3A_246 = arith.constant 0 : i32
      %dma_wait3A_247 = tpu.memref_slice %arg15[%mul3A_2, %dma_wait3A_246] : memref<10240x16xf32, #tpu.memory_space<vmem_shared>> -> memref<640x16xf32, #tpu.memory_space<vmem_shared>>
      %dma_wait3A_248 = arith.constant 0 : i32
      %dma_wait3A_249 = tpu.memref_slice %arg15[%mul3A_2, %dma_wait3A_248] : memref<10240x16xf32, #tpu.memory_space<vmem_shared>> -> memref<640x16xf32, #tpu.memory_space<vmem_shared>>
      tpu.wait_dma2 semaphore(%run_scoped3A : memref<!tpu.dma_semaphore, #tpu.memory_space<semaphore_mem>>) src(%arg13 : memref<640x16xf32, #tpu.memory_space<vmem>>) dst(%dma_wait3A_249 : memref<640x16xf32, #tpu.memory_space<vmem_shared>>)
      tpu.yield
    }) : () -> ()
    %barrier3A = arith.constant 0 : index
    tpu.barrier barrier_id(%barrier3A)
    %scan3A_31 = arith.constant 0 : i32
    %scan3A_32 = arith.constant 20 : i32
    %scan3A_33 = arith.addi %scan3A_31, %scan3A_32 : i32
    %scan3A_34 = arith.constant 1 : i32
    scf.for %scan3A_243 = %scan3A_31 to %scan3A_33 step %scan3A_34  : i32 {
      %mul3A_244 = arith.constant 4 : i32
      %mul3A_245 = arith.muli %scan3A_243, %mul3A_244 : i32
      %add3A_246 = arith.constant 0 : i32
      %add3A_247 = arith.addi %mul3A_245, %add3A_246 : i32
      %gt3A = arith.constant 0 : i32
      %gt3A_248 = arith.cmpi sgt, %scan3A_243, %gt3A : i32
      %convert_element_type3A_249 = arith.extui %gt3A_248 : i1 to i32
      %cond3A_250 = arith.constant 0 : i32
      %cond3A_251 = arith.cmpi ne, %convert_element_type3A_249, %cond3A_250 : i32
      scf.if %cond3A_251 {
        %dma_wait3A_498 = arith.constant 0 : i32
        %dma_wait3A_499 = arith.constant 0 : i32
        %dma_wait3A_500 = arith.constant 0 : i32
        %dma_wait3A_501 = arith.constant 0 : i32
        %dma_wait3A_502 = tpu.memref_slice %arg10[%dma_wait3A_498, %dma_wait3A_500, %dma_wait3A_501] : memref<4x125x64xf32, #tpu.memory_space<vmem>> -> memref<1x125x64xf32, #tpu.memory_space<vmem>>
        %dma_wait3A_503 = tpu.memref_squeeze %dma_wait3A_502 : memref<1x125x64xf32, #tpu.memory_space<vmem>> -> memref<125x64xf32, #tpu.memory_space<vmem>>
        %dma_wait3A_504 = arith.constant 0 : i32
        %dma_wait3A_505 = arith.constant 0 : i32
        %dma_wait3A_506 = tpu.memref_slice %arg2[%dma_wait3A_504, %dma_wait3A_505] : memref<20000x64xf32, #tpu.memory_space<hbm>> -> memref<125x64xf32, #tpu.memory_space<hbm>>
        %dma_wait3A_507 = tpu.memref_slice %arg17[%dma_wait3A_499] : memref<4x!tpu.dma_semaphore, #tpu.memory_space<semaphore_mem>> -> memref<1x!tpu.dma_semaphore, #tpu.memory_space<semaphore_mem>>
        %dma_wait3A_508 = tpu.memref_squeeze %dma_wait3A_507 : memref<1x!tpu.dma_semaphore, #tpu.memory_space<semaphore_mem>> -> memref<!tpu.dma_semaphore, #tpu.memory_space<semaphore_mem>>
        %dma_wait3A_509 = arith.constant 0 : i32
        %dma_wait3A_510 = arith.constant 0 : i32
        %dma_wait3A_511 = tpu.memref_slice %arg10[%dma_wait3A_498, %dma_wait3A_509, %dma_wait3A_510] : memref<4x125x64xf32, #tpu.memory_space<vmem>> -> memref<1x125x64xf32, #tpu.memory_space<vmem>>
        %dma_wait3A_512 = tpu.memref_squeeze %dma_wait3A_511 : memref<1x125x64xf32, #tpu.memory_space<vmem>> -> memref<125x64xf32, #tpu.memory_space<vmem>>
        %dma_wait3A_513 = arith.constant 0 : i32
        %dma_wait3A_514 = arith.constant 0 : i32
        %dma_wait3A_515 = tpu.memref_slice %arg2[%dma_wait3A_513, %dma_wait3A_514] : memref<20000x64xf32, #tpu.memory_space<hbm>> -> memref<125x64xf32, #tpu.memory_space<hbm>>
        tpu.wait_dma2 semaphore(%dma_wait3A_508 : memref<!tpu.dma_semaphore, #tpu.memory_space<semaphore_mem>>) src(%dma_wait3A_515 : memref<125x64xf32, #tpu.memory_space<hbm>>) dst(%dma_wait3A_512 : memref<125x64xf32, #tpu.memory_space<vmem>>)
        %dma_wait3A_516 = arith.constant 0 : i32
        %dma_wait3A_517 = arith.constant 0 : i32
        %dma_wait3A_518 = arith.constant 0 : i32
        %dma_wait3A_519 = tpu.memref_slice %arg7[%dma_wait3A_517, %dma_wait3A_518] : memref<10240x16xf32, #tpu.memory_space<hbm>> -> memref<125x16xf32, #tpu.memory_space<hbm>>
        %dma_wait3A_520 = tpu.memref_slice %arg18[%dma_wait3A_516] : memref<4x!tpu.dma_semaphore, #tpu.memory_space<semaphore_mem>> -> memref<1x!tpu.dma_semaphore, #tpu.memory_space<semaphore_mem>>
        %dma_wait3A_521 = tpu.memref_squeeze %dma_wait3A_520 : memref<1x!tpu.dma_semaphore, #tpu.memory_space<semaphore_mem>> -> memref<!tpu.dma_semaphore, #tpu.memory_space<semaphore_mem>>
        %dma_wait3A_522 = arith.constant 0 : i32
        %dma_wait3A_523 = arith.constant 0 : i32
        %dma_wait3A_524 = tpu.memref_slice %arg7[%dma_wait3A_522, %dma_wait3A_523] : memref<10240x16xf32, #tpu.memory_space<hbm>> -> memref<125x16xf32, #tpu.memory_space<hbm>>
        tpu.wait_dma2 semaphore(%dma_wait3A_521 : memref<!tpu.dma_semaphore, #tpu.memory_space<semaphore_mem>>) src(%dma_wait3A_524 : memref<125x16xf32, #tpu.memory_space<hbm>>) dst(%arg11 : memref<125x16xf32, #tpu.memory_space<vmem>>)
      } else {
      }
      %dma_start3A = arith.constant 0 : i32
      %dma_start3A_252 = arith.constant 0 : i32
      %dma_start3A_253 = arith.constant 0 : i32
      %dma_start3A_254 = arith.constant 0 : i32
      %dma_start3A_255 = tpu.memref_slice %arg10[%dma_start3A, %dma_start3A_253, %dma_start3A_254] : memref<4x125x64xf32, #tpu.memory_space<vmem>> -> memref<1x125x64xf32, #tpu.memory_space<vmem>>
      %dma_start3A_256 = tpu.memref_squeeze %dma_start3A_255 : memref<1x125x64xf32, #tpu.memory_space<vmem>> -> memref<125x64xf32, #tpu.memory_space<vmem>>
      %dma_start3A_257 = arith.constant 0 : i32
      %dma_start3A_258 = tpu.memref_slice %arg8[%add3A_247, %dma_start3A_257] : memref<80x125xi32, #tpu.memory_space<vmem>> -> memref<1x125xi32, #tpu.memory_space<vmem>>
      %dma_start3A_259 = tpu.memref_squeeze %dma_start3A_258 : memref<1x125xi32, #tpu.memory_space<vmem>> -> memref<125xi32, #tpu.memory_space<vmem>>
      %dma_start3A_260 = arith.constant 0 : i32
      %dma_start3A_261 = arith.constant 0 : i32
      %dma_start3A_262 = tpu.memref_slice %arg2[%dma_start3A_260, %dma_start3A_261] : memref<20000x64xf32, #tpu.memory_space<hbm>> -> memref<20000x64xf32, #tpu.memory_space<hbm>>
      %dma_start3A_263 = tpu.memref_slice %arg16[%dma_start3A_252] : memref<4x!tpu.dma_semaphore, #tpu.memory_space<semaphore_mem>> -> memref<1x!tpu.dma_semaphore, #tpu.memory_space<semaphore_mem>>
      %dma_start3A_264 = tpu.memref_squeeze %dma_start3A_263 : memref<1x!tpu.dma_semaphore, #tpu.memory_space<semaphore_mem>> -> memref<!tpu.dma_semaphore, #tpu.memory_space<semaphore_mem>>
      tpu.enqueue_indirect_dma source(%dma_start3A_262 : memref<20000x64xf32, #tpu.memory_space<hbm>>) target(%dma_start3A_256 : memref<125x64xf32, #tpu.memory_space<vmem>>) offsets(%dma_start3A_259 : memref<125xi32, #tpu.memory_space<vmem>>) semaphore(%dma_start3A_264 : memref<!tpu.dma_semaphore, #tpu.memory_space<semaphore_mem>>)
      %mul3A_265 = arith.constant 4 : i32
      %mul3A_266 = arith.muli %scan3A_243, %mul3A_265 : i32
      %add3A_267 = arith.constant 1 : i32
      %add3A_268 = arith.addi %mul3A_266, %add3A_267 : i32
      %gt3A_269 = arith.constant 0 : i32
      %gt3A_270 = arith.cmpi sgt, %scan3A_243, %gt3A_269 : i32
      %convert_element_type3A_271 = arith.extui %gt3A_270 : i1 to i32
      %cond3A_272 = arith.constant 0 : i32
      %cond3A_273 = arith.cmpi ne, %convert_element_type3A_271, %cond3A_272 : i32
      scf.if %cond3A_273 {
        %dma_wait3A_498 = arith.constant 1 : i32
        %dma_wait3A_499 = arith.constant 1 : i32
        %dma_wait3A_500 = arith.constant 0 : i32
        %dma_wait3A_501 = arith.constant 0 : i32
        %dma_wait3A_502 = tpu.memref_slice %arg10[%dma_wait3A_498, %dma_wait3A_500, %dma_wait3A_501] : memref<4x125x64xf32, #tpu.memory_space<vmem>> -> memref<1x125x64xf32, #tpu.memory_space<vmem>>
        %dma_wait3A_503 = tpu.memref_squeeze %dma_wait3A_502 : memref<1x125x64xf32, #tpu.memory_space<vmem>> -> memref<125x64xf32, #tpu.memory_space<vmem>>
        %dma_wait3A_504 = arith.constant 0 : i32
        %dma_wait3A_505 = arith.constant 0 : i32
        %dma_wait3A_506 = tpu.memref_slice %arg2[%dma_wait3A_504, %dma_wait3A_505] : memref<20000x64xf32, #tpu.memory_space<hbm>> -> memref<125x64xf32, #tpu.memory_space<hbm>>
        %dma_wait3A_507 = tpu.memref_slice %arg17[%dma_wait3A_499] : memref<4x!tpu.dma_semaphore, #tpu.memory_space<semaphore_mem>> -> memref<1x!tpu.dma_semaphore, #tpu.memory_space<semaphore_mem>>
        %dma_wait3A_508 = tpu.memref_squeeze %dma_wait3A_507 : memref<1x!tpu.dma_semaphore, #tpu.memory_space<semaphore_mem>> -> memref<!tpu.dma_semaphore, #tpu.memory_space<semaphore_mem>>
        %dma_wait3A_509 = arith.constant 0 : i32
        %dma_wait3A_510 = arith.constant 0 : i32
        %dma_wait3A_511 = tpu.memref_slice %arg10[%dma_wait3A_498, %dma_wait3A_509, %dma_wait3A_510] : memref<4x125x64xf32, #tpu.memory_space<vmem>> -> memref<1x125x64xf32, #tpu.memory_space<vmem>>
        %dma_wait3A_512 = tpu.memref_squeeze %dma_wait3A_511 : memref<1x125x64xf32, #tpu.memory_space<vmem>> -> memref<125x64xf32, #tpu.memory_space<vmem>>
        %dma_wait3A_513 = arith.constant 0 : i32
        %dma_wait3A_514 = arith.constant 0 : i32
        %dma_wait3A_515 = tpu.memref_slice %arg2[%dma_wait3A_513, %dma_wait3A_514] : memref<20000x64xf32, #tpu.memory_space<hbm>> -> memref<125x64xf32, #tpu.memory_space<hbm>>
        tpu.wait_dma2 semaphore(%dma_wait3A_508 : memref<!tpu.dma_semaphore, #tpu.memory_space<semaphore_mem>>) src(%dma_wait3A_515 : memref<125x64xf32, #tpu.memory_space<hbm>>) dst(%dma_wait3A_512 : memref<125x64xf32, #tpu.memory_space<vmem>>)
        %dma_wait3A_516 = arith.constant 1 : i32
        %dma_wait3A_517 = arith.constant 0 : i32
        %dma_wait3A_518 = arith.constant 0 : i32
        %dma_wait3A_519 = tpu.memref_slice %arg7[%dma_wait3A_517, %dma_wait3A_518] : memref<10240x16xf32, #tpu.memory_space<hbm>> -> memref<125x16xf32, #tpu.memory_space<hbm>>
        %dma_wait3A_520 = tpu.memref_slice %arg18[%dma_wait3A_516] : memref<4x!tpu.dma_semaphore, #tpu.memory_space<semaphore_mem>> -> memref<1x!tpu.dma_semaphore, #tpu.memory_space<semaphore_mem>>
        %dma_wait3A_521 = tpu.memref_squeeze %dma_wait3A_520 : memref<1x!tpu.dma_semaphore, #tpu.memory_space<semaphore_mem>> -> memref<!tpu.dma_semaphore, #tpu.memory_space<semaphore_mem>>
        %dma_wait3A_522 = arith.constant 0 : i32
        %dma_wait3A_523 = arith.constant 0 : i32
        %dma_wait3A_524 = tpu.memref_slice %arg7[%dma_wait3A_522, %dma_wait3A_523] : memref<10240x16xf32, #tpu.memory_space<hbm>> -> memref<125x16xf32, #tpu.memory_space<hbm>>
        tpu.wait_dma2 semaphore(%dma_wait3A_521 : memref<!tpu.dma_semaphore, #tpu.memory_space<semaphore_mem>>) src(%dma_wait3A_524 : memref<125x16xf32, #tpu.memory_space<hbm>>) dst(%arg11 : memref<125x16xf32, #tpu.memory_space<vmem>>)
      } else {
      }
      %dma_start3A_274 = arith.constant 1 : i32
      %dma_start3A_275 = arith.constant 1 : i32
      %dma_start3A_276 = arith.constant 0 : i32
      %dma_start3A_277 = arith.constant 0 : i32
      %dma_start3A_278 = tpu.memref_slice %arg10[%dma_start3A_274, %dma_start3A_276, %dma_start3A_277] : memref<4x125x64xf32, #tpu.memory_space<vmem>> -> memref<1x125x64xf32, #tpu.memory_space<vmem>>
      %dma_start3A_279 = tpu.memref_squeeze %dma_start3A_278 : memref<1x125x64xf32, #tpu.memory_space<vmem>> -> memref<125x64xf32, #tpu.memory_space<vmem>>
      %dma_start3A_280 = arith.constant 0 : i32
      %dma_start3A_281 = tpu.memref_slice %arg8[%add3A_268, %dma_start3A_280] : memref<80x125xi32, #tpu.memory_space<vmem>> -> memref<1x125xi32, #tpu.memory_space<vmem>>
      %dma_start3A_282 = tpu.memref_squeeze %dma_start3A_281 : memref<1x125xi32, #tpu.memory_space<vmem>> -> memref<125xi32, #tpu.memory_space<vmem>>
      %dma_start3A_283 = arith.constant 0 : i32
      %dma_start3A_284 = arith.constant 0 : i32
      %dma_start3A_285 = tpu.memref_slice %arg2[%dma_start3A_283, %dma_start3A_284] : memref<20000x64xf32, #tpu.memory_space<hbm>> -> memref<20000x64xf32, #tpu.memory_space<hbm>>
      %dma_start3A_286 = tpu.memref_slice %arg16[%dma_start3A_275] : memref<4x!tpu.dma_semaphore, #tpu.memory_space<semaphore_mem>> -> memref<1x!tpu.dma_semaphore, #tpu.memory_space<semaphore_mem>>
      %dma_start3A_287 = tpu.memref_squeeze %dma_start3A_286 : memref<1x!tpu.dma_semaphore, #tpu.memory_space<semaphore_mem>> -> memref<!tpu.dma_semaphore, #tpu.memory_space<semaphore_mem>>
      tpu.enqueue_indirect_dma source(%dma_start3A_285 : memref<20000x64xf32, #tpu.memory_space<hbm>>) target(%dma_start3A_279 : memref<125x64xf32, #tpu.memory_space<vmem>>) offsets(%dma_start3A_282 : memref<125xi32, #tpu.memory_space<vmem>>) semaphore(%dma_start3A_287 : memref<!tpu.dma_semaphore, #tpu.memory_space<semaphore_mem>>)
      %mul3A_288 = arith.constant 4 : i32
      %mul3A_289 = arith.muli %scan3A_243, %mul3A_288 : i32
      %add3A_290 = arith.constant 2 : i32
      %add3A_291 = arith.addi %mul3A_289, %add3A_290 : i32
      %gt3A_292 = arith.constant 0 : i32
      %gt3A_293 = arith.cmpi sgt, %scan3A_243, %gt3A_292 : i32
      %convert_element_type3A_294 = arith.extui %gt3A_293 : i1 to i32
      %cond3A_295 = arith.constant 0 : i32
      %cond3A_296 = arith.cmpi ne, %convert_element_type3A_294, %cond3A_295 : i32
      scf.if %cond3A_296 {
        %dma_wait3A_498 = arith.constant 2 : i32
        %dma_wait3A_499 = arith.constant 2 : i32
        %dma_wait3A_500 = arith.constant 0 : i32
        %dma_wait3A_501 = arith.constant 0 : i32
        %dma_wait3A_502 = tpu.memref_slice %arg10[%dma_wait3A_498, %dma_wait3A_500, %dma_wait3A_501] : memref<4x125x64xf32, #tpu.memory_space<vmem>> -> memref<1x125x64xf32, #tpu.memory_space<vmem>>
        %dma_wait3A_503 = tpu.memref_squeeze %dma_wait3A_502 : memref<1x125x64xf32, #tpu.memory_space<vmem>> -> memref<125x64xf32, #tpu.memory_space<vmem>>
        %dma_wait3A_504 = arith.constant 0 : i32
        %dma_wait3A_505 = arith.constant 0 : i32
        %dma_wait3A_506 = tpu.memref_slice %arg2[%dma_wait3A_504, %dma_wait3A_505] : memref<20000x64xf32, #tpu.memory_space<hbm>> -> memref<125x64xf32, #tpu.memory_space<hbm>>
        %dma_wait3A_507 = tpu.memref_slice %arg17[%dma_wait3A_499] : memref<4x!tpu.dma_semaphore, #tpu.memory_space<semaphore_mem>> -> memref<1x!tpu.dma_semaphore, #tpu.memory_space<semaphore_mem>>
        %dma_wait3A_508 = tpu.memref_squeeze %dma_wait3A_507 : memref<1x!tpu.dma_semaphore, #tpu.memory_space<semaphore_mem>> -> memref<!tpu.dma_semaphore, #tpu.memory_space<semaphore_mem>>
        %dma_wait3A_509 = arith.constant 0 : i32
        %dma_wait3A_510 = arith.constant 0 : i32
        %dma_wait3A_511 = tpu.memref_slice %arg10[%dma_wait3A_498, %dma_wait3A_509, %dma_wait3A_510] : memref<4x125x64xf32, #tpu.memory_space<vmem>> -> memref<1x125x64xf32, #tpu.memory_space<vmem>>
        %dma_wait3A_512 = tpu.memref_squeeze %dma_wait3A_511 : memref<1x125x64xf32, #tpu.memory_space<vmem>> -> memref<125x64xf32, #tpu.memory_space<vmem>>
        %dma_wait3A_513 = arith.constant 0 : i32
        %dma_wait3A_514 = arith.constant 0 : i32
        %dma_wait3A_515 = tpu.memref_slice %arg2[%dma_wait3A_513, %dma_wait3A_514] : memref<20000x64xf32, #tpu.memory_space<hbm>> -> memref<125x64xf32, #tpu.memory_space<hbm>>
        tpu.wait_dma2 semaphore(%dma_wait3A_508 : memref<!tpu.dma_semaphore, #tpu.memory_space<semaphore_mem>>) src(%dma_wait3A_515 : memref<125x64xf32, #tpu.memory_space<hbm>>) dst(%dma_wait3A_512 : memref<125x64xf32, #tpu.memory_space<vmem>>)
        %dma_wait3A_516 = arith.constant 2 : i32
        %dma_wait3A_517 = arith.constant 0 : i32
        %dma_wait3A_518 = arith.constant 0 : i32
        %dma_wait3A_519 = tpu.memref_slice %arg7[%dma_wait3A_517, %dma_wait3A_518] : memref<10240x16xf32, #tpu.memory_space<hbm>> -> memref<125x16xf32, #tpu.memory_space<hbm>>
        %dma_wait3A_520 = tpu.memref_slice %arg18[%dma_wait3A_516] : memref<4x!tpu.dma_semaphore, #tpu.memory_space<semaphore_mem>> -> memref<1x!tpu.dma_semaphore, #tpu.memory_space<semaphore_mem>>
        %dma_wait3A_521 = tpu.memref_squeeze %dma_wait3A_520 : memref<1x!tpu.dma_semaphore, #tpu.memory_space<semaphore_mem>> -> memref<!tpu.dma_semaphore, #tpu.memory_space<semaphore_mem>>
        %dma_wait3A_522 = arith.constant 0 : i32
        %dma_wait3A_523 = arith.constant 0 : i32
        %dma_wait3A_524 = tpu.memref_slice %arg7[%dma_wait3A_522, %dma_wait3A_523] : memref<10240x16xf32, #tpu.memory_space<hbm>> -> memref<125x16xf32, #tpu.memory_space<hbm>>
        tpu.wait_dma2 semaphore(%dma_wait3A_521 : memref<!tpu.dma_semaphore, #tpu.memory_space<semaphore_mem>>) src(%dma_wait3A_524 : memref<125x16xf32, #tpu.memory_space<hbm>>) dst(%arg11 : memref<125x16xf32, #tpu.memory_space<vmem>>)
      } else {
      }
      %dma_start3A_297 = arith.constant 2 : i32
      %dma_start3A_298 = arith.constant 2 : i32
      %dma_start3A_299 = arith.constant 0 : i32
      %dma_start3A_300 = arith.constant 0 : i32
      %dma_start3A_301 = tpu.memref_slice %arg10[%dma_start3A_297, %dma_start3A_299, %dma_start3A_300] : memref<4x125x64xf32, #tpu.memory_space<vmem>> -> memref<1x125x64xf32, #tpu.memory_space<vmem>>
      %dma_start3A_302 = tpu.memref_squeeze %dma_start3A_301 : memref<1x125x64xf32, #tpu.memory_space<vmem>> -> memref<125x64xf32, #tpu.memory_space<vmem>>
      %dma_start3A_303 = arith.constant 0 : i32
      %dma_start3A_304 = tpu.memref_slice %arg8[%add3A_291, %dma_start3A_303] : memref<80x125xi32, #tpu.memory_space<vmem>> -> memref<1x125xi32, #tpu.memory_space<vmem>>
      %dma_start3A_305 = tpu.memref_squeeze %dma_start3A_304 : memref<1x125xi32, #tpu.memory_space<vmem>> -> memref<125xi32, #tpu.memory_space<vmem>>
      %dma_start3A_306 = arith.constant 0 : i32
      %dma_start3A_307 = arith.constant 0 : i32
      %dma_start3A_308 = tpu.memref_slice %arg2[%dma_start3A_306, %dma_start3A_307] : memref<20000x64xf32, #tpu.memory_space<hbm>> -> memref<20000x64xf32, #tpu.memory_space<hbm>>
      %dma_start3A_309 = tpu.memref_slice %arg16[%dma_start3A_298] : memref<4x!tpu.dma_semaphore, #tpu.memory_space<semaphore_mem>> -> memref<1x!tpu.dma_semaphore, #tpu.memory_space<semaphore_mem>>
      %dma_start3A_310 = tpu.memref_squeeze %dma_start3A_309 : memref<1x!tpu.dma_semaphore, #tpu.memory_space<semaphore_mem>> -> memref<!tpu.dma_semaphore, #tpu.memory_space<semaphore_mem>>
      tpu.enqueue_indirect_dma source(%dma_start3A_308 : memref<20000x64xf32, #tpu.memory_space<hbm>>) target(%dma_start3A_302 : memref<125x64xf32, #tpu.memory_space<vmem>>) offsets(%dma_start3A_305 : memref<125xi32, #tpu.memory_space<vmem>>) semaphore(%dma_start3A_310 : memref<!tpu.dma_semaphore, #tpu.memory_space<semaphore_mem>>)
      %mul3A_311 = arith.constant 4 : i32
      %mul3A_312 = arith.muli %scan3A_243, %mul3A_311 : i32
      %add3A_313 = arith.constant 3 : i32
      %add3A_314 = arith.addi %mul3A_312, %add3A_313 : i32
      %gt3A_315 = arith.constant 0 : i32
      %gt3A_316 = arith.cmpi sgt, %scan3A_243, %gt3A_315 : i32
      %convert_element_type3A_317 = arith.extui %gt3A_316 : i1 to i32
      %cond3A_318 = arith.constant 0 : i32
      %cond3A_319 = arith.cmpi ne, %convert_element_type3A_317, %cond3A_318 : i32
      scf.if %cond3A_319 {
        %dma_wait3A_498 = arith.constant 3 : i32
        %dma_wait3A_499 = arith.constant 3 : i32
        %dma_wait3A_500 = arith.constant 0 : i32
        %dma_wait3A_501 = arith.constant 0 : i32
        %dma_wait3A_502 = tpu.memref_slice %arg10[%dma_wait3A_498, %dma_wait3A_500, %dma_wait3A_501] : memref<4x125x64xf32, #tpu.memory_space<vmem>> -> memref<1x125x64xf32, #tpu.memory_space<vmem>>
        %dma_wait3A_503 = tpu.memref_squeeze %dma_wait3A_502 : memref<1x125x64xf32, #tpu.memory_space<vmem>> -> memref<125x64xf32, #tpu.memory_space<vmem>>
        %dma_wait3A_504 = arith.constant 0 : i32
        %dma_wait3A_505 = arith.constant 0 : i32
        %dma_wait3A_506 = tpu.memref_slice %arg2[%dma_wait3A_504, %dma_wait3A_505] : memref<20000x64xf32, #tpu.memory_space<hbm>> -> memref<125x64xf32, #tpu.memory_space<hbm>>
        %dma_wait3A_507 = tpu.memref_slice %arg17[%dma_wait3A_499] : memref<4x!tpu.dma_semaphore, #tpu.memory_space<semaphore_mem>> -> memref<1x!tpu.dma_semaphore, #tpu.memory_space<semaphore_mem>>
        %dma_wait3A_508 = tpu.memref_squeeze %dma_wait3A_507 : memref<1x!tpu.dma_semaphore, #tpu.memory_space<semaphore_mem>> -> memref<!tpu.dma_semaphore, #tpu.memory_space<semaphore_mem>>
        %dma_wait3A_509 = arith.constant 0 : i32
        %dma_wait3A_510 = arith.constant 0 : i32
        %dma_wait3A_511 = tpu.memref_slice %arg10[%dma_wait3A_498, %dma_wait3A_509, %dma_wait3A_510] : memref<4x125x64xf32, #tpu.memory_space<vmem>> -> memref<1x125x64xf32, #tpu.memory_space<vmem>>
        %dma_wait3A_512 = tpu.memref_squeeze %dma_wait3A_511 : memref<1x125x64xf32, #tpu.memory_space<vmem>> -> memref<125x64xf32, #tpu.memory_space<vmem>>
        %dma_wait3A_513 = arith.constant 0 : i32
        %dma_wait3A_514 = arith.constant 0 : i32
        %dma_wait3A_515 = tpu.memref_slice %arg2[%dma_wait3A_513, %dma_wait3A_514] : memref<20000x64xf32, #tpu.memory_space<hbm>> -> memref<125x64xf32, #tpu.memory_space<hbm>>
        tpu.wait_dma2 semaphore(%dma_wait3A_508 : memref<!tpu.dma_semaphore, #tpu.memory_space<semaphore_mem>>) src(%dma_wait3A_515 : memref<125x64xf32, #tpu.memory_space<hbm>>) dst(%dma_wait3A_512 : memref<125x64xf32, #tpu.memory_space<vmem>>)
        %dma_wait3A_516 = arith.constant 3 : i32
        %dma_wait3A_517 = arith.constant 0 : i32
        %dma_wait3A_518 = arith.constant 0 : i32
        %dma_wait3A_519 = tpu.memref_slice %arg7[%dma_wait3A_517, %dma_wait3A_518] : memref<10240x16xf32, #tpu.memory_space<hbm>> -> memref<125x16xf32, #tpu.memory_space<hbm>>
        %dma_wait3A_520 = tpu.memref_slice %arg18[%dma_wait3A_516] : memref<4x!tpu.dma_semaphore, #tpu.memory_space<semaphore_mem>> -> memref<1x!tpu.dma_semaphore, #tpu.memory_space<semaphore_mem>>
        %dma_wait3A_521 = tpu.memref_squeeze %dma_wait3A_520 : memref<1x!tpu.dma_semaphore, #tpu.memory_space<semaphore_mem>> -> memref<!tpu.dma_semaphore, #tpu.memory_space<semaphore_mem>>
        %dma_wait3A_522 = arith.constant 0 : i32
        %dma_wait3A_523 = arith.constant 0 : i32
        %dma_wait3A_524 = tpu.memref_slice %arg7[%dma_wait3A_522, %dma_wait3A_523] : memref<10240x16xf32, #tpu.memory_space<hbm>> -> memref<125x16xf32, #tpu.memory_space<hbm>>
        tpu.wait_dma2 semaphore(%dma_wait3A_521 : memref<!tpu.dma_semaphore, #tpu.memory_space<semaphore_mem>>) src(%dma_wait3A_524 : memref<125x16xf32, #tpu.memory_space<hbm>>) dst(%arg11 : memref<125x16xf32, #tpu.memory_space<vmem>>)
      } else {
      }
      %dma_start3A_320 = arith.constant 3 : i32
      %dma_start3A_321 = arith.constant 3 : i32
      %dma_start3A_322 = arith.constant 0 : i32
      %dma_start3A_323 = arith.constant 0 : i32
      %dma_start3A_324 = tpu.memref_slice %arg10[%dma_start3A_320, %dma_start3A_322, %dma_start3A_323] : memref<4x125x64xf32, #tpu.memory_space<vmem>> -> memref<1x125x64xf32, #tpu.memory_space<vmem>>
      %dma_start3A_325 = tpu.memref_squeeze %dma_start3A_324 : memref<1x125x64xf32, #tpu.memory_space<vmem>> -> memref<125x64xf32, #tpu.memory_space<vmem>>
      %dma_start3A_326 = arith.constant 0 : i32
      %dma_start3A_327 = tpu.memref_slice %arg8[%add3A_314, %dma_start3A_326] : memref<80x125xi32, #tpu.memory_space<vmem>> -> memref<1x125xi32, #tpu.memory_space<vmem>>
      %dma_start3A_328 = tpu.memref_squeeze %dma_start3A_327 : memref<1x125xi32, #tpu.memory_space<vmem>> -> memref<125xi32, #tpu.memory_space<vmem>>
      %dma_start3A_329 = arith.constant 0 : i32
      %dma_start3A_330 = arith.constant 0 : i32
      %dma_start3A_331 = tpu.memref_slice %arg2[%dma_start3A_329, %dma_start3A_330] : memref<20000x64xf32, #tpu.memory_space<hbm>> -> memref<20000x64xf32, #tpu.memory_space<hbm>>
      %dma_start3A_332 = tpu.memref_slice %arg16[%dma_start3A_321] : memref<4x!tpu.dma_semaphore, #tpu.memory_space<semaphore_mem>> -> memref<1x!tpu.dma_semaphore, #tpu.memory_space<semaphore_mem>>
      %dma_start3A_333 = tpu.memref_squeeze %dma_start3A_332 : memref<1x!tpu.dma_semaphore, #tpu.memory_space<semaphore_mem>> -> memref<!tpu.dma_semaphore, #tpu.memory_space<semaphore_mem>>
      tpu.enqueue_indirect_dma source(%dma_start3A_331 : memref<20000x64xf32, #tpu.memory_space<hbm>>) target(%dma_start3A_325 : memref<125x64xf32, #tpu.memory_space<vmem>>) offsets(%dma_start3A_328 : memref<125xi32, #tpu.memory_space<vmem>>) semaphore(%dma_start3A_333 : memref<!tpu.dma_semaphore, #tpu.memory_space<semaphore_mem>>)
      %mul3A_334 = arith.constant 4 : i32
      %mul3A_335 = arith.muli %scan3A_243, %mul3A_334 : i32
      %add3A_336 = arith.constant 0 : i32
      %add3A_337 = arith.addi %mul3A_335, %add3A_336 : i32
      %dma_wait3A_338 = arith.constant 0 : i32
      %dma_wait3A_339 = arith.constant 0 : i32
      %dma_wait3A_340 = arith.constant 0 : i32
      %dma_wait3A_341 = arith.constant 0 : i32
      %dma_wait3A_342 = tpu.memref_slice %arg10[%dma_wait3A_338, %dma_wait3A_340, %dma_wait3A_341] : memref<4x125x64xf32, #tpu.memory_space<vmem>> -> memref<1x125x64xf32, #tpu.memory_space<vmem>>
      %dma_wait3A_343 = tpu.memref_squeeze %dma_wait3A_342 : memref<1x125x64xf32, #tpu.memory_space<vmem>> -> memref<125x64xf32, #tpu.memory_space<vmem>>
      %dma_wait3A_344 = arith.constant 0 : i32
      %dma_wait3A_345 = tpu.memref_slice %arg8[%add3A_247, %dma_wait3A_344] : memref<80x125xi32, #tpu.memory_space<vmem>> -> memref<1x125xi32, #tpu.memory_space<vmem>>
      %dma_wait3A_346 = tpu.memref_squeeze %dma_wait3A_345 : memref<1x125xi32, #tpu.memory_space<vmem>> -> memref<125xi32, #tpu.memory_space<vmem>>
      %dma_wait3A_347 = arith.constant 0 : i32
      %dma_wait3A_348 = arith.constant 0 : i32
      %dma_wait3A_349 = tpu.memref_slice %arg2[%dma_wait3A_347, %dma_wait3A_348] : memref<20000x64xf32, #tpu.memory_space<hbm>> -> memref<20000x64xf32, #tpu.memory_space<hbm>>
      %dma_wait3A_350 = tpu.memref_slice %arg16[%dma_wait3A_339] : memref<4x!tpu.dma_semaphore, #tpu.memory_space<semaphore_mem>> -> memref<1x!tpu.dma_semaphore, #tpu.memory_space<semaphore_mem>>
      %dma_wait3A_351 = tpu.memref_squeeze %dma_wait3A_350 : memref<1x!tpu.dma_semaphore, #tpu.memory_space<semaphore_mem>> -> memref<!tpu.dma_semaphore, #tpu.memory_space<semaphore_mem>>
      tpu.wait_indirect_dma semaphore(%dma_wait3A_351 : memref<!tpu.dma_semaphore, #tpu.memory_space<semaphore_mem>>) src(%dma_wait3A_349 : memref<20000x64xf32, #tpu.memory_space<hbm>>) dst(%dma_wait3A_343 : memref<125x64xf32, #tpu.memory_space<vmem>>)
      %dma_start3A_352 = arith.constant 0 : i32
      %dma_start3A_353 = arith.constant 0 : i32
      %dma_start3A_354 = arith.constant 0 : i32
      %dma_start3A_355 = arith.constant 0 : i32
      %dma_start3A_356 = tpu.memref_slice %arg10[%dma_start3A_352, %dma_start3A_354, %dma_start3A_355] : memref<4x125x64xf32, #tpu.memory_space<vmem>> -> memref<1x125x64xf32, #tpu.memory_space<vmem>>
      %dma_start3A_357 = tpu.memref_squeeze %dma_start3A_356 : memref<1x125x64xf32, #tpu.memory_space<vmem>> -> memref<125x64xf32, #tpu.memory_space<vmem>>
      %dma_start3A_358 = arith.constant 0 : i32
      %dma_start3A_359 = tpu.memref_slice %arg9[%add3A_337, %dma_start3A_358] : memref<80x125xi32, #tpu.memory_space<vmem>> -> memref<1x125xi32, #tpu.memory_space<vmem>>
      %dma_start3A_360 = tpu.memref_squeeze %dma_start3A_359 : memref<1x125xi32, #tpu.memory_space<vmem>> -> memref<125xi32, #tpu.memory_space<vmem>>
      %dma_start3A_361 = arith.constant 0 : i32
      %dma_start3A_362 = arith.constant 0 : i32
      %dma_start3A_363 = tpu.memref_slice %arg14[%dma_start3A_361, %dma_start3A_362] : memref<10240x64xf32, #tpu.memory_space<vmem_shared>> -> memref<10240x64xf32, #tpu.memory_space<vmem_shared>>
      %dma_start3A_364 = tpu.memref_slice %arg17[%dma_start3A_353] : memref<4x!tpu.dma_semaphore, #tpu.memory_space<semaphore_mem>> -> memref<1x!tpu.dma_semaphore, #tpu.memory_space<semaphore_mem>>
      %dma_start3A_365 = tpu.memref_squeeze %dma_start3A_364 : memref<1x!tpu.dma_semaphore, #tpu.memory_space<semaphore_mem>> -> memref<!tpu.dma_semaphore, #tpu.memory_space<semaphore_mem>>
      tpu.enqueue_indirect_dma source(%dma_start3A_357 : memref<125x64xf32, #tpu.memory_space<vmem>>) target(%dma_start3A_363 : memref<10240x64xf32, #tpu.memory_space<vmem_shared>>) offsets(%dma_start3A_360 : memref<125xi32, #tpu.memory_space<vmem>>) semaphore(%dma_start3A_365 : memref<!tpu.dma_semaphore, #tpu.memory_space<semaphore_mem>>) {add = true}
      %dma_start3A_366 = arith.constant 0 : i32
      %dma_start3A_367 = arith.constant 0 : i32
      %dma_start3A_368 = tpu.memref_slice %arg9[%add3A_337, %dma_start3A_367] : memref<80x125xi32, #tpu.memory_space<vmem>> -> memref<1x125xi32, #tpu.memory_space<vmem>>
      %dma_start3A_369 = tpu.memref_squeeze %dma_start3A_368 : memref<1x125xi32, #tpu.memory_space<vmem>> -> memref<125xi32, #tpu.memory_space<vmem>>
      %dma_start3A_370 = arith.constant 0 : i32
      %dma_start3A_371 = arith.constant 0 : i32
      %dma_start3A_372 = tpu.memref_slice %arg15[%dma_start3A_370, %dma_start3A_371] : memref<10240x16xf32, #tpu.memory_space<vmem_shared>> -> memref<10240x16xf32, #tpu.memory_space<vmem_shared>>
      %dma_start3A_373 = tpu.memref_slice %arg18[%dma_start3A_366] : memref<4x!tpu.dma_semaphore, #tpu.memory_space<semaphore_mem>> -> memref<1x!tpu.dma_semaphore, #tpu.memory_space<semaphore_mem>>
      %dma_start3A_374 = tpu.memref_squeeze %dma_start3A_373 : memref<1x!tpu.dma_semaphore, #tpu.memory_space<semaphore_mem>> -> memref<!tpu.dma_semaphore, #tpu.memory_space<semaphore_mem>>
      tpu.enqueue_indirect_dma source(%arg11 : memref<125x16xf32, #tpu.memory_space<vmem>>) target(%dma_start3A_372 : memref<10240x16xf32, #tpu.memory_space<vmem_shared>>) offsets(%dma_start3A_369 : memref<125xi32, #tpu.memory_space<vmem>>) semaphore(%dma_start3A_374 : memref<!tpu.dma_semaphore, #tpu.memory_space<semaphore_mem>>) {add = true}
      %mul3A_375 = arith.constant 4 : i32
      %mul3A_376 = arith.muli %scan3A_243, %mul3A_375 : i32
      %add3A_377 = arith.constant 1 : i32
      %add3A_378 = arith.addi %mul3A_376, %add3A_377 : i32
      %dma_wait3A_379 = arith.constant 1 : i32
      %dma_wait3A_380 = arith.constant 1 : i32
      %dma_wait3A_381 = arith.constant 0 : i32
      %dma_wait3A_382 = arith.constant 0 : i32
      %dma_wait3A_383 = tpu.memref_slice %arg10[%dma_wait3A_379, %dma_wait3A_381, %dma_wait3A_382] : memref<4x125x64xf32, #tpu.memory_space<vmem>> -> memref<1x125x64xf32, #tpu.memory_space<vmem>>
      %dma_wait3A_384 = tpu.memref_squeeze %dma_wait3A_383 : memref<1x125x64xf32, #tpu.memory_space<vmem>> -> memref<125x64xf32, #tpu.memory_space<vmem>>
      %dma_wait3A_385 = arith.constant 0 : i32
      %dma_wait3A_386 = tpu.memref_slice %arg8[%add3A_268, %dma_wait3A_385] : memref<80x125xi32, #tpu.memory_space<vmem>> -> memref<1x125xi32, #tpu.memory_space<vmem>>
      %dma_wait3A_387 = tpu.memref_squeeze %dma_wait3A_386 : memref<1x125xi32, #tpu.memory_space<vmem>> -> memref<125xi32, #tpu.memory_space<vmem>>
      %dma_wait3A_388 = arith.constant 0 : i32
      %dma_wait3A_389 = arith.constant 0 : i32
      %dma_wait3A_390 = tpu.memref_slice %arg2[%dma_wait3A_388, %dma_wait3A_389] : memref<20000x64xf32, #tpu.memory_space<hbm>> -> memref<20000x64xf32, #tpu.memory_space<hbm>>
      %dma_wait3A_391 = tpu.memref_slice %arg16[%dma_wait3A_380] : memref<4x!tpu.dma_semaphore, #tpu.memory_space<semaphore_mem>> -> memref<1x!tpu.dma_semaphore, #tpu.memory_space<semaphore_mem>>
      %dma_wait3A_392 = tpu.memref_squeeze %dma_wait3A_391 : memref<1x!tpu.dma_semaphore, #tpu.memory_space<semaphore_mem>> -> memref<!tpu.dma_semaphore, #tpu.memory_space<semaphore_mem>>
      tpu.wait_indirect_dma semaphore(%dma_wait3A_392 : memref<!tpu.dma_semaphore, #tpu.memory_space<semaphore_mem>>) src(%dma_wait3A_390 : memref<20000x64xf32, #tpu.memory_space<hbm>>) dst(%dma_wait3A_384 : memref<125x64xf32, #tpu.memory_space<vmem>>)
      %dma_start3A_393 = arith.constant 1 : i32
      %dma_start3A_394 = arith.constant 1 : i32
      %dma_start3A_395 = arith.constant 0 : i32
      %dma_start3A_396 = arith.constant 0 : i32
      %dma_start3A_397 = tpu.memref_slice %arg10[%dma_start3A_393, %dma_start3A_395, %dma_start3A_396] : memref<4x125x64xf32, #tpu.memory_space<vmem>> -> memref<1x125x64xf32, #tpu.memory_space<vmem>>
      %dma_start3A_398 = tpu.memref_squeeze %dma_start3A_397 : memref<1x125x64xf32, #tpu.memory_space<vmem>> -> memref<125x64xf32, #tpu.memory_space<vmem>>
      %dma_start3A_399 = arith.constant 0 : i32
      %dma_start3A_400 = tpu.memref_slice %arg9[%add3A_378, %dma_start3A_399] : memref<80x125xi32, #tpu.memory_space<vmem>> -> memref<1x125xi32, #tpu.memory_space<vmem>>
      %dma_start3A_401 = tpu.memref_squeeze %dma_start3A_400 : memref<1x125xi32, #tpu.memory_space<vmem>> -> memref<125xi32, #tpu.memory_space<vmem>>
      %dma_start3A_402 = arith.constant 0 : i32
      %dma_start3A_403 = arith.constant 0 : i32
      %dma_start3A_404 = tpu.memref_slice %arg14[%dma_start3A_402, %dma_start3A_403] : memref<10240x64xf32, #tpu.memory_space<vmem_shared>> -> memref<10240x64xf32, #tpu.memory_space<vmem_shared>>
      %dma_start3A_405 = tpu.memref_slice %arg17[%dma_start3A_394] : memref<4x!tpu.dma_semaphore, #tpu.memory_space<semaphore_mem>> -> memref<1x!tpu.dma_semaphore, #tpu.memory_space<semaphore_mem>>
      %dma_start3A_406 = tpu.memref_squeeze %dma_start3A_405 : memref<1x!tpu.dma_semaphore, #tpu.memory_space<semaphore_mem>> -> memref<!tpu.dma_semaphore, #tpu.memory_space<semaphore_mem>>
      tpu.enqueue_indirect_dma source(%dma_start3A_398 : memref<125x64xf32, #tpu.memory_space<vmem>>) target(%dma_start3A_404 : memref<10240x64xf32, #tpu.memory_space<vmem_shared>>) offsets(%dma_start3A_401 : memref<125xi32, #tpu.memory_space<vmem>>) semaphore(%dma_start3A_406 : memref<!tpu.dma_semaphore, #tpu.memory_space<semaphore_mem>>) {add = true}
      %dma_start3A_407 = arith.constant 1 : i32
      %dma_start3A_408 = arith.constant 0 : i32
      %dma_start3A_409 = tpu.memref_slice %arg9[%add3A_378, %dma_start3A_408] : memref<80x125xi32, #tpu.memory_space<vmem>> -> memref<1x125xi32, #tpu.memory_space<vmem>>
      %dma_start3A_410 = tpu.memref_squeeze %dma_start3A_409 : memref<1x125xi32, #tpu.memory_space<vmem>> -> memref<125xi32, #tpu.memory_space<vmem>>
      %dma_start3A_411 = arith.constant 0 : i32
      %dma_start3A_412 = arith.constant 0 : i32
      %dma_start3A_413 = tpu.memref_slice %arg15[%dma_start3A_411, %dma_start3A_412] : memref<10240x16xf32, #tpu.memory_space<vmem_shared>> -> memref<10240x16xf32, #tpu.memory_space<vmem_shared>>
      %dma_start3A_414 = tpu.memref_slice %arg18[%dma_start3A_407] : memref<4x!tpu.dma_semaphore, #tpu.memory_space<semaphore_mem>> -> memref<1x!tpu.dma_semaphore, #tpu.memory_space<semaphore_mem>>
      %dma_start3A_415 = tpu.memref_squeeze %dma_start3A_414 : memref<1x!tpu.dma_semaphore, #tpu.memory_space<semaphore_mem>> -> memref<!tpu.dma_semaphore, #tpu.memory_space<semaphore_mem>>
      tpu.enqueue_indirect_dma source(%arg11 : memref<125x16xf32, #tpu.memory_space<vmem>>) target(%dma_start3A_413 : memref<10240x16xf32, #tpu.memory_space<vmem_shared>>) offsets(%dma_start3A_410 : memref<125xi32, #tpu.memory_space<vmem>>) semaphore(%dma_start3A_415 : memref<!tpu.dma_semaphore, #tpu.memory_space<semaphore_mem>>) {add = true}
      %mul3A_416 = arith.constant 4 : i32
      %mul3A_417 = arith.muli %scan3A_243, %mul3A_416 : i32
      %add3A_418 = arith.constant 2 : i32
      %add3A_419 = arith.addi %mul3A_417, %add3A_418 : i32
      %dma_wait3A_420 = arith.constant 2 : i32
      %dma_wait3A_421 = arith.constant 2 : i32
      %dma_wait3A_422 = arith.constant 0 : i32
      %dma_wait3A_423 = arith.constant 0 : i32
      %dma_wait3A_424 = tpu.memref_slice %arg10[%dma_wait3A_420, %dma_wait3A_422, %dma_wait3A_423] : memref<4x125x64xf32, #tpu.memory_space<vmem>> -> memref<1x125x64xf32, #tpu.memory_space<vmem>>
      %dma_wait3A_425 = tpu.memref_squeeze %dma_wait3A_424 : memref<1x125x64xf32, #tpu.memory_space<vmem>> -> memref<125x64xf32, #tpu.memory_space<vmem>>
      %dma_wait3A_426 = arith.constant 0 : i32
      %dma_wait3A_427 = tpu.memref_slice %arg8[%add3A_291, %dma_wait3A_426] : memref<80x125xi32, #tpu.memory_space<vmem>> -> memref<1x125xi32, #tpu.memory_space<vmem>>
      %dma_wait3A_428 = tpu.memref_squeeze %dma_wait3A_427 : memref<1x125xi32, #tpu.memory_space<vmem>> -> memref<125xi32, #tpu.memory_space<vmem>>
      %dma_wait3A_429 = arith.constant 0 : i32
      %dma_wait3A_430 = arith.constant 0 : i32
      %dma_wait3A_431 = tpu.memref_slice %arg2[%dma_wait3A_429, %dma_wait3A_430] : memref<20000x64xf32, #tpu.memory_space<hbm>> -> memref<20000x64xf32, #tpu.memory_space<hbm>>
      %dma_wait3A_432 = tpu.memref_slice %arg16[%dma_wait3A_421] : memref<4x!tpu.dma_semaphore, #tpu.memory_space<semaphore_mem>> -> memref<1x!tpu.dma_semaphore, #tpu.memory_space<semaphore_mem>>
      %dma_wait3A_433 = tpu.memref_squeeze %dma_wait3A_432 : memref<1x!tpu.dma_semaphore, #tpu.memory_space<semaphore_mem>> -> memref<!tpu.dma_semaphore, #tpu.memory_space<semaphore_mem>>
      tpu.wait_indirect_dma semaphore(%dma_wait3A_433 : memref<!tpu.dma_semaphore, #tpu.memory_space<semaphore_mem>>) src(%dma_wait3A_431 : memref<20000x64xf32, #tpu.memory_space<hbm>>) dst(%dma_wait3A_425 : memref<125x64xf32, #tpu.memory_space<vmem>>)
      %dma_start3A_434 = arith.constant 2 : i32
      %dma_start3A_435 = arith.constant 2 : i32
      %dma_start3A_436 = arith.constant 0 : i32
      %dma_start3A_437 = arith.constant 0 : i32
      %dma_start3A_438 = tpu.memref_slice %arg10[%dma_start3A_434, %dma_start3A_436, %dma_start3A_437] : memref<4x125x64xf32, #tpu.memory_space<vmem>> -> memref<1x125x64xf32, #tpu.memory_space<vmem>>
      %dma_start3A_439 = tpu.memref_squeeze %dma_start3A_438 : memref<1x125x64xf32, #tpu.memory_space<vmem>> -> memref<125x64xf32, #tpu.memory_space<vmem>>
      %dma_start3A_440 = arith.constant 0 : i32
      %dma_start3A_441 = tpu.memref_slice %arg9[%add3A_419, %dma_start3A_440] : memref<80x125xi32, #tpu.memory_space<vmem>> -> memref<1x125xi32, #tpu.memory_space<vmem>>
      %dma_start3A_442 = tpu.memref_squeeze %dma_start3A_441 : memref<1x125xi32, #tpu.memory_space<vmem>> -> memref<125xi32, #tpu.memory_space<vmem>>
      %dma_start3A_443 = arith.constant 0 : i32
      %dma_start3A_444 = arith.constant 0 : i32
      %dma_start3A_445 = tpu.memref_slice %arg14[%dma_start3A_443, %dma_start3A_444] : memref<10240x64xf32, #tpu.memory_space<vmem_shared>> -> memref<10240x64xf32, #tpu.memory_space<vmem_shared>>
      %dma_start3A_446 = tpu.memref_slice %arg17[%dma_start3A_435] : memref<4x!tpu.dma_semaphore, #tpu.memory_space<semaphore_mem>> -> memref<1x!tpu.dma_semaphore, #tpu.memory_space<semaphore_mem>>
      %dma_start3A_447 = tpu.memref_squeeze %dma_start3A_446 : memref<1x!tpu.dma_semaphore, #tpu.memory_space<semaphore_mem>> -> memref<!tpu.dma_semaphore, #tpu.memory_space<semaphore_mem>>
      tpu.enqueue_indirect_dma source(%dma_start3A_439 : memref<125x64xf32, #tpu.memory_space<vmem>>) target(%dma_start3A_445 : memref<10240x64xf32, #tpu.memory_space<vmem_shared>>) offsets(%dma_start3A_442 : memref<125xi32, #tpu.memory_space<vmem>>) semaphore(%dma_start3A_447 : memref<!tpu.dma_semaphore, #tpu.memory_space<semaphore_mem>>) {add = true}
      %dma_start3A_448 = arith.constant 2 : i32
      %dma_start3A_449 = arith.constant 0 : i32
      %dma_start3A_450 = tpu.memref_slice %arg9[%add3A_419, %dma_start3A_449] : memref<80x125xi32, #tpu.memory_space<vmem>> -> memref<1x125xi32, #tpu.memory_space<vmem>>
      %dma_start3A_451 = tpu.memref_squeeze %dma_start3A_450 : memref<1x125xi32, #tpu.memory_space<vmem>> -> memref<125xi32, #tpu.memory_space<vmem>>
      %dma_start3A_452 = arith.constant 0 : i32
      %dma_start3A_453 = arith.constant 0 : i32
      %dma_start3A_454 = tpu.memref_slice %arg15[%dma_start3A_452, %dma_start3A_453] : memref<10240x16xf32, #tpu.memory_space<vmem_shared>> -> memref<10240x16xf32, #tpu.memory_space<vmem_shared>>
      %dma_start3A_455 = tpu.memref_slice %arg18[%dma_start3A_448] : memref<4x!tpu.dma_semaphore, #tpu.memory_space<semaphore_mem>> -> memref<1x!tpu.dma_semaphore, #tpu.memory_space<semaphore_mem>>
      %dma_start3A_456 = tpu.memref_squeeze %dma_start3A_455 : memref<1x!tpu.dma_semaphore, #tpu.memory_space<semaphore_mem>> -> memref<!tpu.dma_semaphore, #tpu.memory_space<semaphore_mem>>
      tpu.enqueue_indirect_dma source(%arg11 : memref<125x16xf32, #tpu.memory_space<vmem>>) target(%dma_start3A_454 : memref<10240x16xf32, #tpu.memory_space<vmem_shared>>) offsets(%dma_start3A_451 : memref<125xi32, #tpu.memory_space<vmem>>) semaphore(%dma_start3A_456 : memref<!tpu.dma_semaphore, #tpu.memory_space<semaphore_mem>>) {add = true}
      %mul3A_457 = arith.constant 4 : i32
      %mul3A_458 = arith.muli %scan3A_243, %mul3A_457 : i32
      %add3A_459 = arith.constant 3 : i32
      %add3A_460 = arith.addi %mul3A_458, %add3A_459 : i32
      %dma_wait3A_461 = arith.constant 3 : i32
      %dma_wait3A_462 = arith.constant 3 : i32
      %dma_wait3A_463 = arith.constant 0 : i32
      %dma_wait3A_464 = arith.constant 0 : i32
      %dma_wait3A_465 = tpu.memref_slice %arg10[%dma_wait3A_461, %dma_wait3A_463, %dma_wait3A_464] : memref<4x125x64xf32, #tpu.memory_space<vmem>> -> memref<1x125x64xf32, #tpu.memory_space<vmem>>
      %dma_wait3A_466 = tpu.memref_squeeze %dma_wait3A_465 : memref<1x125x64xf32, #tpu.memory_space<vmem>> -> memref<125x64xf32, #tpu.memory_space<vmem>>
      %dma_wait3A_467 = arith.constant 0 : i32
      %dma_wait3A_468 = tpu.memref_slice %arg8[%add3A_314, %dma_wait3A_467] : memref<80x125xi32, #tpu.memory_space<vmem>> -> memref<1x125xi32, #tpu.memory_space<vmem>>
      %dma_wait3A_469 = tpu.memref_squeeze %dma_wait3A_468 : memref<1x125xi32, #tpu.memory_space<vmem>> -> memref<125xi32, #tpu.memory_space<vmem>>
      %dma_wait3A_470 = arith.constant 0 : i32
      %dma_wait3A_471 = arith.constant 0 : i32
      %dma_wait3A_472 = tpu.memref_slice %arg2[%dma_wait3A_470, %dma_wait3A_471] : memref<20000x64xf32, #tpu.memory_space<hbm>> -> memref<20000x64xf32, #tpu.memory_space<hbm>>
      %dma_wait3A_473 = tpu.memref_slice %arg16[%dma_wait3A_462] : memref<4x!tpu.dma_semaphore, #tpu.memory_space<semaphore_mem>> -> memref<1x!tpu.dma_semaphore, #tpu.memory_space<semaphore_mem>>
      %dma_wait3A_474 = tpu.memref_squeeze %dma_wait3A_473 : memref<1x!tpu.dma_semaphore, #tpu.memory_space<semaphore_mem>> -> memref<!tpu.dma_semaphore, #tpu.memory_space<semaphore_mem>>
      tpu.wait_indirect_dma semaphore(%dma_wait3A_474 : memref<!tpu.dma_semaphore, #tpu.memory_space<semaphore_mem>>) src(%dma_wait3A_472 : memref<20000x64xf32, #tpu.memory_space<hbm>>) dst(%dma_wait3A_466 : memref<125x64xf32, #tpu.memory_space<vmem>>)
      %dma_start3A_475 = arith.constant 3 : i32
      %dma_start3A_476 = arith.constant 3 : i32
      %dma_start3A_477 = arith.constant 0 : i32
      %dma_start3A_478 = arith.constant 0 : i32
      %dma_start3A_479 = tpu.memref_slice %arg10[%dma_start3A_475, %dma_start3A_477, %dma_start3A_478] : memref<4x125x64xf32, #tpu.memory_space<vmem>> -> memref<1x125x64xf32, #tpu.memory_space<vmem>>
      %dma_start3A_480 = tpu.memref_squeeze %dma_start3A_479 : memref<1x125x64xf32, #tpu.memory_space<vmem>> -> memref<125x64xf32, #tpu.memory_space<vmem>>
      %dma_start3A_481 = arith.constant 0 : i32
      %dma_start3A_482 = tpu.memref_slice %arg9[%add3A_460, %dma_start3A_481] : memref<80x125xi32, #tpu.memory_space<vmem>> -> memref<1x125xi32, #tpu.memory_space<vmem>>
      %dma_start3A_483 = tpu.memref_squeeze %dma_start3A_482 : memref<1x125xi32, #tpu.memory_space<vmem>> -> memref<125xi32, #tpu.memory_space<vmem>>
      %dma_start3A_484 = arith.constant 0 : i32
      %dma_start3A_485 = arith.constant 0 : i32
      %dma_start3A_486 = tpu.memref_slice %arg14[%dma_start3A_484, %dma_start3A_485] : memref<10240x64xf32, #tpu.memory_space<vmem_shared>> -> memref<10240x64xf32, #tpu.memory_space<vmem_shared>>
      %dma_start3A_487 = tpu.memref_slice %arg17[%dma_start3A_476] : memref<4x!tpu.dma_semaphore, #tpu.memory_space<semaphore_mem>> -> memref<1x!tpu.dma_semaphore, #tpu.memory_space<semaphore_mem>>
      %dma_start3A_488 = tpu.memref_squeeze %dma_start3A_487 : memref<1x!tpu.dma_semaphore, #tpu.memory_space<semaphore_mem>> -> memref<!tpu.dma_semaphore, #tpu.memory_space<semaphore_mem>>
      tpu.enqueue_indirect_dma source(%dma_start3A_480 : memref<125x64xf32, #tpu.memory_space<vmem>>) target(%dma_start3A_486 : memref<10240x64xf32, #tpu.memory_space<vmem_shared>>) offsets(%dma_start3A_483 : memref<125xi32, #tpu.memory_space<vmem>>) semaphore(%dma_start3A_488 : memref<!tpu.dma_semaphore, #tpu.memory_space<semaphore_mem>>) {add = true}
      %dma_start3A_489 = arith.constant 3 : i32
      %dma_start3A_490 = arith.constant 0 : i32
      %dma_start3A_491 = tpu.memref_slice %arg9[%add3A_460, %dma_start3A_490] : memref<80x125xi32, #tpu.memory_space<vmem>> -> memref<1x125xi32, #tpu.memory_space<vmem>>
      %dma_start3A_492 = tpu.memref_squeeze %dma_start3A_491 : memref<1x125xi32, #tpu.memory_space<vmem>> -> memref<125xi32, #tpu.memory_space<vmem>>
      %dma_start3A_493 = arith.constant 0 : i32
      %dma_start3A_494 = arith.constant 0 : i32
      %dma_start3A_495 = tpu.memref_slice %arg15[%dma_start3A_493, %dma_start3A_494] : memref<10240x16xf32, #tpu.memory_space<vmem_shared>> -> memref<10240x16xf32, #tpu.memory_space<vmem_shared>>
      %dma_start3A_496 = tpu.memref_slice %arg18[%dma_start3A_489] : memref<4x!tpu.dma_semaphore, #tpu.memory_space<semaphore_mem>> -> memref<1x!tpu.dma_semaphore, #tpu.memory_space<semaphore_mem>>
      %dma_start3A_497 = tpu.memref_squeeze %dma_start3A_496 : memref<1x!tpu.dma_semaphore, #tpu.memory_space<semaphore_mem>> -> memref<!tpu.dma_semaphore, #tpu.memory_space<semaphore_mem>>
      tpu.enqueue_indirect_dma source(%arg11 : memref<125x16xf32, #tpu.memory_space<vmem>>) target(%dma_start3A_495 : memref<10240x16xf32, #tpu.memory_space<vmem_shared>>) offsets(%dma_start3A_492 : memref<125xi32, #tpu.memory_space<vmem>>) semaphore(%dma_start3A_497 : memref<!tpu.dma_semaphore, #tpu.memory_space<semaphore_mem>>) {add = true}
    }
    %scan3A_35 = arith.constant 20 : i32
    %dma_wait3A = arith.constant 0 : i32
    %dma_wait3A_36 = arith.constant 0 : i32
    %dma_wait3A_37 = arith.constant 0 : i32
    %dma_wait3A_38 = arith.constant 0 : i32
    %dma_wait3A_39 = tpu.memref_slice %arg10[%dma_wait3A, %dma_wait3A_37, %dma_wait3A_38] : memref<4x125x64xf32, #tpu.memory_space<vmem>> -> memref<1x125x64xf32, #tpu.memory_space<vmem>>
    %dma_wait3A_40 = tpu.memref_squeeze %dma_wait3A_39 : memref<1x125x64xf32, #tpu.memory_space<vmem>> -> memref<125x64xf32, #tpu.memory_space<vmem>>
    %dma_wait3A_41 = arith.constant 0 : i32
    %dma_wait3A_42 = arith.constant 0 : i32
    %dma_wait3A_43 = tpu.memref_slice %arg2[%dma_wait3A_41, %dma_wait3A_42] : memref<20000x64xf32, #tpu.memory_space<hbm>> -> memref<125x64xf32, #tpu.memory_space<hbm>>
    %dma_wait3A_44 = tpu.memref_slice %arg17[%dma_wait3A_36] : memref<4x!tpu.dma_semaphore, #tpu.memory_space<semaphore_mem>> -> memref<1x!tpu.dma_semaphore, #tpu.memory_space<semaphore_mem>>
    %dma_wait3A_45 = tpu.memref_squeeze %dma_wait3A_44 : memref<1x!tpu.dma_semaphore, #tpu.memory_space<semaphore_mem>> -> memref<!tpu.dma_semaphore, #tpu.memory_space<semaphore_mem>>
    %dma_wait3A_46 = arith.constant 0 : i32
    %dma_wait3A_47 = arith.constant 0 : i32
    %dma_wait3A_48 = tpu.memref_slice %arg10[%dma_wait3A, %dma_wait3A_46, %dma_wait3A_47] : memref<4x125x64xf32, #tpu.memory_space<vmem>> -> memref<1x125x64xf32, #tpu.memory_space<vmem>>
    %dma_wait3A_49 = tpu.memref_squeeze %dma_wait3A_48 : memref<1x125x64xf32, #tpu.memory_space<vmem>> -> memref<125x64xf32, #tpu.memory_space<vmem>>
    %dma_wait3A_50 = arith.constant 0 : i32
    %dma_wait3A_51 = arith.constant 0 : i32
    %dma_wait3A_52 = tpu.memref_slice %arg2[%dma_wait3A_50, %dma_wait3A_51] : memref<20000x64xf32, #tpu.memory_space<hbm>> -> memref<125x64xf32, #tpu.memory_space<hbm>>
    tpu.wait_dma2 semaphore(%dma_wait3A_45 : memref<!tpu.dma_semaphore, #tpu.memory_space<semaphore_mem>>) src(%dma_wait3A_52 : memref<125x64xf32, #tpu.memory_space<hbm>>) dst(%dma_wait3A_49 : memref<125x64xf32, #tpu.memory_space<vmem>>)
    %dma_wait3A_53 = arith.constant 0 : i32
    %dma_wait3A_54 = arith.constant 0 : i32
    %dma_wait3A_55 = arith.constant 0 : i32
    %dma_wait3A_56 = tpu.memref_slice %arg7[%dma_wait3A_54, %dma_wait3A_55] : memref<10240x16xf32, #tpu.memory_space<hbm>> -> memref<125x16xf32, #tpu.memory_space<hbm>>
    %dma_wait3A_57 = tpu.memref_slice %arg18[%dma_wait3A_53] : memref<4x!tpu.dma_semaphore, #tpu.memory_space<semaphore_mem>> -> memref<1x!tpu.dma_semaphore, #tpu.memory_space<semaphore_mem>>
    %dma_wait3A_58 = tpu.memref_squeeze %dma_wait3A_57 : memref<1x!tpu.dma_semaphore, #tpu.memory_space<semaphore_mem>> -> memref<!tpu.dma_semaphore, #tpu.memory_space<semaphore_mem>>
    %dma_wait3A_59 = arith.constant 0 : i32
    %dma_wait3A_60 = arith.constant 0 : i32
    %dma_wait3A_61 = tpu.memref_slice %arg7[%dma_wait3A_59, %dma_wait3A_60] : memref<10240x16xf32, #tpu.memory_space<hbm>> -> memref<125x16xf32, #tpu.memory_space<hbm>>
    tpu.wait_dma2 semaphore(%dma_wait3A_58 : memref<!tpu.dma_semaphore, #tpu.memory_space<semaphore_mem>>) src(%dma_wait3A_61 : memref<125x16xf32, #tpu.memory_space<hbm>>) dst(%arg11 : memref<125x16xf32, #tpu.memory_space<vmem>>)
    %dma_wait3A_62 = arith.constant 1 : i32
    %dma_wait3A_63 = arith.constant 1 : i32
    %dma_wait3A_64 = arith.constant 0 : i32
    %dma_wait3A_65 = arith.constant 0 : i32
    %dma_wait3A_66 = tpu.memref_slice %arg10[%dma_wait3A_62, %dma_wait3A_64, %dma_wait3A_65] : memref<4x125x64xf32, #tpu.memory_space<vmem>> -> memref<1x125x64xf32, #tpu.memory_space<vmem>>
    %dma_wait3A_67 = tpu.memref_squeeze %dma_wait3A_66 : memref<1x125x64xf32, #tpu.memory_space<vmem>> -> memref<125x64xf32, #tpu.memory_space<vmem>>
    %dma_wait3A_68 = arith.constant 0 : i32
    %dma_wait3A_69 = arith.constant 0 : i32
    %dma_wait3A_70 = tpu.memref_slice %arg2[%dma_wait3A_68, %dma_wait3A_69] : memref<20000x64xf32, #tpu.memory_space<hbm>> -> memref<125x64xf32, #tpu.memory_space<hbm>>
    %dma_wait3A_71 = tpu.memref_slice %arg17[%dma_wait3A_63] : memref<4x!tpu.dma_semaphore, #tpu.memory_space<semaphore_mem>> -> memref<1x!tpu.dma_semaphore, #tpu.memory_space<semaphore_mem>>
    %dma_wait3A_72 = tpu.memref_squeeze %dma_wait3A_71 : memref<1x!tpu.dma_semaphore, #tpu.memory_space<semaphore_mem>> -> memref<!tpu.dma_semaphore, #tpu.memory_space<semaphore_mem>>
    %dma_wait3A_73 = arith.constant 0 : i32
    %dma_wait3A_74 = arith.constant 0 : i32
    %dma_wait3A_75 = tpu.memref_slice %arg10[%dma_wait3A_62, %dma_wait3A_73, %dma_wait3A_74] : memref<4x125x64xf32, #tpu.memory_space<vmem>> -> memref<1x125x64xf32, #tpu.memory_space<vmem>>
    %dma_wait3A_76 = tpu.memref_squeeze %dma_wait3A_75 : memref<1x125x64xf32, #tpu.memory_space<vmem>> -> memref<125x64xf32, #tpu.memory_space<vmem>>
    %dma_wait3A_77 = arith.constant 0 : i32
    %dma_wait3A_78 = arith.constant 0 : i32
    %dma_wait3A_79 = tpu.memref_slice %arg2[%dma_wait3A_77, %dma_wait3A_78] : memref<20000x64xf32, #tpu.memory_space<hbm>> -> memref<125x64xf32, #tpu.memory_space<hbm>>
    tpu.wait_dma2 semaphore(%dma_wait3A_72 : memref<!tpu.dma_semaphore, #tpu.memory_space<semaphore_mem>>) src(%dma_wait3A_79 : memref<125x64xf32, #tpu.memory_space<hbm>>) dst(%dma_wait3A_76 : memref<125x64xf32, #tpu.memory_space<vmem>>)
    %dma_wait3A_80 = arith.constant 1 : i32
    %dma_wait3A_81 = arith.constant 0 : i32
    %dma_wait3A_82 = arith.constant 0 : i32
    %dma_wait3A_83 = tpu.memref_slice %arg7[%dma_wait3A_81, %dma_wait3A_82] : memref<10240x16xf32, #tpu.memory_space<hbm>> -> memref<125x16xf32, #tpu.memory_space<hbm>>
    %dma_wait3A_84 = tpu.memref_slice %arg18[%dma_wait3A_80] : memref<4x!tpu.dma_semaphore, #tpu.memory_space<semaphore_mem>> -> memref<1x!tpu.dma_semaphore, #tpu.memory_space<semaphore_mem>>
    %dma_wait3A_85 = tpu.memref_squeeze %dma_wait3A_84 : memref<1x!tpu.dma_semaphore, #tpu.memory_space<semaphore_mem>> -> memref<!tpu.dma_semaphore, #tpu.memory_space<semaphore_mem>>
    %dma_wait3A_86 = arith.constant 0 : i32
    %dma_wait3A_87 = arith.constant 0 : i32
    %dma_wait3A_88 = tpu.memref_slice %arg7[%dma_wait3A_86, %dma_wait3A_87] : memref<10240x16xf32, #tpu.memory_space<hbm>> -> memref<125x16xf32, #tpu.memory_space<hbm>>
    tpu.wait_dma2 semaphore(%dma_wait3A_85 : memref<!tpu.dma_semaphore, #tpu.memory_space<semaphore_mem>>) src(%dma_wait3A_88 : memref<125x16xf32, #tpu.memory_space<hbm>>) dst(%arg11 : memref<125x16xf32, #tpu.memory_space<vmem>>)
    %dma_wait3A_89 = arith.constant 2 : i32
    %dma_wait3A_90 = arith.constant 2 : i32
    %dma_wait3A_91 = arith.constant 0 : i32
    %dma_wait3A_92 = arith.constant 0 : i32
    %dma_wait3A_93 = tpu.memref_slice %arg10[%dma_wait3A_89, %dma_wait3A_91, %dma_wait3A_92] : memref<4x125x64xf32, #tpu.memory_space<vmem>> -> memref<1x125x64xf32, #tpu.memory_space<vmem>>
    %dma_wait3A_94 = tpu.memref_squeeze %dma_wait3A_93 : memref<1x125x64xf32, #tpu.memory_space<vmem>> -> memref<125x64xf32, #tpu.memory_space<vmem>>
    %dma_wait3A_95 = arith.constant 0 : i32
    %dma_wait3A_96 = arith.constant 0 : i32
    %dma_wait3A_97 = tpu.memref_slice %arg2[%dma_wait3A_95, %dma_wait3A_96] : memref<20000x64xf32, #tpu.memory_space<hbm>> -> memref<125x64xf32, #tpu.memory_space<hbm>>
    %dma_wait3A_98 = tpu.memref_slice %arg17[%dma_wait3A_90] : memref<4x!tpu.dma_semaphore, #tpu.memory_space<semaphore_mem>> -> memref<1x!tpu.dma_semaphore, #tpu.memory_space<semaphore_mem>>
    %dma_wait3A_99 = tpu.memref_squeeze %dma_wait3A_98 : memref<1x!tpu.dma_semaphore, #tpu.memory_space<semaphore_mem>> -> memref<!tpu.dma_semaphore, #tpu.memory_space<semaphore_mem>>
    %dma_wait3A_100 = arith.constant 0 : i32
    %dma_wait3A_101 = arith.constant 0 : i32
    %dma_wait3A_102 = tpu.memref_slice %arg10[%dma_wait3A_89, %dma_wait3A_100, %dma_wait3A_101] : memref<4x125x64xf32, #tpu.memory_space<vmem>> -> memref<1x125x64xf32, #tpu.memory_space<vmem>>
    %dma_wait3A_103 = tpu.memref_squeeze %dma_wait3A_102 : memref<1x125x64xf32, #tpu.memory_space<vmem>> -> memref<125x64xf32, #tpu.memory_space<vmem>>
    %dma_wait3A_104 = arith.constant 0 : i32
    %dma_wait3A_105 = arith.constant 0 : i32
    %dma_wait3A_106 = tpu.memref_slice %arg2[%dma_wait3A_104, %dma_wait3A_105] : memref<20000x64xf32, #tpu.memory_space<hbm>> -> memref<125x64xf32, #tpu.memory_space<hbm>>
    tpu.wait_dma2 semaphore(%dma_wait3A_99 : memref<!tpu.dma_semaphore, #tpu.memory_space<semaphore_mem>>) src(%dma_wait3A_106 : memref<125x64xf32, #tpu.memory_space<hbm>>) dst(%dma_wait3A_103 : memref<125x64xf32, #tpu.memory_space<vmem>>)
    %dma_wait3A_107 = arith.constant 2 : i32
    %dma_wait3A_108 = arith.constant 0 : i32
    %dma_wait3A_109 = arith.constant 0 : i32
    %dma_wait3A_110 = tpu.memref_slice %arg7[%dma_wait3A_108, %dma_wait3A_109] : memref<10240x16xf32, #tpu.memory_space<hbm>> -> memref<125x16xf32, #tpu.memory_space<hbm>>
    %dma_wait3A_111 = tpu.memref_slice %arg18[%dma_wait3A_107] : memref<4x!tpu.dma_semaphore, #tpu.memory_space<semaphore_mem>> -> memref<1x!tpu.dma_semaphore, #tpu.memory_space<semaphore_mem>>
    %dma_wait3A_112 = tpu.memref_squeeze %dma_wait3A_111 : memref<1x!tpu.dma_semaphore, #tpu.memory_space<semaphore_mem>> -> memref<!tpu.dma_semaphore, #tpu.memory_space<semaphore_mem>>
    %dma_wait3A_113 = arith.constant 0 : i32
    %dma_wait3A_114 = arith.constant 0 : i32
    %dma_wait3A_115 = tpu.memref_slice %arg7[%dma_wait3A_113, %dma_wait3A_114] : memref<10240x16xf32, #tpu.memory_space<hbm>> -> memref<125x16xf32, #tpu.memory_space<hbm>>
    tpu.wait_dma2 semaphore(%dma_wait3A_112 : memref<!tpu.dma_semaphore, #tpu.memory_space<semaphore_mem>>) src(%dma_wait3A_115 : memref<125x16xf32, #tpu.memory_space<hbm>>) dst(%arg11 : memref<125x16xf32, #tpu.memory_space<vmem>>)
    %dma_wait3A_116 = arith.constant 3 : i32
    %dma_wait3A_117 = arith.constant 3 : i32
    %dma_wait3A_118 = arith.constant 0 : i32
    %dma_wait3A_119 = arith.constant 0 : i32
    %dma_wait3A_120 = tpu.memref_slice %arg10[%dma_wait3A_116, %dma_wait3A_118, %dma_wait3A_119] : memref<4x125x64xf32, #tpu.memory_space<vmem>> -> memref<1x125x64xf32, #tpu.memory_space<vmem>>
    %dma_wait3A_121 = tpu.memref_squeeze %dma_wait3A_120 : memref<1x125x64xf32, #tpu.memory_space<vmem>> -> memref<125x64xf32, #tpu.memory_space<vmem>>
    %dma_wait3A_122 = arith.constant 0 : i32
    %dma_wait3A_123 = arith.constant 0 : i32
    %dma_wait3A_124 = tpu.memref_slice %arg2[%dma_wait3A_122, %dma_wait3A_123] : memref<20000x64xf32, #tpu.memory_space<hbm>> -> memref<125x64xf32, #tpu.memory_space<hbm>>
    %dma_wait3A_125 = tpu.memref_slice %arg17[%dma_wait3A_117] : memref<4x!tpu.dma_semaphore, #tpu.memory_space<semaphore_mem>> -> memref<1x!tpu.dma_semaphore, #tpu.memory_space<semaphore_mem>>
    %dma_wait3A_126 = tpu.memref_squeeze %dma_wait3A_125 : memref<1x!tpu.dma_semaphore, #tpu.memory_space<semaphore_mem>> -> memref<!tpu.dma_semaphore, #tpu.memory_space<semaphore_mem>>
    %dma_wait3A_127 = arith.constant 0 : i32
    %dma_wait3A_128 = arith.constant 0 : i32
    %dma_wait3A_129 = tpu.memref_slice %arg10[%dma_wait3A_116, %dma_wait3A_127, %dma_wait3A_128] : memref<4x125x64xf32, #tpu.memory_space<vmem>> -> memref<1x125x64xf32, #tpu.memory_space<vmem>>
    %dma_wait3A_130 = tpu.memref_squeeze %dma_wait3A_129 : memref<1x125x64xf32, #tpu.memory_space<vmem>> -> memref<125x64xf32, #tpu.memory_space<vmem>>
    %dma_wait3A_131 = arith.constant 0 : i32
    %dma_wait3A_132 = arith.constant 0 : i32
    %dma_wait3A_133 = tpu.memref_slice %arg2[%dma_wait3A_131, %dma_wait3A_132] : memref<20000x64xf32, #tpu.memory_space<hbm>> -> memref<125x64xf32, #tpu.memory_space<hbm>>
    tpu.wait_dma2 semaphore(%dma_wait3A_126 : memref<!tpu.dma_semaphore, #tpu.memory_space<semaphore_mem>>) src(%dma_wait3A_133 : memref<125x64xf32, #tpu.memory_space<hbm>>) dst(%dma_wait3A_130 : memref<125x64xf32, #tpu.memory_space<vmem>>)
    %dma_wait3A_134 = arith.constant 3 : i32
    %dma_wait3A_135 = arith.constant 0 : i32
    %dma_wait3A_136 = arith.constant 0 : i32
    %dma_wait3A_137 = tpu.memref_slice %arg7[%dma_wait3A_135, %dma_wait3A_136] : memref<10240x16xf32, #tpu.memory_space<hbm>> -> memref<125x16xf32, #tpu.memory_space<hbm>>
    %dma_wait3A_138 = tpu.memref_slice %arg18[%dma_wait3A_134] : memref<4x!tpu.dma_semaphore, #tpu.memory_space<semaphore_mem>> -> memref<1x!tpu.dma_semaphore, #tpu.memory_space<semaphore_mem>>
    %dma_wait3A_139 = tpu.memref_squeeze %dma_wait3A_138 : memref<1x!tpu.dma_semaphore, #tpu.memory_space<semaphore_mem>> -> memref<!tpu.dma_semaphore, #tpu.memory_space<semaphore_mem>>
    %dma_wait3A_140 = arith.constant 0 : i32
    %dma_wait3A_141 = arith.constant 0 : i32
    %dma_wait3A_142 = tpu.memref_slice %arg7[%dma_wait3A_140, %dma_wait3A_141] : memref<10240x16xf32, #tpu.memory_space<hbm>> -> memref<125x16xf32, #tpu.memory_space<hbm>>
    tpu.wait_dma2 semaphore(%dma_wait3A_139 : memref<!tpu.dma_semaphore, #tpu.memory_space<semaphore_mem>>) src(%dma_wait3A_142 : memref<125x16xf32, #tpu.memory_space<hbm>>) dst(%arg11 : memref<125x16xf32, #tpu.memory_space<vmem>>)
    %barrier3A_143 = arith.constant 0 : index
    tpu.barrier barrier_id(%barrier3A_143)
    %mul3A_144 = arith.constant 2 : i32
    %mul3A_145 = arith.muli %mul3A_144, %arg0 : i32
    %add3A_146 = arith.constant 0 : i32
    %add3A_147 = arith.addi %mul3A_145, %add3A_146 : i32
    "tpu.region"() ({
      %run_scoped3A = tpu.sem_alloc : memref<!tpu.dma_semaphore, #tpu.memory_space<semaphore_mem>>
      %dma_start3A = arith.constant 0 : i32
      %dma_start3A_243 = tpu.memref_slice %arg6[%add3A_147, %mul3A_2, %dma_start3A] : memref<4x10240x64xf32, #tpu.memory_space<hbm>> -> memref<1x640x64xf32, #tpu.memory_space<hbm>>
      %dma_start3A_244 = tpu.memref_squeeze %dma_start3A_243 : memref<1x640x64xf32, #tpu.memory_space<hbm>> -> memref<640x64xf32, #tpu.memory_space<hbm>>
      %dma_start3A_245 = arith.constant 0 : i32
      %dma_start3A_246 = tpu.memref_slice %arg14[%mul3A_2, %dma_start3A_245] : memref<10240x64xf32, #tpu.memory_space<vmem_shared>> -> memref<640x64xf32, #tpu.memory_space<vmem_shared>>
      tpu.enqueue_dma source(%dma_start3A_246 : memref<640x64xf32, #tpu.memory_space<vmem_shared>>) target(%dma_start3A_244 : memref<640x64xf32, #tpu.memory_space<hbm>>) target_semaphore(%run_scoped3A : memref<!tpu.dma_semaphore, #tpu.memory_space<semaphore_mem>>)
      %dma_wait3A_247 = arith.constant 0 : i32
      %dma_wait3A_248 = tpu.memref_slice %arg6[%add3A_147, %mul3A_2, %dma_wait3A_247] : memref<4x10240x64xf32, #tpu.memory_space<hbm>> -> memref<1x640x64xf32, #tpu.memory_space<hbm>>
      %dma_wait3A_249 = tpu.memref_squeeze %dma_wait3A_248 : memref<1x640x64xf32, #tpu.memory_space<hbm>> -> memref<640x64xf32, #tpu.memory_space<hbm>>
      %dma_wait3A_250 = arith.constant 0 : i32
      %dma_wait3A_251 = tpu.memref_slice %arg14[%mul3A_2, %dma_wait3A_250] : memref<10240x64xf32, #tpu.memory_space<vmem_shared>> -> memref<640x64xf32, #tpu.memory_space<vmem_shared>>
      tpu.wait_dma2 semaphore(%run_scoped3A : memref<!tpu.dma_semaphore, #tpu.memory_space<semaphore_mem>>) src(%dma_wait3A_251 : memref<640x64xf32, #tpu.memory_space<vmem_shared>>) dst(%dma_wait3A_249 : memref<640x64xf32, #tpu.memory_space<hbm>>)
      tpu.yield
    }) : () -> ()
    %eq3A = arith.constant 0 : i32
    %eq3A_148 = arith.cmpi eq, %arg0, %eq3A : i32
    %convert_element_type3A = arith.extui %eq3A_148 : i1 to i32
    %cond3A = arith.constant 0 : i32
    %cond3A_149 = arith.cmpi ne, %convert_element_type3A, %cond3A : i32
    scf.if %cond3A_149 {
      "tpu.region"() ({
        %run_scoped3A = tpu.sem_alloc : memref<!tpu.dma_semaphore, #tpu.memory_space<semaphore_mem>>
        %dma_start3A = arith.constant 0 : i32
        %dma_start3A_243 = tpu.memref_slice %arg7[%mul3A_2, %dma_start3A] : memref<10240x16xf32, #tpu.memory_space<hbm>> -> memref<640x16xf32, #tpu.memory_space<hbm>>
        %dma_start3A_244 = arith.constant 0 : i32
        %dma_start3A_245 = tpu.memref_slice %arg15[%mul3A_2, %dma_start3A_244] : memref<10240x16xf32, #tpu.memory_space<vmem_shared>> -> memref<640x16xf32, #tpu.memory_space<vmem_shared>>
        tpu.enqueue_dma source(%dma_start3A_245 : memref<640x16xf32, #tpu.memory_space<vmem_shared>>) target(%dma_start3A_243 : memref<640x16xf32, #tpu.memory_space<hbm>>) target_semaphore(%run_scoped3A : memref<!tpu.dma_semaphore, #tpu.memory_space<semaphore_mem>>)
        %dma_wait3A_246 = arith.constant 0 : i32
        %dma_wait3A_247 = tpu.memref_slice %arg7[%mul3A_2, %dma_wait3A_246] : memref<10240x16xf32, #tpu.memory_space<hbm>> -> memref<640x16xf32, #tpu.memory_space<hbm>>
        %dma_wait3A_248 = arith.constant 0 : i32
        %dma_wait3A_249 = tpu.memref_slice %arg15[%mul3A_2, %dma_wait3A_248] : memref<10240x16xf32, #tpu.memory_space<vmem_shared>> -> memref<640x16xf32, #tpu.memory_space<vmem_shared>>
        tpu.wait_dma2 semaphore(%run_scoped3A : memref<!tpu.dma_semaphore, #tpu.memory_space<semaphore_mem>>) src(%dma_wait3A_249 : memref<640x16xf32, #tpu.memory_space<vmem_shared>>) dst(%dma_wait3A_247 : memref<640x16xf32, #tpu.memory_space<hbm>>)
        tpu.yield
      }) : () -> ()
    } else {
    }
    %add3A_150 = arith.constant 0 : i32
    %add3A_151 = arith.addi %mul3A_2, %add3A_150 : i32
    "tpu.region"() ({
      %run_scoped3A = tpu.sem_alloc : memref<!tpu.dma_semaphore, #tpu.memory_space<semaphore_mem>>
      %dma_start3A = arith.constant 0 : i32
      %dma_start3A_243 = tpu.memref_slice %arg14[%add3A_151, %dma_start3A] : memref<10240x64xf32, #tpu.memory_space<vmem_shared>> -> memref<128x64xf32, #tpu.memory_space<vmem_shared>>
      %dma_start3A_244 = arith.constant 0 : i32
      %dma_start3A_245 = tpu.memref_slice %arg14[%add3A_151, %dma_start3A_244] : memref<10240x64xf32, #tpu.memory_space<vmem_shared>> -> memref<128x64xf32, #tpu.memory_space<vmem_shared>>
      tpu.enqueue_dma source(%arg12 : memref<128x64xf32, #tpu.memory_space<vmem>>) target(%dma_start3A_245 : memref<128x64xf32, #tpu.memory_space<vmem_shared>>) target_semaphore(%run_scoped3A : memref<!tpu.dma_semaphore, #tpu.memory_space<semaphore_mem>>)
      %dma_wait3A_246 = arith.constant 0 : i32
      %dma_wait3A_247 = tpu.memref_slice %arg14[%add3A_151, %dma_wait3A_246] : memref<10240x64xf32, #tpu.memory_space<vmem_shared>> -> memref<128x64xf32, #tpu.memory_space<vmem_shared>>
      %dma_wait3A_248 = arith.constant 0 : i32
      %dma_wait3A_249 = tpu.memref_slice %arg14[%add3A_151, %dma_wait3A_248] : memref<10240x64xf32, #tpu.memory_space<vmem_shared>> -> memref<128x64xf32, #tpu.memory_space<vmem_shared>>
      tpu.wait_dma2 semaphore(%run_scoped3A : memref<!tpu.dma_semaphore, #tpu.memory_space<semaphore_mem>>) src(%arg12 : memref<128x64xf32, #tpu.memory_space<vmem>>) dst(%dma_wait3A_249 : memref<128x64xf32, #tpu.memory_space<vmem_shared>>)
      tpu.yield
    }) : () -> ()
    %add3A_152 = arith.constant 128 : i32
    %add3A_153 = arith.addi %mul3A_2, %add3A_152 : i32
    "tpu.region"() ({
      %run_scoped3A = tpu.sem_alloc : memref<!tpu.dma_semaphore, #tpu.memory_space<semaphore_mem>>
      %dma_start3A = arith.constant 0 : i32
      %dma_start3A_243 = tpu.memref_slice %arg14[%add3A_153, %dma_start3A] : memref<10240x64xf32, #tpu.memory_space<vmem_shared>> -> memref<128x64xf32, #tpu.memory_space<vmem_shared>>
      %dma_start3A_244 = arith.constant 0 : i32
      %dma_start3A_245 = tpu.memref_slice %arg14[%add3A_153, %dma_start3A_244] : memref<10240x64xf32, #tpu.memory_space<vmem_shared>> -> memref<128x64xf32, #tpu.memory_space<vmem_shared>>
      tpu.enqueue_dma source(%arg12 : memref<128x64xf32, #tpu.memory_space<vmem>>) target(%dma_start3A_245 : memref<128x64xf32, #tpu.memory_space<vmem_shared>>) target_semaphore(%run_scoped3A : memref<!tpu.dma_semaphore, #tpu.memory_space<semaphore_mem>>)
      %dma_wait3A_246 = arith.constant 0 : i32
      %dma_wait3A_247 = tpu.memref_slice %arg14[%add3A_153, %dma_wait3A_246] : memref<10240x64xf32, #tpu.memory_space<vmem_shared>> -> memref<128x64xf32, #tpu.memory_space<vmem_shared>>
      %dma_wait3A_248 = arith.constant 0 : i32
      %dma_wait3A_249 = tpu.memref_slice %arg14[%add3A_153, %dma_wait3A_248] : memref<10240x64xf32, #tpu.memory_space<vmem_shared>> -> memref<128x64xf32, #tpu.memory_space<vmem_shared>>
      tpu.wait_dma2 semaphore(%run_scoped3A : memref<!tpu.dma_semaphore, #tpu.memory_space<semaphore_mem>>) src(%arg12 : memref<128x64xf32, #tpu.memory_space<vmem>>) dst(%dma_wait3A_249 : memref<128x64xf32, #tpu.memory_space<vmem_shared>>)
      tpu.yield
    }) : () -> ()
    %add3A_154 = arith.constant 256 : i32
    %add3A_155 = arith.addi %mul3A_2, %add3A_154 : i32
    "tpu.region"() ({
      %run_scoped3A = tpu.sem_alloc : memref<!tpu.dma_semaphore, #tpu.memory_space<semaphore_mem>>
      %dma_start3A = arith.constant 0 : i32
      %dma_start3A_243 = tpu.memref_slice %arg14[%add3A_155, %dma_start3A] : memref<10240x64xf32, #tpu.memory_space<vmem_shared>> -> memref<128x64xf32, #tpu.memory_space<vmem_shared>>
      %dma_start3A_244 = arith.constant 0 : i32
      %dma_start3A_245 = tpu.memref_slice %arg14[%add3A_155, %dma_start3A_244] : memref<10240x64xf32, #tpu.memory_space<vmem_shared>> -> memref<128x64xf32, #tpu.memory_space<vmem_shared>>
      tpu.enqueue_dma source(%arg12 : memref<128x64xf32, #tpu.memory_space<vmem>>) target(%dma_start3A_245 : memref<128x64xf32, #tpu.memory_space<vmem_shared>>) target_semaphore(%run_scoped3A : memref<!tpu.dma_semaphore, #tpu.memory_space<semaphore_mem>>)
      %dma_wait3A_246 = arith.constant 0 : i32
      %dma_wait3A_247 = tpu.memref_slice %arg14[%add3A_155, %dma_wait3A_246] : memref<10240x64xf32, #tpu.memory_space<vmem_shared>> -> memref<128x64xf32, #tpu.memory_space<vmem_shared>>
      %dma_wait3A_248 = arith.constant 0 : i32
      %dma_wait3A_249 = tpu.memref_slice %arg14[%add3A_155, %dma_wait3A_248] : memref<10240x64xf32, #tpu.memory_space<vmem_shared>> -> memref<128x64xf32, #tpu.memory_space<vmem_shared>>
      tpu.wait_dma2 semaphore(%run_scoped3A : memref<!tpu.dma_semaphore, #tpu.memory_space<semaphore_mem>>) src(%arg12 : memref<128x64xf32, #tpu.memory_space<vmem>>) dst(%dma_wait3A_249 : memref<128x64xf32, #tpu.memory_space<vmem_shared>>)
      tpu.yield
    }) : () -> ()
    %add3A_156 = arith.constant 384 : i32
    %add3A_157 = arith.addi %mul3A_2, %add3A_156 : i32
    "tpu.region"() ({
      %run_scoped3A = tpu.sem_alloc : memref<!tpu.dma_semaphore, #tpu.memory_space<semaphore_mem>>
      %dma_start3A = arith.constant 0 : i32
      %dma_start3A_243 = tpu.memref_slice %arg14[%add3A_157, %dma_start3A] : memref<10240x64xf32, #tpu.memory_space<vmem_shared>> -> memref<128x64xf32, #tpu.memory_space<vmem_shared>>
      %dma_start3A_244 = arith.constant 0 : i32
      %dma_start3A_245 = tpu.memref_slice %arg14[%add3A_157, %dma_start3A_244] : memref<10240x64xf32, #tpu.memory_space<vmem_shared>> -> memref<128x64xf32, #tpu.memory_space<vmem_shared>>
      tpu.enqueue_dma source(%arg12 : memref<128x64xf32, #tpu.memory_space<vmem>>) target(%dma_start3A_245 : memref<128x64xf32, #tpu.memory_space<vmem_shared>>) target_semaphore(%run_scoped3A : memref<!tpu.dma_semaphore, #tpu.memory_space<semaphore_mem>>)
      %dma_wait3A_246 = arith.constant 0 : i32
      %dma_wait3A_247 = tpu.memref_slice %arg14[%add3A_157, %dma_wait3A_246] : memref<10240x64xf32, #tpu.memory_space<vmem_shared>> -> memref<128x64xf32, #tpu.memory_space<vmem_shared>>
      %dma_wait3A_248 = arith.constant 0 : i32
      %dma_wait3A_249 = tpu.memref_slice %arg14[%add3A_157, %dma_wait3A_248] : memref<10240x64xf32, #tpu.memory_space<vmem_shared>> -> memref<128x64xf32, #tpu.memory_space<vmem_shared>>
      tpu.wait_dma2 semaphore(%run_scoped3A : memref<!tpu.dma_semaphore, #tpu.memory_space<semaphore_mem>>) src(%arg12 : memref<128x64xf32, #tpu.memory_space<vmem>>) dst(%dma_wait3A_249 : memref<128x64xf32, #tpu.memory_space<vmem_shared>>)
      tpu.yield
    }) : () -> ()
    %add3A_158 = arith.constant 512 : i32
    %add3A_159 = arith.addi %mul3A_2, %add3A_158 : i32
    "tpu.region"() ({
      %run_scoped3A = tpu.sem_alloc : memref<!tpu.dma_semaphore, #tpu.memory_space<semaphore_mem>>
      %dma_start3A = arith.constant 0 : i32
      %dma_start3A_243 = tpu.memref_slice %arg14[%add3A_159, %dma_start3A] : memref<10240x64xf32, #tpu.memory_space<vmem_shared>> -> memref<128x64xf32, #tpu.memory_space<vmem_shared>>
      %dma_start3A_244 = arith.constant 0 : i32
      %dma_start3A_245 = tpu.memref_slice %arg14[%add3A_159, %dma_start3A_244] : memref<10240x64xf32, #tpu.memory_space<vmem_shared>> -> memref<128x64xf32, #tpu.memory_space<vmem_shared>>
      tpu.enqueue_dma source(%arg12 : memref<128x64xf32, #tpu.memory_space<vmem>>) target(%dma_start3A_245 : memref<128x64xf32, #tpu.memory_space<vmem_shared>>) target_semaphore(%run_scoped3A : memref<!tpu.dma_semaphore, #tpu.memory_space<semaphore_mem>>)
      %dma_wait3A_246 = arith.constant 0 : i32
      %dma_wait3A_247 = tpu.memref_slice %arg14[%add3A_159, %dma_wait3A_246] : memref<10240x64xf32, #tpu.memory_space<vmem_shared>> -> memref<128x64xf32, #tpu.memory_space<vmem_shared>>
      %dma_wait3A_248 = arith.constant 0 : i32
      %dma_wait3A_249 = tpu.memref_slice %arg14[%add3A_159, %dma_wait3A_248] : memref<10240x64xf32, #tpu.memory_space<vmem_shared>> -> memref<128x64xf32, #tpu.memory_space<vmem_shared>>
      tpu.wait_dma2 semaphore(%run_scoped3A : memref<!tpu.dma_semaphore, #tpu.memory_space<semaphore_mem>>) src(%arg12 : memref<128x64xf32, #tpu.memory_space<vmem>>) dst(%dma_wait3A_249 : memref<128x64xf32, #tpu.memory_space<vmem_shared>>)
      tpu.yield
    }) : () -> ()
    %barrier3A_160 = arith.constant 0 : index
    tpu.barrier barrier_id(%barrier3A_160)
    %scan3A_161 = arith.constant 0 : i32
    %scan3A_162 = arith.constant 20 : i32
    %scan3A_163 = arith.addi %scan3A_161, %scan3A_162 : i32
    %scan3A_164 = arith.constant 1 : i32
    scf.for %scan3A_243 = %scan3A_161 to %scan3A_163 step %scan3A_164  : i32 {
      %mul3A_244 = arith.constant 4 : i32
      %mul3A_245 = arith.muli %scan3A_243, %mul3A_244 : i32
      %add3A_246 = arith.constant 0 : i32
      %add3A_247 = arith.addi %mul3A_245, %add3A_246 : i32
      %gt3A = arith.constant 0 : i32
      %gt3A_248 = arith.cmpi sgt, %scan3A_243, %gt3A : i32
      %convert_element_type3A_249 = arith.extui %gt3A_248 : i1 to i32
      %cond3A_250 = arith.constant 0 : i32
      %cond3A_251 = arith.cmpi ne, %convert_element_type3A_249, %cond3A_250 : i32
      scf.if %cond3A_251 {
        %dma_wait3A_462 = arith.constant 0 : i32
        %dma_wait3A_463 = arith.constant 0 : i32
        %dma_wait3A_464 = arith.constant 0 : i32
        %dma_wait3A_465 = arith.constant 0 : i32
        %dma_wait3A_466 = tpu.memref_slice %arg10[%dma_wait3A_462, %dma_wait3A_464, %dma_wait3A_465] : memref<4x125x64xf32, #tpu.memory_space<vmem>> -> memref<1x125x64xf32, #tpu.memory_space<vmem>>
        %dma_wait3A_467 = tpu.memref_squeeze %dma_wait3A_466 : memref<1x125x64xf32, #tpu.memory_space<vmem>> -> memref<125x64xf32, #tpu.memory_space<vmem>>
        %dma_wait3A_468 = arith.constant 0 : i32
        %dma_wait3A_469 = arith.constant 0 : i32
        %dma_wait3A_470 = tpu.memref_slice %arg3[%dma_wait3A_468, %dma_wait3A_469] : memref<20000x64xf32, #tpu.memory_space<hbm>> -> memref<125x64xf32, #tpu.memory_space<hbm>>
        %dma_wait3A_471 = tpu.memref_slice %arg17[%dma_wait3A_463] : memref<4x!tpu.dma_semaphore, #tpu.memory_space<semaphore_mem>> -> memref<1x!tpu.dma_semaphore, #tpu.memory_space<semaphore_mem>>
        %dma_wait3A_472 = tpu.memref_squeeze %dma_wait3A_471 : memref<1x!tpu.dma_semaphore, #tpu.memory_space<semaphore_mem>> -> memref<!tpu.dma_semaphore, #tpu.memory_space<semaphore_mem>>
        %dma_wait3A_473 = arith.constant 0 : i32
        %dma_wait3A_474 = arith.constant 0 : i32
        %dma_wait3A_475 = tpu.memref_slice %arg10[%dma_wait3A_462, %dma_wait3A_473, %dma_wait3A_474] : memref<4x125x64xf32, #tpu.memory_space<vmem>> -> memref<1x125x64xf32, #tpu.memory_space<vmem>>
        %dma_wait3A_476 = tpu.memref_squeeze %dma_wait3A_475 : memref<1x125x64xf32, #tpu.memory_space<vmem>> -> memref<125x64xf32, #tpu.memory_space<vmem>>
        %dma_wait3A_477 = arith.constant 0 : i32
        %dma_wait3A_478 = arith.constant 0 : i32
        %dma_wait3A_479 = tpu.memref_slice %arg3[%dma_wait3A_477, %dma_wait3A_478] : memref<20000x64xf32, #tpu.memory_space<hbm>> -> memref<125x64xf32, #tpu.memory_space<hbm>>
        tpu.wait_dma2 semaphore(%dma_wait3A_472 : memref<!tpu.dma_semaphore, #tpu.memory_space<semaphore_mem>>) src(%dma_wait3A_479 : memref<125x64xf32, #tpu.memory_space<hbm>>) dst(%dma_wait3A_476 : memref<125x64xf32, #tpu.memory_space<vmem>>)
      } else {
      }
      %dma_start3A = arith.constant 0 : i32
      %dma_start3A_252 = arith.constant 0 : i32
      %dma_start3A_253 = arith.constant 0 : i32
      %dma_start3A_254 = arith.constant 0 : i32
      %dma_start3A_255 = tpu.memref_slice %arg10[%dma_start3A, %dma_start3A_253, %dma_start3A_254] : memref<4x125x64xf32, #tpu.memory_space<vmem>> -> memref<1x125x64xf32, #tpu.memory_space<vmem>>
      %dma_start3A_256 = tpu.memref_squeeze %dma_start3A_255 : memref<1x125x64xf32, #tpu.memory_space<vmem>> -> memref<125x64xf32, #tpu.memory_space<vmem>>
      %dma_start3A_257 = arith.constant 0 : i32
      %dma_start3A_258 = tpu.memref_slice %arg8[%add3A_247, %dma_start3A_257] : memref<80x125xi32, #tpu.memory_space<vmem>> -> memref<1x125xi32, #tpu.memory_space<vmem>>
      %dma_start3A_259 = tpu.memref_squeeze %dma_start3A_258 : memref<1x125xi32, #tpu.memory_space<vmem>> -> memref<125xi32, #tpu.memory_space<vmem>>
      %dma_start3A_260 = arith.constant 0 : i32
      %dma_start3A_261 = arith.constant 0 : i32
      %dma_start3A_262 = tpu.memref_slice %arg3[%dma_start3A_260, %dma_start3A_261] : memref<20000x64xf32, #tpu.memory_space<hbm>> -> memref<20000x64xf32, #tpu.memory_space<hbm>>
      %dma_start3A_263 = tpu.memref_slice %arg16[%dma_start3A_252] : memref<4x!tpu.dma_semaphore, #tpu.memory_space<semaphore_mem>> -> memref<1x!tpu.dma_semaphore, #tpu.memory_space<semaphore_mem>>
      %dma_start3A_264 = tpu.memref_squeeze %dma_start3A_263 : memref<1x!tpu.dma_semaphore, #tpu.memory_space<semaphore_mem>> -> memref<!tpu.dma_semaphore, #tpu.memory_space<semaphore_mem>>
      tpu.enqueue_indirect_dma source(%dma_start3A_262 : memref<20000x64xf32, #tpu.memory_space<hbm>>) target(%dma_start3A_256 : memref<125x64xf32, #tpu.memory_space<vmem>>) offsets(%dma_start3A_259 : memref<125xi32, #tpu.memory_space<vmem>>) semaphore(%dma_start3A_264 : memref<!tpu.dma_semaphore, #tpu.memory_space<semaphore_mem>>)
      %mul3A_265 = arith.constant 4 : i32
      %mul3A_266 = arith.muli %scan3A_243, %mul3A_265 : i32
      %add3A_267 = arith.constant 1 : i32
      %add3A_268 = arith.addi %mul3A_266, %add3A_267 : i32
      %gt3A_269 = arith.constant 0 : i32
      %gt3A_270 = arith.cmpi sgt, %scan3A_243, %gt3A_269 : i32
      %convert_element_type3A_271 = arith.extui %gt3A_270 : i1 to i32
      %cond3A_272 = arith.constant 0 : i32
      %cond3A_273 = arith.cmpi ne, %convert_element_type3A_271, %cond3A_272 : i32
      scf.if %cond3A_273 {
        %dma_wait3A_462 = arith.constant 1 : i32
        %dma_wait3A_463 = arith.constant 1 : i32
        %dma_wait3A_464 = arith.constant 0 : i32
        %dma_wait3A_465 = arith.constant 0 : i32
        %dma_wait3A_466 = tpu.memref_slice %arg10[%dma_wait3A_462, %dma_wait3A_464, %dma_wait3A_465] : memref<4x125x64xf32, #tpu.memory_space<vmem>> -> memref<1x125x64xf32, #tpu.memory_space<vmem>>
        %dma_wait3A_467 = tpu.memref_squeeze %dma_wait3A_466 : memref<1x125x64xf32, #tpu.memory_space<vmem>> -> memref<125x64xf32, #tpu.memory_space<vmem>>
        %dma_wait3A_468 = arith.constant 0 : i32
        %dma_wait3A_469 = arith.constant 0 : i32
        %dma_wait3A_470 = tpu.memref_slice %arg3[%dma_wait3A_468, %dma_wait3A_469] : memref<20000x64xf32, #tpu.memory_space<hbm>> -> memref<125x64xf32, #tpu.memory_space<hbm>>
        %dma_wait3A_471 = tpu.memref_slice %arg17[%dma_wait3A_463] : memref<4x!tpu.dma_semaphore, #tpu.memory_space<semaphore_mem>> -> memref<1x!tpu.dma_semaphore, #tpu.memory_space<semaphore_mem>>
        %dma_wait3A_472 = tpu.memref_squeeze %dma_wait3A_471 : memref<1x!tpu.dma_semaphore, #tpu.memory_space<semaphore_mem>> -> memref<!tpu.dma_semaphore, #tpu.memory_space<semaphore_mem>>
        %dma_wait3A_473 = arith.constant 0 : i32
        %dma_wait3A_474 = arith.constant 0 : i32
        %dma_wait3A_475 = tpu.memref_slice %arg10[%dma_wait3A_462, %dma_wait3A_473, %dma_wait3A_474] : memref<4x125x64xf32, #tpu.memory_space<vmem>> -> memref<1x125x64xf32, #tpu.memory_space<vmem>>
        %dma_wait3A_476 = tpu.memref_squeeze %dma_wait3A_475 : memref<1x125x64xf32, #tpu.memory_space<vmem>> -> memref<125x64xf32, #tpu.memory_space<vmem>>
        %dma_wait3A_477 = arith.constant 0 : i32
        %dma_wait3A_478 = arith.constant 0 : i32
        %dma_wait3A_479 = tpu.memref_slice %arg3[%dma_wait3A_477, %dma_wait3A_478] : memref<20000x64xf32, #tpu.memory_space<hbm>> -> memref<125x64xf32, #tpu.memory_space<hbm>>
        tpu.wait_dma2 semaphore(%dma_wait3A_472 : memref<!tpu.dma_semaphore, #tpu.memory_space<semaphore_mem>>) src(%dma_wait3A_479 : memref<125x64xf32, #tpu.memory_space<hbm>>) dst(%dma_wait3A_476 : memref<125x64xf32, #tpu.memory_space<vmem>>)
      } else {
      }
      %dma_start3A_274 = arith.constant 1 : i32
      %dma_start3A_275 = arith.constant 1 : i32
      %dma_start3A_276 = arith.constant 0 : i32
      %dma_start3A_277 = arith.constant 0 : i32
      %dma_start3A_278 = tpu.memref_slice %arg10[%dma_start3A_274, %dma_start3A_276, %dma_start3A_277] : memref<4x125x64xf32, #tpu.memory_space<vmem>> -> memref<1x125x64xf32, #tpu.memory_space<vmem>>
      %dma_start3A_279 = tpu.memref_squeeze %dma_start3A_278 : memref<1x125x64xf32, #tpu.memory_space<vmem>> -> memref<125x64xf32, #tpu.memory_space<vmem>>
      %dma_start3A_280 = arith.constant 0 : i32
      %dma_start3A_281 = tpu.memref_slice %arg8[%add3A_268, %dma_start3A_280] : memref<80x125xi32, #tpu.memory_space<vmem>> -> memref<1x125xi32, #tpu.memory_space<vmem>>
      %dma_start3A_282 = tpu.memref_squeeze %dma_start3A_281 : memref<1x125xi32, #tpu.memory_space<vmem>> -> memref<125xi32, #tpu.memory_space<vmem>>
      %dma_start3A_283 = arith.constant 0 : i32
      %dma_start3A_284 = arith.constant 0 : i32
      %dma_start3A_285 = tpu.memref_slice %arg3[%dma_start3A_283, %dma_start3A_284] : memref<20000x64xf32, #tpu.memory_space<hbm>> -> memref<20000x64xf32, #tpu.memory_space<hbm>>
      %dma_start3A_286 = tpu.memref_slice %arg16[%dma_start3A_275] : memref<4x!tpu.dma_semaphore, #tpu.memory_space<semaphore_mem>> -> memref<1x!tpu.dma_semaphore, #tpu.memory_space<semaphore_mem>>
      %dma_start3A_287 = tpu.memref_squeeze %dma_start3A_286 : memref<1x!tpu.dma_semaphore, #tpu.memory_space<semaphore_mem>> -> memref<!tpu.dma_semaphore, #tpu.memory_space<semaphore_mem>>
      tpu.enqueue_indirect_dma source(%dma_start3A_285 : memref<20000x64xf32, #tpu.memory_space<hbm>>) target(%dma_start3A_279 : memref<125x64xf32, #tpu.memory_space<vmem>>) offsets(%dma_start3A_282 : memref<125xi32, #tpu.memory_space<vmem>>) semaphore(%dma_start3A_287 : memref<!tpu.dma_semaphore, #tpu.memory_space<semaphore_mem>>)
      %mul3A_288 = arith.constant 4 : i32
      %mul3A_289 = arith.muli %scan3A_243, %mul3A_288 : i32
      %add3A_290 = arith.constant 2 : i32
      %add3A_291 = arith.addi %mul3A_289, %add3A_290 : i32
      %gt3A_292 = arith.constant 0 : i32
      %gt3A_293 = arith.cmpi sgt, %scan3A_243, %gt3A_292 : i32
      %convert_element_type3A_294 = arith.extui %gt3A_293 : i1 to i32
      %cond3A_295 = arith.constant 0 : i32
      %cond3A_296 = arith.cmpi ne, %convert_element_type3A_294, %cond3A_295 : i32
      scf.if %cond3A_296 {
        %dma_wait3A_462 = arith.constant 2 : i32
        %dma_wait3A_463 = arith.constant 2 : i32
        %dma_wait3A_464 = arith.constant 0 : i32
        %dma_wait3A_465 = arith.constant 0 : i32
        %dma_wait3A_466 = tpu.memref_slice %arg10[%dma_wait3A_462, %dma_wait3A_464, %dma_wait3A_465] : memref<4x125x64xf32, #tpu.memory_space<vmem>> -> memref<1x125x64xf32, #tpu.memory_space<vmem>>
        %dma_wait3A_467 = tpu.memref_squeeze %dma_wait3A_466 : memref<1x125x64xf32, #tpu.memory_space<vmem>> -> memref<125x64xf32, #tpu.memory_space<vmem>>
        %dma_wait3A_468 = arith.constant 0 : i32
        %dma_wait3A_469 = arith.constant 0 : i32
        %dma_wait3A_470 = tpu.memref_slice %arg3[%dma_wait3A_468, %dma_wait3A_469] : memref<20000x64xf32, #tpu.memory_space<hbm>> -> memref<125x64xf32, #tpu.memory_space<hbm>>
        %dma_wait3A_471 = tpu.memref_slice %arg17[%dma_wait3A_463] : memref<4x!tpu.dma_semaphore, #tpu.memory_space<semaphore_mem>> -> memref<1x!tpu.dma_semaphore, #tpu.memory_space<semaphore_mem>>
        %dma_wait3A_472 = tpu.memref_squeeze %dma_wait3A_471 : memref<1x!tpu.dma_semaphore, #tpu.memory_space<semaphore_mem>> -> memref<!tpu.dma_semaphore, #tpu.memory_space<semaphore_mem>>
        %dma_wait3A_473 = arith.constant 0 : i32
        %dma_wait3A_474 = arith.constant 0 : i32
        %dma_wait3A_475 = tpu.memref_slice %arg10[%dma_wait3A_462, %dma_wait3A_473, %dma_wait3A_474] : memref<4x125x64xf32, #tpu.memory_space<vmem>> -> memref<1x125x64xf32, #tpu.memory_space<vmem>>
        %dma_wait3A_476 = tpu.memref_squeeze %dma_wait3A_475 : memref<1x125x64xf32, #tpu.memory_space<vmem>> -> memref<125x64xf32, #tpu.memory_space<vmem>>
        %dma_wait3A_477 = arith.constant 0 : i32
        %dma_wait3A_478 = arith.constant 0 : i32
        %dma_wait3A_479 = tpu.memref_slice %arg3[%dma_wait3A_477, %dma_wait3A_478] : memref<20000x64xf32, #tpu.memory_space<hbm>> -> memref<125x64xf32, #tpu.memory_space<hbm>>
        tpu.wait_dma2 semaphore(%dma_wait3A_472 : memref<!tpu.dma_semaphore, #tpu.memory_space<semaphore_mem>>) src(%dma_wait3A_479 : memref<125x64xf32, #tpu.memory_space<hbm>>) dst(%dma_wait3A_476 : memref<125x64xf32, #tpu.memory_space<vmem>>)
      } else {
      }
      %dma_start3A_297 = arith.constant 2 : i32
      %dma_start3A_298 = arith.constant 2 : i32
      %dma_start3A_299 = arith.constant 0 : i32
      %dma_start3A_300 = arith.constant 0 : i32
      %dma_start3A_301 = tpu.memref_slice %arg10[%dma_start3A_297, %dma_start3A_299, %dma_start3A_300] : memref<4x125x64xf32, #tpu.memory_space<vmem>> -> memref<1x125x64xf32, #tpu.memory_space<vmem>>
      %dma_start3A_302 = tpu.memref_squeeze %dma_start3A_301 : memref<1x125x64xf32, #tpu.memory_space<vmem>> -> memref<125x64xf32, #tpu.memory_space<vmem>>
      %dma_start3A_303 = arith.constant 0 : i32
      %dma_start3A_304 = tpu.memref_slice %arg8[%add3A_291, %dma_start3A_303] : memref<80x125xi32, #tpu.memory_space<vmem>> -> memref<1x125xi32, #tpu.memory_space<vmem>>
      %dma_start3A_305 = tpu.memref_squeeze %dma_start3A_304 : memref<1x125xi32, #tpu.memory_space<vmem>> -> memref<125xi32, #tpu.memory_space<vmem>>
      %dma_start3A_306 = arith.constant 0 : i32
      %dma_start3A_307 = arith.constant 0 : i32
      %dma_start3A_308 = tpu.memref_slice %arg3[%dma_start3A_306, %dma_start3A_307] : memref<20000x64xf32, #tpu.memory_space<hbm>> -> memref<20000x64xf32, #tpu.memory_space<hbm>>
      %dma_start3A_309 = tpu.memref_slice %arg16[%dma_start3A_298] : memref<4x!tpu.dma_semaphore, #tpu.memory_space<semaphore_mem>> -> memref<1x!tpu.dma_semaphore, #tpu.memory_space<semaphore_mem>>
      %dma_start3A_310 = tpu.memref_squeeze %dma_start3A_309 : memref<1x!tpu.dma_semaphore, #tpu.memory_space<semaphore_mem>> -> memref<!tpu.dma_semaphore, #tpu.memory_space<semaphore_mem>>
      tpu.enqueue_indirect_dma source(%dma_start3A_308 : memref<20000x64xf32, #tpu.memory_space<hbm>>) target(%dma_start3A_302 : memref<125x64xf32, #tpu.memory_space<vmem>>) offsets(%dma_start3A_305 : memref<125xi32, #tpu.memory_space<vmem>>) semaphore(%dma_start3A_310 : memref<!tpu.dma_semaphore, #tpu.memory_space<semaphore_mem>>)
      %mul3A_311 = arith.constant 4 : i32
      %mul3A_312 = arith.muli %scan3A_243, %mul3A_311 : i32
      %add3A_313 = arith.constant 3 : i32
      %add3A_314 = arith.addi %mul3A_312, %add3A_313 : i32
      %gt3A_315 = arith.constant 0 : i32
      %gt3A_316 = arith.cmpi sgt, %scan3A_243, %gt3A_315 : i32
      %convert_element_type3A_317 = arith.extui %gt3A_316 : i1 to i32
      %cond3A_318 = arith.constant 0 : i32
      %cond3A_319 = arith.cmpi ne, %convert_element_type3A_317, %cond3A_318 : i32
      scf.if %cond3A_319 {
        %dma_wait3A_462 = arith.constant 3 : i32
        %dma_wait3A_463 = arith.constant 3 : i32
        %dma_wait3A_464 = arith.constant 0 : i32
        %dma_wait3A_465 = arith.constant 0 : i32
        %dma_wait3A_466 = tpu.memref_slice %arg10[%dma_wait3A_462, %dma_wait3A_464, %dma_wait3A_465] : memref<4x125x64xf32, #tpu.memory_space<vmem>> -> memref<1x125x64xf32, #tpu.memory_space<vmem>>
        %dma_wait3A_467 = tpu.memref_squeeze %dma_wait3A_466 : memref<1x125x64xf32, #tpu.memory_space<vmem>> -> memref<125x64xf32, #tpu.memory_space<vmem>>
        %dma_wait3A_468 = arith.constant 0 : i32
        %dma_wait3A_469 = arith.constant 0 : i32
        %dma_wait3A_470 = tpu.memref_slice %arg3[%dma_wait3A_468, %dma_wait3A_469] : memref<20000x64xf32, #tpu.memory_space<hbm>> -> memref<125x64xf32, #tpu.memory_space<hbm>>
        %dma_wait3A_471 = tpu.memref_slice %arg17[%dma_wait3A_463] : memref<4x!tpu.dma_semaphore, #tpu.memory_space<semaphore_mem>> -> memref<1x!tpu.dma_semaphore, #tpu.memory_space<semaphore_mem>>
        %dma_wait3A_472 = tpu.memref_squeeze %dma_wait3A_471 : memref<1x!tpu.dma_semaphore, #tpu.memory_space<semaphore_mem>> -> memref<!tpu.dma_semaphore, #tpu.memory_space<semaphore_mem>>
        %dma_wait3A_473 = arith.constant 0 : i32
        %dma_wait3A_474 = arith.constant 0 : i32
        %dma_wait3A_475 = tpu.memref_slice %arg10[%dma_wait3A_462, %dma_wait3A_473, %dma_wait3A_474] : memref<4x125x64xf32, #tpu.memory_space<vmem>> -> memref<1x125x64xf32, #tpu.memory_space<vmem>>
        %dma_wait3A_476 = tpu.memref_squeeze %dma_wait3A_475 : memref<1x125x64xf32, #tpu.memory_space<vmem>> -> memref<125x64xf32, #tpu.memory_space<vmem>>
        %dma_wait3A_477 = arith.constant 0 : i32
        %dma_wait3A_478 = arith.constant 0 : i32
        %dma_wait3A_479 = tpu.memref_slice %arg3[%dma_wait3A_477, %dma_wait3A_478] : memref<20000x64xf32, #tpu.memory_space<hbm>> -> memref<125x64xf32, #tpu.memory_space<hbm>>
        tpu.wait_dma2 semaphore(%dma_wait3A_472 : memref<!tpu.dma_semaphore, #tpu.memory_space<semaphore_mem>>) src(%dma_wait3A_479 : memref<125x64xf32, #tpu.memory_space<hbm>>) dst(%dma_wait3A_476 : memref<125x64xf32, #tpu.memory_space<vmem>>)
      } else {
      }
      %dma_start3A_320 = arith.constant 3 : i32
      %dma_start3A_321 = arith.constant 3 : i32
      %dma_start3A_322 = arith.constant 0 : i32
      %dma_start3A_323 = arith.constant 0 : i32
      %dma_start3A_324 = tpu.memref_slice %arg10[%dma_start3A_320, %dma_start3A_322, %dma_start3A_323] : memref<4x125x64xf32, #tpu.memory_space<vmem>> -> memref<1x125x64xf32, #tpu.memory_space<vmem>>
      %dma_start3A_325 = tpu.memref_squeeze %dma_start3A_324 : memref<1x125x64xf32, #tpu.memory_space<vmem>> -> memref<125x64xf32, #tpu.memory_space<vmem>>
      %dma_start3A_326 = arith.constant 0 : i32
      %dma_start3A_327 = tpu.memref_slice %arg8[%add3A_314, %dma_start3A_326] : memref<80x125xi32, #tpu.memory_space<vmem>> -> memref<1x125xi32, #tpu.memory_space<vmem>>
      %dma_start3A_328 = tpu.memref_squeeze %dma_start3A_327 : memref<1x125xi32, #tpu.memory_space<vmem>> -> memref<125xi32, #tpu.memory_space<vmem>>
      %dma_start3A_329 = arith.constant 0 : i32
      %dma_start3A_330 = arith.constant 0 : i32
      %dma_start3A_331 = tpu.memref_slice %arg3[%dma_start3A_329, %dma_start3A_330] : memref<20000x64xf32, #tpu.memory_space<hbm>> -> memref<20000x64xf32, #tpu.memory_space<hbm>>
      %dma_start3A_332 = tpu.memref_slice %arg16[%dma_start3A_321] : memref<4x!tpu.dma_semaphore, #tpu.memory_space<semaphore_mem>> -> memref<1x!tpu.dma_semaphore, #tpu.memory_space<semaphore_mem>>
      %dma_start3A_333 = tpu.memref_squeeze %dma_start3A_332 : memref<1x!tpu.dma_semaphore, #tpu.memory_space<semaphore_mem>> -> memref<!tpu.dma_semaphore, #tpu.memory_space<semaphore_mem>>
      tpu.enqueue_indirect_dma source(%dma_start3A_331 : memref<20000x64xf32, #tpu.memory_space<hbm>>) target(%dma_start3A_325 : memref<125x64xf32, #tpu.memory_space<vmem>>) offsets(%dma_start3A_328 : memref<125xi32, #tpu.memory_space<vmem>>) semaphore(%dma_start3A_333 : memref<!tpu.dma_semaphore, #tpu.memory_space<semaphore_mem>>)
      %mul3A_334 = arith.constant 4 : i32
      %mul3A_335 = arith.muli %scan3A_243, %mul3A_334 : i32
      %add3A_336 = arith.constant 0 : i32
      %add3A_337 = arith.addi %mul3A_335, %add3A_336 : i32
      %dma_wait3A_338 = arith.constant 0 : i32
      %dma_wait3A_339 = arith.constant 0 : i32
      %dma_wait3A_340 = arith.constant 0 : i32
      %dma_wait3A_341 = arith.constant 0 : i32
      %dma_wait3A_342 = tpu.memref_slice %arg10[%dma_wait3A_338, %dma_wait3A_340, %dma_wait3A_341] : memref<4x125x64xf32, #tpu.memory_space<vmem>> -> memref<1x125x64xf32, #tpu.memory_space<vmem>>
      %dma_wait3A_343 = tpu.memref_squeeze %dma_wait3A_342 : memref<1x125x64xf32, #tpu.memory_space<vmem>> -> memref<125x64xf32, #tpu.memory_space<vmem>>
      %dma_wait3A_344 = arith.constant 0 : i32
      %dma_wait3A_345 = tpu.memref_slice %arg8[%add3A_247, %dma_wait3A_344] : memref<80x125xi32, #tpu.memory_space<vmem>> -> memref<1x125xi32, #tpu.memory_space<vmem>>
      %dma_wait3A_346 = tpu.memref_squeeze %dma_wait3A_345 : memref<1x125xi32, #tpu.memory_space<vmem>> -> memref<125xi32, #tpu.memory_space<vmem>>
      %dma_wait3A_347 = arith.constant 0 : i32
      %dma_wait3A_348 = arith.constant 0 : i32
      %dma_wait3A_349 = tpu.memref_slice %arg3[%dma_wait3A_347, %dma_wait3A_348] : memref<20000x64xf32, #tpu.memory_space<hbm>> -> memref<20000x64xf32, #tpu.memory_space<hbm>>
      %dma_wait3A_350 = tpu.memref_slice %arg16[%dma_wait3A_339] : memref<4x!tpu.dma_semaphore, #tpu.memory_space<semaphore_mem>> -> memref<1x!tpu.dma_semaphore, #tpu.memory_space<semaphore_mem>>
      %dma_wait3A_351 = tpu.memref_squeeze %dma_wait3A_350 : memref<1x!tpu.dma_semaphore, #tpu.memory_space<semaphore_mem>> -> memref<!tpu.dma_semaphore, #tpu.memory_space<semaphore_mem>>
      tpu.wait_indirect_dma semaphore(%dma_wait3A_351 : memref<!tpu.dma_semaphore, #tpu.memory_space<semaphore_mem>>) src(%dma_wait3A_349 : memref<20000x64xf32, #tpu.memory_space<hbm>>) dst(%dma_wait3A_343 : memref<125x64xf32, #tpu.memory_space<vmem>>)
      %dma_start3A_352 = arith.constant 0 : i32
      %dma_start3A_353 = arith.constant 0 : i32
      %dma_start3A_354 = arith.constant 0 : i32
      %dma_start3A_355 = arith.constant 0 : i32
      %dma_start3A_356 = tpu.memref_slice %arg10[%dma_start3A_352, %dma_start3A_354, %dma_start3A_355] : memref<4x125x64xf32, #tpu.memory_space<vmem>> -> memref<1x125x64xf32, #tpu.memory_space<vmem>>
      %dma_start3A_357 = tpu.memref_squeeze %dma_start3A_356 : memref<1x125x64xf32, #tpu.memory_space<vmem>> -> memref<125x64xf32, #tpu.memory_space<vmem>>
      %dma_start3A_358 = arith.constant 0 : i32
      %dma_start3A_359 = tpu.memref_slice %arg9[%add3A_337, %dma_start3A_358] : memref<80x125xi32, #tpu.memory_space<vmem>> -> memref<1x125xi32, #tpu.memory_space<vmem>>
      %dma_start3A_360 = tpu.memref_squeeze %dma_start3A_359 : memref<1x125xi32, #tpu.memory_space<vmem>> -> memref<125xi32, #tpu.memory_space<vmem>>
      %dma_start3A_361 = arith.constant 0 : i32
      %dma_start3A_362 = arith.constant 0 : i32
      %dma_start3A_363 = tpu.memref_slice %arg14[%dma_start3A_361, %dma_start3A_362] : memref<10240x64xf32, #tpu.memory_space<vmem_shared>> -> memref<10240x64xf32, #tpu.memory_space<vmem_shared>>
      %dma_start3A_364 = tpu.memref_slice %arg17[%dma_start3A_353] : memref<4x!tpu.dma_semaphore, #tpu.memory_space<semaphore_mem>> -> memref<1x!tpu.dma_semaphore, #tpu.memory_space<semaphore_mem>>
      %dma_start3A_365 = tpu.memref_squeeze %dma_start3A_364 : memref<1x!tpu.dma_semaphore, #tpu.memory_space<semaphore_mem>> -> memref<!tpu.dma_semaphore, #tpu.memory_space<semaphore_mem>>
      tpu.enqueue_indirect_dma source(%dma_start3A_357 : memref<125x64xf32, #tpu.memory_space<vmem>>) target(%dma_start3A_363 : memref<10240x64xf32, #tpu.memory_space<vmem_shared>>) offsets(%dma_start3A_360 : memref<125xi32, #tpu.memory_space<vmem>>) semaphore(%dma_start3A_365 : memref<!tpu.dma_semaphore, #tpu.memory_space<semaphore_mem>>) {add = true}
      %mul3A_366 = arith.constant 4 : i32
      %mul3A_367 = arith.muli %scan3A_243, %mul3A_366 : i32
      %add3A_368 = arith.constant 1 : i32
      %add3A_369 = arith.addi %mul3A_367, %add3A_368 : i32
      %dma_wait3A_370 = arith.constant 1 : i32
      %dma_wait3A_371 = arith.constant 1 : i32
      %dma_wait3A_372 = arith.constant 0 : i32
      %dma_wait3A_373 = arith.constant 0 : i32
      %dma_wait3A_374 = tpu.memref_slice %arg10[%dma_wait3A_370, %dma_wait3A_372, %dma_wait3A_373] : memref<4x125x64xf32, #tpu.memory_space<vmem>> -> memref<1x125x64xf32, #tpu.memory_space<vmem>>
      %dma_wait3A_375 = tpu.memref_squeeze %dma_wait3A_374 : memref<1x125x64xf32, #tpu.memory_space<vmem>> -> memref<125x64xf32, #tpu.memory_space<vmem>>
      %dma_wait3A_376 = arith.constant 0 : i32
      %dma_wait3A_377 = tpu.memref_slice %arg8[%add3A_268, %dma_wait3A_376] : memref<80x125xi32, #tpu.memory_space<vmem>> -> memref<1x125xi32, #tpu.memory_space<vmem>>
      %dma_wait3A_378 = tpu.memref_squeeze %dma_wait3A_377 : memref<1x125xi32, #tpu.memory_space<vmem>> -> memref<125xi32, #tpu.memory_space<vmem>>
      %dma_wait3A_379 = arith.constant 0 : i32
      %dma_wait3A_380 = arith.constant 0 : i32
      %dma_wait3A_381 = tpu.memref_slice %arg3[%dma_wait3A_379, %dma_wait3A_380] : memref<20000x64xf32, #tpu.memory_space<hbm>> -> memref<20000x64xf32, #tpu.memory_space<hbm>>
      %dma_wait3A_382 = tpu.memref_slice %arg16[%dma_wait3A_371] : memref<4x!tpu.dma_semaphore, #tpu.memory_space<semaphore_mem>> -> memref<1x!tpu.dma_semaphore, #tpu.memory_space<semaphore_mem>>
      %dma_wait3A_383 = tpu.memref_squeeze %dma_wait3A_382 : memref<1x!tpu.dma_semaphore, #tpu.memory_space<semaphore_mem>> -> memref<!tpu.dma_semaphore, #tpu.memory_space<semaphore_mem>>
      tpu.wait_indirect_dma semaphore(%dma_wait3A_383 : memref<!tpu.dma_semaphore, #tpu.memory_space<semaphore_mem>>) src(%dma_wait3A_381 : memref<20000x64xf32, #tpu.memory_space<hbm>>) dst(%dma_wait3A_375 : memref<125x64xf32, #tpu.memory_space<vmem>>)
      %dma_start3A_384 = arith.constant 1 : i32
      %dma_start3A_385 = arith.constant 1 : i32
      %dma_start3A_386 = arith.constant 0 : i32
      %dma_start3A_387 = arith.constant 0 : i32
      %dma_start3A_388 = tpu.memref_slice %arg10[%dma_start3A_384, %dma_start3A_386, %dma_start3A_387] : memref<4x125x64xf32, #tpu.memory_space<vmem>> -> memref<1x125x64xf32, #tpu.memory_space<vmem>>
      %dma_start3A_389 = tpu.memref_squeeze %dma_start3A_388 : memref<1x125x64xf32, #tpu.memory_space<vmem>> -> memref<125x64xf32, #tpu.memory_space<vmem>>
      %dma_start3A_390 = arith.constant 0 : i32
      %dma_start3A_391 = tpu.memref_slice %arg9[%add3A_369, %dma_start3A_390] : memref<80x125xi32, #tpu.memory_space<vmem>> -> memref<1x125xi32, #tpu.memory_space<vmem>>
      %dma_start3A_392 = tpu.memref_squeeze %dma_start3A_391 : memref<1x125xi32, #tpu.memory_space<vmem>> -> memref<125xi32, #tpu.memory_space<vmem>>
      %dma_start3A_393 = arith.constant 0 : i32
      %dma_start3A_394 = arith.constant 0 : i32
      %dma_start3A_395 = tpu.memref_slice %arg14[%dma_start3A_393, %dma_start3A_394] : memref<10240x64xf32, #tpu.memory_space<vmem_shared>> -> memref<10240x64xf32, #tpu.memory_space<vmem_shared>>
      %dma_start3A_396 = tpu.memref_slice %arg17[%dma_start3A_385] : memref<4x!tpu.dma_semaphore, #tpu.memory_space<semaphore_mem>> -> memref<1x!tpu.dma_semaphore, #tpu.memory_space<semaphore_mem>>
      %dma_start3A_397 = tpu.memref_squeeze %dma_start3A_396 : memref<1x!tpu.dma_semaphore, #tpu.memory_space<semaphore_mem>> -> memref<!tpu.dma_semaphore, #tpu.memory_space<semaphore_mem>>
      tpu.enqueue_indirect_dma source(%dma_start3A_389 : memref<125x64xf32, #tpu.memory_space<vmem>>) target(%dma_start3A_395 : memref<10240x64xf32, #tpu.memory_space<vmem_shared>>) offsets(%dma_start3A_392 : memref<125xi32, #tpu.memory_space<vmem>>) semaphore(%dma_start3A_397 : memref<!tpu.dma_semaphore, #tpu.memory_space<semaphore_mem>>) {add = true}
      %mul3A_398 = arith.constant 4 : i32
      %mul3A_399 = arith.muli %scan3A_243, %mul3A_398 : i32
      %add3A_400 = arith.constant 2 : i32
      %add3A_401 = arith.addi %mul3A_399, %add3A_400 : i32
      %dma_wait3A_402 = arith.constant 2 : i32
      %dma_wait3A_403 = arith.constant 2 : i32
      %dma_wait3A_404 = arith.constant 0 : i32
      %dma_wait3A_405 = arith.constant 0 : i32
      %dma_wait3A_406 = tpu.memref_slice %arg10[%dma_wait3A_402, %dma_wait3A_404, %dma_wait3A_405] : memref<4x125x64xf32, #tpu.memory_space<vmem>> -> memref<1x125x64xf32, #tpu.memory_space<vmem>>
      %dma_wait3A_407 = tpu.memref_squeeze %dma_wait3A_406 : memref<1x125x64xf32, #tpu.memory_space<vmem>> -> memref<125x64xf32, #tpu.memory_space<vmem>>
      %dma_wait3A_408 = arith.constant 0 : i32
      %dma_wait3A_409 = tpu.memref_slice %arg8[%add3A_291, %dma_wait3A_408] : memref<80x125xi32, #tpu.memory_space<vmem>> -> memref<1x125xi32, #tpu.memory_space<vmem>>
      %dma_wait3A_410 = tpu.memref_squeeze %dma_wait3A_409 : memref<1x125xi32, #tpu.memory_space<vmem>> -> memref<125xi32, #tpu.memory_space<vmem>>
      %dma_wait3A_411 = arith.constant 0 : i32
      %dma_wait3A_412 = arith.constant 0 : i32
      %dma_wait3A_413 = tpu.memref_slice %arg3[%dma_wait3A_411, %dma_wait3A_412] : memref<20000x64xf32, #tpu.memory_space<hbm>> -> memref<20000x64xf32, #tpu.memory_space<hbm>>
      %dma_wait3A_414 = tpu.memref_slice %arg16[%dma_wait3A_403] : memref<4x!tpu.dma_semaphore, #tpu.memory_space<semaphore_mem>> -> memref<1x!tpu.dma_semaphore, #tpu.memory_space<semaphore_mem>>
      %dma_wait3A_415 = tpu.memref_squeeze %dma_wait3A_414 : memref<1x!tpu.dma_semaphore, #tpu.memory_space<semaphore_mem>> -> memref<!tpu.dma_semaphore, #tpu.memory_space<semaphore_mem>>
      tpu.wait_indirect_dma semaphore(%dma_wait3A_415 : memref<!tpu.dma_semaphore, #tpu.memory_space<semaphore_mem>>) src(%dma_wait3A_413 : memref<20000x64xf32, #tpu.memory_space<hbm>>) dst(%dma_wait3A_407 : memref<125x64xf32, #tpu.memory_space<vmem>>)
      %dma_start3A_416 = arith.constant 2 : i32
      %dma_start3A_417 = arith.constant 2 : i32
      %dma_start3A_418 = arith.constant 0 : i32
      %dma_start3A_419 = arith.constant 0 : i32
      %dma_start3A_420 = tpu.memref_slice %arg10[%dma_start3A_416, %dma_start3A_418, %dma_start3A_419] : memref<4x125x64xf32, #tpu.memory_space<vmem>> -> memref<1x125x64xf32, #tpu.memory_space<vmem>>
      %dma_start3A_421 = tpu.memref_squeeze %dma_start3A_420 : memref<1x125x64xf32, #tpu.memory_space<vmem>> -> memref<125x64xf32, #tpu.memory_space<vmem>>
      %dma_start3A_422 = arith.constant 0 : i32
      %dma_start3A_423 = tpu.memref_slice %arg9[%add3A_401, %dma_start3A_422] : memref<80x125xi32, #tpu.memory_space<vmem>> -> memref<1x125xi32, #tpu.memory_space<vmem>>
      %dma_start3A_424 = tpu.memref_squeeze %dma_start3A_423 : memref<1x125xi32, #tpu.memory_space<vmem>> -> memref<125xi32, #tpu.memory_space<vmem>>
      %dma_start3A_425 = arith.constant 0 : i32
      %dma_start3A_426 = arith.constant 0 : i32
      %dma_start3A_427 = tpu.memref_slice %arg14[%dma_start3A_425, %dma_start3A_426] : memref<10240x64xf32, #tpu.memory_space<vmem_shared>> -> memref<10240x64xf32, #tpu.memory_space<vmem_shared>>
      %dma_start3A_428 = tpu.memref_slice %arg17[%dma_start3A_417] : memref<4x!tpu.dma_semaphore, #tpu.memory_space<semaphore_mem>> -> memref<1x!tpu.dma_semaphore, #tpu.memory_space<semaphore_mem>>
      %dma_start3A_429 = tpu.memref_squeeze %dma_start3A_428 : memref<1x!tpu.dma_semaphore, #tpu.memory_space<semaphore_mem>> -> memref<!tpu.dma_semaphore, #tpu.memory_space<semaphore_mem>>
      tpu.enqueue_indirect_dma source(%dma_start3A_421 : memref<125x64xf32, #tpu.memory_space<vmem>>) target(%dma_start3A_427 : memref<10240x64xf32, #tpu.memory_space<vmem_shared>>) offsets(%dma_start3A_424 : memref<125xi32, #tpu.memory_space<vmem>>) semaphore(%dma_start3A_429 : memref<!tpu.dma_semaphore, #tpu.memory_space<semaphore_mem>>) {add = true}
      %mul3A_430 = arith.constant 4 : i32
      %mul3A_431 = arith.muli %scan3A_243, %mul3A_430 : i32
      %add3A_432 = arith.constant 3 : i32
      %add3A_433 = arith.addi %mul3A_431, %add3A_432 : i32
      %dma_wait3A_434 = arith.constant 3 : i32
      %dma_wait3A_435 = arith.constant 3 : i32
      %dma_wait3A_436 = arith.constant 0 : i32
      %dma_wait3A_437 = arith.constant 0 : i32
      %dma_wait3A_438 = tpu.memref_slice %arg10[%dma_wait3A_434, %dma_wait3A_436, %dma_wait3A_437] : memref<4x125x64xf32, #tpu.memory_space<vmem>> -> memref<1x125x64xf32, #tpu.memory_space<vmem>>
      %dma_wait3A_439 = tpu.memref_squeeze %dma_wait3A_438 : memref<1x125x64xf32, #tpu.memory_space<vmem>> -> memref<125x64xf32, #tpu.memory_space<vmem>>
      %dma_wait3A_440 = arith.constant 0 : i32
      %dma_wait3A_441 = tpu.memref_slice %arg8[%add3A_314, %dma_wait3A_440] : memref<80x125xi32, #tpu.memory_space<vmem>> -> memref<1x125xi32, #tpu.memory_space<vmem>>
      %dma_wait3A_442 = tpu.memref_squeeze %dma_wait3A_441 : memref<1x125xi32, #tpu.memory_space<vmem>> -> memref<125xi32, #tpu.memory_space<vmem>>
      %dma_wait3A_443 = arith.constant 0 : i32
      %dma_wait3A_444 = arith.constant 0 : i32
      %dma_wait3A_445 = tpu.memref_slice %arg3[%dma_wait3A_443, %dma_wait3A_444] : memref<20000x64xf32, #tpu.memory_space<hbm>> -> memref<20000x64xf32, #tpu.memory_space<hbm>>
      %dma_wait3A_446 = tpu.memref_slice %arg16[%dma_wait3A_435] : memref<4x!tpu.dma_semaphore, #tpu.memory_space<semaphore_mem>> -> memref<1x!tpu.dma_semaphore, #tpu.memory_space<semaphore_mem>>
      %dma_wait3A_447 = tpu.memref_squeeze %dma_wait3A_446 : memref<1x!tpu.dma_semaphore, #tpu.memory_space<semaphore_mem>> -> memref<!tpu.dma_semaphore, #tpu.memory_space<semaphore_mem>>
      tpu.wait_indirect_dma semaphore(%dma_wait3A_447 : memref<!tpu.dma_semaphore, #tpu.memory_space<semaphore_mem>>) src(%dma_wait3A_445 : memref<20000x64xf32, #tpu.memory_space<hbm>>) dst(%dma_wait3A_439 : memref<125x64xf32, #tpu.memory_space<vmem>>)
      %dma_start3A_448 = arith.constant 3 : i32
      %dma_start3A_449 = arith.constant 3 : i32
      %dma_start3A_450 = arith.constant 0 : i32
      %dma_start3A_451 = arith.constant 0 : i32
      %dma_start3A_452 = tpu.memref_slice %arg10[%dma_start3A_448, %dma_start3A_450, %dma_start3A_451] : memref<4x125x64xf32, #tpu.memory_space<vmem>> -> memref<1x125x64xf32, #tpu.memory_space<vmem>>
      %dma_start3A_453 = tpu.memref_squeeze %dma_start3A_452 : memref<1x125x64xf32, #tpu.memory_space<vmem>> -> memref<125x64xf32, #tpu.memory_space<vmem>>
      %dma_start3A_454 = arith.constant 0 : i32
      %dma_start3A_455 = tpu.memref_slice %arg9[%add3A_433, %dma_start3A_454] : memref<80x125xi32, #tpu.memory_space<vmem>> -> memref<1x125xi32, #tpu.memory_space<vmem>>
      %dma_start3A_456 = tpu.memref_squeeze %dma_start3A_455 : memref<1x125xi32, #tpu.memory_space<vmem>> -> memref<125xi32, #tpu.memory_space<vmem>>
      %dma_start3A_457 = arith.constant 0 : i32
      %dma_start3A_458 = arith.constant 0 : i32
      %dma_start3A_459 = tpu.memref_slice %arg14[%dma_start3A_457, %dma_start3A_458] : memref<10240x64xf32, #tpu.memory_space<vmem_shared>> -> memref<10240x64xf32, #tpu.memory_space<vmem_shared>>
      %dma_start3A_460 = tpu.memref_slice %arg17[%dma_start3A_449] : memref<4x!tpu.dma_semaphore, #tpu.memory_space<semaphore_mem>> -> memref<1x!tpu.dma_semaphore, #tpu.memory_space<semaphore_mem>>
      %dma_start3A_461 = tpu.memref_squeeze %dma_start3A_460 : memref<1x!tpu.dma_semaphore, #tpu.memory_space<semaphore_mem>> -> memref<!tpu.dma_semaphore, #tpu.memory_space<semaphore_mem>>
      tpu.enqueue_indirect_dma source(%dma_start3A_453 : memref<125x64xf32, #tpu.memory_space<vmem>>) target(%dma_start3A_459 : memref<10240x64xf32, #tpu.memory_space<vmem_shared>>) offsets(%dma_start3A_456 : memref<125xi32, #tpu.memory_space<vmem>>) semaphore(%dma_start3A_461 : memref<!tpu.dma_semaphore, #tpu.memory_space<semaphore_mem>>) {add = true}
    }
    %scan3A_165 = arith.constant 20 : i32
    %dma_wait3A_166 = arith.constant 0 : i32
    %dma_wait3A_167 = arith.constant 0 : i32
    %dma_wait3A_168 = arith.constant 0 : i32
    %dma_wait3A_169 = arith.constant 0 : i32
    %dma_wait3A_170 = tpu.memref_slice %arg10[%dma_wait3A_166, %dma_wait3A_168, %dma_wait3A_169] : memref<4x125x64xf32, #tpu.memory_space<vmem>> -> memref<1x125x64xf32, #tpu.memory_space<vmem>>
    %dma_wait3A_171 = tpu.memref_squeeze %dma_wait3A_170 : memref<1x125x64xf32, #tpu.memory_space<vmem>> -> memref<125x64xf32, #tpu.memory_space<vmem>>
    %dma_wait3A_172 = arith.constant 0 : i32
    %dma_wait3A_173 = arith.constant 0 : i32
    %dma_wait3A_174 = tpu.memref_slice %arg3[%dma_wait3A_172, %dma_wait3A_173] : memref<20000x64xf32, #tpu.memory_space<hbm>> -> memref<125x64xf32, #tpu.memory_space<hbm>>
    %dma_wait3A_175 = tpu.memref_slice %arg17[%dma_wait3A_167] : memref<4x!tpu.dma_semaphore, #tpu.memory_space<semaphore_mem>> -> memref<1x!tpu.dma_semaphore, #tpu.memory_space<semaphore_mem>>
    %dma_wait3A_176 = tpu.memref_squeeze %dma_wait3A_175 : memref<1x!tpu.dma_semaphore, #tpu.memory_space<semaphore_mem>> -> memref<!tpu.dma_semaphore, #tpu.memory_space<semaphore_mem>>
    %dma_wait3A_177 = arith.constant 0 : i32
    %dma_wait3A_178 = arith.constant 0 : i32
    %dma_wait3A_179 = tpu.memref_slice %arg10[%dma_wait3A_166, %dma_wait3A_177, %dma_wait3A_178] : memref<4x125x64xf32, #tpu.memory_space<vmem>> -> memref<1x125x64xf32, #tpu.memory_space<vmem>>
    %dma_wait3A_180 = tpu.memref_squeeze %dma_wait3A_179 : memref<1x125x64xf32, #tpu.memory_space<vmem>> -> memref<125x64xf32, #tpu.memory_space<vmem>>
    %dma_wait3A_181 = arith.constant 0 : i32
    %dma_wait3A_182 = arith.constant 0 : i32
    %dma_wait3A_183 = tpu.memref_slice %arg3[%dma_wait3A_181, %dma_wait3A_182] : memref<20000x64xf32, #tpu.memory_space<hbm>> -> memref<125x64xf32, #tpu.memory_space<hbm>>
    tpu.wait_dma2 semaphore(%dma_wait3A_176 : memref<!tpu.dma_semaphore, #tpu.memory_space<semaphore_mem>>) src(%dma_wait3A_183 : memref<125x64xf32, #tpu.memory_space<hbm>>) dst(%dma_wait3A_180 : memref<125x64xf32, #tpu.memory_space<vmem>>)
    %dma_wait3A_184 = arith.constant 1 : i32
    %dma_wait3A_185 = arith.constant 1 : i32
    %dma_wait3A_186 = arith.constant 0 : i32
    %dma_wait3A_187 = arith.constant 0 : i32
    %dma_wait3A_188 = tpu.memref_slice %arg10[%dma_wait3A_184, %dma_wait3A_186, %dma_wait3A_187] : memref<4x125x64xf32, #tpu.memory_space<vmem>> -> memref<1x125x64xf32, #tpu.memory_space<vmem>>
    %dma_wait3A_189 = tpu.memref_squeeze %dma_wait3A_188 : memref<1x125x64xf32, #tpu.memory_space<vmem>> -> memref<125x64xf32, #tpu.memory_space<vmem>>
    %dma_wait3A_190 = arith.constant 0 : i32
    %dma_wait3A_191 = arith.constant 0 : i32
    %dma_wait3A_192 = tpu.memref_slice %arg3[%dma_wait3A_190, %dma_wait3A_191] : memref<20000x64xf32, #tpu.memory_space<hbm>> -> memref<125x64xf32, #tpu.memory_space<hbm>>
    %dma_wait3A_193 = tpu.memref_slice %arg17[%dma_wait3A_185] : memref<4x!tpu.dma_semaphore, #tpu.memory_space<semaphore_mem>> -> memref<1x!tpu.dma_semaphore, #tpu.memory_space<semaphore_mem>>
    %dma_wait3A_194 = tpu.memref_squeeze %dma_wait3A_193 : memref<1x!tpu.dma_semaphore, #tpu.memory_space<semaphore_mem>> -> memref<!tpu.dma_semaphore, #tpu.memory_space<semaphore_mem>>
    %dma_wait3A_195 = arith.constant 0 : i32
    %dma_wait3A_196 = arith.constant 0 : i32
    %dma_wait3A_197 = tpu.memref_slice %arg10[%dma_wait3A_184, %dma_wait3A_195, %dma_wait3A_196] : memref<4x125x64xf32, #tpu.memory_space<vmem>> -> memref<1x125x64xf32, #tpu.memory_space<vmem>>
    %dma_wait3A_198 = tpu.memref_squeeze %dma_wait3A_197 : memref<1x125x64xf32, #tpu.memory_space<vmem>> -> memref<125x64xf32, #tpu.memory_space<vmem>>
    %dma_wait3A_199 = arith.constant 0 : i32
    %dma_wait3A_200 = arith.constant 0 : i32
    %dma_wait3A_201 = tpu.memref_slice %arg3[%dma_wait3A_199, %dma_wait3A_200] : memref<20000x64xf32, #tpu.memory_space<hbm>> -> memref<125x64xf32, #tpu.memory_space<hbm>>
    tpu.wait_dma2 semaphore(%dma_wait3A_194 : memref<!tpu.dma_semaphore, #tpu.memory_space<semaphore_mem>>) src(%dma_wait3A_201 : memref<125x64xf32, #tpu.memory_space<hbm>>) dst(%dma_wait3A_198 : memref<125x64xf32, #tpu.memory_space<vmem>>)
    %dma_wait3A_202 = arith.constant 2 : i32
    %dma_wait3A_203 = arith.constant 2 : i32
    %dma_wait3A_204 = arith.constant 0 : i32
    %dma_wait3A_205 = arith.constant 0 : i32
    %dma_wait3A_206 = tpu.memref_slice %arg10[%dma_wait3A_202, %dma_wait3A_204, %dma_wait3A_205] : memref<4x125x64xf32, #tpu.memory_space<vmem>> -> memref<1x125x64xf32, #tpu.memory_space<vmem>>
    %dma_wait3A_207 = tpu.memref_squeeze %dma_wait3A_206 : memref<1x125x64xf32, #tpu.memory_space<vmem>> -> memref<125x64xf32, #tpu.memory_space<vmem>>
    %dma_wait3A_208 = arith.constant 0 : i32
    %dma_wait3A_209 = arith.constant 0 : i32
    %dma_wait3A_210 = tpu.memref_slice %arg3[%dma_wait3A_208, %dma_wait3A_209] : memref<20000x64xf32, #tpu.memory_space<hbm>> -> memref<125x64xf32, #tpu.memory_space<hbm>>
    %dma_wait3A_211 = tpu.memref_slice %arg17[%dma_wait3A_203] : memref<4x!tpu.dma_semaphore, #tpu.memory_space<semaphore_mem>> -> memref<1x!tpu.dma_semaphore, #tpu.memory_space<semaphore_mem>>
    %dma_wait3A_212 = tpu.memref_squeeze %dma_wait3A_211 : memref<1x!tpu.dma_semaphore, #tpu.memory_space<semaphore_mem>> -> memref<!tpu.dma_semaphore, #tpu.memory_space<semaphore_mem>>
    %dma_wait3A_213 = arith.constant 0 : i32
    %dma_wait3A_214 = arith.constant 0 : i32
    %dma_wait3A_215 = tpu.memref_slice %arg10[%dma_wait3A_202, %dma_wait3A_213, %dma_wait3A_214] : memref<4x125x64xf32, #tpu.memory_space<vmem>> -> memref<1x125x64xf32, #tpu.memory_space<vmem>>
    %dma_wait3A_216 = tpu.memref_squeeze %dma_wait3A_215 : memref<1x125x64xf32, #tpu.memory_space<vmem>> -> memref<125x64xf32, #tpu.memory_space<vmem>>
    %dma_wait3A_217 = arith.constant 0 : i32
    %dma_wait3A_218 = arith.constant 0 : i32
    %dma_wait3A_219 = tpu.memref_slice %arg3[%dma_wait3A_217, %dma_wait3A_218] : memref<20000x64xf32, #tpu.memory_space<hbm>> -> memref<125x64xf32, #tpu.memory_space<hbm>>
    tpu.wait_dma2 semaphore(%dma_wait3A_212 : memref<!tpu.dma_semaphore, #tpu.memory_space<semaphore_mem>>) src(%dma_wait3A_219 : memref<125x64xf32, #tpu.memory_space<hbm>>) dst(%dma_wait3A_216 : memref<125x64xf32, #tpu.memory_space<vmem>>)
    %dma_wait3A_220 = arith.constant 3 : i32
    %dma_wait3A_221 = arith.constant 3 : i32
    %dma_wait3A_222 = arith.constant 0 : i32
    %dma_wait3A_223 = arith.constant 0 : i32
    %dma_wait3A_224 = tpu.memref_slice %arg10[%dma_wait3A_220, %dma_wait3A_222, %dma_wait3A_223] : memref<4x125x64xf32, #tpu.memory_space<vmem>> -> memref<1x125x64xf32, #tpu.memory_space<vmem>>
    %dma_wait3A_225 = tpu.memref_squeeze %dma_wait3A_224 : memref<1x125x64xf32, #tpu.memory_space<vmem>> -> memref<125x64xf32, #tpu.memory_space<vmem>>
    %dma_wait3A_226 = arith.constant 0 : i32
    %dma_wait3A_227 = arith.constant 0 : i32
    %dma_wait3A_228 = tpu.memref_slice %arg3[%dma_wait3A_226, %dma_wait3A_227] : memref<20000x64xf32, #tpu.memory_space<hbm>> -> memref<125x64xf32, #tpu.memory_space<hbm>>
    %dma_wait3A_229 = tpu.memref_slice %arg17[%dma_wait3A_221] : memref<4x!tpu.dma_semaphore, #tpu.memory_space<semaphore_mem>> -> memref<1x!tpu.dma_semaphore, #tpu.memory_space<semaphore_mem>>
    %dma_wait3A_230 = tpu.memref_squeeze %dma_wait3A_229 : memref<1x!tpu.dma_semaphore, #tpu.memory_space<semaphore_mem>> -> memref<!tpu.dma_semaphore, #tpu.memory_space<semaphore_mem>>
    %dma_wait3A_231 = arith.constant 0 : i32
    %dma_wait3A_232 = arith.constant 0 : i32
    %dma_wait3A_233 = tpu.memref_slice %arg10[%dma_wait3A_220, %dma_wait3A_231, %dma_wait3A_232] : memref<4x125x64xf32, #tpu.memory_space<vmem>> -> memref<1x125x64xf32, #tpu.memory_space<vmem>>
    %dma_wait3A_234 = tpu.memref_squeeze %dma_wait3A_233 : memref<1x125x64xf32, #tpu.memory_space<vmem>> -> memref<125x64xf32, #tpu.memory_space<vmem>>
    %dma_wait3A_235 = arith.constant 0 : i32
    %dma_wait3A_236 = arith.constant 0 : i32
    %dma_wait3A_237 = tpu.memref_slice %arg3[%dma_wait3A_235, %dma_wait3A_236] : memref<20000x64xf32, #tpu.memory_space<hbm>> -> memref<125x64xf32, #tpu.memory_space<hbm>>
    tpu.wait_dma2 semaphore(%dma_wait3A_230 : memref<!tpu.dma_semaphore, #tpu.memory_space<semaphore_mem>>) src(%dma_wait3A_237 : memref<125x64xf32, #tpu.memory_space<hbm>>) dst(%dma_wait3A_234 : memref<125x64xf32, #tpu.memory_space<vmem>>)
    %barrier3A_238 = arith.constant 0 : index
    tpu.barrier barrier_id(%barrier3A_238)
    %mul3A_239 = arith.constant 2 : i32
    %mul3A_240 = arith.muli %mul3A_239, %arg0 : i32
    %add3A_241 = arith.constant 1 : i32
    %add3A_242 = arith.addi %mul3A_240, %add3A_241 : i32
    "tpu.region"() ({
      %run_scoped3A = tpu.sem_alloc : memref<!tpu.dma_semaphore, #tpu.memory_space<semaphore_mem>>
      %dma_start3A = arith.constant 0 : i32
      %dma_start3A_243 = tpu.memref_slice %arg6[%add3A_242, %mul3A_2, %dma_start3A] : memref<4x10240x64xf32, #tpu.memory_space<hbm>> -> memref<1x640x64xf32, #tpu.memory_space<hbm>>
      %dma_start3A_244 = tpu.memref_squeeze %dma_start3A_243 : memref<1x640x64xf32, #tpu.memory_space<hbm>> -> memref<640x64xf32, #tpu.memory_space<hbm>>
      %dma_start3A_245 = arith.constant 0 : i32
      %dma_start3A_246 = tpu.memref_slice %arg14[%mul3A_2, %dma_start3A_245] : memref<10240x64xf32, #tpu.memory_space<vmem_shared>> -> memref<640x64xf32, #tpu.memory_space<vmem_shared>>
      tpu.enqueue_dma source(%dma_start3A_246 : memref<640x64xf32, #tpu.memory_space<vmem_shared>>) target(%dma_start3A_244 : memref<640x64xf32, #tpu.memory_space<hbm>>) target_semaphore(%run_scoped3A : memref<!tpu.dma_semaphore, #tpu.memory_space<semaphore_mem>>)
      %dma_wait3A_247 = arith.constant 0 : i32
      %dma_wait3A_248 = tpu.memref_slice %arg6[%add3A_242, %mul3A_2, %dma_wait3A_247] : memref<4x10240x64xf32, #tpu.memory_space<hbm>> -> memref<1x640x64xf32, #tpu.memory_space<hbm>>
      %dma_wait3A_249 = tpu.memref_squeeze %dma_wait3A_248 : memref<1x640x64xf32, #tpu.memory_space<hbm>> -> memref<640x64xf32, #tpu.memory_space<hbm>>
      %dma_wait3A_250 = arith.constant 0 : i32
      %dma_wait3A_251 = tpu.memref_slice %arg14[%mul3A_2, %dma_wait3A_250] : memref<10240x64xf32, #tpu.memory_space<vmem_shared>> -> memref<640x64xf32, #tpu.memory_space<vmem_shared>>
      tpu.wait_dma2 semaphore(%run_scoped3A : memref<!tpu.dma_semaphore, #tpu.memory_space<semaphore_mem>>) src(%dma_wait3A_251 : memref<640x64xf32, #tpu.memory_space<vmem_shared>>) dst(%dma_wait3A_249 : memref<640x64xf32, #tpu.memory_space<hbm>>)
      tpu.yield
    }) : () -> ()
    return
  }
}

#map = affine_map<(d0, d1) -> (0, 0)>
#map1 = affine_map<(d0, d1) -> (0, 0, 0)>
module attributes {stable_mosaic.version = 14 : i64} {
  func.func @_sc_aggregate_body(%arg0: i32, %arg1: i32, %arg2: memref<20000x64xf32, #tpu.memory_space<hbm>>, %arg3: memref<20000x64xf32, #tpu.memory_space<hbm>>, %arg4: memref<16x80x125xi32, #tpu.memory_space<hbm>>, %arg5: memref<16x80x125xi32, #tpu.memory_space<hbm>>, %arg6: memref<4x10240x64xf32, #tpu.memory_space<hbm>>, %arg7: memref<10240x16xf32, #tpu.memory_space<hbm>>, %arg8: memref<80x125xi32, #tpu.memory_space<vmem>>, %arg9: memref<80x125xi32, #tpu.memory_space<vmem>>, %arg10: memref<4x125x64xf32, #tpu.memory_space<vmem>>, %arg11: memref<125x16xf32, #tpu.memory_space<vmem>>, %arg12: memref<128x64xf32, #tpu.memory_space<vmem>>, %arg13: memref<640x16xf32, #tpu.memory_space<vmem>>, %arg14: memref<10240x64xf32, #tpu.memory_space<vmem_shared>>, %arg15: memref<10240x16xf32, #tpu.memory_space<vmem_shared>>, %arg16: memref<4x!tpu.dma_semaphore, #tpu.memory_space<semaphore_mem>>, %arg17: memref<4x!tpu.dma_semaphore, #tpu.memory_space<semaphore_mem>>, %arg18: memref<4x!tpu.dma_semaphore, #tpu.memory_space<semaphore_mem>>) attributes {dimension_semantics = [#tpu.dimension_semantics<core_parallel>, #tpu.dimension_semantics<subcore_parallel>], iteration_bounds = array<i64: 2, 16>, scalar_prefetch = 0 : i64, scratch_operands = 11 : i64, tpu.core_type = #tpu.core_type<sc_vector_subcore>, window_params = [{transform_indices = #map}, {transform_indices = #map}, {transform_indices = #map1}, {transform_indices = #map1}, {transform_indices = #map1}, {transform_indices = #map}]} {
    %mul3A = arith.constant 10000 : i32
    %mul3A_0 = arith.muli %arg0, %mul3A : i32
    %mul3A_1 = arith.constant 640 : i32
    %mul3A_2 = arith.muli %arg1, %mul3A_1 : i32
    %scan3A = arith.constant 0 : i32
    %scan3A_3 = arith.constant 125 : i32
    %scan3A_4 = arith.addi %scan3A, %scan3A_3 : i32
    %scan3A_5 = arith.constant 1 : i32
    scf.for %scan3A_243 = %scan3A to %scan3A_4 step %scan3A_5  : i32 {
      %broadcast_in_dim3A = arith.constant 1.000000e+00 : f32
      %broadcast_in_dim3A_244 = vector.broadcast %broadcast_in_dim3A : f32 to vector<16xf32>
      %swap3A = arith.index_cast %scan3A_243 : i32 to index
      %swap3A_245 = arith.constant 0 : index
      %swap3A_246 = tpu.vector_load %arg11[%swap3A, %swap3A_245] {strides = array<i32>} : memref<125x16xf32, #tpu.memory_space<vmem>>, vector<1x16xf32>,
      %swap3A_247 = vector.shape_cast %swap3A_246 : vector<1x16xf32> to vector<16xf32>
      %swap3A_248 = vector.shape_cast %broadcast_in_dim3A_244 : vector<16xf32> to vector<1x16xf32>
      tpu.vector_store %arg11[%swap3A, %swap3A_245], %swap3A_248 {strides = array<i32>} : memref<125x16xf32, #tpu.memory_space<vmem>>, vector<1x16xf32>,
    }
    %scan3A_6 = arith.constant 125 : i32
    %scan3A_7 = arith.constant 0 : i32
    %scan3A_8 = arith.constant 512 : i32
    %scan3A_9 = arith.addi %scan3A_7, %scan3A_8 : i32
    %scan3A_10 = arith.constant 1 : i32
    scf.for %scan3A_243 = %scan3A_7 to %scan3A_9 step %scan3A_10  : i32 {
      %jit3A = arith.constant 4 : i32
      %div3A = arith.divsi %scan3A_243, %jit3A : i32
      %sign3A = arith.constant 0 : i32
      %sign3A_244 = arith.cmpi sgt, %scan3A_243, %sign3A : i32
      %sign3A_245 = arith.extui %sign3A_244 : i1 to i32
      %sign3A_246 = arith.constant 0 : i32
      %sign3A_247 = arith.cmpi slt, %scan3A_243, %sign3A_246 : i32
      %sign3A_248 = arith.extui %sign3A_247 : i1 to i32
      %sign3A_249 = arith.subi %sign3A_245, %sign3A_248 : i32
      %sign3A_250 = arith.constant 0 : i32
      %sign3A_251 = arith.cmpi sgt, %jit3A, %sign3A_250 : i32
      %sign3A_252 = arith.extui %sign3A_251 : i1 to i32
      %sign3A_253 = arith.constant 0 : i32
      %sign3A_254 = arith.cmpi slt, %jit3A, %sign3A_253 : i32
      %sign3A_255 = arith.extui %sign3A_254 : i1 to i32
      %sign3A_256 = arith.subi %sign3A_252, %sign3A_255 : i32
      %ne3A = arith.cmpi ne, %sign3A_249, %sign3A_256 : i32
      %rem3A = arith.remsi %scan3A_243, %jit3A : i32
      %ne3A_257 = arith.constant 0 : i32
      %ne3A_258 = arith.cmpi ne, %rem3A, %ne3A_257 : i32
      %and3A = arith.andi %ne3A, %ne3A_258 : i1
      %sub3A = arith.constant 1 : i32
      %sub3A_259 = arith.subi %div3A, %sub3A : i32
      %select_n3A = arith.select %and3A, %sub3A_259, %div3A : i32
      %jit3A_260 = arith.constant 4 : i32
      %eq3A_261 = arith.constant 0 : i32
      %eq3A_262 = arith.cmpi eq, %jit3A_260, %eq3A_261 : i32
      %jit3A_263 = arith.constant 1 : i32
      %select_n3A_264 = arith.select %eq3A_262, %jit3A_263, %jit3A_260 : i32
      %rem3A_265 = arith.remsi %scan3A_243, %select_n3A_264 : i32
      %ne3A_266 = arith.constant 0 : i32
      %ne3A_267 = arith.cmpi ne, %rem3A_265, %ne3A_266 : i32
      %lt3A = arith.constant 0 : i32
      %lt3A_268 = arith.cmpi slt, %rem3A_265, %lt3A : i32
      %lt3A_269 = arith.constant 0 : i32
      %lt3A_270 = arith.cmpi slt, %select_n3A_264, %lt3A_269 : i32
      %ne3A_271 = arith.xori %lt3A_268, %lt3A_270 : i1
      %and3A_272 = arith.andi %ne3A_271, %ne3A_267 : i1
      %add3A_273 = arith.addi %rem3A_265, %select_n3A_264 : i32
      %select_n3A_274 = arith.select %and3A_272, %add3A_273, %rem3A_265 : i32
      %broadcast_in_dim3A = arith.constant 0.000000e+00 : f32
      %broadcast_in_dim3A_275 = vector.broadcast %broadcast_in_dim3A : f32 to vector<16xf32>
      %mul3A_276 = arith.constant 16 : i32
      %mul3A_277 = arith.muli %select_n3A_274, %mul3A_276 : i32
      %swap3A = arith.index_cast %select_n3A : i32 to index
      %swap3A_278 = arith.index_cast %mul3A_277 : i32 to index
      %swap3A_279 = tpu.vector_load %arg12[%swap3A, %swap3A_278] {strides = array<i32>} : memref<128x64xf32, #tpu.memory_space<vmem>>, vector<1x16xf32>,
      %swap3A_280 = vector.shape_cast %swap3A_279 : vector<1x16xf32> to vector<16xf32>
      %swap3A_281 = vector.shape_cast %broadcast_in_dim3A_275 : vector<16xf32> to vector<1x16xf32>
      tpu.vector_store %arg12[%swap3A, %swap3A_278], %swap3A_281 {strides = array<i32>} : memref<128x64xf32, #tpu.memory_space<vmem>>, vector<1x16xf32>,
    }
    %scan3A_11 = arith.constant 512 : i32
    %scan3A_12 = arith.constant 0 : i32
    %scan3A_13 = arith.constant 640 : i32
    %scan3A_14 = arith.addi %scan3A_12, %scan3A_13 : i32
    %scan3A_15 = arith.constant 1 : i32
    scf.for %scan3A_243 = %scan3A_12 to %scan3A_14 step %scan3A_15  : i32 {
      %broadcast_in_dim3A = arith.constant 0.000000e+00 : f32
      %broadcast_in_dim3A_244 = vector.broadcast %broadcast_in_dim3A : f32 to vector<16xf32>
      %swap3A = arith.index_cast %scan3A_243 : i32 to index
      %swap3A_245 = arith.constant 0 : index
      %swap3A_246 = tpu.vector_load %arg13[%swap3A, %swap3A_245] {strides = array<i32>} : memref<640x16xf32, #tpu.memory_space<vmem>>, vector<1x16xf32>,
      %swap3A_247 = vector.shape_cast %swap3A_246 : vector<1x16xf32> to vector<16xf32>
      %swap3A_248 = vector.shape_cast %broadcast_in_dim3A_244 : vector<16xf32> to vector<1x16xf32>
      tpu.vector_store %arg13[%swap3A, %swap3A_245], %swap3A_248 {strides = array<i32>} : memref<640x16xf32, #tpu.memory_space<vmem>>, vector<1x16xf32>,
    }
    %scan3A_16 = arith.constant 640 : i32
    "tpu.region"() ({
      %run_scoped3A = tpu.sem_alloc : memref<!tpu.dma_semaphore, #tpu.memory_space<semaphore_mem>>
      %dma_start3A = arith.constant 0 : i32
      %dma_start3A_243 = arith.constant 0 : i32
      %dma_start3A_244 = tpu.memref_slice %arg4[%arg1, %dma_start3A, %dma_start3A_243] : memref<16x80x125xi32, #tpu.memory_space<hbm>> -> memref<1x80x125xi32, #tpu.memory_space<hbm>>
      %dma_start3A_245 = tpu.memref_squeeze %dma_start3A_244 : memref<1x80x125xi32, #tpu.memory_space<hbm>> -> memref<80x125xi32, #tpu.memory_space<hbm>>
      %dma_start3A_246 = arith.constant 0 : i32
      %dma_start3A_247 = arith.constant 0 : i32
      %dma_start3A_248 = tpu.memref_slice %arg4[%arg1, %dma_start3A_246, %dma_start3A_247] : memref<16x80x125xi32, #tpu.memory_space<hbm>> -> memref<1x80x125xi32, #tpu.memory_space<hbm>>
      %dma_start3A_249 = tpu.memref_squeeze %dma_start3A_248 : memref<1x80x125xi32, #tpu.memory_space<hbm>> -> memref<80x125xi32, #tpu.memory_space<hbm>>
      tpu.enqueue_dma source(%dma_start3A_249 : memref<80x125xi32, #tpu.memory_space<hbm>>) target(%arg8 : memref<80x125xi32, #tpu.memory_space<vmem>>) target_semaphore(%run_scoped3A : memref<!tpu.dma_semaphore, #tpu.memory_space<semaphore_mem>>)
      %dma_wait3A_250 = arith.constant 0 : i32
      %dma_wait3A_251 = arith.constant 0 : i32
      %dma_wait3A_252 = tpu.memref_slice %arg4[%arg1, %dma_wait3A_250, %dma_wait3A_251] : memref<16x80x125xi32, #tpu.memory_space<hbm>> -> memref<1x80x125xi32, #tpu.memory_space<hbm>>
      %dma_wait3A_253 = tpu.memref_squeeze %dma_wait3A_252 : memref<1x80x125xi32, #tpu.memory_space<hbm>> -> memref<80x125xi32, #tpu.memory_space<hbm>>
      %dma_wait3A_254 = arith.constant 0 : i32
      %dma_wait3A_255 = arith.constant 0 : i32
      %dma_wait3A_256 = tpu.memref_slice %arg4[%arg1, %dma_wait3A_254, %dma_wait3A_255] : memref<16x80x125xi32, #tpu.memory_space<hbm>> -> memref<1x80x125xi32, #tpu.memory_space<hbm>>
      %dma_wait3A_257 = tpu.memref_squeeze %dma_wait3A_256 : memref<1x80x125xi32, #tpu.memory_space<hbm>> -> memref<80x125xi32, #tpu.memory_space<hbm>>
      tpu.wait_dma2 semaphore(%run_scoped3A : memref<!tpu.dma_semaphore, #tpu.memory_space<semaphore_mem>>) src(%dma_wait3A_257 : memref<80x125xi32, #tpu.memory_space<hbm>>) dst(%arg8 : memref<80x125xi32, #tpu.memory_space<vmem>>)
      tpu.yield
    }) : () -> ()
    "tpu.region"() ({
      %run_scoped3A = tpu.sem_alloc : memref<!tpu.dma_semaphore, #tpu.memory_space<semaphore_mem>>
      %dma_start3A = arith.constant 0 : i32
      %dma_start3A_243 = arith.constant 0 : i32
      %dma_start3A_244 = tpu.memref_slice %arg5[%arg1, %dma_start3A, %dma_start3A_243] : memref<16x80x125xi32, #tpu.memory_space<hbm>> -> memref<1x80x125xi32, #tpu.memory_space<hbm>>
      %dma_start3A_245 = tpu.memref_squeeze %dma_start3A_244 : memref<1x80x125xi32, #tpu.memory_space<hbm>> -> memref<80x125xi32, #tpu.memory_space<hbm>>
      %dma_start3A_246 = arith.constant 0 : i32
      %dma_start3A_247 = arith.constant 0 : i32
      %dma_start3A_248 = tpu.memref_slice %arg5[%arg1, %dma_start3A_246, %dma_start3A_247] : memref<16x80x125xi32, #tpu.memory_space<hbm>> -> memref<1x80x125xi32, #tpu.memory_space<hbm>>
      %dma_start3A_249 = tpu.memref_squeeze %dma_start3A_248 : memref<1x80x125xi32, #tpu.memory_space<hbm>> -> memref<80x125xi32, #tpu.memory_space<hbm>>
      tpu.enqueue_dma source(%dma_start3A_249 : memref<80x125xi32, #tpu.memory_space<hbm>>) target(%arg9 : memref<80x125xi32, #tpu.memory_space<vmem>>) target_semaphore(%run_scoped3A : memref<!tpu.dma_semaphore, #tpu.memory_space<semaphore_mem>>)
      %dma_wait3A_250 = arith.constant 0 : i32
      %dma_wait3A_251 = arith.constant 0 : i32
      %dma_wait3A_252 = tpu.memref_slice %arg5[%arg1, %dma_wait3A_250, %dma_wait3A_251] : memref<16x80x125xi32, #tpu.memory_space<hbm>> -> memref<1x80x125xi32, #tpu.memory_space<hbm>>
      %dma_wait3A_253 = tpu.memref_squeeze %dma_wait3A_252 : memref<1x80x125xi32, #tpu.memory_space<hbm>> -> memref<80x125xi32, #tpu.memory_space<hbm>>
      %dma_wait3A_254 = arith.constant 0 : i32
      %dma_wait3A_255 = arith.constant 0 : i32
      %dma_wait3A_256 = tpu.memref_slice %arg5[%arg1, %dma_wait3A_254, %dma_wait3A_255] : memref<16x80x125xi32, #tpu.memory_space<hbm>> -> memref<1x80x125xi32, #tpu.memory_space<hbm>>
      %dma_wait3A_257 = tpu.memref_squeeze %dma_wait3A_256 : memref<1x80x125xi32, #tpu.memory_space<hbm>> -> memref<80x125xi32, #tpu.memory_space<hbm>>
      tpu.wait_dma2 semaphore(%run_scoped3A : memref<!tpu.dma_semaphore, #tpu.memory_space<semaphore_mem>>) src(%dma_wait3A_257 : memref<80x125xi32, #tpu.memory_space<hbm>>) dst(%arg9 : memref<80x125xi32, #tpu.memory_space<vmem>>)
      tpu.yield
    }) : () -> ()
    %scan3A_17 = arith.constant 0 : i32
    %scan3A_18 = arith.constant 80 : i32
    %scan3A_19 = arith.addi %scan3A_17, %scan3A_18 : i32
    %scan3A_20 = arith.constant 1 : i32
    scf.for %scan3A_243 = %scan3A_17 to %scan3A_19 step %scan3A_20  : i32 {
      %get3A = arith.index_cast %scan3A_243 : i32 to index
      %get3A_244 = arith.constant 0 : index
      %get3A_245 = tpu.vector_load %arg8[%get3A, %get3A_244] {strides = array<i32>} : memref<80x125xi32, #tpu.memory_space<vmem>>, vector<1x16xi32>,
      %get3A_246 = vector.shape_cast %get3A_245 : vector<1x16xi32> to vector<16xi32>
      %add3A_247 = vector.broadcast %mul3A_0 : i32 to vector<16xi32>
      %add3A_248 = arith.addi %get3A_246, %add3A_247 : vector<16xi32>
      %swap3A = arith.index_cast %scan3A_243 : i32 to index
      %swap3A_249 = arith.constant 0 : index
      %swap3A_250 = tpu.vector_load %arg8[%swap3A, %swap3A_249] {strides = array<i32>} : memref<80x125xi32, #tpu.memory_space<vmem>>, vector<1x16xi32>,
      %swap3A_251 = vector.shape_cast %swap3A_250 : vector<1x16xi32> to vector<16xi32>
      %swap3A_252 = vector.shape_cast %add3A_248 : vector<16xi32> to vector<1x16xi32>
      tpu.vector_store %arg8[%swap3A, %swap3A_249], %swap3A_252 {strides = array<i32>} : memref<80x125xi32, #tpu.memory_space<vmem>>, vector<1x16xi32>,
      %get3A_253 = arith.index_cast %scan3A_243 : i32 to index
      %get3A_254 = arith.constant 16 : index
      %get3A_255 = tpu.vector_load %arg8[%get3A_253, %get3A_254] {strides = array<i32>} : memref<80x125xi32, #tpu.memory_space<vmem>>, vector<1x16xi32>,
      %get3A_256 = vector.shape_cast %get3A_255 : vector<1x16xi32> to vector<16xi32>
      %add3A_257 = vector.broadcast %mul3A_0 : i32 to vector<16xi32>
      %add3A_258 = arith.addi %get3A_256, %add3A_257 : vector<16xi32>
      %swap3A_259 = arith.index_cast %scan3A_243 : i32 to index
      %swap3A_260 = arith.constant 16 : index
      %swap3A_261 = tpu.vector_load %arg8[%swap3A_259, %swap3A_260] {strides = array<i32>} : memref<80x125xi32, #tpu.memory_space<vmem>>, vector<1x16xi32>,
      %swap3A_262 = vector.shape_cast %swap3A_261 : vector<1x16xi32> to vector<16xi32>
      %swap3A_263 = vector.shape_cast %add3A_258 : vector<16xi32> to vector<1x16xi32>
      tpu.vector_store %arg8[%swap3A_259, %swap3A_260], %swap3A_263 {strides = array<i32>} : memref<80x125xi32, #tpu.memory_space<vmem>>, vector<1x16xi32>,
      %get3A_264 = arith.index_cast %scan3A_243 : i32 to index
      %get3A_265 = arith.constant 32 : index
      %get3A_266 = tpu.vector_load %arg8[%get3A_264, %get3A_265] {strides = array<i32>} : memref<80x125xi32, #tpu.memory_space<vmem>>, vector<1x16xi32>,
      %get3A_267 = vector.shape_cast %get3A_266 : vector<1x16xi32> to vector<16xi32>
      %add3A_268 = vector.broadcast %mul3A_0 : i32 to vector<16xi32>
      %add3A_269 = arith.addi %get3A_267, %add3A_268 : vector<16xi32>
      %swap3A_270 = arith.index_cast %scan3A_243 : i32 to index
      %swap3A_271 = arith.constant 32 : index
      %swap3A_272 = tpu.vector_load %arg8[%swap3A_270, %swap3A_271] {strides = array<i32>} : memref<80x125xi32, #tpu.memory_space<vmem>>, vector<1x16xi32>,
      %swap3A_273 = vector.shape_cast %swap3A_272 : vector<1x16xi32> to vector<16xi32>
      %swap3A_274 = vector.shape_cast %add3A_269 : vector<16xi32> to vector<1x16xi32>
      tpu.vector_store %arg8[%swap3A_270, %swap3A_271], %swap3A_274 {strides = array<i32>} : memref<80x125xi32, #tpu.memory_space<vmem>>, vector<1x16xi32>,
      %get3A_275 = arith.index_cast %scan3A_243 : i32 to index
      %get3A_276 = arith.constant 48 : index
      %get3A_277 = tpu.vector_load %arg8[%get3A_275, %get3A_276] {strides = array<i32>} : memref<80x125xi32, #tpu.memory_space<vmem>>, vector<1x16xi32>,
      %get3A_278 = vector.shape_cast %get3A_277 : vector<1x16xi32> to vector<16xi32>
      %add3A_279 = vector.broadcast %mul3A_0 : i32 to vector<16xi32>
      %add3A_280 = arith.addi %get3A_278, %add3A_279 : vector<16xi32>
      %swap3A_281 = arith.index_cast %scan3A_243 : i32 to index
      %swap3A_282 = arith.constant 48 : index
      %swap3A_283 = tpu.vector_load %arg8[%swap3A_281, %swap3A_282] {strides = array<i32>} : memref<80x125xi32, #tpu.memory_space<vmem>>, vector<1x16xi32>,
      %swap3A_284 = vector.shape_cast %swap3A_283 : vector<1x16xi32> to vector<16xi32>
      %swap3A_285 = vector.shape_cast %add3A_280 : vector<16xi32> to vector<1x16xi32>
      tpu.vector_store %arg8[%swap3A_281, %swap3A_282], %swap3A_285 {strides = array<i32>} : memref<80x125xi32, #tpu.memory_space<vmem>>, vector<1x16xi32>,
      %get3A_286 = arith.index_cast %scan3A_243 : i32 to index
      %get3A_287 = arith.constant 64 : index
      %get3A_288 = tpu.vector_load %arg8[%get3A_286, %get3A_287] {strides = array<i32>} : memref<80x125xi32, #tpu.memory_space<vmem>>, vector<1x16xi32>,
      %get3A_289 = vector.shape_cast %get3A_288 : vector<1x16xi32> to vector<16xi32>
      %add3A_290 = vector.broadcast %mul3A_0 : i32 to vector<16xi32>
      %add3A_291 = arith.addi %get3A_289, %add3A_290 : vector<16xi32>
      %swap3A_292 = arith.index_cast %scan3A_243 : i32 to index
      %swap3A_293 = arith.constant 64 : index
      %swap3A_294 = tpu.vector_load %arg8[%swap3A_292, %swap3A_293] {strides = array<i32>} : memref<80x125xi32, #tpu.memory_space<vmem>>, vector<1x16xi32>,
      %swap3A_295 = vector.shape_cast %swap3A_294 : vector<1x16xi32> to vector<16xi32>
      %swap3A_296 = vector.shape_cast %add3A_291 : vector<16xi32> to vector<1x16xi32>
      tpu.vector_store %arg8[%swap3A_292, %swap3A_293], %swap3A_296 {strides = array<i32>} : memref<80x125xi32, #tpu.memory_space<vmem>>, vector<1x16xi32>,
      %get3A_297 = arith.index_cast %scan3A_243 : i32 to index
      %get3A_298 = arith.constant 80 : index
      %get3A_299 = tpu.vector_load %arg8[%get3A_297, %get3A_298] {strides = array<i32>} : memref<80x125xi32, #tpu.memory_space<vmem>>, vector<1x16xi32>,
      %get3A_300 = vector.shape_cast %get3A_299 : vector<1x16xi32> to vector<16xi32>
      %add3A_301 = vector.broadcast %mul3A_0 : i32 to vector<16xi32>
      %add3A_302 = arith.addi %get3A_300, %add3A_301 : vector<16xi32>
      %swap3A_303 = arith.index_cast %scan3A_243 : i32 to index
      %swap3A_304 = arith.constant 80 : index
      %swap3A_305 = tpu.vector_load %arg8[%swap3A_303, %swap3A_304] {strides = array<i32>} : memref<80x125xi32, #tpu.memory_space<vmem>>, vector<1x16xi32>,
      %swap3A_306 = vector.shape_cast %swap3A_305 : vector<1x16xi32> to vector<16xi32>
      %swap3A_307 = vector.shape_cast %add3A_302 : vector<16xi32> to vector<1x16xi32>
      tpu.vector_store %arg8[%swap3A_303, %swap3A_304], %swap3A_307 {strides = array<i32>} : memref<80x125xi32, #tpu.memory_space<vmem>>, vector<1x16xi32>,
      %get3A_308 = arith.index_cast %scan3A_243 : i32 to index
      %get3A_309 = arith.constant 96 : index
      %get3A_310 = tpu.vector_load %arg8[%get3A_308, %get3A_309] {strides = array<i32>} : memref<80x125xi32, #tpu.memory_space<vmem>>, vector<1x16xi32>,
      %get3A_311 = vector.shape_cast %get3A_310 : vector<1x16xi32> to vector<16xi32>
      %add3A_312 = vector.broadcast %mul3A_0 : i32 to vector<16xi32>
      %add3A_313 = arith.addi %get3A_311, %add3A_312 : vector<16xi32>
      %swap3A_314 = arith.index_cast %scan3A_243 : i32 to index
      %swap3A_315 = arith.constant 96 : index
      %swap3A_316 = tpu.vector_load %arg8[%swap3A_314, %swap3A_315] {strides = array<i32>} : memref<80x125xi32, #tpu.memory_space<vmem>>, vector<1x16xi32>,
      %swap3A_317 = vector.shape_cast %swap3A_316 : vector<1x16xi32> to vector<16xi32>
      %swap3A_318 = vector.shape_cast %add3A_313 : vector<16xi32> to vector<1x16xi32>
      tpu.vector_store %arg8[%swap3A_314, %swap3A_315], %swap3A_318 {strides = array<i32>} : memref<80x125xi32, #tpu.memory_space<vmem>>, vector<1x16xi32>,
      %get3A_319 = arith.index_cast %scan3A_243 : i32 to index
      %get3A_320 = arith.constant 109 : index
      %get3A_321 = tpu.vector_load %arg8[%get3A_319, %get3A_320] {strides = array<i32>} : memref<80x125xi32, #tpu.memory_space<vmem>>, vector<1x16xi32>,
      %get3A_322 = vector.shape_cast %get3A_321 : vector<1x16xi32> to vector<16xi32>
      %iota3A = tpu.iota {dimensions = array<i32: 0>} : vector<16xi32>
      %ge3A = arith.constant 3 : i32
      %ge3A_323 = vector.broadcast %ge3A : i32 to vector<16xi32>
      %ge3A_324 = arith.cmpi sge, %iota3A, %ge3A_323 : vector<16xi32>
      %add3A_325 = vector.broadcast %mul3A_0 : i32 to vector<16xi32>
      %add3A_326 = arith.addi %get3A_322, %add3A_325 : vector<16xi32>
      %select_n3A = arith.select %ge3A_324, %add3A_326, %get3A_322 : vector<16xi1>, vector<16xi32>
      %swap3A_327 = arith.index_cast %scan3A_243 : i32 to index
      %swap3A_328 = arith.constant 109 : index
      %swap3A_329 = tpu.vector_load %arg8[%swap3A_327, %swap3A_328] {strides = array<i32>} : memref<80x125xi32, #tpu.memory_space<vmem>>, vector<1x16xi32>,
      %swap3A_330 = vector.shape_cast %swap3A_329 : vector<1x16xi32> to vector<16xi32>
      %swap3A_331 = vector.shape_cast %select_n3A : vector<16xi32> to vector<1x16xi32>
      tpu.vector_store %arg8[%swap3A_327, %swap3A_328], %swap3A_331 {strides = array<i32>} : memref<80x125xi32, #tpu.memory_space<vmem>>, vector<1x16xi32>,
    }
    %scan3A_21 = arith.constant 80 : i32
    %add3A = arith.constant 0 : i32
    %add3A_22 = arith.addi %mul3A_2, %add3A : i32
    "tpu.region"() ({
      %run_scoped3A = tpu.sem_alloc : memref<!tpu.dma_semaphore, #tpu.memory_space<semaphore_mem>>
      %dma_start3A = arith.constant 0 : i32
      %dma_start3A_243 = tpu.memref_slice %arg14[%add3A_22, %dma_start3A] : memref<10240x64xf32, #tpu.memory_space<vmem_shared>> -> memref<128x64xf32, #tpu.memory_space<vmem_shared>>
      %dma_start3A_244 = arith.constant 0 : i32
      %dma_start3A_245 = tpu.memref_slice %arg14[%add3A_22, %dma_start3A_244] : memref<10240x64xf32, #tpu.memory_space<vmem_shared>> -> memref<128x64xf32, #tpu.memory_space<vmem_shared>>
      tpu.enqueue_dma source(%arg12 : memref<128x64xf32, #tpu.memory_space<vmem>>) target(%dma_start3A_245 : memref<128x64xf32, #tpu.memory_space<vmem_shared>>) target_semaphore(%run_scoped3A : memref<!tpu.dma_semaphore, #tpu.memory_space<semaphore_mem>>)
      %dma_wait3A_246 = arith.constant 0 : i32
      %dma_wait3A_247 = tpu.memref_slice %arg14[%add3A_22, %dma_wait3A_246] : memref<10240x64xf32, #tpu.memory_space<vmem_shared>> -> memref<128x64xf32, #tpu.memory_space<vmem_shared>>
      %dma_wait3A_248 = arith.constant 0 : i32
      %dma_wait3A_249 = tpu.memref_slice %arg14[%add3A_22, %dma_wait3A_248] : memref<10240x64xf32, #tpu.memory_space<vmem_shared>> -> memref<128x64xf32, #tpu.memory_space<vmem_shared>>
      tpu.wait_dma2 semaphore(%run_scoped3A : memref<!tpu.dma_semaphore, #tpu.memory_space<semaphore_mem>>) src(%arg12 : memref<128x64xf32, #tpu.memory_space<vmem>>) dst(%dma_wait3A_249 : memref<128x64xf32, #tpu.memory_space<vmem_shared>>)
      tpu.yield
    }) : () -> ()
    %add3A_23 = arith.constant 128 : i32
    %add3A_24 = arith.addi %mul3A_2, %add3A_23 : i32
    "tpu.region"() ({
      %run_scoped3A = tpu.sem_alloc : memref<!tpu.dma_semaphore, #tpu.memory_space<semaphore_mem>>
      %dma_start3A = arith.constant 0 : i32
      %dma_start3A_243 = tpu.memref_slice %arg14[%add3A_24, %dma_start3A] : memref<10240x64xf32, #tpu.memory_space<vmem_shared>> -> memref<128x64xf32, #tpu.memory_space<vmem_shared>>
      %dma_start3A_244 = arith.constant 0 : i32
      %dma_start3A_245 = tpu.memref_slice %arg14[%add3A_24, %dma_start3A_244] : memref<10240x64xf32, #tpu.memory_space<vmem_shared>> -> memref<128x64xf32, #tpu.memory_space<vmem_shared>>
      tpu.enqueue_dma source(%arg12 : memref<128x64xf32, #tpu.memory_space<vmem>>) target(%dma_start3A_245 : memref<128x64xf32, #tpu.memory_space<vmem_shared>>) target_semaphore(%run_scoped3A : memref<!tpu.dma_semaphore, #tpu.memory_space<semaphore_mem>>)
      %dma_wait3A_246 = arith.constant 0 : i32
      %dma_wait3A_247 = tpu.memref_slice %arg14[%add3A_24, %dma_wait3A_246] : memref<10240x64xf32, #tpu.memory_space<vmem_shared>> -> memref<128x64xf32, #tpu.memory_space<vmem_shared>>
      %dma_wait3A_248 = arith.constant 0 : i32
      %dma_wait3A_249 = tpu.memref_slice %arg14[%add3A_24, %dma_wait3A_248] : memref<10240x64xf32, #tpu.memory_space<vmem_shared>> -> memref<128x64xf32, #tpu.memory_space<vmem_shared>>
      tpu.wait_dma2 semaphore(%run_scoped3A : memref<!tpu.dma_semaphore, #tpu.memory_space<semaphore_mem>>) src(%arg12 : memref<128x64xf32, #tpu.memory_space<vmem>>) dst(%dma_wait3A_249 : memref<128x64xf32, #tpu.memory_space<vmem_shared>>)
      tpu.yield
    }) : () -> ()
    %add3A_25 = arith.constant 256 : i32
    %add3A_26 = arith.addi %mul3A_2, %add3A_25 : i32
    "tpu.region"() ({
      %run_scoped3A = tpu.sem_alloc : memref<!tpu.dma_semaphore, #tpu.memory_space<semaphore_mem>>
      %dma_start3A = arith.constant 0 : i32
      %dma_start3A_243 = tpu.memref_slice %arg14[%add3A_26, %dma_start3A] : memref<10240x64xf32, #tpu.memory_space<vmem_shared>> -> memref<128x64xf32, #tpu.memory_space<vmem_shared>>
      %dma_start3A_244 = arith.constant 0 : i32
      %dma_start3A_245 = tpu.memref_slice %arg14[%add3A_26, %dma_start3A_244] : memref<10240x64xf32, #tpu.memory_space<vmem_shared>> -> memref<128x64xf32, #tpu.memory_space<vmem_shared>>
      tpu.enqueue_dma source(%arg12 : memref<128x64xf32, #tpu.memory_space<vmem>>) target(%dma_start3A_245 : memref<128x64xf32, #tpu.memory_space<vmem_shared>>) target_semaphore(%run_scoped3A : memref<!tpu.dma_semaphore, #tpu.memory_space<semaphore_mem>>)
      %dma_wait3A_246 = arith.constant 0 : i32
      %dma_wait3A_247 = tpu.memref_slice %arg14[%add3A_26, %dma_wait3A_246] : memref<10240x64xf32, #tpu.memory_space<vmem_shared>> -> memref<128x64xf32, #tpu.memory_space<vmem_shared>>
      %dma_wait3A_248 = arith.constant 0 : i32
      %dma_wait3A_249 = tpu.memref_slice %arg14[%add3A_26, %dma_wait3A_248] : memref<10240x64xf32, #tpu.memory_space<vmem_shared>> -> memref<128x64xf32, #tpu.memory_space<vmem_shared>>
      tpu.wait_dma2 semaphore(%run_scoped3A : memref<!tpu.dma_semaphore, #tpu.memory_space<semaphore_mem>>) src(%arg12 : memref<128x64xf32, #tpu.memory_space<vmem>>) dst(%dma_wait3A_249 : memref<128x64xf32, #tpu.memory_space<vmem_shared>>)
      tpu.yield
    }) : () -> ()
    %add3A_27 = arith.constant 384 : i32
    %add3A_28 = arith.addi %mul3A_2, %add3A_27 : i32
    "tpu.region"() ({
      %run_scoped3A = tpu.sem_alloc : memref<!tpu.dma_semaphore, #tpu.memory_space<semaphore_mem>>
      %dma_start3A = arith.constant 0 : i32
      %dma_start3A_243 = tpu.memref_slice %arg14[%add3A_28, %dma_start3A] : memref<10240x64xf32, #tpu.memory_space<vmem_shared>> -> memref<128x64xf32, #tpu.memory_space<vmem_shared>>
      %dma_start3A_244 = arith.constant 0 : i32
      %dma_start3A_245 = tpu.memref_slice %arg14[%add3A_28, %dma_start3A_244] : memref<10240x64xf32, #tpu.memory_space<vmem_shared>> -> memref<128x64xf32, #tpu.memory_space<vmem_shared>>
      tpu.enqueue_dma source(%arg12 : memref<128x64xf32, #tpu.memory_space<vmem>>) target(%dma_start3A_245 : memref<128x64xf32, #tpu.memory_space<vmem_shared>>) target_semaphore(%run_scoped3A : memref<!tpu.dma_semaphore, #tpu.memory_space<semaphore_mem>>)
      %dma_wait3A_246 = arith.constant 0 : i32
      %dma_wait3A_247 = tpu.memref_slice %arg14[%add3A_28, %dma_wait3A_246] : memref<10240x64xf32, #tpu.memory_space<vmem_shared>> -> memref<128x64xf32, #tpu.memory_space<vmem_shared>>
      %dma_wait3A_248 = arith.constant 0 : i32
      %dma_wait3A_249 = tpu.memref_slice %arg14[%add3A_28, %dma_wait3A_248] : memref<10240x64xf32, #tpu.memory_space<vmem_shared>> -> memref<128x64xf32, #tpu.memory_space<vmem_shared>>
      tpu.wait_dma2 semaphore(%run_scoped3A : memref<!tpu.dma_semaphore, #tpu.memory_space<semaphore_mem>>) src(%arg12 : memref<128x64xf32, #tpu.memory_space<vmem>>) dst(%dma_wait3A_249 : memref<128x64xf32, #tpu.memory_space<vmem_shared>>)
      tpu.yield
    }) : () -> ()
    %add3A_29 = arith.constant 512 : i32
    %add3A_30 = arith.addi %mul3A_2, %add3A_29 : i32
    "tpu.region"() ({
      %run_scoped3A = tpu.sem_alloc : memref<!tpu.dma_semaphore, #tpu.memory_space<semaphore_mem>>
      %dma_start3A = arith.constant 0 : i32
      %dma_start3A_243 = tpu.memref_slice %arg14[%add3A_30, %dma_start3A] : memref<10240x64xf32, #tpu.memory_space<vmem_shared>> -> memref<128x64xf32, #tpu.memory_space<vmem_shared>>
      %dma_start3A_244 = arith.constant 0 : i32
      %dma_start3A_245 = tpu.memref_slice %arg14[%add3A_30, %dma_start3A_244] : memref<10240x64xf32, #tpu.memory_space<vmem_shared>> -> memref<128x64xf32, #tpu.memory_space<vmem_shared>>
      tpu.enqueue_dma source(%arg12 : memref<128x64xf32, #tpu.memory_space<vmem>>) target(%dma_start3A_245 : memref<128x64xf32, #tpu.memory_space<vmem_shared>>) target_semaphore(%run_scoped3A : memref<!tpu.dma_semaphore, #tpu.memory_space<semaphore_mem>>)
      %dma_wait3A_246 = arith.constant 0 : i32
      %dma_wait3A_247 = tpu.memref_slice %arg14[%add3A_30, %dma_wait3A_246] : memref<10240x64xf32, #tpu.memory_space<vmem_shared>> -> memref<128x64xf32, #tpu.memory_space<vmem_shared>>
      %dma_wait3A_248 = arith.constant 0 : i32
      %dma_wait3A_249 = tpu.memref_slice %arg14[%add3A_30, %dma_wait3A_248] : memref<10240x64xf32, #tpu.memory_space<vmem_shared>> -> memref<128x64xf32, #tpu.memory_space<vmem_shared>>
      tpu.wait_dma2 semaphore(%run_scoped3A : memref<!tpu.dma_semaphore, #tpu.memory_space<semaphore_mem>>) src(%arg12 : memref<128x64xf32, #tpu.memory_space<vmem>>) dst(%dma_wait3A_249 : memref<128x64xf32, #tpu.memory_space<vmem_shared>>)
      tpu.yield
    }) : () -> ()
    "tpu.region"() ({
      %run_scoped3A = tpu.sem_alloc : memref<!tpu.dma_semaphore, #tpu.memory_space<semaphore_mem>>
      %dma_start3A = arith.constant 0 : i32
      %dma_start3A_243 = tpu.memref_slice %arg15[%mul3A_2, %dma_start3A] : memref<10240x16xf32, #tpu.memory_space<vmem_shared>> -> memref<640x16xf32, #tpu.memory_space<vmem_shared>>
      %dma_start3A_244 = arith.constant 0 : i32
      %dma_start3A_245 = tpu.memref_slice %arg15[%mul3A_2, %dma_start3A_244] : memref<10240x16xf32, #tpu.memory_space<vmem_shared>> -> memref<640x16xf32, #tpu.memory_space<vmem_shared>>
      tpu.enqueue_dma source(%arg13 : memref<640x16xf32, #tpu.memory_space<vmem>>) target(%dma_start3A_245 : memref<640x16xf32, #tpu.memory_space<vmem_shared>>) target_semaphore(%run_scoped3A : memref<!tpu.dma_semaphore, #tpu.memory_space<semaphore_mem>>)
      %dma_wait3A_246 = arith.constant 0 : i32
      %dma_wait3A_247 = tpu.memref_slice %arg15[%mul3A_2, %dma_wait3A_246] : memref<10240x16xf32, #tpu.memory_space<vmem_shared>> -> memref<640x16xf32, #tpu.memory_space<vmem_shared>>
      %dma_wait3A_248 = arith.constant 0 : i32
      %dma_wait3A_249 = tpu.memref_slice %arg15[%mul3A_2, %dma_wait3A_248] : memref<10240x16xf32, #tpu.memory_space<vmem_shared>> -> memref<640x16xf32, #tpu.memory_space<vmem_shared>>
      tpu.wait_dma2 semaphore(%run_scoped3A : memref<!tpu.dma_semaphore, #tpu.memory_space<semaphore_mem>>) src(%arg13 : memref<640x16xf32, #tpu.memory_space<vmem>>) dst(%dma_wait3A_249 : memref<640x16xf32, #tpu.memory_space<vmem_shared>>)
      tpu.yield
    }) : () -> ()
    %barrier3A = arith.constant 0 : index
    tpu.barrier barrier_id(%barrier3A)
    %scan3A_31 = arith.constant 0 : i32
    %scan3A_32 = arith.constant 20 : i32
    %scan3A_33 = arith.addi %scan3A_31, %scan3A_32 : i32
    %scan3A_34 = arith.constant 1 : i32
    scf.for %scan3A_243 = %scan3A_31 to %scan3A_33 step %scan3A_34  : i32 {
      %mul3A_244 = arith.constant 4 : i32
      %mul3A_245 = arith.muli %scan3A_243, %mul3A_244 : i32
      %add3A_246 = arith.constant 0 : i32
      %add3A_247 = arith.addi %mul3A_245, %add3A_246 : i32
      %gt3A = arith.constant 0 : i32
      %gt3A_248 = arith.cmpi sgt, %scan3A_243, %gt3A : i32
      %convert_element_type3A_249 = arith.extui %gt3A_248 : i1 to i32
      %cond3A_250 = arith.constant 0 : i32
      %cond3A_251 = arith.cmpi ne, %convert_element_type3A_249, %cond3A_250 : i32
      scf.if %cond3A_251 {
        %dma_wait3A_498 = arith.constant 0 : i32
        %dma_wait3A_499 = arith.constant 0 : i32
        %dma_wait3A_500 = arith.constant 0 : i32
        %dma_wait3A_501 = arith.constant 0 : i32
        %dma_wait3A_502 = tpu.memref_slice %arg10[%dma_wait3A_498, %dma_wait3A_500, %dma_wait3A_501] : memref<4x125x64xf32, #tpu.memory_space<vmem>> -> memref<1x125x64xf32, #tpu.memory_space<vmem>>
        %dma_wait3A_503 = tpu.memref_squeeze %dma_wait3A_502 : memref<1x125x64xf32, #tpu.memory_space<vmem>> -> memref<125x64xf32, #tpu.memory_space<vmem>>
        %dma_wait3A_504 = arith.constant 0 : i32
        %dma_wait3A_505 = arith.constant 0 : i32
        %dma_wait3A_506 = tpu.memref_slice %arg2[%dma_wait3A_504, %dma_wait3A_505] : memref<20000x64xf32, #tpu.memory_space<hbm>> -> memref<125x64xf32, #tpu.memory_space<hbm>>
        %dma_wait3A_507 = tpu.memref_slice %arg17[%dma_wait3A_499] : memref<4x!tpu.dma_semaphore, #tpu.memory_space<semaphore_mem>> -> memref<1x!tpu.dma_semaphore, #tpu.memory_space<semaphore_mem>>
        %dma_wait3A_508 = tpu.memref_squeeze %dma_wait3A_507 : memref<1x!tpu.dma_semaphore, #tpu.memory_space<semaphore_mem>> -> memref<!tpu.dma_semaphore, #tpu.memory_space<semaphore_mem>>
        %dma_wait3A_509 = arith.constant 0 : i32
        %dma_wait3A_510 = arith.constant 0 : i32
        %dma_wait3A_511 = tpu.memref_slice %arg10[%dma_wait3A_498, %dma_wait3A_509, %dma_wait3A_510] : memref<4x125x64xf32, #tpu.memory_space<vmem>> -> memref<1x125x64xf32, #tpu.memory_space<vmem>>
        %dma_wait3A_512 = tpu.memref_squeeze %dma_wait3A_511 : memref<1x125x64xf32, #tpu.memory_space<vmem>> -> memref<125x64xf32, #tpu.memory_space<vmem>>
        %dma_wait3A_513 = arith.constant 0 : i32
        %dma_wait3A_514 = arith.constant 0 : i32
        %dma_wait3A_515 = tpu.memref_slice %arg2[%dma_wait3A_513, %dma_wait3A_514] : memref<20000x64xf32, #tpu.memory_space<hbm>> -> memref<125x64xf32, #tpu.memory_space<hbm>>
        tpu.wait_dma2 semaphore(%dma_wait3A_508 : memref<!tpu.dma_semaphore, #tpu.memory_space<semaphore_mem>>) src(%dma_wait3A_515 : memref<125x64xf32, #tpu.memory_space<hbm>>) dst(%dma_wait3A_512 : memref<125x64xf32, #tpu.memory_space<vmem>>)
        %dma_wait3A_516 = arith.constant 0 : i32
        %dma_wait3A_517 = arith.constant 0 : i32
        %dma_wait3A_518 = arith.constant 0 : i32
        %dma_wait3A_519 = tpu.memref_slice %arg7[%dma_wait3A_517, %dma_wait3A_518] : memref<10240x16xf32, #tpu.memory_space<hbm>> -> memref<125x16xf32, #tpu.memory_space<hbm>>
        %dma_wait3A_520 = tpu.memref_slice %arg18[%dma_wait3A_516] : memref<4x!tpu.dma_semaphore, #tpu.memory_space<semaphore_mem>> -> memref<1x!tpu.dma_semaphore, #tpu.memory_space<semaphore_mem>>
        %dma_wait3A_521 = tpu.memref_squeeze %dma_wait3A_520 : memref<1x!tpu.dma_semaphore, #tpu.memory_space<semaphore_mem>> -> memref<!tpu.dma_semaphore, #tpu.memory_space<semaphore_mem>>
        %dma_wait3A_522 = arith.constant 0 : i32
        %dma_wait3A_523 = arith.constant 0 : i32
        %dma_wait3A_524 = tpu.memref_slice %arg7[%dma_wait3A_522, %dma_wait3A_523] : memref<10240x16xf32, #tpu.memory_space<hbm>> -> memref<125x16xf32, #tpu.memory_space<hbm>>
        tpu.wait_dma2 semaphore(%dma_wait3A_521 : memref<!tpu.dma_semaphore, #tpu.memory_space<semaphore_mem>>) src(%dma_wait3A_524 : memref<125x16xf32, #tpu.memory_space<hbm>>) dst(%arg11 : memref<125x16xf32, #tpu.memory_space<vmem>>)
      } else {
      }
      %dma_start3A = arith.constant 0 : i32
      %dma_start3A_252 = arith.constant 0 : i32
      %dma_start3A_253 = arith.constant 0 : i32
      %dma_start3A_254 = arith.constant 0 : i32
      %dma_start3A_255 = tpu.memref_slice %arg10[%dma_start3A, %dma_start3A_253, %dma_start3A_254] : memref<4x125x64xf32, #tpu.memory_space<vmem>> -> memref<1x125x64xf32, #tpu.memory_space<vmem>>
      %dma_start3A_256 = tpu.memref_squeeze %dma_start3A_255 : memref<1x125x64xf32, #tpu.memory_space<vmem>> -> memref<125x64xf32, #tpu.memory_space<vmem>>
      %dma_start3A_257 = arith.constant 0 : i32
      %dma_start3A_258 = tpu.memref_slice %arg8[%add3A_247, %dma_start3A_257] : memref<80x125xi32, #tpu.memory_space<vmem>> -> memref<1x125xi32, #tpu.memory_space<vmem>>
      %dma_start3A_259 = tpu.memref_squeeze %dma_start3A_258 : memref<1x125xi32, #tpu.memory_space<vmem>> -> memref<125xi32, #tpu.memory_space<vmem>>
      %dma_start3A_260 = arith.constant 0 : i32
      %dma_start3A_261 = arith.constant 0 : i32
      %dma_start3A_262 = tpu.memref_slice %arg2[%dma_start3A_260, %dma_start3A_261] : memref<20000x64xf32, #tpu.memory_space<hbm>> -> memref<20000x64xf32, #tpu.memory_space<hbm>>
      %dma_start3A_263 = tpu.memref_slice %arg16[%dma_start3A_252] : memref<4x!tpu.dma_semaphore, #tpu.memory_space<semaphore_mem>> -> memref<1x!tpu.dma_semaphore, #tpu.memory_space<semaphore_mem>>
      %dma_start3A_264 = tpu.memref_squeeze %dma_start3A_263 : memref<1x!tpu.dma_semaphore, #tpu.memory_space<semaphore_mem>> -> memref<!tpu.dma_semaphore, #tpu.memory_space<semaphore_mem>>
      tpu.enqueue_indirect_dma source(%dma_start3A_262 : memref<20000x64xf32, #tpu.memory_space<hbm>>) target(%dma_start3A_256 : memref<125x64xf32, #tpu.memory_space<vmem>>) offsets(%dma_start3A_259 : memref<125xi32, #tpu.memory_space<vmem>>) semaphore(%dma_start3A_264 : memref<!tpu.dma_semaphore, #tpu.memory_space<semaphore_mem>>)
      %mul3A_265 = arith.constant 4 : i32
      %mul3A_266 = arith.muli %scan3A_243, %mul3A_265 : i32
      %add3A_267 = arith.constant 1 : i32
      %add3A_268 = arith.addi %mul3A_266, %add3A_267 : i32
      %gt3A_269 = arith.constant 0 : i32
      %gt3A_270 = arith.cmpi sgt, %scan3A_243, %gt3A_269 : i32
      %convert_element_type3A_271 = arith.extui %gt3A_270 : i1 to i32
      %cond3A_272 = arith.constant 0 : i32
      %cond3A_273 = arith.cmpi ne, %convert_element_type3A_271, %cond3A_272 : i32
      scf.if %cond3A_273 {
        %dma_wait3A_498 = arith.constant 1 : i32
        %dma_wait3A_499 = arith.constant 1 : i32
        %dma_wait3A_500 = arith.constant 0 : i32
        %dma_wait3A_501 = arith.constant 0 : i32
        %dma_wait3A_502 = tpu.memref_slice %arg10[%dma_wait3A_498, %dma_wait3A_500, %dma_wait3A_501] : memref<4x125x64xf32, #tpu.memory_space<vmem>> -> memref<1x125x64xf32, #tpu.memory_space<vmem>>
        %dma_wait3A_503 = tpu.memref_squeeze %dma_wait3A_502 : memref<1x125x64xf32, #tpu.memory_space<vmem>> -> memref<125x64xf32, #tpu.memory_space<vmem>>
        %dma_wait3A_504 = arith.constant 0 : i32
        %dma_wait3A_505 = arith.constant 0 : i32
        %dma_wait3A_506 = tpu.memref_slice %arg2[%dma_wait3A_504, %dma_wait3A_505] : memref<20000x64xf32, #tpu.memory_space<hbm>> -> memref<125x64xf32, #tpu.memory_space<hbm>>
        %dma_wait3A_507 = tpu.memref_slice %arg17[%dma_wait3A_499] : memref<4x!tpu.dma_semaphore, #tpu.memory_space<semaphore_mem>> -> memref<1x!tpu.dma_semaphore, #tpu.memory_space<semaphore_mem>>
        %dma_wait3A_508 = tpu.memref_squeeze %dma_wait3A_507 : memref<1x!tpu.dma_semaphore, #tpu.memory_space<semaphore_mem>> -> memref<!tpu.dma_semaphore, #tpu.memory_space<semaphore_mem>>
        %dma_wait3A_509 = arith.constant 0 : i32
        %dma_wait3A_510 = arith.constant 0 : i32
        %dma_wait3A_511 = tpu.memref_slice %arg10[%dma_wait3A_498, %dma_wait3A_509, %dma_wait3A_510] : memref<4x125x64xf32, #tpu.memory_space<vmem>> -> memref<1x125x64xf32, #tpu.memory_space<vmem>>
        %dma_wait3A_512 = tpu.memref_squeeze %dma_wait3A_511 : memref<1x125x64xf32, #tpu.memory_space<vmem>> -> memref<125x64xf32, #tpu.memory_space<vmem>>
        %dma_wait3A_513 = arith.constant 0 : i32
        %dma_wait3A_514 = arith.constant 0 : i32
        %dma_wait3A_515 = tpu.memref_slice %arg2[%dma_wait3A_513, %dma_wait3A_514] : memref<20000x64xf32, #tpu.memory_space<hbm>> -> memref<125x64xf32, #tpu.memory_space<hbm>>
        tpu.wait_dma2 semaphore(%dma_wait3A_508 : memref<!tpu.dma_semaphore, #tpu.memory_space<semaphore_mem>>) src(%dma_wait3A_515 : memref<125x64xf32, #tpu.memory_space<hbm>>) dst(%dma_wait3A_512 : memref<125x64xf32, #tpu.memory_space<vmem>>)
        %dma_wait3A_516 = arith.constant 1 : i32
        %dma_wait3A_517 = arith.constant 0 : i32
        %dma_wait3A_518 = arith.constant 0 : i32
        %dma_wait3A_519 = tpu.memref_slice %arg7[%dma_wait3A_517, %dma_wait3A_518] : memref<10240x16xf32, #tpu.memory_space<hbm>> -> memref<125x16xf32, #tpu.memory_space<hbm>>
        %dma_wait3A_520 = tpu.memref_slice %arg18[%dma_wait3A_516] : memref<4x!tpu.dma_semaphore, #tpu.memory_space<semaphore_mem>> -> memref<1x!tpu.dma_semaphore, #tpu.memory_space<semaphore_mem>>
        %dma_wait3A_521 = tpu.memref_squeeze %dma_wait3A_520 : memref<1x!tpu.dma_semaphore, #tpu.memory_space<semaphore_mem>> -> memref<!tpu.dma_semaphore, #tpu.memory_space<semaphore_mem>>
        %dma_wait3A_522 = arith.constant 0 : i32
        %dma_wait3A_523 = arith.constant 0 : i32
        %dma_wait3A_524 = tpu.memref_slice %arg7[%dma_wait3A_522, %dma_wait3A_523] : memref<10240x16xf32, #tpu.memory_space<hbm>> -> memref<125x16xf32, #tpu.memory_space<hbm>>
        tpu.wait_dma2 semaphore(%dma_wait3A_521 : memref<!tpu.dma_semaphore, #tpu.memory_space<semaphore_mem>>) src(%dma_wait3A_524 : memref<125x16xf32, #tpu.memory_space<hbm>>) dst(%arg11 : memref<125x16xf32, #tpu.memory_space<vmem>>)
      } else {
      }
      %dma_start3A_274 = arith.constant 1 : i32
      %dma_start3A_275 = arith.constant 1 : i32
      %dma_start3A_276 = arith.constant 0 : i32
      %dma_start3A_277 = arith.constant 0 : i32
      %dma_start3A_278 = tpu.memref_slice %arg10[%dma_start3A_274, %dma_start3A_276, %dma_start3A_277] : memref<4x125x64xf32, #tpu.memory_space<vmem>> -> memref<1x125x64xf32, #tpu.memory_space<vmem>>
      %dma_start3A_279 = tpu.memref_squeeze %dma_start3A_278 : memref<1x125x64xf32, #tpu.memory_space<vmem>> -> memref<125x64xf32, #tpu.memory_space<vmem>>
      %dma_start3A_280 = arith.constant 0 : i32
      %dma_start3A_281 = tpu.memref_slice %arg8[%add3A_268, %dma_start3A_280] : memref<80x125xi32, #tpu.memory_space<vmem>> -> memref<1x125xi32, #tpu.memory_space<vmem>>
      %dma_start3A_282 = tpu.memref_squeeze %dma_start3A_281 : memref<1x125xi32, #tpu.memory_space<vmem>> -> memref<125xi32, #tpu.memory_space<vmem>>
      %dma_start3A_283 = arith.constant 0 : i32
      %dma_start3A_284 = arith.constant 0 : i32
      %dma_start3A_285 = tpu.memref_slice %arg2[%dma_start3A_283, %dma_start3A_284] : memref<20000x64xf32, #tpu.memory_space<hbm>> -> memref<20000x64xf32, #tpu.memory_space<hbm>>
      %dma_start3A_286 = tpu.memref_slice %arg16[%dma_start3A_275] : memref<4x!tpu.dma_semaphore, #tpu.memory_space<semaphore_mem>> -> memref<1x!tpu.dma_semaphore, #tpu.memory_space<semaphore_mem>>
      %dma_start3A_287 = tpu.memref_squeeze %dma_start3A_286 : memref<1x!tpu.dma_semaphore, #tpu.memory_space<semaphore_mem>> -> memref<!tpu.dma_semaphore, #tpu.memory_space<semaphore_mem>>
      tpu.enqueue_indirect_dma source(%dma_start3A_285 : memref<20000x64xf32, #tpu.memory_space<hbm>>) target(%dma_start3A_279 : memref<125x64xf32, #tpu.memory_space<vmem>>) offsets(%dma_start3A_282 : memref<125xi32, #tpu.memory_space<vmem>>) semaphore(%dma_start3A_287 : memref<!tpu.dma_semaphore, #tpu.memory_space<semaphore_mem>>)
      %mul3A_288 = arith.constant 4 : i32
      %mul3A_289 = arith.muli %scan3A_243, %mul3A_288 : i32
      %add3A_290 = arith.constant 2 : i32
      %add3A_291 = arith.addi %mul3A_289, %add3A_290 : i32
      %gt3A_292 = arith.constant 0 : i32
      %gt3A_293 = arith.cmpi sgt, %scan3A_243, %gt3A_292 : i32
      %convert_element_type3A_294 = arith.extui %gt3A_293 : i1 to i32
      %cond3A_295 = arith.constant 0 : i32
      %cond3A_296 = arith.cmpi ne, %convert_element_type3A_294, %cond3A_295 : i32
      scf.if %cond3A_296 {
        %dma_wait3A_498 = arith.constant 2 : i32
        %dma_wait3A_499 = arith.constant 2 : i32
        %dma_wait3A_500 = arith.constant 0 : i32
        %dma_wait3A_501 = arith.constant 0 : i32
        %dma_wait3A_502 = tpu.memref_slice %arg10[%dma_wait3A_498, %dma_wait3A_500, %dma_wait3A_501] : memref<4x125x64xf32, #tpu.memory_space<vmem>> -> memref<1x125x64xf32, #tpu.memory_space<vmem>>
        %dma_wait3A_503 = tpu.memref_squeeze %dma_wait3A_502 : memref<1x125x64xf32, #tpu.memory_space<vmem>> -> memref<125x64xf32, #tpu.memory_space<vmem>>
        %dma_wait3A_504 = arith.constant 0 : i32
        %dma_wait3A_505 = arith.constant 0 : i32
        %dma_wait3A_506 = tpu.memref_slice %arg2[%dma_wait3A_504, %dma_wait3A_505] : memref<20000x64xf32, #tpu.memory_space<hbm>> -> memref<125x64xf32, #tpu.memory_space<hbm>>
        %dma_wait3A_507 = tpu.memref_slice %arg17[%dma_wait3A_499] : memref<4x!tpu.dma_semaphore, #tpu.memory_space<semaphore_mem>> -> memref<1x!tpu.dma_semaphore, #tpu.memory_space<semaphore_mem>>
        %dma_wait3A_508 = tpu.memref_squeeze %dma_wait3A_507 : memref<1x!tpu.dma_semaphore, #tpu.memory_space<semaphore_mem>> -> memref<!tpu.dma_semaphore, #tpu.memory_space<semaphore_mem>>
        %dma_wait3A_509 = arith.constant 0 : i32
        %dma_wait3A_510 = arith.constant 0 : i32
        %dma_wait3A_511 = tpu.memref_slice %arg10[%dma_wait3A_498, %dma_wait3A_509, %dma_wait3A_510] : memref<4x125x64xf32, #tpu.memory_space<vmem>> -> memref<1x125x64xf32, #tpu.memory_space<vmem>>
        %dma_wait3A_512 = tpu.memref_squeeze %dma_wait3A_511 : memref<1x125x64xf32, #tpu.memory_space<vmem>> -> memref<125x64xf32, #tpu.memory_space<vmem>>
        %dma_wait3A_513 = arith.constant 0 : i32
        %dma_wait3A_514 = arith.constant 0 : i32
        %dma_wait3A_515 = tpu.memref_slice %arg2[%dma_wait3A_513, %dma_wait3A_514] : memref<20000x64xf32, #tpu.memory_space<hbm>> -> memref<125x64xf32, #tpu.memory_space<hbm>>
        tpu.wait_dma2 semaphore(%dma_wait3A_508 : memref<!tpu.dma_semaphore, #tpu.memory_space<semaphore_mem>>) src(%dma_wait3A_515 : memref<125x64xf32, #tpu.memory_space<hbm>>) dst(%dma_wait3A_512 : memref<125x64xf32, #tpu.memory_space<vmem>>)
        %dma_wait3A_516 = arith.constant 2 : i32
        %dma_wait3A_517 = arith.constant 0 : i32
        %dma_wait3A_518 = arith.constant 0 : i32
        %dma_wait3A_519 = tpu.memref_slice %arg7[%dma_wait3A_517, %dma_wait3A_518] : memref<10240x16xf32, #tpu.memory_space<hbm>> -> memref<125x16xf32, #tpu.memory_space<hbm>>
        %dma_wait3A_520 = tpu.memref_slice %arg18[%dma_wait3A_516] : memref<4x!tpu.dma_semaphore, #tpu.memory_space<semaphore_mem>> -> memref<1x!tpu.dma_semaphore, #tpu.memory_space<semaphore_mem>>
        %dma_wait3A_521 = tpu.memref_squeeze %dma_wait3A_520 : memref<1x!tpu.dma_semaphore, #tpu.memory_space<semaphore_mem>> -> memref<!tpu.dma_semaphore, #tpu.memory_space<semaphore_mem>>
        %dma_wait3A_522 = arith.constant 0 : i32
        %dma_wait3A_523 = arith.constant 0 : i32
        %dma_wait3A_524 = tpu.memref_slice %arg7[%dma_wait3A_522, %dma_wait3A_523] : memref<10240x16xf32, #tpu.memory_space<hbm>> -> memref<125x16xf32, #tpu.memory_space<hbm>>
        tpu.wait_dma2 semaphore(%dma_wait3A_521 : memref<!tpu.dma_semaphore, #tpu.memory_space<semaphore_mem>>) src(%dma_wait3A_524 : memref<125x16xf32, #tpu.memory_space<hbm>>) dst(%arg11 : memref<125x16xf32, #tpu.memory_space<vmem>>)
      } else {
      }
      %dma_start3A_297 = arith.constant 2 : i32
      %dma_start3A_298 = arith.constant 2 : i32
      %dma_start3A_299 = arith.constant 0 : i32
      %dma_start3A_300 = arith.constant 0 : i32
      %dma_start3A_301 = tpu.memref_slice %arg10[%dma_start3A_297, %dma_start3A_299, %dma_start3A_300] : memref<4x125x64xf32, #tpu.memory_space<vmem>> -> memref<1x125x64xf32, #tpu.memory_space<vmem>>
      %dma_start3A_302 = tpu.memref_squeeze %dma_start3A_301 : memref<1x125x64xf32, #tpu.memory_space<vmem>> -> memref<125x64xf32, #tpu.memory_space<vmem>>
      %dma_start3A_303 = arith.constant 0 : i32
      %dma_start3A_304 = tpu.memref_slice %arg8[%add3A_291, %dma_start3A_303] : memref<80x125xi32, #tpu.memory_space<vmem>> -> memref<1x125xi32, #tpu.memory_space<vmem>>
      %dma_start3A_305 = tpu.memref_squeeze %dma_start3A_304 : memref<1x125xi32, #tpu.memory_space<vmem>> -> memref<125xi32, #tpu.memory_space<vmem>>
      %dma_start3A_306 = arith.constant 0 : i32
      %dma_start3A_307 = arith.constant 0 : i32
      %dma_start3A_308 = tpu.memref_slice %arg2[%dma_start3A_306, %dma_start3A_307] : memref<20000x64xf32, #tpu.memory_space<hbm>> -> memref<20000x64xf32, #tpu.memory_space<hbm>>
      %dma_start3A_309 = tpu.memref_slice %arg16[%dma_start3A_298] : memref<4x!tpu.dma_semaphore, #tpu.memory_space<semaphore_mem>> -> memref<1x!tpu.dma_semaphore, #tpu.memory_space<semaphore_mem>>
      %dma_start3A_310 = tpu.memref_squeeze %dma_start3A_309 : memref<1x!tpu.dma_semaphore, #tpu.memory_space<semaphore_mem>> -> memref<!tpu.dma_semaphore, #tpu.memory_space<semaphore_mem>>
      tpu.enqueue_indirect_dma source(%dma_start3A_308 : memref<20000x64xf32, #tpu.memory_space<hbm>>) target(%dma_start3A_302 : memref<125x64xf32, #tpu.memory_space<vmem>>) offsets(%dma_start3A_305 : memref<125xi32, #tpu.memory_space<vmem>>) semaphore(%dma_start3A_310 : memref<!tpu.dma_semaphore, #tpu.memory_space<semaphore_mem>>)
      %mul3A_311 = arith.constant 4 : i32
      %mul3A_312 = arith.muli %scan3A_243, %mul3A_311 : i32
      %add3A_313 = arith.constant 3 : i32
      %add3A_314 = arith.addi %mul3A_312, %add3A_313 : i32
      %gt3A_315 = arith.constant 0 : i32
      %gt3A_316 = arith.cmpi sgt, %scan3A_243, %gt3A_315 : i32
      %convert_element_type3A_317 = arith.extui %gt3A_316 : i1 to i32
      %cond3A_318 = arith.constant 0 : i32
      %cond3A_319 = arith.cmpi ne, %convert_element_type3A_317, %cond3A_318 : i32
      scf.if %cond3A_319 {
        %dma_wait3A_498 = arith.constant 3 : i32
        %dma_wait3A_499 = arith.constant 3 : i32
        %dma_wait3A_500 = arith.constant 0 : i32
        %dma_wait3A_501 = arith.constant 0 : i32
        %dma_wait3A_502 = tpu.memref_slice %arg10[%dma_wait3A_498, %dma_wait3A_500, %dma_wait3A_501] : memref<4x125x64xf32, #tpu.memory_space<vmem>> -> memref<1x125x64xf32, #tpu.memory_space<vmem>>
        %dma_wait3A_503 = tpu.memref_squeeze %dma_wait3A_502 : memref<1x125x64xf32, #tpu.memory_space<vmem>> -> memref<125x64xf32, #tpu.memory_space<vmem>>
        %dma_wait3A_504 = arith.constant 0 : i32
        %dma_wait3A_505 = arith.constant 0 : i32
        %dma_wait3A_506 = tpu.memref_slice %arg2[%dma_wait3A_504, %dma_wait3A_505] : memref<20000x64xf32, #tpu.memory_space<hbm>> -> memref<125x64xf32, #tpu.memory_space<hbm>>
        %dma_wait3A_507 = tpu.memref_slice %arg17[%dma_wait3A_499] : memref<4x!tpu.dma_semaphore, #tpu.memory_space<semaphore_mem>> -> memref<1x!tpu.dma_semaphore, #tpu.memory_space<semaphore_mem>>
        %dma_wait3A_508 = tpu.memref_squeeze %dma_wait3A_507 : memref<1x!tpu.dma_semaphore, #tpu.memory_space<semaphore_mem>> -> memref<!tpu.dma_semaphore, #tpu.memory_space<semaphore_mem>>
        %dma_wait3A_509 = arith.constant 0 : i32
        %dma_wait3A_510 = arith.constant 0 : i32
        %dma_wait3A_511 = tpu.memref_slice %arg10[%dma_wait3A_498, %dma_wait3A_509, %dma_wait3A_510] : memref<4x125x64xf32, #tpu.memory_space<vmem>> -> memref<1x125x64xf32, #tpu.memory_space<vmem>>
        %dma_wait3A_512 = tpu.memref_squeeze %dma_wait3A_511 : memref<1x125x64xf32, #tpu.memory_space<vmem>> -> memref<125x64xf32, #tpu.memory_space<vmem>>
        %dma_wait3A_513 = arith.constant 0 : i32
        %dma_wait3A_514 = arith.constant 0 : i32
        %dma_wait3A_515 = tpu.memref_slice %arg2[%dma_wait3A_513, %dma_wait3A_514] : memref<20000x64xf32, #tpu.memory_space<hbm>> -> memref<125x64xf32, #tpu.memory_space<hbm>>
        tpu.wait_dma2 semaphore(%dma_wait3A_508 : memref<!tpu.dma_semaphore, #tpu.memory_space<semaphore_mem>>) src(%dma_wait3A_515 : memref<125x64xf32, #tpu.memory_space<hbm>>) dst(%dma_wait3A_512 : memref<125x64xf32, #tpu.memory_space<vmem>>)
        %dma_wait3A_516 = arith.constant 3 : i32
        %dma_wait3A_517 = arith.constant 0 : i32
        %dma_wait3A_518 = arith.constant 0 : i32
        %dma_wait3A_519 = tpu.memref_slice %arg7[%dma_wait3A_517, %dma_wait3A_518] : memref<10240x16xf32, #tpu.memory_space<hbm>> -> memref<125x16xf32, #tpu.memory_space<hbm>>
        %dma_wait3A_520 = tpu.memref_slice %arg18[%dma_wait3A_516] : memref<4x!tpu.dma_semaphore, #tpu.memory_space<semaphore_mem>> -> memref<1x!tpu.dma_semaphore, #tpu.memory_space<semaphore_mem>>
        %dma_wait3A_521 = tpu.memref_squeeze %dma_wait3A_520 : memref<1x!tpu.dma_semaphore, #tpu.memory_space<semaphore_mem>> -> memref<!tpu.dma_semaphore, #tpu.memory_space<semaphore_mem>>
        %dma_wait3A_522 = arith.constant 0 : i32
        %dma_wait3A_523 = arith.constant 0 : i32
        %dma_wait3A_524 = tpu.memref_slice %arg7[%dma_wait3A_522, %dma_wait3A_523] : memref<10240x16xf32, #tpu.memory_space<hbm>> -> memref<125x16xf32, #tpu.memory_space<hbm>>
        tpu.wait_dma2 semaphore(%dma_wait3A_521 : memref<!tpu.dma_semaphore, #tpu.memory_space<semaphore_mem>>) src(%dma_wait3A_524 : memref<125x16xf32, #tpu.memory_space<hbm>>) dst(%arg11 : memref<125x16xf32, #tpu.memory_space<vmem>>)
      } else {
      }
      %dma_start3A_320 = arith.constant 3 : i32
      %dma_start3A_321 = arith.constant 3 : i32
      %dma_start3A_322 = arith.constant 0 : i32
      %dma_start3A_323 = arith.constant 0 : i32
      %dma_start3A_324 = tpu.memref_slice %arg10[%dma_start3A_320, %dma_start3A_322, %dma_start3A_323] : memref<4x125x64xf32, #tpu.memory_space<vmem>> -> memref<1x125x64xf32, #tpu.memory_space<vmem>>
      %dma_start3A_325 = tpu.memref_squeeze %dma_start3A_324 : memref<1x125x64xf32, #tpu.memory_space<vmem>> -> memref<125x64xf32, #tpu.memory_space<vmem>>
      %dma_start3A_326 = arith.constant 0 : i32
      %dma_start3A_327 = tpu.memref_slice %arg8[%add3A_314, %dma_start3A_326] : memref<80x125xi32, #tpu.memory_space<vmem>> -> memref<1x125xi32, #tpu.memory_space<vmem>>
      %dma_start3A_328 = tpu.memref_squeeze %dma_start3A_327 : memref<1x125xi32, #tpu.memory_space<vmem>> -> memref<125xi32, #tpu.memory_space<vmem>>
      %dma_start3A_329 = arith.constant 0 : i32
      %dma_start3A_330 = arith.constant 0 : i32
      %dma_start3A_331 = tpu.memref_slice %arg2[%dma_start3A_329, %dma_start3A_330] : memref<20000x64xf32, #tpu.memory_space<hbm>> -> memref<20000x64xf32, #tpu.memory_space<hbm>>
      %dma_start3A_332 = tpu.memref_slice %arg16[%dma_start3A_321] : memref<4x!tpu.dma_semaphore, #tpu.memory_space<semaphore_mem>> -> memref<1x!tpu.dma_semaphore, #tpu.memory_space<semaphore_mem>>
      %dma_start3A_333 = tpu.memref_squeeze %dma_start3A_332 : memref<1x!tpu.dma_semaphore, #tpu.memory_space<semaphore_mem>> -> memref<!tpu.dma_semaphore, #tpu.memory_space<semaphore_mem>>
      tpu.enqueue_indirect_dma source(%dma_start3A_331 : memref<20000x64xf32, #tpu.memory_space<hbm>>) target(%dma_start3A_325 : memref<125x64xf32, #tpu.memory_space<vmem>>) offsets(%dma_start3A_328 : memref<125xi32, #tpu.memory_space<vmem>>) semaphore(%dma_start3A_333 : memref<!tpu.dma_semaphore, #tpu.memory_space<semaphore_mem>>)
      %mul3A_334 = arith.constant 4 : i32
      %mul3A_335 = arith.muli %scan3A_243, %mul3A_334 : i32
      %add3A_336 = arith.constant 0 : i32
      %add3A_337 = arith.addi %mul3A_335, %add3A_336 : i32
      %dma_wait3A_338 = arith.constant 0 : i32
      %dma_wait3A_339 = arith.constant 0 : i32
      %dma_wait3A_340 = arith.constant 0 : i32
      %dma_wait3A_341 = arith.constant 0 : i32
      %dma_wait3A_342 = tpu.memref_slice %arg10[%dma_wait3A_338, %dma_wait3A_340, %dma_wait3A_341] : memref<4x125x64xf32, #tpu.memory_space<vmem>> -> memref<1x125x64xf32, #tpu.memory_space<vmem>>
      %dma_wait3A_343 = tpu.memref_squeeze %dma_wait3A_342 : memref<1x125x64xf32, #tpu.memory_space<vmem>> -> memref<125x64xf32, #tpu.memory_space<vmem>>
      %dma_wait3A_344 = arith.constant 0 : i32
      %dma_wait3A_345 = tpu.memref_slice %arg8[%add3A_247, %dma_wait3A_344] : memref<80x125xi32, #tpu.memory_space<vmem>> -> memref<1x125xi32, #tpu.memory_space<vmem>>
      %dma_wait3A_346 = tpu.memref_squeeze %dma_wait3A_345 : memref<1x125xi32, #tpu.memory_space<vmem>> -> memref<125xi32, #tpu.memory_space<vmem>>
      %dma_wait3A_347 = arith.constant 0 : i32
      %dma_wait3A_348 = arith.constant 0 : i32
      %dma_wait3A_349 = tpu.memref_slice %arg2[%dma_wait3A_347, %dma_wait3A_348] : memref<20000x64xf32, #tpu.memory_space<hbm>> -> memref<20000x64xf32, #tpu.memory_space<hbm>>
      %dma_wait3A_350 = tpu.memref_slice %arg16[%dma_wait3A_339] : memref<4x!tpu.dma_semaphore, #tpu.memory_space<semaphore_mem>> -> memref<1x!tpu.dma_semaphore, #tpu.memory_space<semaphore_mem>>
      %dma_wait3A_351 = tpu.memref_squeeze %dma_wait3A_350 : memref<1x!tpu.dma_semaphore, #tpu.memory_space<semaphore_mem>> -> memref<!tpu.dma_semaphore, #tpu.memory_space<semaphore_mem>>
      tpu.wait_indirect_dma semaphore(%dma_wait3A_351 : memref<!tpu.dma_semaphore, #tpu.memory_space<semaphore_mem>>) src(%dma_wait3A_349 : memref<20000x64xf32, #tpu.memory_space<hbm>>) dst(%dma_wait3A_343 : memref<125x64xf32, #tpu.memory_space<vmem>>)
      %dma_start3A_352 = arith.constant 0 : i32
      %dma_start3A_353 = arith.constant 0 : i32
      %dma_start3A_354 = arith.constant 0 : i32
      %dma_start3A_355 = arith.constant 0 : i32
      %dma_start3A_356 = tpu.memref_slice %arg10[%dma_start3A_352, %dma_start3A_354, %dma_start3A_355] : memref<4x125x64xf32, #tpu.memory_space<vmem>> -> memref<1x125x64xf32, #tpu.memory_space<vmem>>
      %dma_start3A_357 = tpu.memref_squeeze %dma_start3A_356 : memref<1x125x64xf32, #tpu.memory_space<vmem>> -> memref<125x64xf32, #tpu.memory_space<vmem>>
      %dma_start3A_358 = arith.constant 0 : i32
      %dma_start3A_359 = tpu.memref_slice %arg9[%add3A_337, %dma_start3A_358] : memref<80x125xi32, #tpu.memory_space<vmem>> -> memref<1x125xi32, #tpu.memory_space<vmem>>
      %dma_start3A_360 = tpu.memref_squeeze %dma_start3A_359 : memref<1x125xi32, #tpu.memory_space<vmem>> -> memref<125xi32, #tpu.memory_space<vmem>>
      %dma_start3A_361 = arith.constant 0 : i32
      %dma_start3A_362 = arith.constant 0 : i32
      %dma_start3A_363 = tpu.memref_slice %arg14[%dma_start3A_361, %dma_start3A_362] : memref<10240x64xf32, #tpu.memory_space<vmem_shared>> -> memref<10240x64xf32, #tpu.memory_space<vmem_shared>>
      %dma_start3A_364 = tpu.memref_slice %arg17[%dma_start3A_353] : memref<4x!tpu.dma_semaphore, #tpu.memory_space<semaphore_mem>> -> memref<1x!tpu.dma_semaphore, #tpu.memory_space<semaphore_mem>>
      %dma_start3A_365 = tpu.memref_squeeze %dma_start3A_364 : memref<1x!tpu.dma_semaphore, #tpu.memory_space<semaphore_mem>> -> memref<!tpu.dma_semaphore, #tpu.memory_space<semaphore_mem>>
      tpu.enqueue_indirect_dma source(%dma_start3A_357 : memref<125x64xf32, #tpu.memory_space<vmem>>) target(%dma_start3A_363 : memref<10240x64xf32, #tpu.memory_space<vmem_shared>>) offsets(%dma_start3A_360 : memref<125xi32, #tpu.memory_space<vmem>>) semaphore(%dma_start3A_365 : memref<!tpu.dma_semaphore, #tpu.memory_space<semaphore_mem>>) {add = true}
      %dma_start3A_366 = arith.constant 0 : i32
      %dma_start3A_367 = arith.constant 0 : i32
      %dma_start3A_368 = tpu.memref_slice %arg9[%add3A_337, %dma_start3A_367] : memref<80x125xi32, #tpu.memory_space<vmem>> -> memref<1x125xi32, #tpu.memory_space<vmem>>
      %dma_start3A_369 = tpu.memref_squeeze %dma_start3A_368 : memref<1x125xi32, #tpu.memory_space<vmem>> -> memref<125xi32, #tpu.memory_space<vmem>>
      %dma_start3A_370 = arith.constant 0 : i32
      %dma_start3A_371 = arith.constant 0 : i32
      %dma_start3A_372 = tpu.memref_slice %arg15[%dma_start3A_370, %dma_start3A_371] : memref<10240x16xf32, #tpu.memory_space<vmem_shared>> -> memref<10240x16xf32, #tpu.memory_space<vmem_shared>>
      %dma_start3A_373 = tpu.memref_slice %arg18[%dma_start3A_366] : memref<4x!tpu.dma_semaphore, #tpu.memory_space<semaphore_mem>> -> memref<1x!tpu.dma_semaphore, #tpu.memory_space<semaphore_mem>>
      %dma_start3A_374 = tpu.memref_squeeze %dma_start3A_373 : memref<1x!tpu.dma_semaphore, #tpu.memory_space<semaphore_mem>> -> memref<!tpu.dma_semaphore, #tpu.memory_space<semaphore_mem>>
      tpu.enqueue_indirect_dma source(%arg11 : memref<125x16xf32, #tpu.memory_space<vmem>>) target(%dma_start3A_372 : memref<10240x16xf32, #tpu.memory_space<vmem_shared>>) offsets(%dma_start3A_369 : memref<125xi32, #tpu.memory_space<vmem>>) semaphore(%dma_start3A_374 : memref<!tpu.dma_semaphore, #tpu.memory_space<semaphore_mem>>) {add = true}
      %mul3A_375 = arith.constant 4 : i32
      %mul3A_376 = arith.muli %scan3A_243, %mul3A_375 : i32
      %add3A_377 = arith.constant 1 : i32
      %add3A_378 = arith.addi %mul3A_376, %add3A_377 : i32
      %dma_wait3A_379 = arith.constant 1 : i32
      %dma_wait3A_380 = arith.constant 1 : i32
      %dma_wait3A_381 = arith.constant 0 : i32
      %dma_wait3A_382 = arith.constant 0 : i32
      %dma_wait3A_383 = tpu.memref_slice %arg10[%dma_wait3A_379, %dma_wait3A_381, %dma_wait3A_382] : memref<4x125x64xf32, #tpu.memory_space<vmem>> -> memref<1x125x64xf32, #tpu.memory_space<vmem>>
      %dma_wait3A_384 = tpu.memref_squeeze %dma_wait3A_383 : memref<1x125x64xf32, #tpu.memory_space<vmem>> -> memref<125x64xf32, #tpu.memory_space<vmem>>
      %dma_wait3A_385 = arith.constant 0 : i32
      %dma_wait3A_386 = tpu.memref_slice %arg8[%add3A_268, %dma_wait3A_385] : memref<80x125xi32, #tpu.memory_space<vmem>> -> memref<1x125xi32, #tpu.memory_space<vmem>>
      %dma_wait3A_387 = tpu.memref_squeeze %dma_wait3A_386 : memref<1x125xi32, #tpu.memory_space<vmem>> -> memref<125xi32, #tpu.memory_space<vmem>>
      %dma_wait3A_388 = arith.constant 0 : i32
      %dma_wait3A_389 = arith.constant 0 : i32
      %dma_wait3A_390 = tpu.memref_slice %arg2[%dma_wait3A_388, %dma_wait3A_389] : memref<20000x64xf32, #tpu.memory_space<hbm>> -> memref<20000x64xf32, #tpu.memory_space<hbm>>
      %dma_wait3A_391 = tpu.memref_slice %arg16[%dma_wait3A_380] : memref<4x!tpu.dma_semaphore, #tpu.memory_space<semaphore_mem>> -> memref<1x!tpu.dma_semaphore, #tpu.memory_space<semaphore_mem>>
      %dma_wait3A_392 = tpu.memref_squeeze %dma_wait3A_391 : memref<1x!tpu.dma_semaphore, #tpu.memory_space<semaphore_mem>> -> memref<!tpu.dma_semaphore, #tpu.memory_space<semaphore_mem>>
      tpu.wait_indirect_dma semaphore(%dma_wait3A_392 : memref<!tpu.dma_semaphore, #tpu.memory_space<semaphore_mem>>) src(%dma_wait3A_390 : memref<20000x64xf32, #tpu.memory_space<hbm>>) dst(%dma_wait3A_384 : memref<125x64xf32, #tpu.memory_space<vmem>>)
      %dma_start3A_393 = arith.constant 1 : i32
      %dma_start3A_394 = arith.constant 1 : i32
      %dma_start3A_395 = arith.constant 0 : i32
      %dma_start3A_396 = arith.constant 0 : i32
      %dma_start3A_397 = tpu.memref_slice %arg10[%dma_start3A_393, %dma_start3A_395, %dma_start3A_396] : memref<4x125x64xf32, #tpu.memory_space<vmem>> -> memref<1x125x64xf32, #tpu.memory_space<vmem>>
      %dma_start3A_398 = tpu.memref_squeeze %dma_start3A_397 : memref<1x125x64xf32, #tpu.memory_space<vmem>> -> memref<125x64xf32, #tpu.memory_space<vmem>>
      %dma_start3A_399 = arith.constant 0 : i32
      %dma_start3A_400 = tpu.memref_slice %arg9[%add3A_378, %dma_start3A_399] : memref<80x125xi32, #tpu.memory_space<vmem>> -> memref<1x125xi32, #tpu.memory_space<vmem>>
      %dma_start3A_401 = tpu.memref_squeeze %dma_start3A_400 : memref<1x125xi32, #tpu.memory_space<vmem>> -> memref<125xi32, #tpu.memory_space<vmem>>
      %dma_start3A_402 = arith.constant 0 : i32
      %dma_start3A_403 = arith.constant 0 : i32
      %dma_start3A_404 = tpu.memref_slice %arg14[%dma_start3A_402, %dma_start3A_403] : memref<10240x64xf32, #tpu.memory_space<vmem_shared>> -> memref<10240x64xf32, #tpu.memory_space<vmem_shared>>
      %dma_start3A_405 = tpu.memref_slice %arg17[%dma_start3A_394] : memref<4x!tpu.dma_semaphore, #tpu.memory_space<semaphore_mem>> -> memref<1x!tpu.dma_semaphore, #tpu.memory_space<semaphore_mem>>
      %dma_start3A_406 = tpu.memref_squeeze %dma_start3A_405 : memref<1x!tpu.dma_semaphore, #tpu.memory_space<semaphore_mem>> -> memref<!tpu.dma_semaphore, #tpu.memory_space<semaphore_mem>>
      tpu.enqueue_indirect_dma source(%dma_start3A_398 : memref<125x64xf32, #tpu.memory_space<vmem>>) target(%dma_start3A_404 : memref<10240x64xf32, #tpu.memory_space<vmem_shared>>) offsets(%dma_start3A_401 : memref<125xi32, #tpu.memory_space<vmem>>) semaphore(%dma_start3A_406 : memref<!tpu.dma_semaphore, #tpu.memory_space<semaphore_mem>>) {add = true}
      %dma_start3A_407 = arith.constant 1 : i32
      %dma_start3A_408 = arith.constant 0 : i32
      %dma_start3A_409 = tpu.memref_slice %arg9[%add3A_378, %dma_start3A_408] : memref<80x125xi32, #tpu.memory_space<vmem>> -> memref<1x125xi32, #tpu.memory_space<vmem>>
      %dma_start3A_410 = tpu.memref_squeeze %dma_start3A_409 : memref<1x125xi32, #tpu.memory_space<vmem>> -> memref<125xi32, #tpu.memory_space<vmem>>
      %dma_start3A_411 = arith.constant 0 : i32
      %dma_start3A_412 = arith.constant 0 : i32
      %dma_start3A_413 = tpu.memref_slice %arg15[%dma_start3A_411, %dma_start3A_412] : memref<10240x16xf32, #tpu.memory_space<vmem_shared>> -> memref<10240x16xf32, #tpu.memory_space<vmem_shared>>
      %dma_start3A_414 = tpu.memref_slice %arg18[%dma_start3A_407] : memref<4x!tpu.dma_semaphore, #tpu.memory_space<semaphore_mem>> -> memref<1x!tpu.dma_semaphore, #tpu.memory_space<semaphore_mem>>
      %dma_start3A_415 = tpu.memref_squeeze %dma_start3A_414 : memref<1x!tpu.dma_semaphore, #tpu.memory_space<semaphore_mem>> -> memref<!tpu.dma_semaphore, #tpu.memory_space<semaphore_mem>>
      tpu.enqueue_indirect_dma source(%arg11 : memref<125x16xf32, #tpu.memory_space<vmem>>) target(%dma_start3A_413 : memref<10240x16xf32, #tpu.memory_space<vmem_shared>>) offsets(%dma_start3A_410 : memref<125xi32, #tpu.memory_space<vmem>>) semaphore(%dma_start3A_415 : memref<!tpu.dma_semaphore, #tpu.memory_space<semaphore_mem>>) {add = true}
      %mul3A_416 = arith.constant 4 : i32
      %mul3A_417 = arith.muli %scan3A_243, %mul3A_416 : i32
      %add3A_418 = arith.constant 2 : i32
      %add3A_419 = arith.addi %mul3A_417, %add3A_418 : i32
      %dma_wait3A_420 = arith.constant 2 : i32
      %dma_wait3A_421 = arith.constant 2 : i32
      %dma_wait3A_422 = arith.constant 0 : i32
      %dma_wait3A_423 = arith.constant 0 : i32
      %dma_wait3A_424 = tpu.memref_slice %arg10[%dma_wait3A_420, %dma_wait3A_422, %dma_wait3A_423] : memref<4x125x64xf32, #tpu.memory_space<vmem>> -> memref<1x125x64xf32, #tpu.memory_space<vmem>>
      %dma_wait3A_425 = tpu.memref_squeeze %dma_wait3A_424 : memref<1x125x64xf32, #tpu.memory_space<vmem>> -> memref<125x64xf32, #tpu.memory_space<vmem>>
      %dma_wait3A_426 = arith.constant 0 : i32
      %dma_wait3A_427 = tpu.memref_slice %arg8[%add3A_291, %dma_wait3A_426] : memref<80x125xi32, #tpu.memory_space<vmem>> -> memref<1x125xi32, #tpu.memory_space<vmem>>
      %dma_wait3A_428 = tpu.memref_squeeze %dma_wait3A_427 : memref<1x125xi32, #tpu.memory_space<vmem>> -> memref<125xi32, #tpu.memory_space<vmem>>
      %dma_wait3A_429 = arith.constant 0 : i32
      %dma_wait3A_430 = arith.constant 0 : i32
      %dma_wait3A_431 = tpu.memref_slice %arg2[%dma_wait3A_429, %dma_wait3A_430] : memref<20000x64xf32, #tpu.memory_space<hbm>> -> memref<20000x64xf32, #tpu.memory_space<hbm>>
      %dma_wait3A_432 = tpu.memref_slice %arg16[%dma_wait3A_421] : memref<4x!tpu.dma_semaphore, #tpu.memory_space<semaphore_mem>> -> memref<1x!tpu.dma_semaphore, #tpu.memory_space<semaphore_mem>>
      %dma_wait3A_433 = tpu.memref_squeeze %dma_wait3A_432 : memref<1x!tpu.dma_semaphore, #tpu.memory_space<semaphore_mem>> -> memref<!tpu.dma_semaphore, #tpu.memory_space<semaphore_mem>>
      tpu.wait_indirect_dma semaphore(%dma_wait3A_433 : memref<!tpu.dma_semaphore, #tpu.memory_space<semaphore_mem>>) src(%dma_wait3A_431 : memref<20000x64xf32, #tpu.memory_space<hbm>>) dst(%dma_wait3A_425 : memref<125x64xf32, #tpu.memory_space<vmem>>)
      %dma_start3A_434 = arith.constant 2 : i32
      %dma_start3A_435 = arith.constant 2 : i32
      %dma_start3A_436 = arith.constant 0 : i32
      %dma_start3A_437 = arith.constant 0 : i32
      %dma_start3A_438 = tpu.memref_slice %arg10[%dma_start3A_434, %dma_start3A_436, %dma_start3A_437] : memref<4x125x64xf32, #tpu.memory_space<vmem>> -> memref<1x125x64xf32, #tpu.memory_space<vmem>>
      %dma_start3A_439 = tpu.memref_squeeze %dma_start3A_438 : memref<1x125x64xf32, #tpu.memory_space<vmem>> -> memref<125x64xf32, #tpu.memory_space<vmem>>
      %dma_start3A_440 = arith.constant 0 : i32
      %dma_start3A_441 = tpu.memref_slice %arg9[%add3A_419, %dma_start3A_440] : memref<80x125xi32, #tpu.memory_space<vmem>> -> memref<1x125xi32, #tpu.memory_space<vmem>>
      %dma_start3A_442 = tpu.memref_squeeze %dma_start3A_441 : memref<1x125xi32, #tpu.memory_space<vmem>> -> memref<125xi32, #tpu.memory_space<vmem>>
      %dma_start3A_443 = arith.constant 0 : i32
      %dma_start3A_444 = arith.constant 0 : i32
      %dma_start3A_445 = tpu.memref_slice %arg14[%dma_start3A_443, %dma_start3A_444] : memref<10240x64xf32, #tpu.memory_space<vmem_shared>> -> memref<10240x64xf32, #tpu.memory_space<vmem_shared>>
      %dma_start3A_446 = tpu.memref_slice %arg17[%dma_start3A_435] : memref<4x!tpu.dma_semaphore, #tpu.memory_space<semaphore_mem>> -> memref<1x!tpu.dma_semaphore, #tpu.memory_space<semaphore_mem>>
      %dma_start3A_447 = tpu.memref_squeeze %dma_start3A_446 : memref<1x!tpu.dma_semaphore, #tpu.memory_space<semaphore_mem>> -> memref<!tpu.dma_semaphore, #tpu.memory_space<semaphore_mem>>
      tpu.enqueue_indirect_dma source(%dma_start3A_439 : memref<125x64xf32, #tpu.memory_space<vmem>>) target(%dma_start3A_445 : memref<10240x64xf32, #tpu.memory_space<vmem_shared>>) offsets(%dma_start3A_442 : memref<125xi32, #tpu.memory_space<vmem>>) semaphore(%dma_start3A_447 : memref<!tpu.dma_semaphore, #tpu.memory_space<semaphore_mem>>) {add = true}
      %dma_start3A_448 = arith.constant 2 : i32
      %dma_start3A_449 = arith.constant 0 : i32
      %dma_start3A_450 = tpu.memref_slice %arg9[%add3A_419, %dma_start3A_449] : memref<80x125xi32, #tpu.memory_space<vmem>> -> memref<1x125xi32, #tpu.memory_space<vmem>>
      %dma_start3A_451 = tpu.memref_squeeze %dma_start3A_450 : memref<1x125xi32, #tpu.memory_space<vmem>> -> memref<125xi32, #tpu.memory_space<vmem>>
      %dma_start3A_452 = arith.constant 0 : i32
      %dma_start3A_453 = arith.constant 0 : i32
      %dma_start3A_454 = tpu.memref_slice %arg15[%dma_start3A_452, %dma_start3A_453] : memref<10240x16xf32, #tpu.memory_space<vmem_shared>> -> memref<10240x16xf32, #tpu.memory_space<vmem_shared>>
      %dma_start3A_455 = tpu.memref_slice %arg18[%dma_start3A_448] : memref<4x!tpu.dma_semaphore, #tpu.memory_space<semaphore_mem>> -> memref<1x!tpu.dma_semaphore, #tpu.memory_space<semaphore_mem>>
      %dma_start3A_456 = tpu.memref_squeeze %dma_start3A_455 : memref<1x!tpu.dma_semaphore, #tpu.memory_space<semaphore_mem>> -> memref<!tpu.dma_semaphore, #tpu.memory_space<semaphore_mem>>
      tpu.enqueue_indirect_dma source(%arg11 : memref<125x16xf32, #tpu.memory_space<vmem>>) target(%dma_start3A_454 : memref<10240x16xf32, #tpu.memory_space<vmem_shared>>) offsets(%dma_start3A_451 : memref<125xi32, #tpu.memory_space<vmem>>) semaphore(%dma_start3A_456 : memref<!tpu.dma_semaphore, #tpu.memory_space<semaphore_mem>>) {add = true}
      %mul3A_457 = arith.constant 4 : i32
      %mul3A_458 = arith.muli %scan3A_243, %mul3A_457 : i32
      %add3A_459 = arith.constant 3 : i32
      %add3A_460 = arith.addi %mul3A_458, %add3A_459 : i32
      %dma_wait3A_461 = arith.constant 3 : i32
      %dma_wait3A_462 = arith.constant 3 : i32
      %dma_wait3A_463 = arith.constant 0 : i32
      %dma_wait3A_464 = arith.constant 0 : i32
      %dma_wait3A_465 = tpu.memref_slice %arg10[%dma_wait3A_461, %dma_wait3A_463, %dma_wait3A_464] : memref<4x125x64xf32, #tpu.memory_space<vmem>> -> memref<1x125x64xf32, #tpu.memory_space<vmem>>
      %dma_wait3A_466 = tpu.memref_squeeze %dma_wait3A_465 : memref<1x125x64xf32, #tpu.memory_space<vmem>> -> memref<125x64xf32, #tpu.memory_space<vmem>>
      %dma_wait3A_467 = arith.constant 0 : i32
      %dma_wait3A_468 = tpu.memref_slice %arg8[%add3A_314, %dma_wait3A_467] : memref<80x125xi32, #tpu.memory_space<vmem>> -> memref<1x125xi32, #tpu.memory_space<vmem>>
      %dma_wait3A_469 = tpu.memref_squeeze %dma_wait3A_468 : memref<1x125xi32, #tpu.memory_space<vmem>> -> memref<125xi32, #tpu.memory_space<vmem>>
      %dma_wait3A_470 = arith.constant 0 : i32
      %dma_wait3A_471 = arith.constant 0 : i32
      %dma_wait3A_472 = tpu.memref_slice %arg2[%dma_wait3A_470, %dma_wait3A_471] : memref<20000x64xf32, #tpu.memory_space<hbm>> -> memref<20000x64xf32, #tpu.memory_space<hbm>>
      %dma_wait3A_473 = tpu.memref_slice %arg16[%dma_wait3A_462] : memref<4x!tpu.dma_semaphore, #tpu.memory_space<semaphore_mem>> -> memref<1x!tpu.dma_semaphore, #tpu.memory_space<semaphore_mem>>
      %dma_wait3A_474 = tpu.memref_squeeze %dma_wait3A_473 : memref<1x!tpu.dma_semaphore, #tpu.memory_space<semaphore_mem>> -> memref<!tpu.dma_semaphore, #tpu.memory_space<semaphore_mem>>
      tpu.wait_indirect_dma semaphore(%dma_wait3A_474 : memref<!tpu.dma_semaphore, #tpu.memory_space<semaphore_mem>>) src(%dma_wait3A_472 : memref<20000x64xf32, #tpu.memory_space<hbm>>) dst(%dma_wait3A_466 : memref<125x64xf32, #tpu.memory_space<vmem>>)
      %dma_start3A_475 = arith.constant 3 : i32
      %dma_start3A_476 = arith.constant 3 : i32
      %dma_start3A_477 = arith.constant 0 : i32
      %dma_start3A_478 = arith.constant 0 : i32
      %dma_start3A_479 = tpu.memref_slice %arg10[%dma_start3A_475, %dma_start3A_477, %dma_start3A_478] : memref<4x125x64xf32, #tpu.memory_space<vmem>> -> memref<1x125x64xf32, #tpu.memory_space<vmem>>
      %dma_start3A_480 = tpu.memref_squeeze %dma_start3A_479 : memref<1x125x64xf32, #tpu.memory_space<vmem>> -> memref<125x64xf32, #tpu.memory_space<vmem>>
      %dma_start3A_481 = arith.constant 0 : i32
      %dma_start3A_482 = tpu.memref_slice %arg9[%add3A_460, %dma_start3A_481] : memref<80x125xi32, #tpu.memory_space<vmem>> -> memref<1x125xi32, #tpu.memory_space<vmem>>
      %dma_start3A_483 = tpu.memref_squeeze %dma_start3A_482 : memref<1x125xi32, #tpu.memory_space<vmem>> -> memref<125xi32, #tpu.memory_space<vmem>>
      %dma_start3A_484 = arith.constant 0 : i32
      %dma_start3A_485 = arith.constant 0 : i32
      %dma_start3A_486 = tpu.memref_slice %arg14[%dma_start3A_484, %dma_start3A_485] : memref<10240x64xf32, #tpu.memory_space<vmem_shared>> -> memref<10240x64xf32, #tpu.memory_space<vmem_shared>>
      %dma_start3A_487 = tpu.memref_slice %arg17[%dma_start3A_476] : memref<4x!tpu.dma_semaphore, #tpu.memory_space<semaphore_mem>> -> memref<1x!tpu.dma_semaphore, #tpu.memory_space<semaphore_mem>>
      %dma_start3A_488 = tpu.memref_squeeze %dma_start3A_487 : memref<1x!tpu.dma_semaphore, #tpu.memory_space<semaphore_mem>> -> memref<!tpu.dma_semaphore, #tpu.memory_space<semaphore_mem>>
      tpu.enqueue_indirect_dma source(%dma_start3A_480 : memref<125x64xf32, #tpu.memory_space<vmem>>) target(%dma_start3A_486 : memref<10240x64xf32, #tpu.memory_space<vmem_shared>>) offsets(%dma_start3A_483 : memref<125xi32, #tpu.memory_space<vmem>>) semaphore(%dma_start3A_488 : memref<!tpu.dma_semaphore, #tpu.memory_space<semaphore_mem>>) {add = true}
      %dma_start3A_489 = arith.constant 3 : i32
      %dma_start3A_490 = arith.constant 0 : i32
      %dma_start3A_491 = tpu.memref_slice %arg9[%add3A_460, %dma_start3A_490] : memref<80x125xi32, #tpu.memory_space<vmem>> -> memref<1x125xi32, #tpu.memory_space<vmem>>
      %dma_start3A_492 = tpu.memref_squeeze %dma_start3A_491 : memref<1x125xi32, #tpu.memory_space<vmem>> -> memref<125xi32, #tpu.memory_space<vmem>>
      %dma_start3A_493 = arith.constant 0 : i32
      %dma_start3A_494 = arith.constant 0 : i32
      %dma_start3A_495 = tpu.memref_slice %arg15[%dma_start3A_493, %dma_start3A_494] : memref<10240x16xf32, #tpu.memory_space<vmem_shared>> -> memref<10240x16xf32, #tpu.memory_space<vmem_shared>>
      %dma_start3A_496 = tpu.memref_slice %arg18[%dma_start3A_489] : memref<4x!tpu.dma_semaphore, #tpu.memory_space<semaphore_mem>> -> memref<1x!tpu.dma_semaphore, #tpu.memory_space<semaphore_mem>>
      %dma_start3A_497 = tpu.memref_squeeze %dma_start3A_496 : memref<1x!tpu.dma_semaphore, #tpu.memory_space<semaphore_mem>> -> memref<!tpu.dma_semaphore, #tpu.memory_space<semaphore_mem>>
      tpu.enqueue_indirect_dma source(%arg11 : memref<125x16xf32, #tpu.memory_space<vmem>>) target(%dma_start3A_495 : memref<10240x16xf32, #tpu.memory_space<vmem_shared>>) offsets(%dma_start3A_492 : memref<125xi32, #tpu.memory_space<vmem>>) semaphore(%dma_start3A_497 : memref<!tpu.dma_semaphore, #tpu.memory_space<semaphore_mem>>) {add = true}
    }
    %scan3A_35 = arith.constant 20 : i32
    %dma_wait3A = arith.constant 0 : i32
    %dma_wait3A_36 = arith.constant 0 : i32
    %dma_wait3A_37 = arith.constant 0 : i32
    %dma_wait3A_38 = arith.constant 0 : i32
    %dma_wait3A_39 = tpu.memref_slice %arg10[%dma_wait3A, %dma_wait3A_37, %dma_wait3A_38] : memref<4x125x64xf32, #tpu.memory_space<vmem>> -> memref<1x125x64xf32, #tpu.memory_space<vmem>>
    %dma_wait3A_40 = tpu.memref_squeeze %dma_wait3A_39 : memref<1x125x64xf32, #tpu.memory_space<vmem>> -> memref<125x64xf32, #tpu.memory_space<vmem>>
    %dma_wait3A_41 = arith.constant 0 : i32
    %dma_wait3A_42 = arith.constant 0 : i32
    %dma_wait3A_43 = tpu.memref_slice %arg2[%dma_wait3A_41, %dma_wait3A_42] : memref<20000x64xf32, #tpu.memory_space<hbm>> -> memref<125x64xf32, #tpu.memory_space<hbm>>
    %dma_wait3A_44 = tpu.memref_slice %arg17[%dma_wait3A_36] : memref<4x!tpu.dma_semaphore, #tpu.memory_space<semaphore_mem>> -> memref<1x!tpu.dma_semaphore, #tpu.memory_space<semaphore_mem>>
    %dma_wait3A_45 = tpu.memref_squeeze %dma_wait3A_44 : memref<1x!tpu.dma_semaphore, #tpu.memory_space<semaphore_mem>> -> memref<!tpu.dma_semaphore, #tpu.memory_space<semaphore_mem>>
    %dma_wait3A_46 = arith.constant 0 : i32
    %dma_wait3A_47 = arith.constant 0 : i32
    %dma_wait3A_48 = tpu.memref_slice %arg10[%dma_wait3A, %dma_wait3A_46, %dma_wait3A_47] : memref<4x125x64xf32, #tpu.memory_space<vmem>> -> memref<1x125x64xf32, #tpu.memory_space<vmem>>
    %dma_wait3A_49 = tpu.memref_squeeze %dma_wait3A_48 : memref<1x125x64xf32, #tpu.memory_space<vmem>> -> memref<125x64xf32, #tpu.memory_space<vmem>>
    %dma_wait3A_50 = arith.constant 0 : i32
    %dma_wait3A_51 = arith.constant 0 : i32
    %dma_wait3A_52 = tpu.memref_slice %arg2[%dma_wait3A_50, %dma_wait3A_51] : memref<20000x64xf32, #tpu.memory_space<hbm>> -> memref<125x64xf32, #tpu.memory_space<hbm>>
    tpu.wait_dma2 semaphore(%dma_wait3A_45 : memref<!tpu.dma_semaphore, #tpu.memory_space<semaphore_mem>>) src(%dma_wait3A_52 : memref<125x64xf32, #tpu.memory_space<hbm>>) dst(%dma_wait3A_49 : memref<125x64xf32, #tpu.memory_space<vmem>>)
    %dma_wait3A_53 = arith.constant 0 : i32
    %dma_wait3A_54 = arith.constant 0 : i32
    %dma_wait3A_55 = arith.constant 0 : i32
    %dma_wait3A_56 = tpu.memref_slice %arg7[%dma_wait3A_54, %dma_wait3A_55] : memref<10240x16xf32, #tpu.memory_space<hbm>> -> memref<125x16xf32, #tpu.memory_space<hbm>>
    %dma_wait3A_57 = tpu.memref_slice %arg18[%dma_wait3A_53] : memref<4x!tpu.dma_semaphore, #tpu.memory_space<semaphore_mem>> -> memref<1x!tpu.dma_semaphore, #tpu.memory_space<semaphore_mem>>
    %dma_wait3A_58 = tpu.memref_squeeze %dma_wait3A_57 : memref<1x!tpu.dma_semaphore, #tpu.memory_space<semaphore_mem>> -> memref<!tpu.dma_semaphore, #tpu.memory_space<semaphore_mem>>
    %dma_wait3A_59 = arith.constant 0 : i32
    %dma_wait3A_60 = arith.constant 0 : i32
    %dma_wait3A_61 = tpu.memref_slice %arg7[%dma_wait3A_59, %dma_wait3A_60] : memref<10240x16xf32, #tpu.memory_space<hbm>> -> memref<125x16xf32, #tpu.memory_space<hbm>>
    tpu.wait_dma2 semaphore(%dma_wait3A_58 : memref<!tpu.dma_semaphore, #tpu.memory_space<semaphore_mem>>) src(%dma_wait3A_61 : memref<125x16xf32, #tpu.memory_space<hbm>>) dst(%arg11 : memref<125x16xf32, #tpu.memory_space<vmem>>)
    %dma_wait3A_62 = arith.constant 1 : i32
    %dma_wait3A_63 = arith.constant 1 : i32
    %dma_wait3A_64 = arith.constant 0 : i32
    %dma_wait3A_65 = arith.constant 0 : i32
    %dma_wait3A_66 = tpu.memref_slice %arg10[%dma_wait3A_62, %dma_wait3A_64, %dma_wait3A_65] : memref<4x125x64xf32, #tpu.memory_space<vmem>> -> memref<1x125x64xf32, #tpu.memory_space<vmem>>
    %dma_wait3A_67 = tpu.memref_squeeze %dma_wait3A_66 : memref<1x125x64xf32, #tpu.memory_space<vmem>> -> memref<125x64xf32, #tpu.memory_space<vmem>>
    %dma_wait3A_68 = arith.constant 0 : i32
    %dma_wait3A_69 = arith.constant 0 : i32
    %dma_wait3A_70 = tpu.memref_slice %arg2[%dma_wait3A_68, %dma_wait3A_69] : memref<20000x64xf32, #tpu.memory_space<hbm>> -> memref<125x64xf32, #tpu.memory_space<hbm>>
    %dma_wait3A_71 = tpu.memref_slice %arg17[%dma_wait3A_63] : memref<4x!tpu.dma_semaphore, #tpu.memory_space<semaphore_mem>> -> memref<1x!tpu.dma_semaphore, #tpu.memory_space<semaphore_mem>>
    %dma_wait3A_72 = tpu.memref_squeeze %dma_wait3A_71 : memref<1x!tpu.dma_semaphore, #tpu.memory_space<semaphore_mem>> -> memref<!tpu.dma_semaphore, #tpu.memory_space<semaphore_mem>>
    %dma_wait3A_73 = arith.constant 0 : i32
    %dma_wait3A_74 = arith.constant 0 : i32
    %dma_wait3A_75 = tpu.memref_slice %arg10[%dma_wait3A_62, %dma_wait3A_73, %dma_wait3A_74] : memref<4x125x64xf32, #tpu.memory_space<vmem>> -> memref<1x125x64xf32, #tpu.memory_space<vmem>>
    %dma_wait3A_76 = tpu.memref_squeeze %dma_wait3A_75 : memref<1x125x64xf32, #tpu.memory_space<vmem>> -> memref<125x64xf32, #tpu.memory_space<vmem>>
    %dma_wait3A_77 = arith.constant 0 : i32
    %dma_wait3A_78 = arith.constant 0 : i32
    %dma_wait3A_79 = tpu.memref_slice %arg2[%dma_wait3A_77, %dma_wait3A_78] : memref<20000x64xf32, #tpu.memory_space<hbm>> -> memref<125x64xf32, #tpu.memory_space<hbm>>
    tpu.wait_dma2 semaphore(%dma_wait3A_72 : memref<!tpu.dma_semaphore, #tpu.memory_space<semaphore_mem>>) src(%dma_wait3A_79 : memref<125x64xf32, #tpu.memory_space<hbm>>) dst(%dma_wait3A_76 : memref<125x64xf32, #tpu.memory_space<vmem>>)
    %dma_wait3A_80 = arith.constant 1 : i32
    %dma_wait3A_81 = arith.constant 0 : i32
    %dma_wait3A_82 = arith.constant 0 : i32
    %dma_wait3A_83 = tpu.memref_slice %arg7[%dma_wait3A_81, %dma_wait3A_82] : memref<10240x16xf32, #tpu.memory_space<hbm>> -> memref<125x16xf32, #tpu.memory_space<hbm>>
    %dma_wait3A_84 = tpu.memref_slice %arg18[%dma_wait3A_80] : memref<4x!tpu.dma_semaphore, #tpu.memory_space<semaphore_mem>> -> memref<1x!tpu.dma_semaphore, #tpu.memory_space<semaphore_mem>>
    %dma_wait3A_85 = tpu.memref_squeeze %dma_wait3A_84 : memref<1x!tpu.dma_semaphore, #tpu.memory_space<semaphore_mem>> -> memref<!tpu.dma_semaphore, #tpu.memory_space<semaphore_mem>>
    %dma_wait3A_86 = arith.constant 0 : i32
    %dma_wait3A_87 = arith.constant 0 : i32
    %dma_wait3A_88 = tpu.memref_slice %arg7[%dma_wait3A_86, %dma_wait3A_87] : memref<10240x16xf32, #tpu.memory_space<hbm>> -> memref<125x16xf32, #tpu.memory_space<hbm>>
    tpu.wait_dma2 semaphore(%dma_wait3A_85 : memref<!tpu.dma_semaphore, #tpu.memory_space<semaphore_mem>>) src(%dma_wait3A_88 : memref<125x16xf32, #tpu.memory_space<hbm>>) dst(%arg11 : memref<125x16xf32, #tpu.memory_space<vmem>>)
    %dma_wait3A_89 = arith.constant 2 : i32
    %dma_wait3A_90 = arith.constant 2 : i32
    %dma_wait3A_91 = arith.constant 0 : i32
    %dma_wait3A_92 = arith.constant 0 : i32
    %dma_wait3A_93 = tpu.memref_slice %arg10[%dma_wait3A_89, %dma_wait3A_91, %dma_wait3A_92] : memref<4x125x64xf32, #tpu.memory_space<vmem>> -> memref<1x125x64xf32, #tpu.memory_space<vmem>>
    %dma_wait3A_94 = tpu.memref_squeeze %dma_wait3A_93 : memref<1x125x64xf32, #tpu.memory_space<vmem>> -> memref<125x64xf32, #tpu.memory_space<vmem>>
    %dma_wait3A_95 = arith.constant 0 : i32
    %dma_wait3A_96 = arith.constant 0 : i32
    %dma_wait3A_97 = tpu.memref_slice %arg2[%dma_wait3A_95, %dma_wait3A_96] : memref<20000x64xf32, #tpu.memory_space<hbm>> -> memref<125x64xf32, #tpu.memory_space<hbm>>
    %dma_wait3A_98 = tpu.memref_slice %arg17[%dma_wait3A_90] : memref<4x!tpu.dma_semaphore, #tpu.memory_space<semaphore_mem>> -> memref<1x!tpu.dma_semaphore, #tpu.memory_space<semaphore_mem>>
    %dma_wait3A_99 = tpu.memref_squeeze %dma_wait3A_98 : memref<1x!tpu.dma_semaphore, #tpu.memory_space<semaphore_mem>> -> memref<!tpu.dma_semaphore, #tpu.memory_space<semaphore_mem>>
    %dma_wait3A_100 = arith.constant 0 : i32
    %dma_wait3A_101 = arith.constant 0 : i32
    %dma_wait3A_102 = tpu.memref_slice %arg10[%dma_wait3A_89, %dma_wait3A_100, %dma_wait3A_101] : memref<4x125x64xf32, #tpu.memory_space<vmem>> -> memref<1x125x64xf32, #tpu.memory_space<vmem>>
    %dma_wait3A_103 = tpu.memref_squeeze %dma_wait3A_102 : memref<1x125x64xf32, #tpu.memory_space<vmem>> -> memref<125x64xf32, #tpu.memory_space<vmem>>
    %dma_wait3A_104 = arith.constant 0 : i32
    %dma_wait3A_105 = arith.constant 0 : i32
    %dma_wait3A_106 = tpu.memref_slice %arg2[%dma_wait3A_104, %dma_wait3A_105] : memref<20000x64xf32, #tpu.memory_space<hbm>> -> memref<125x64xf32, #tpu.memory_space<hbm>>
    tpu.wait_dma2 semaphore(%dma_wait3A_99 : memref<!tpu.dma_semaphore, #tpu.memory_space<semaphore_mem>>) src(%dma_wait3A_106 : memref<125x64xf32, #tpu.memory_space<hbm>>) dst(%dma_wait3A_103 : memref<125x64xf32, #tpu.memory_space<vmem>>)
    %dma_wait3A_107 = arith.constant 2 : i32
    %dma_wait3A_108 = arith.constant 0 : i32
    %dma_wait3A_109 = arith.constant 0 : i32
    %dma_wait3A_110 = tpu.memref_slice %arg7[%dma_wait3A_108, %dma_wait3A_109] : memref<10240x16xf32, #tpu.memory_space<hbm>> -> memref<125x16xf32, #tpu.memory_space<hbm>>
    %dma_wait3A_111 = tpu.memref_slice %arg18[%dma_wait3A_107] : memref<4x!tpu.dma_semaphore, #tpu.memory_space<semaphore_mem>> -> memref<1x!tpu.dma_semaphore, #tpu.memory_space<semaphore_mem>>
    %dma_wait3A_112 = tpu.memref_squeeze %dma_wait3A_111 : memref<1x!tpu.dma_semaphore, #tpu.memory_space<semaphore_mem>> -> memref<!tpu.dma_semaphore, #tpu.memory_space<semaphore_mem>>
    %dma_wait3A_113 = arith.constant 0 : i32
    %dma_wait3A_114 = arith.constant 0 : i32
    %dma_wait3A_115 = tpu.memref_slice %arg7[%dma_wait3A_113, %dma_wait3A_114] : memref<10240x16xf32, #tpu.memory_space<hbm>> -> memref<125x16xf32, #tpu.memory_space<hbm>>
    tpu.wait_dma2 semaphore(%dma_wait3A_112 : memref<!tpu.dma_semaphore, #tpu.memory_space<semaphore_mem>>) src(%dma_wait3A_115 : memref<125x16xf32, #tpu.memory_space<hbm>>) dst(%arg11 : memref<125x16xf32, #tpu.memory_space<vmem>>)
    %dma_wait3A_116 = arith.constant 3 : i32
    %dma_wait3A_117 = arith.constant 3 : i32
    %dma_wait3A_118 = arith.constant 0 : i32
    %dma_wait3A_119 = arith.constant 0 : i32
    %dma_wait3A_120 = tpu.memref_slice %arg10[%dma_wait3A_116, %dma_wait3A_118, %dma_wait3A_119] : memref<4x125x64xf32, #tpu.memory_space<vmem>> -> memref<1x125x64xf32, #tpu.memory_space<vmem>>
    %dma_wait3A_121 = tpu.memref_squeeze %dma_wait3A_120 : memref<1x125x64xf32, #tpu.memory_space<vmem>> -> memref<125x64xf32, #tpu.memory_space<vmem>>
    %dma_wait3A_122 = arith.constant 0 : i32
    %dma_wait3A_123 = arith.constant 0 : i32
    %dma_wait3A_124 = tpu.memref_slice %arg2[%dma_wait3A_122, %dma_wait3A_123] : memref<20000x64xf32, #tpu.memory_space<hbm>> -> memref<125x64xf32, #tpu.memory_space<hbm>>
    %dma_wait3A_125 = tpu.memref_slice %arg17[%dma_wait3A_117] : memref<4x!tpu.dma_semaphore, #tpu.memory_space<semaphore_mem>> -> memref<1x!tpu.dma_semaphore, #tpu.memory_space<semaphore_mem>>
    %dma_wait3A_126 = tpu.memref_squeeze %dma_wait3A_125 : memref<1x!tpu.dma_semaphore, #tpu.memory_space<semaphore_mem>> -> memref<!tpu.dma_semaphore, #tpu.memory_space<semaphore_mem>>
    %dma_wait3A_127 = arith.constant 0 : i32
    %dma_wait3A_128 = arith.constant 0 : i32
    %dma_wait3A_129 = tpu.memref_slice %arg10[%dma_wait3A_116, %dma_wait3A_127, %dma_wait3A_128] : memref<4x125x64xf32, #tpu.memory_space<vmem>> -> memref<1x125x64xf32, #tpu.memory_space<vmem>>
    %dma_wait3A_130 = tpu.memref_squeeze %dma_wait3A_129 : memref<1x125x64xf32, #tpu.memory_space<vmem>> -> memref<125x64xf32, #tpu.memory_space<vmem>>
    %dma_wait3A_131 = arith.constant 0 : i32
    %dma_wait3A_132 = arith.constant 0 : i32
    %dma_wait3A_133 = tpu.memref_slice %arg2[%dma_wait3A_131, %dma_wait3A_132] : memref<20000x64xf32, #tpu.memory_space<hbm>> -> memref<125x64xf32, #tpu.memory_space<hbm>>
    tpu.wait_dma2 semaphore(%dma_wait3A_126 : memref<!tpu.dma_semaphore, #tpu.memory_space<semaphore_mem>>) src(%dma_wait3A_133 : memref<125x64xf32, #tpu.memory_space<hbm>>) dst(%dma_wait3A_130 : memref<125x64xf32, #tpu.memory_space<vmem>>)
    %dma_wait3A_134 = arith.constant 3 : i32
    %dma_wait3A_135 = arith.constant 0 : i32
    %dma_wait3A_136 = arith.constant 0 : i32
    %dma_wait3A_137 = tpu.memref_slice %arg7[%dma_wait3A_135, %dma_wait3A_136] : memref<10240x16xf32, #tpu.memory_space<hbm>> -> memref<125x16xf32, #tpu.memory_space<hbm>>
    %dma_wait3A_138 = tpu.memref_slice %arg18[%dma_wait3A_134] : memref<4x!tpu.dma_semaphore, #tpu.memory_space<semaphore_mem>> -> memref<1x!tpu.dma_semaphore, #tpu.memory_space<semaphore_mem>>
    %dma_wait3A_139 = tpu.memref_squeeze %dma_wait3A_138 : memref<1x!tpu.dma_semaphore, #tpu.memory_space<semaphore_mem>> -> memref<!tpu.dma_semaphore, #tpu.memory_space<semaphore_mem>>
    %dma_wait3A_140 = arith.constant 0 : i32
    %dma_wait3A_141 = arith.constant 0 : i32
    %dma_wait3A_142 = tpu.memref_slice %arg7[%dma_wait3A_140, %dma_wait3A_141] : memref<10240x16xf32, #tpu.memory_space<hbm>> -> memref<125x16xf32, #tpu.memory_space<hbm>>
    tpu.wait_dma2 semaphore(%dma_wait3A_139 : memref<!tpu.dma_semaphore, #tpu.memory_space<semaphore_mem>>) src(%dma_wait3A_142 : memref<125x16xf32, #tpu.memory_space<hbm>>) dst(%arg11 : memref<125x16xf32, #tpu.memory_space<vmem>>)
    %barrier3A_143 = arith.constant 0 : index
    tpu.barrier barrier_id(%barrier3A_143)
    %mul3A_144 = arith.constant 2 : i32
    %mul3A_145 = arith.muli %mul3A_144, %arg0 : i32
    %add3A_146 = arith.constant 0 : i32
    %add3A_147 = arith.addi %mul3A_145, %add3A_146 : i32
    "tpu.region"() ({
      %run_scoped3A = tpu.sem_alloc : memref<!tpu.dma_semaphore, #tpu.memory_space<semaphore_mem>>
      %dma_start3A = arith.constant 0 : i32
      %dma_start3A_243 = tpu.memref_slice %arg6[%add3A_147, %mul3A_2, %dma_start3A] : memref<4x10240x64xf32, #tpu.memory_space<hbm>> -> memref<1x640x64xf32, #tpu.memory_space<hbm>>
      %dma_start3A_244 = tpu.memref_squeeze %dma_start3A_243 : memref<1x640x64xf32, #tpu.memory_space<hbm>> -> memref<640x64xf32, #tpu.memory_space<hbm>>
      %dma_start3A_245 = arith.constant 0 : i32
      %dma_start3A_246 = tpu.memref_slice %arg14[%mul3A_2, %dma_start3A_245] : memref<10240x64xf32, #tpu.memory_space<vmem_shared>> -> memref<640x64xf32, #tpu.memory_space<vmem_shared>>
      tpu.enqueue_dma source(%dma_start3A_246 : memref<640x64xf32, #tpu.memory_space<vmem_shared>>) target(%dma_start3A_244 : memref<640x64xf32, #tpu.memory_space<hbm>>) target_semaphore(%run_scoped3A : memref<!tpu.dma_semaphore, #tpu.memory_space<semaphore_mem>>)
      %dma_wait3A_247 = arith.constant 0 : i32
      %dma_wait3A_248 = tpu.memref_slice %arg6[%add3A_147, %mul3A_2, %dma_wait3A_247] : memref<4x10240x64xf32, #tpu.memory_space<hbm>> -> memref<1x640x64xf32, #tpu.memory_space<hbm>>
      %dma_wait3A_249 = tpu.memref_squeeze %dma_wait3A_248 : memref<1x640x64xf32, #tpu.memory_space<hbm>> -> memref<640x64xf32, #tpu.memory_space<hbm>>
      %dma_wait3A_250 = arith.constant 0 : i32
      %dma_wait3A_251 = tpu.memref_slice %arg14[%mul3A_2, %dma_wait3A_250] : memref<10240x64xf32, #tpu.memory_space<vmem_shared>> -> memref<640x64xf32, #tpu.memory_space<vmem_shared>>
      tpu.wait_dma2 semaphore(%run_scoped3A : memref<!tpu.dma_semaphore, #tpu.memory_space<semaphore_mem>>) src(%dma_wait3A_251 : memref<640x64xf32, #tpu.memory_space<vmem_shared>>) dst(%dma_wait3A_249 : memref<640x64xf32, #tpu.memory_space<hbm>>)
      tpu.yield
    }) : () -> ()
    %eq3A = arith.constant 0 : i32
    %eq3A_148 = arith.cmpi eq, %arg0, %eq3A : i32
    %convert_element_type3A = arith.extui %eq3A_148 : i1 to i32
    %cond3A = arith.constant 0 : i32
    %cond3A_149 = arith.cmpi ne, %convert_element_type3A, %cond3A : i32
    scf.if %cond3A_149 {
      "tpu.region"() ({
        %run_scoped3A = tpu.sem_alloc : memref<!tpu.dma_semaphore, #tpu.memory_space<semaphore_mem>>
        %dma_start3A = arith.constant 0 : i32
        %dma_start3A_243 = tpu.memref_slice %arg7[%mul3A_2, %dma_start3A] : memref<10240x16xf32, #tpu.memory_space<hbm>> -> memref<640x16xf32, #tpu.memory_space<hbm>>
        %dma_start3A_244 = arith.constant 0 : i32
        %dma_start3A_245 = tpu.memref_slice %arg15[%mul3A_2, %dma_start3A_244] : memref<10240x16xf32, #tpu.memory_space<vmem_shared>> -> memref<640x16xf32, #tpu.memory_space<vmem_shared>>
        tpu.enqueue_dma source(%dma_start3A_245 : memref<640x16xf32, #tpu.memory_space<vmem_shared>>) target(%dma_start3A_243 : memref<640x16xf32, #tpu.memory_space<hbm>>) target_semaphore(%run_scoped3A : memref<!tpu.dma_semaphore, #tpu.memory_space<semaphore_mem>>)
        %dma_wait3A_246 = arith.constant 0 : i32
        %dma_wait3A_247 = tpu.memref_slice %arg7[%mul3A_2, %dma_wait3A_246] : memref<10240x16xf32, #tpu.memory_space<hbm>> -> memref<640x16xf32, #tpu.memory_space<hbm>>
        %dma_wait3A_248 = arith.constant 0 : i32
        %dma_wait3A_249 = tpu.memref_slice %arg15[%mul3A_2, %dma_wait3A_248] : memref<10240x16xf32, #tpu.memory_space<vmem_shared>> -> memref<640x16xf32, #tpu.memory_space<vmem_shared>>
        tpu.wait_dma2 semaphore(%run_scoped3A : memref<!tpu.dma_semaphore, #tpu.memory_space<semaphore_mem>>) src(%dma_wait3A_249 : memref<640x16xf32, #tpu.memory_space<vmem_shared>>) dst(%dma_wait3A_247 : memref<640x16xf32, #tpu.memory_space<hbm>>)
        tpu.yield
      }) : () -> ()
    } else {
    }
    %add3A_150 = arith.constant 0 : i32
    %add3A_151 = arith.addi %mul3A_2, %add3A_150 : i32
    "tpu.region"() ({
      %run_scoped3A = tpu.sem_alloc : memref<!tpu.dma_semaphore, #tpu.memory_space<semaphore_mem>>
      %dma_start3A = arith.constant 0 : i32
      %dma_start3A_243 = tpu.memref_slice %arg14[%add3A_151, %dma_start3A] : memref<10240x64xf32, #tpu.memory_space<vmem_shared>> -> memref<128x64xf32, #tpu.memory_space<vmem_shared>>
      %dma_start3A_244 = arith.constant 0 : i32
      %dma_start3A_245 = tpu.memref_slice %arg14[%add3A_151, %dma_start3A_244] : memref<10240x64xf32, #tpu.memory_space<vmem_shared>> -> memref<128x64xf32, #tpu.memory_space<vmem_shared>>
      tpu.enqueue_dma source(%arg12 : memref<128x64xf32, #tpu.memory_space<vmem>>) target(%dma_start3A_245 : memref<128x64xf32, #tpu.memory_space<vmem_shared>>) target_semaphore(%run_scoped3A : memref<!tpu.dma_semaphore, #tpu.memory_space<semaphore_mem>>)
      %dma_wait3A_246 = arith.constant 0 : i32
      %dma_wait3A_247 = tpu.memref_slice %arg14[%add3A_151, %dma_wait3A_246] : memref<10240x64xf32, #tpu.memory_space<vmem_shared>> -> memref<128x64xf32, #tpu.memory_space<vmem_shared>>
      %dma_wait3A_248 = arith.constant 0 : i32
      %dma_wait3A_249 = tpu.memref_slice %arg14[%add3A_151, %dma_wait3A_248] : memref<10240x64xf32, #tpu.memory_space<vmem_shared>> -> memref<128x64xf32, #tpu.memory_space<vmem_shared>>
      tpu.wait_dma2 semaphore(%run_scoped3A : memref<!tpu.dma_semaphore, #tpu.memory_space<semaphore_mem>>) src(%arg12 : memref<128x64xf32, #tpu.memory_space<vmem>>) dst(%dma_wait3A_249 : memref<128x64xf32, #tpu.memory_space<vmem_shared>>)
      tpu.yield
    }) : () -> ()
    %add3A_152 = arith.constant 128 : i32
    %add3A_153 = arith.addi %mul3A_2, %add3A_152 : i32
    "tpu.region"() ({
      %run_scoped3A = tpu.sem_alloc : memref<!tpu.dma_semaphore, #tpu.memory_space<semaphore_mem>>
      %dma_start3A = arith.constant 0 : i32
      %dma_start3A_243 = tpu.memref_slice %arg14[%add3A_153, %dma_start3A] : memref<10240x64xf32, #tpu.memory_space<vmem_shared>> -> memref<128x64xf32, #tpu.memory_space<vmem_shared>>
      %dma_start3A_244 = arith.constant 0 : i32
      %dma_start3A_245 = tpu.memref_slice %arg14[%add3A_153, %dma_start3A_244] : memref<10240x64xf32, #tpu.memory_space<vmem_shared>> -> memref<128x64xf32, #tpu.memory_space<vmem_shared>>
      tpu.enqueue_dma source(%arg12 : memref<128x64xf32, #tpu.memory_space<vmem>>) target(%dma_start3A_245 : memref<128x64xf32, #tpu.memory_space<vmem_shared>>) target_semaphore(%run_scoped3A : memref<!tpu.dma_semaphore, #tpu.memory_space<semaphore_mem>>)
      %dma_wait3A_246 = arith.constant 0 : i32
      %dma_wait3A_247 = tpu.memref_slice %arg14[%add3A_153, %dma_wait3A_246] : memref<10240x64xf32, #tpu.memory_space<vmem_shared>> -> memref<128x64xf32, #tpu.memory_space<vmem_shared>>
      %dma_wait3A_248 = arith.constant 0 : i32
      %dma_wait3A_249 = tpu.memref_slice %arg14[%add3A_153, %dma_wait3A_248] : memref<10240x64xf32, #tpu.memory_space<vmem_shared>> -> memref<128x64xf32, #tpu.memory_space<vmem_shared>>
      tpu.wait_dma2 semaphore(%run_scoped3A : memref<!tpu.dma_semaphore, #tpu.memory_space<semaphore_mem>>) src(%arg12 : memref<128x64xf32, #tpu.memory_space<vmem>>) dst(%dma_wait3A_249 : memref<128x64xf32, #tpu.memory_space<vmem_shared>>)
      tpu.yield
    }) : () -> ()
    %add3A_154 = arith.constant 256 : i32
    %add3A_155 = arith.addi %mul3A_2, %add3A_154 : i32
    "tpu.region"() ({
      %run_scoped3A = tpu.sem_alloc : memref<!tpu.dma_semaphore, #tpu.memory_space<semaphore_mem>>
      %dma_start3A = arith.constant 0 : i32
      %dma_start3A_243 = tpu.memref_slice %arg14[%add3A_155, %dma_start3A] : memref<10240x64xf32, #tpu.memory_space<vmem_shared>> -> memref<128x64xf32, #tpu.memory_space<vmem_shared>>
      %dma_start3A_244 = arith.constant 0 : i32
      %dma_start3A_245 = tpu.memref_slice %arg14[%add3A_155, %dma_start3A_244] : memref<10240x64xf32, #tpu.memory_space<vmem_shared>> -> memref<128x64xf32, #tpu.memory_space<vmem_shared>>
      tpu.enqueue_dma source(%arg12 : memref<128x64xf32, #tpu.memory_space<vmem>>) target(%dma_start3A_245 : memref<128x64xf32, #tpu.memory_space<vmem_shared>>) target_semaphore(%run_scoped3A : memref<!tpu.dma_semaphore, #tpu.memory_space<semaphore_mem>>)
      %dma_wait3A_246 = arith.constant 0 : i32
      %dma_wait3A_247 = tpu.memref_slice %arg14[%add3A_155, %dma_wait3A_246] : memref<10240x64xf32, #tpu.memory_space<vmem_shared>> -> memref<128x64xf32, #tpu.memory_space<vmem_shared>>
      %dma_wait3A_248 = arith.constant 0 : i32
      %dma_wait3A_249 = tpu.memref_slice %arg14[%add3A_155, %dma_wait3A_248] : memref<10240x64xf32, #tpu.memory_space<vmem_shared>> -> memref<128x64xf32, #tpu.memory_space<vmem_shared>>
      tpu.wait_dma2 semaphore(%run_scoped3A : memref<!tpu.dma_semaphore, #tpu.memory_space<semaphore_mem>>) src(%arg12 : memref<128x64xf32, #tpu.memory_space<vmem>>) dst(%dma_wait3A_249 : memref<128x64xf32, #tpu.memory_space<vmem_shared>>)
      tpu.yield
    }) : () -> ()
    %add3A_156 = arith.constant 384 : i32
    %add3A_157 = arith.addi %mul3A_2, %add3A_156 : i32
    "tpu.region"() ({
      %run_scoped3A = tpu.sem_alloc : memref<!tpu.dma_semaphore, #tpu.memory_space<semaphore_mem>>
      %dma_start3A = arith.constant 0 : i32
      %dma_start3A_243 = tpu.memref_slice %arg14[%add3A_157, %dma_start3A] : memref<10240x64xf32, #tpu.memory_space<vmem_shared>> -> memref<128x64xf32, #tpu.memory_space<vmem_shared>>
      %dma_start3A_244 = arith.constant 0 : i32
      %dma_start3A_245 = tpu.memref_slice %arg14[%add3A_157, %dma_start3A_244] : memref<10240x64xf32, #tpu.memory_space<vmem_shared>> -> memref<128x64xf32, #tpu.memory_space<vmem_shared>>
      tpu.enqueue_dma source(%arg12 : memref<128x64xf32, #tpu.memory_space<vmem>>) target(%dma_start3A_245 : memref<128x64xf32, #tpu.memory_space<vmem_shared>>) target_semaphore(%run_scoped3A : memref<!tpu.dma_semaphore, #tpu.memory_space<semaphore_mem>>)
      %dma_wait3A_246 = arith.constant 0 : i32
      %dma_wait3A_247 = tpu.memref_slice %arg14[%add3A_157, %dma_wait3A_246] : memref<10240x64xf32, #tpu.memory_space<vmem_shared>> -> memref<128x64xf32, #tpu.memory_space<vmem_shared>>
      %dma_wait3A_248 = arith.constant 0 : i32
      %dma_wait3A_249 = tpu.memref_slice %arg14[%add3A_157, %dma_wait3A_248] : memref<10240x64xf32, #tpu.memory_space<vmem_shared>> -> memref<128x64xf32, #tpu.memory_space<vmem_shared>>
      tpu.wait_dma2 semaphore(%run_scoped3A : memref<!tpu.dma_semaphore, #tpu.memory_space<semaphore_mem>>) src(%arg12 : memref<128x64xf32, #tpu.memory_space<vmem>>) dst(%dma_wait3A_249 : memref<128x64xf32, #tpu.memory_space<vmem_shared>>)
      tpu.yield
    }) : () -> ()
    %add3A_158 = arith.constant 512 : i32
    %add3A_159 = arith.addi %mul3A_2, %add3A_158 : i32
    "tpu.region"() ({
      %run_scoped3A = tpu.sem_alloc : memref<!tpu.dma_semaphore, #tpu.memory_space<semaphore_mem>>
      %dma_start3A = arith.constant 0 : i32
      %dma_start3A_243 = tpu.memref_slice %arg14[%add3A_159, %dma_start3A] : memref<10240x64xf32, #tpu.memory_space<vmem_shared>> -> memref<128x64xf32, #tpu.memory_space<vmem_shared>>
      %dma_start3A_244 = arith.constant 0 : i32
      %dma_start3A_245 = tpu.memref_slice %arg14[%add3A_159, %dma_start3A_244] : memref<10240x64xf32, #tpu.memory_space<vmem_shared>> -> memref<128x64xf32, #tpu.memory_space<vmem_shared>>
      tpu.enqueue_dma source(%arg12 : memref<128x64xf32, #tpu.memory_space<vmem>>) target(%dma_start3A_245 : memref<128x64xf32, #tpu.memory_space<vmem_shared>>) target_semaphore(%run_scoped3A : memref<!tpu.dma_semaphore, #tpu.memory_space<semaphore_mem>>)
      %dma_wait3A_246 = arith.constant 0 : i32
      %dma_wait3A_247 = tpu.memref_slice %arg14[%add3A_159, %dma_wait3A_246] : memref<10240x64xf32, #tpu.memory_space<vmem_shared>> -> memref<128x64xf32, #tpu.memory_space<vmem_shared>>
      %dma_wait3A_248 = arith.constant 0 : i32
      %dma_wait3A_249 = tpu.memref_slice %arg14[%add3A_159, %dma_wait3A_248] : memref<10240x64xf32, #tpu.memory_space<vmem_shared>> -> memref<128x64xf32, #tpu.memory_space<vmem_shared>>
      tpu.wait_dma2 semaphore(%run_scoped3A : memref<!tpu.dma_semaphore, #tpu.memory_space<semaphore_mem>>) src(%arg12 : memref<128x64xf32, #tpu.memory_space<vmem>>) dst(%dma_wait3A_249 : memref<128x64xf32, #tpu.memory_space<vmem_shared>>)
      tpu.yield
    }) : () -> ()
    %barrier3A_160 = arith.constant 0 : index
    tpu.barrier barrier_id(%barrier3A_160)
    %scan3A_161 = arith.constant 0 : i32
    %scan3A_162 = arith.constant 20 : i32
    %scan3A_163 = arith.addi %scan3A_161, %scan3A_162 : i32
    %scan3A_164 = arith.constant 1 : i32
    scf.for %scan3A_243 = %scan3A_161 to %scan3A_163 step %scan3A_164  : i32 {
      %mul3A_244 = arith.constant 4 : i32
      %mul3A_245 = arith.muli %scan3A_243, %mul3A_244 : i32
      %add3A_246 = arith.constant 0 : i32
      %add3A_247 = arith.addi %mul3A_245, %add3A_246 : i32
      %gt3A = arith.constant 0 : i32
      %gt3A_248 = arith.cmpi sgt, %scan3A_243, %gt3A : i32
      %convert_element_type3A_249 = arith.extui %gt3A_248 : i1 to i32
      %cond3A_250 = arith.constant 0 : i32
      %cond3A_251 = arith.cmpi ne, %convert_element_type3A_249, %cond3A_250 : i32
      scf.if %cond3A_251 {
        %dma_wait3A_462 = arith.constant 0 : i32
        %dma_wait3A_463 = arith.constant 0 : i32
        %dma_wait3A_464 = arith.constant 0 : i32
        %dma_wait3A_465 = arith.constant 0 : i32
        %dma_wait3A_466 = tpu.memref_slice %arg10[%dma_wait3A_462, %dma_wait3A_464, %dma_wait3A_465] : memref<4x125x64xf32, #tpu.memory_space<vmem>> -> memref<1x125x64xf32, #tpu.memory_space<vmem>>
        %dma_wait3A_467 = tpu.memref_squeeze %dma_wait3A_466 : memref<1x125x64xf32, #tpu.memory_space<vmem>> -> memref<125x64xf32, #tpu.memory_space<vmem>>
        %dma_wait3A_468 = arith.constant 0 : i32
        %dma_wait3A_469 = arith.constant 0 : i32
        %dma_wait3A_470 = tpu.memref_slice %arg3[%dma_wait3A_468, %dma_wait3A_469] : memref<20000x64xf32, #tpu.memory_space<hbm>> -> memref<125x64xf32, #tpu.memory_space<hbm>>
        %dma_wait3A_471 = tpu.memref_slice %arg17[%dma_wait3A_463] : memref<4x!tpu.dma_semaphore, #tpu.memory_space<semaphore_mem>> -> memref<1x!tpu.dma_semaphore, #tpu.memory_space<semaphore_mem>>
        %dma_wait3A_472 = tpu.memref_squeeze %dma_wait3A_471 : memref<1x!tpu.dma_semaphore, #tpu.memory_space<semaphore_mem>> -> memref<!tpu.dma_semaphore, #tpu.memory_space<semaphore_mem>>
        %dma_wait3A_473 = arith.constant 0 : i32
        %dma_wait3A_474 = arith.constant 0 : i32
        %dma_wait3A_475 = tpu.memref_slice %arg10[%dma_wait3A_462, %dma_wait3A_473, %dma_wait3A_474] : memref<4x125x64xf32, #tpu.memory_space<vmem>> -> memref<1x125x64xf32, #tpu.memory_space<vmem>>
        %dma_wait3A_476 = tpu.memref_squeeze %dma_wait3A_475 : memref<1x125x64xf32, #tpu.memory_space<vmem>> -> memref<125x64xf32, #tpu.memory_space<vmem>>
        %dma_wait3A_477 = arith.constant 0 : i32
        %dma_wait3A_478 = arith.constant 0 : i32
        %dma_wait3A_479 = tpu.memref_slice %arg3[%dma_wait3A_477, %dma_wait3A_478] : memref<20000x64xf32, #tpu.memory_space<hbm>> -> memref<125x64xf32, #tpu.memory_space<hbm>>
        tpu.wait_dma2 semaphore(%dma_wait3A_472 : memref<!tpu.dma_semaphore, #tpu.memory_space<semaphore_mem>>) src(%dma_wait3A_479 : memref<125x64xf32, #tpu.memory_space<hbm>>) dst(%dma_wait3A_476 : memref<125x64xf32, #tpu.memory_space<vmem>>)
      } else {
      }
      %dma_start3A = arith.constant 0 : i32
      %dma_start3A_252 = arith.constant 0 : i32
      %dma_start3A_253 = arith.constant 0 : i32
      %dma_start3A_254 = arith.constant 0 : i32
      %dma_start3A_255 = tpu.memref_slice %arg10[%dma_start3A, %dma_start3A_253, %dma_start3A_254] : memref<4x125x64xf32, #tpu.memory_space<vmem>> -> memref<1x125x64xf32, #tpu.memory_space<vmem>>
      %dma_start3A_256 = tpu.memref_squeeze %dma_start3A_255 : memref<1x125x64xf32, #tpu.memory_space<vmem>> -> memref<125x64xf32, #tpu.memory_space<vmem>>
      %dma_start3A_257 = arith.constant 0 : i32
      %dma_start3A_258 = tpu.memref_slice %arg8[%add3A_247, %dma_start3A_257] : memref<80x125xi32, #tpu.memory_space<vmem>> -> memref<1x125xi32, #tpu.memory_space<vmem>>
      %dma_start3A_259 = tpu.memref_squeeze %dma_start3A_258 : memref<1x125xi32, #tpu.memory_space<vmem>> -> memref<125xi32, #tpu.memory_space<vmem>>
      %dma_start3A_260 = arith.constant 0 : i32
      %dma_start3A_261 = arith.constant 0 : i32
      %dma_start3A_262 = tpu.memref_slice %arg3[%dma_start3A_260, %dma_start3A_261] : memref<20000x64xf32, #tpu.memory_space<hbm>> -> memref<20000x64xf32, #tpu.memory_space<hbm>>
      %dma_start3A_263 = tpu.memref_slice %arg16[%dma_start3A_252] : memref<4x!tpu.dma_semaphore, #tpu.memory_space<semaphore_mem>> -> memref<1x!tpu.dma_semaphore, #tpu.memory_space<semaphore_mem>>
      %dma_start3A_264 = tpu.memref_squeeze %dma_start3A_263 : memref<1x!tpu.dma_semaphore, #tpu.memory_space<semaphore_mem>> -> memref<!tpu.dma_semaphore, #tpu.memory_space<semaphore_mem>>
      tpu.enqueue_indirect_dma source(%dma_start3A_262 : memref<20000x64xf32, #tpu.memory_space<hbm>>) target(%dma_start3A_256 : memref<125x64xf32, #tpu.memory_space<vmem>>) offsets(%dma_start3A_259 : memref<125xi32, #tpu.memory_space<vmem>>) semaphore(%dma_start3A_264 : memref<!tpu.dma_semaphore, #tpu.memory_space<semaphore_mem>>)
      %mul3A_265 = arith.constant 4 : i32
      %mul3A_266 = arith.muli %scan3A_243, %mul3A_265 : i32
      %add3A_267 = arith.constant 1 : i32
      %add3A_268 = arith.addi %mul3A_266, %add3A_267 : i32
      %gt3A_269 = arith.constant 0 : i32
      %gt3A_270 = arith.cmpi sgt, %scan3A_243, %gt3A_269 : i32
      %convert_element_type3A_271 = arith.extui %gt3A_270 : i1 to i32
      %cond3A_272 = arith.constant 0 : i32
      %cond3A_273 = arith.cmpi ne, %convert_element_type3A_271, %cond3A_272 : i32
      scf.if %cond3A_273 {
        %dma_wait3A_462 = arith.constant 1 : i32
        %dma_wait3A_463 = arith.constant 1 : i32
        %dma_wait3A_464 = arith.constant 0 : i32
        %dma_wait3A_465 = arith.constant 0 : i32
        %dma_wait3A_466 = tpu.memref_slice %arg10[%dma_wait3A_462, %dma_wait3A_464, %dma_wait3A_465] : memref<4x125x64xf32, #tpu.memory_space<vmem>> -> memref<1x125x64xf32, #tpu.memory_space<vmem>>
        %dma_wait3A_467 = tpu.memref_squeeze %dma_wait3A_466 : memref<1x125x64xf32, #tpu.memory_space<vmem>> -> memref<125x64xf32, #tpu.memory_space<vmem>>
        %dma_wait3A_468 = arith.constant 0 : i32
        %dma_wait3A_469 = arith.constant 0 : i32
        %dma_wait3A_470 = tpu.memref_slice %arg3[%dma_wait3A_468, %dma_wait3A_469] : memref<20000x64xf32, #tpu.memory_space<hbm>> -> memref<125x64xf32, #tpu.memory_space<hbm>>
        %dma_wait3A_471 = tpu.memref_slice %arg17[%dma_wait3A_463] : memref<4x!tpu.dma_semaphore, #tpu.memory_space<semaphore_mem>> -> memref<1x!tpu.dma_semaphore, #tpu.memory_space<semaphore_mem>>
        %dma_wait3A_472 = tpu.memref_squeeze %dma_wait3A_471 : memref<1x!tpu.dma_semaphore, #tpu.memory_space<semaphore_mem>> -> memref<!tpu.dma_semaphore, #tpu.memory_space<semaphore_mem>>
        %dma_wait3A_473 = arith.constant 0 : i32
        %dma_wait3A_474 = arith.constant 0 : i32
        %dma_wait3A_475 = tpu.memref_slice %arg10[%dma_wait3A_462, %dma_wait3A_473, %dma_wait3A_474] : memref<4x125x64xf32, #tpu.memory_space<vmem>> -> memref<1x125x64xf32, #tpu.memory_space<vmem>>
        %dma_wait3A_476 = tpu.memref_squeeze %dma_wait3A_475 : memref<1x125x64xf32, #tpu.memory_space<vmem>> -> memref<125x64xf32, #tpu.memory_space<vmem>>
        %dma_wait3A_477 = arith.constant 0 : i32
        %dma_wait3A_478 = arith.constant 0 : i32
        %dma_wait3A_479 = tpu.memref_slice %arg3[%dma_wait3A_477, %dma_wait3A_478] : memref<20000x64xf32, #tpu.memory_space<hbm>> -> memref<125x64xf32, #tpu.memory_space<hbm>>
        tpu.wait_dma2 semaphore(%dma_wait3A_472 : memref<!tpu.dma_semaphore, #tpu.memory_space<semaphore_mem>>) src(%dma_wait3A_479 : memref<125x64xf32, #tpu.memory_space<hbm>>) dst(%dma_wait3A_476 : memref<125x64xf32, #tpu.memory_space<vmem>>)
      } else {
      }
      %dma_start3A_274 = arith.constant 1 : i32
      %dma_start3A_275 = arith.constant 1 : i32
      %dma_start3A_276 = arith.constant 0 : i32
      %dma_start3A_277 = arith.constant 0 : i32
      %dma_start3A_278 = tpu.memref_slice %arg10[%dma_start3A_274, %dma_start3A_276, %dma_start3A_277] : memref<4x125x64xf32, #tpu.memory_space<vmem>> -> memref<1x125x64xf32, #tpu.memory_space<vmem>>
      %dma_start3A_279 = tpu.memref_squeeze %dma_start3A_278 : memref<1x125x64xf32, #tpu.memory_space<vmem>> -> memref<125x64xf32, #tpu.memory_space<vmem>>
      %dma_start3A_280 = arith.constant 0 : i32
      %dma_start3A_281 = tpu.memref_slice %arg8[%add3A_268, %dma_start3A_280] : memref<80x125xi32, #tpu.memory_space<vmem>> -> memref<1x125xi32, #tpu.memory_space<vmem>>
      %dma_start3A_282 = tpu.memref_squeeze %dma_start3A_281 : memref<1x125xi32, #tpu.memory_space<vmem>> -> memref<125xi32, #tpu.memory_space<vmem>>
      %dma_start3A_283 = arith.constant 0 : i32
      %dma_start3A_284 = arith.constant 0 : i32
      %dma_start3A_285 = tpu.memref_slice %arg3[%dma_start3A_283, %dma_start3A_284] : memref<20000x64xf32, #tpu.memory_space<hbm>> -> memref<20000x64xf32, #tpu.memory_space<hbm>>
      %dma_start3A_286 = tpu.memref_slice %arg16[%dma_start3A_275] : memref<4x!tpu.dma_semaphore, #tpu.memory_space<semaphore_mem>> -> memref<1x!tpu.dma_semaphore, #tpu.memory_space<semaphore_mem>>
      %dma_start3A_287 = tpu.memref_squeeze %dma_start3A_286 : memref<1x!tpu.dma_semaphore, #tpu.memory_space<semaphore_mem>> -> memref<!tpu.dma_semaphore, #tpu.memory_space<semaphore_mem>>
      tpu.enqueue_indirect_dma source(%dma_start3A_285 : memref<20000x64xf32, #tpu.memory_space<hbm>>) target(%dma_start3A_279 : memref<125x64xf32, #tpu.memory_space<vmem>>) offsets(%dma_start3A_282 : memref<125xi32, #tpu.memory_space<vmem>>) semaphore(%dma_start3A_287 : memref<!tpu.dma_semaphore, #tpu.memory_space<semaphore_mem>>)
      %mul3A_288 = arith.constant 4 : i32
      %mul3A_289 = arith.muli %scan3A_243, %mul3A_288 : i32
      %add3A_290 = arith.constant 2 : i32
      %add3A_291 = arith.addi %mul3A_289, %add3A_290 : i32
      %gt3A_292 = arith.constant 0 : i32
      %gt3A_293 = arith.cmpi sgt, %scan3A_243, %gt3A_292 : i32
      %convert_element_type3A_294 = arith.extui %gt3A_293 : i1 to i32
      %cond3A_295 = arith.constant 0 : i32
      %cond3A_296 = arith.cmpi ne, %convert_element_type3A_294, %cond3A_295 : i32
      scf.if %cond3A_296 {
        %dma_wait3A_462 = arith.constant 2 : i32
        %dma_wait3A_463 = arith.constant 2 : i32
        %dma_wait3A_464 = arith.constant 0 : i32
        %dma_wait3A_465 = arith.constant 0 : i32
        %dma_wait3A_466 = tpu.memref_slice %arg10[%dma_wait3A_462, %dma_wait3A_464, %dma_wait3A_465] : memref<4x125x64xf32, #tpu.memory_space<vmem>> -> memref<1x125x64xf32, #tpu.memory_space<vmem>>
        %dma_wait3A_467 = tpu.memref_squeeze %dma_wait3A_466 : memref<1x125x64xf32, #tpu.memory_space<vmem>> -> memref<125x64xf32, #tpu.memory_space<vmem>>
        %dma_wait3A_468 = arith.constant 0 : i32
        %dma_wait3A_469 = arith.constant 0 : i32
        %dma_wait3A_470 = tpu.memref_slice %arg3[%dma_wait3A_468, %dma_wait3A_469] : memref<20000x64xf32, #tpu.memory_space<hbm>> -> memref<125x64xf32, #tpu.memory_space<hbm>>
        %dma_wait3A_471 = tpu.memref_slice %arg17[%dma_wait3A_463] : memref<4x!tpu.dma_semaphore, #tpu.memory_space<semaphore_mem>> -> memref<1x!tpu.dma_semaphore, #tpu.memory_space<semaphore_mem>>
        %dma_wait3A_472 = tpu.memref_squeeze %dma_wait3A_471 : memref<1x!tpu.dma_semaphore, #tpu.memory_space<semaphore_mem>> -> memref<!tpu.dma_semaphore, #tpu.memory_space<semaphore_mem>>
        %dma_wait3A_473 = arith.constant 0 : i32
        %dma_wait3A_474 = arith.constant 0 : i32
        %dma_wait3A_475 = tpu.memref_slice %arg10[%dma_wait3A_462, %dma_wait3A_473, %dma_wait3A_474] : memref<4x125x64xf32, #tpu.memory_space<vmem>> -> memref<1x125x64xf32, #tpu.memory_space<vmem>>
        %dma_wait3A_476 = tpu.memref_squeeze %dma_wait3A_475 : memref<1x125x64xf32, #tpu.memory_space<vmem>> -> memref<125x64xf32, #tpu.memory_space<vmem>>
        %dma_wait3A_477 = arith.constant 0 : i32
        %dma_wait3A_478 = arith.constant 0 : i32
        %dma_wait3A_479 = tpu.memref_slice %arg3[%dma_wait3A_477, %dma_wait3A_478] : memref<20000x64xf32, #tpu.memory_space<hbm>> -> memref<125x64xf32, #tpu.memory_space<hbm>>
        tpu.wait_dma2 semaphore(%dma_wait3A_472 : memref<!tpu.dma_semaphore, #tpu.memory_space<semaphore_mem>>) src(%dma_wait3A_479 : memref<125x64xf32, #tpu.memory_space<hbm>>) dst(%dma_wait3A_476 : memref<125x64xf32, #tpu.memory_space<vmem>>)
      } else {
      }
      %dma_start3A_297 = arith.constant 2 : i32
      %dma_start3A_298 = arith.constant 2 : i32
      %dma_start3A_299 = arith.constant 0 : i32
      %dma_start3A_300 = arith.constant 0 : i32
      %dma_start3A_301 = tpu.memref_slice %arg10[%dma_start3A_297, %dma_start3A_299, %dma_start3A_300] : memref<4x125x64xf32, #tpu.memory_space<vmem>> -> memref<1x125x64xf32, #tpu.memory_space<vmem>>
      %dma_start3A_302 = tpu.memref_squeeze %dma_start3A_301 : memref<1x125x64xf32, #tpu.memory_space<vmem>> -> memref<125x64xf32, #tpu.memory_space<vmem>>
      %dma_start3A_303 = arith.constant 0 : i32
      %dma_start3A_304 = tpu.memref_slice %arg8[%add3A_291, %dma_start3A_303] : memref<80x125xi32, #tpu.memory_space<vmem>> -> memref<1x125xi32, #tpu.memory_space<vmem>>
      %dma_start3A_305 = tpu.memref_squeeze %dma_start3A_304 : memref<1x125xi32, #tpu.memory_space<vmem>> -> memref<125xi32, #tpu.memory_space<vmem>>
      %dma_start3A_306 = arith.constant 0 : i32
      %dma_start3A_307 = arith.constant 0 : i32
      %dma_start3A_308 = tpu.memref_slice %arg3[%dma_start3A_306, %dma_start3A_307] : memref<20000x64xf32, #tpu.memory_space<hbm>> -> memref<20000x64xf32, #tpu.memory_space<hbm>>
      %dma_start3A_309 = tpu.memref_slice %arg16[%dma_start3A_298] : memref<4x!tpu.dma_semaphore, #tpu.memory_space<semaphore_mem>> -> memref<1x!tpu.dma_semaphore, #tpu.memory_space<semaphore_mem>>
      %dma_start3A_310 = tpu.memref_squeeze %dma_start3A_309 : memref<1x!tpu.dma_semaphore, #tpu.memory_space<semaphore_mem>> -> memref<!tpu.dma_semaphore, #tpu.memory_space<semaphore_mem>>
      tpu.enqueue_indirect_dma source(%dma_start3A_308 : memref<20000x64xf32, #tpu.memory_space<hbm>>) target(%dma_start3A_302 : memref<125x64xf32, #tpu.memory_space<vmem>>) offsets(%dma_start3A_305 : memref<125xi32, #tpu.memory_space<vmem>>) semaphore(%dma_start3A_310 : memref<!tpu.dma_semaphore, #tpu.memory_space<semaphore_mem>>)
      %mul3A_311 = arith.constant 4 : i32
      %mul3A_312 = arith.muli %scan3A_243, %mul3A_311 : i32
      %add3A_313 = arith.constant 3 : i32
      %add3A_314 = arith.addi %mul3A_312, %add3A_313 : i32
      %gt3A_315 = arith.constant 0 : i32
      %gt3A_316 = arith.cmpi sgt, %scan3A_243, %gt3A_315 : i32
      %convert_element_type3A_317 = arith.extui %gt3A_316 : i1 to i32
      %cond3A_318 = arith.constant 0 : i32
      %cond3A_319 = arith.cmpi ne, %convert_element_type3A_317, %cond3A_318 : i32
      scf.if %cond3A_319 {
        %dma_wait3A_462 = arith.constant 3 : i32
        %dma_wait3A_463 = arith.constant 3 : i32
        %dma_wait3A_464 = arith.constant 0 : i32
        %dma_wait3A_465 = arith.constant 0 : i32
        %dma_wait3A_466 = tpu.memref_slice %arg10[%dma_wait3A_462, %dma_wait3A_464, %dma_wait3A_465] : memref<4x125x64xf32, #tpu.memory_space<vmem>> -> memref<1x125x64xf32, #tpu.memory_space<vmem>>
        %dma_wait3A_467 = tpu.memref_squeeze %dma_wait3A_466 : memref<1x125x64xf32, #tpu.memory_space<vmem>> -> memref<125x64xf32, #tpu.memory_space<vmem>>
        %dma_wait3A_468 = arith.constant 0 : i32
        %dma_wait3A_469 = arith.constant 0 : i32
        %dma_wait3A_470 = tpu.memref_slice %arg3[%dma_wait3A_468, %dma_wait3A_469] : memref<20000x64xf32, #tpu.memory_space<hbm>> -> memref<125x64xf32, #tpu.memory_space<hbm>>
        %dma_wait3A_471 = tpu.memref_slice %arg17[%dma_wait3A_463] : memref<4x!tpu.dma_semaphore, #tpu.memory_space<semaphore_mem>> -> memref<1x!tpu.dma_semaphore, #tpu.memory_space<semaphore_mem>>
        %dma_wait3A_472 = tpu.memref_squeeze %dma_wait3A_471 : memref<1x!tpu.dma_semaphore, #tpu.memory_space<semaphore_mem>> -> memref<!tpu.dma_semaphore, #tpu.memory_space<semaphore_mem>>
        %dma_wait3A_473 = arith.constant 0 : i32
        %dma_wait3A_474 = arith.constant 0 : i32
        %dma_wait3A_475 = tpu.memref_slice %arg10[%dma_wait3A_462, %dma_wait3A_473, %dma_wait3A_474] : memref<4x125x64xf32, #tpu.memory_space<vmem>> -> memref<1x125x64xf32, #tpu.memory_space<vmem>>
        %dma_wait3A_476 = tpu.memref_squeeze %dma_wait3A_475 : memref<1x125x64xf32, #tpu.memory_space<vmem>> -> memref<125x64xf32, #tpu.memory_space<vmem>>
        %dma_wait3A_477 = arith.constant 0 : i32
        %dma_wait3A_478 = arith.constant 0 : i32
        %dma_wait3A_479 = tpu.memref_slice %arg3[%dma_wait3A_477, %dma_wait3A_478] : memref<20000x64xf32, #tpu.memory_space<hbm>> -> memref<125x64xf32, #tpu.memory_space<hbm>>
        tpu.wait_dma2 semaphore(%dma_wait3A_472 : memref<!tpu.dma_semaphore, #tpu.memory_space<semaphore_mem>>) src(%dma_wait3A_479 : memref<125x64xf32, #tpu.memory_space<hbm>>) dst(%dma_wait3A_476 : memref<125x64xf32, #tpu.memory_space<vmem>>)
      } else {
      }
      %dma_start3A_320 = arith.constant 3 : i32
      %dma_start3A_321 = arith.constant 3 : i32
      %dma_start3A_322 = arith.constant 0 : i32
      %dma_start3A_323 = arith.constant 0 : i32
      %dma_start3A_324 = tpu.memref_slice %arg10[%dma_start3A_320, %dma_start3A_322, %dma_start3A_323] : memref<4x125x64xf32, #tpu.memory_space<vmem>> -> memref<1x125x64xf32, #tpu.memory_space<vmem>>
      %dma_start3A_325 = tpu.memref_squeeze %dma_start3A_324 : memref<1x125x64xf32, #tpu.memory_space<vmem>> -> memref<125x64xf32, #tpu.memory_space<vmem>>
      %dma_start3A_326 = arith.constant 0 : i32
      %dma_start3A_327 = tpu.memref_slice %arg8[%add3A_314, %dma_start3A_326] : memref<80x125xi32, #tpu.memory_space<vmem>> -> memref<1x125xi32, #tpu.memory_space<vmem>>
      %dma_start3A_328 = tpu.memref_squeeze %dma_start3A_327 : memref<1x125xi32, #tpu.memory_space<vmem>> -> memref<125xi32, #tpu.memory_space<vmem>>
      %dma_start3A_329 = arith.constant 0 : i32
      %dma_start3A_330 = arith.constant 0 : i32
      %dma_start3A_331 = tpu.memref_slice %arg3[%dma_start3A_329, %dma_start3A_330] : memref<20000x64xf32, #tpu.memory_space<hbm>> -> memref<20000x64xf32, #tpu.memory_space<hbm>>
      %dma_start3A_332 = tpu.memref_slice %arg16[%dma_start3A_321] : memref<4x!tpu.dma_semaphore, #tpu.memory_space<semaphore_mem>> -> memref<1x!tpu.dma_semaphore, #tpu.memory_space<semaphore_mem>>
      %dma_start3A_333 = tpu.memref_squeeze %dma_start3A_332 : memref<1x!tpu.dma_semaphore, #tpu.memory_space<semaphore_mem>> -> memref<!tpu.dma_semaphore, #tpu.memory_space<semaphore_mem>>
      tpu.enqueue_indirect_dma source(%dma_start3A_331 : memref<20000x64xf32, #tpu.memory_space<hbm>>) target(%dma_start3A_325 : memref<125x64xf32, #tpu.memory_space<vmem>>) offsets(%dma_start3A_328 : memref<125xi32, #tpu.memory_space<vmem>>) semaphore(%dma_start3A_333 : memref<!tpu.dma_semaphore, #tpu.memory_space<semaphore_mem>>)
      %mul3A_334 = arith.constant 4 : i32
      %mul3A_335 = arith.muli %scan3A_243, %mul3A_334 : i32
      %add3A_336 = arith.constant 0 : i32
      %add3A_337 = arith.addi %mul3A_335, %add3A_336 : i32
      %dma_wait3A_338 = arith.constant 0 : i32
      %dma_wait3A_339 = arith.constant 0 : i32
      %dma_wait3A_340 = arith.constant 0 : i32
      %dma_wait3A_341 = arith.constant 0 : i32
      %dma_wait3A_342 = tpu.memref_slice %arg10[%dma_wait3A_338, %dma_wait3A_340, %dma_wait3A_341] : memref<4x125x64xf32, #tpu.memory_space<vmem>> -> memref<1x125x64xf32, #tpu.memory_space<vmem>>
      %dma_wait3A_343 = tpu.memref_squeeze %dma_wait3A_342 : memref<1x125x64xf32, #tpu.memory_space<vmem>> -> memref<125x64xf32, #tpu.memory_space<vmem>>
      %dma_wait3A_344 = arith.constant 0 : i32
      %dma_wait3A_345 = tpu.memref_slice %arg8[%add3A_247, %dma_wait3A_344] : memref<80x125xi32, #tpu.memory_space<vmem>> -> memref<1x125xi32, #tpu.memory_space<vmem>>
      %dma_wait3A_346 = tpu.memref_squeeze %dma_wait3A_345 : memref<1x125xi32, #tpu.memory_space<vmem>> -> memref<125xi32, #tpu.memory_space<vmem>>
      %dma_wait3A_347 = arith.constant 0 : i32
      %dma_wait3A_348 = arith.constant 0 : i32
      %dma_wait3A_349 = tpu.memref_slice %arg3[%dma_wait3A_347, %dma_wait3A_348] : memref<20000x64xf32, #tpu.memory_space<hbm>> -> memref<20000x64xf32, #tpu.memory_space<hbm>>
      %dma_wait3A_350 = tpu.memref_slice %arg16[%dma_wait3A_339] : memref<4x!tpu.dma_semaphore, #tpu.memory_space<semaphore_mem>> -> memref<1x!tpu.dma_semaphore, #tpu.memory_space<semaphore_mem>>
      %dma_wait3A_351 = tpu.memref_squeeze %dma_wait3A_350 : memref<1x!tpu.dma_semaphore, #tpu.memory_space<semaphore_mem>> -> memref<!tpu.dma_semaphore, #tpu.memory_space<semaphore_mem>>
      tpu.wait_indirect_dma semaphore(%dma_wait3A_351 : memref<!tpu.dma_semaphore, #tpu.memory_space<semaphore_mem>>) src(%dma_wait3A_349 : memref<20000x64xf32, #tpu.memory_space<hbm>>) dst(%dma_wait3A_343 : memref<125x64xf32, #tpu.memory_space<vmem>>)
      %dma_start3A_352 = arith.constant 0 : i32
      %dma_start3A_353 = arith.constant 0 : i32
      %dma_start3A_354 = arith.constant 0 : i32
      %dma_start3A_355 = arith.constant 0 : i32
      %dma_start3A_356 = tpu.memref_slice %arg10[%dma_start3A_352, %dma_start3A_354, %dma_start3A_355] : memref<4x125x64xf32, #tpu.memory_space<vmem>> -> memref<1x125x64xf32, #tpu.memory_space<vmem>>
      %dma_start3A_357 = tpu.memref_squeeze %dma_start3A_356 : memref<1x125x64xf32, #tpu.memory_space<vmem>> -> memref<125x64xf32, #tpu.memory_space<vmem>>
      %dma_start3A_358 = arith.constant 0 : i32
      %dma_start3A_359 = tpu.memref_slice %arg9[%add3A_337, %dma_start3A_358] : memref<80x125xi32, #tpu.memory_space<vmem>> -> memref<1x125xi32, #tpu.memory_space<vmem>>
      %dma_start3A_360 = tpu.memref_squeeze %dma_start3A_359 : memref<1x125xi32, #tpu.memory_space<vmem>> -> memref<125xi32, #tpu.memory_space<vmem>>
      %dma_start3A_361 = arith.constant 0 : i32
      %dma_start3A_362 = arith.constant 0 : i32
      %dma_start3A_363 = tpu.memref_slice %arg14[%dma_start3A_361, %dma_start3A_362] : memref<10240x64xf32, #tpu.memory_space<vmem_shared>> -> memref<10240x64xf32, #tpu.memory_space<vmem_shared>>
      %dma_start3A_364 = tpu.memref_slice %arg17[%dma_start3A_353] : memref<4x!tpu.dma_semaphore, #tpu.memory_space<semaphore_mem>> -> memref<1x!tpu.dma_semaphore, #tpu.memory_space<semaphore_mem>>
      %dma_start3A_365 = tpu.memref_squeeze %dma_start3A_364 : memref<1x!tpu.dma_semaphore, #tpu.memory_space<semaphore_mem>> -> memref<!tpu.dma_semaphore, #tpu.memory_space<semaphore_mem>>
      tpu.enqueue_indirect_dma source(%dma_start3A_357 : memref<125x64xf32, #tpu.memory_space<vmem>>) target(%dma_start3A_363 : memref<10240x64xf32, #tpu.memory_space<vmem_shared>>) offsets(%dma_start3A_360 : memref<125xi32, #tpu.memory_space<vmem>>) semaphore(%dma_start3A_365 : memref<!tpu.dma_semaphore, #tpu.memory_space<semaphore_mem>>) {add = true}
      %mul3A_366 = arith.constant 4 : i32
      %mul3A_367 = arith.muli %scan3A_243, %mul3A_366 : i32
      %add3A_368 = arith.constant 1 : i32
      %add3A_369 = arith.addi %mul3A_367, %add3A_368 : i32
      %dma_wait3A_370 = arith.constant 1 : i32
      %dma_wait3A_371 = arith.constant 1 : i32
      %dma_wait3A_372 = arith.constant 0 : i32
      %dma_wait3A_373 = arith.constant 0 : i32
      %dma_wait3A_374 = tpu.memref_slice %arg10[%dma_wait3A_370, %dma_wait3A_372, %dma_wait3A_373] : memref<4x125x64xf32, #tpu.memory_space<vmem>> -> memref<1x125x64xf32, #tpu.memory_space<vmem>>
      %dma_wait3A_375 = tpu.memref_squeeze %dma_wait3A_374 : memref<1x125x64xf32, #tpu.memory_space<vmem>> -> memref<125x64xf32, #tpu.memory_space<vmem>>
      %dma_wait3A_376 = arith.constant 0 : i32
      %dma_wait3A_377 = tpu.memref_slice %arg8[%add3A_268, %dma_wait3A_376] : memref<80x125xi32, #tpu.memory_space<vmem>> -> memref<1x125xi32, #tpu.memory_space<vmem>>
      %dma_wait3A_378 = tpu.memref_squeeze %dma_wait3A_377 : memref<1x125xi32, #tpu.memory_space<vmem>> -> memref<125xi32, #tpu.memory_space<vmem>>
      %dma_wait3A_379 = arith.constant 0 : i32
      %dma_wait3A_380 = arith.constant 0 : i32
      %dma_wait3A_381 = tpu.memref_slice %arg3[%dma_wait3A_379, %dma_wait3A_380] : memref<20000x64xf32, #tpu.memory_space<hbm>> -> memref<20000x64xf32, #tpu.memory_space<hbm>>
      %dma_wait3A_382 = tpu.memref_slice %arg16[%dma_wait3A_371] : memref<4x!tpu.dma_semaphore, #tpu.memory_space<semaphore_mem>> -> memref<1x!tpu.dma_semaphore, #tpu.memory_space<semaphore_mem>>
      %dma_wait3A_383 = tpu.memref_squeeze %dma_wait3A_382 : memref<1x!tpu.dma_semaphore, #tpu.memory_space<semaphore_mem>> -> memref<!tpu.dma_semaphore, #tpu.memory_space<semaphore_mem>>
      tpu.wait_indirect_dma semaphore(%dma_wait3A_383 : memref<!tpu.dma_semaphore, #tpu.memory_space<semaphore_mem>>) src(%dma_wait3A_381 : memref<20000x64xf32, #tpu.memory_space<hbm>>) dst(%dma_wait3A_375 : memref<125x64xf32, #tpu.memory_space<vmem>>)
      %dma_start3A_384 = arith.constant 1 : i32
      %dma_start3A_385 = arith.constant 1 : i32
      %dma_start3A_386 = arith.constant 0 : i32
      %dma_start3A_387 = arith.constant 0 : i32
      %dma_start3A_388 = tpu.memref_slice %arg10[%dma_start3A_384, %dma_start3A_386, %dma_start3A_387] : memref<4x125x64xf32, #tpu.memory_space<vmem>> -> memref<1x125x64xf32, #tpu.memory_space<vmem>>
      %dma_start3A_389 = tpu.memref_squeeze %dma_start3A_388 : memref<1x125x64xf32, #tpu.memory_space<vmem>> -> memref<125x64xf32, #tpu.memory_space<vmem>>
      %dma_start3A_390 = arith.constant 0 : i32
      %dma_start3A_391 = tpu.memref_slice %arg9[%add3A_369, %dma_start3A_390] : memref<80x125xi32, #tpu.memory_space<vmem>> -> memref<1x125xi32, #tpu.memory_space<vmem>>
      %dma_start3A_392 = tpu.memref_squeeze %dma_start3A_391 : memref<1x125xi32, #tpu.memory_space<vmem>> -> memref<125xi32, #tpu.memory_space<vmem>>
      %dma_start3A_393 = arith.constant 0 : i32
      %dma_start3A_394 = arith.constant 0 : i32
      %dma_start3A_395 = tpu.memref_slice %arg14[%dma_start3A_393, %dma_start3A_394] : memref<10240x64xf32, #tpu.memory_space<vmem_shared>> -> memref<10240x64xf32, #tpu.memory_space<vmem_shared>>
      %dma_start3A_396 = tpu.memref_slice %arg17[%dma_start3A_385] : memref<4x!tpu.dma_semaphore, #tpu.memory_space<semaphore_mem>> -> memref<1x!tpu.dma_semaphore, #tpu.memory_space<semaphore_mem>>
      %dma_start3A_397 = tpu.memref_squeeze %dma_start3A_396 : memref<1x!tpu.dma_semaphore, #tpu.memory_space<semaphore_mem>> -> memref<!tpu.dma_semaphore, #tpu.memory_space<semaphore_mem>>
      tpu.enqueue_indirect_dma source(%dma_start3A_389 : memref<125x64xf32, #tpu.memory_space<vmem>>) target(%dma_start3A_395 : memref<10240x64xf32, #tpu.memory_space<vmem_shared>>) offsets(%dma_start3A_392 : memref<125xi32, #tpu.memory_space<vmem>>) semaphore(%dma_start3A_397 : memref<!tpu.dma_semaphore, #tpu.memory_space<semaphore_mem>>) {add = true}
      %mul3A_398 = arith.constant 4 : i32
      %mul3A_399 = arith.muli %scan3A_243, %mul3A_398 : i32
      %add3A_400 = arith.constant 2 : i32
      %add3A_401 = arith.addi %mul3A_399, %add3A_400 : i32
      %dma_wait3A_402 = arith.constant 2 : i32
      %dma_wait3A_403 = arith.constant 2 : i32
      %dma_wait3A_404 = arith.constant 0 : i32
      %dma_wait3A_405 = arith.constant 0 : i32
      %dma_wait3A_406 = tpu.memref_slice %arg10[%dma_wait3A_402, %dma_wait3A_404, %dma_wait3A_405] : memref<4x125x64xf32, #tpu.memory_space<vmem>> -> memref<1x125x64xf32, #tpu.memory_space<vmem>>
      %dma_wait3A_407 = tpu.memref_squeeze %dma_wait3A_406 : memref<1x125x64xf32, #tpu.memory_space<vmem>> -> memref<125x64xf32, #tpu.memory_space<vmem>>
      %dma_wait3A_408 = arith.constant 0 : i32
      %dma_wait3A_409 = tpu.memref_slice %arg8[%add3A_291, %dma_wait3A_408] : memref<80x125xi32, #tpu.memory_space<vmem>> -> memref<1x125xi32, #tpu.memory_space<vmem>>
      %dma_wait3A_410 = tpu.memref_squeeze %dma_wait3A_409 : memref<1x125xi32, #tpu.memory_space<vmem>> -> memref<125xi32, #tpu.memory_space<vmem>>
      %dma_wait3A_411 = arith.constant 0 : i32
      %dma_wait3A_412 = arith.constant 0 : i32
      %dma_wait3A_413 = tpu.memref_slice %arg3[%dma_wait3A_411, %dma_wait3A_412] : memref<20000x64xf32, #tpu.memory_space<hbm>> -> memref<20000x64xf32, #tpu.memory_space<hbm>>
      %dma_wait3A_414 = tpu.memref_slice %arg16[%dma_wait3A_403] : memref<4x!tpu.dma_semaphore, #tpu.memory_space<semaphore_mem>> -> memref<1x!tpu.dma_semaphore, #tpu.memory_space<semaphore_mem>>
      %dma_wait3A_415 = tpu.memref_squeeze %dma_wait3A_414 : memref<1x!tpu.dma_semaphore, #tpu.memory_space<semaphore_mem>> -> memref<!tpu.dma_semaphore, #tpu.memory_space<semaphore_mem>>
      tpu.wait_indirect_dma semaphore(%dma_wait3A_415 : memref<!tpu.dma_semaphore, #tpu.memory_space<semaphore_mem>>) src(%dma_wait3A_413 : memref<20000x64xf32, #tpu.memory_space<hbm>>) dst(%dma_wait3A_407 : memref<125x64xf32, #tpu.memory_space<vmem>>)
      %dma_start3A_416 = arith.constant 2 : i32
      %dma_start3A_417 = arith.constant 2 : i32
      %dma_start3A_418 = arith.constant 0 : i32
      %dma_start3A_419 = arith.constant 0 : i32
      %dma_start3A_420 = tpu.memref_slice %arg10[%dma_start3A_416, %dma_start3A_418, %dma_start3A_419] : memref<4x125x64xf32, #tpu.memory_space<vmem>> -> memref<1x125x64xf32, #tpu.memory_space<vmem>>
      %dma_start3A_421 = tpu.memref_squeeze %dma_start3A_420 : memref<1x125x64xf32, #tpu.memory_space<vmem>> -> memref<125x64xf32, #tpu.memory_space<vmem>>
      %dma_start3A_422 = arith.constant 0 : i32
      %dma_start3A_423 = tpu.memref_slice %arg9[%add3A_401, %dma_start3A_422] : memref<80x125xi32, #tpu.memory_space<vmem>> -> memref<1x125xi32, #tpu.memory_space<vmem>>
      %dma_start3A_424 = tpu.memref_squeeze %dma_start3A_423 : memref<1x125xi32, #tpu.memory_space<vmem>> -> memref<125xi32, #tpu.memory_space<vmem>>
      %dma_start3A_425 = arith.constant 0 : i32
      %dma_start3A_426 = arith.constant 0 : i32
      %dma_start3A_427 = tpu.memref_slice %arg14[%dma_start3A_425, %dma_start3A_426] : memref<10240x64xf32, #tpu.memory_space<vmem_shared>> -> memref<10240x64xf32, #tpu.memory_space<vmem_shared>>
      %dma_start3A_428 = tpu.memref_slice %arg17[%dma_start3A_417] : memref<4x!tpu.dma_semaphore, #tpu.memory_space<semaphore_mem>> -> memref<1x!tpu.dma_semaphore, #tpu.memory_space<semaphore_mem>>
      %dma_start3A_429 = tpu.memref_squeeze %dma_start3A_428 : memref<1x!tpu.dma_semaphore, #tpu.memory_space<semaphore_mem>> -> memref<!tpu.dma_semaphore, #tpu.memory_space<semaphore_mem>>
      tpu.enqueue_indirect_dma source(%dma_start3A_421 : memref<125x64xf32, #tpu.memory_space<vmem>>) target(%dma_start3A_427 : memref<10240x64xf32, #tpu.memory_space<vmem_shared>>) offsets(%dma_start3A_424 : memref<125xi32, #tpu.memory_space<vmem>>) semaphore(%dma_start3A_429 : memref<!tpu.dma_semaphore, #tpu.memory_space<semaphore_mem>>) {add = true}
      %mul3A_430 = arith.constant 4 : i32
      %mul3A_431 = arith.muli %scan3A_243, %mul3A_430 : i32
      %add3A_432 = arith.constant 3 : i32
      %add3A_433 = arith.addi %mul3A_431, %add3A_432 : i32
      %dma_wait3A_434 = arith.constant 3 : i32
      %dma_wait3A_435 = arith.constant 3 : i32
      %dma_wait3A_436 = arith.constant 0 : i32
      %dma_wait3A_437 = arith.constant 0 : i32
      %dma_wait3A_438 = tpu.memref_slice %arg10[%dma_wait3A_434, %dma_wait3A_436, %dma_wait3A_437] : memref<4x125x64xf32, #tpu.memory_space<vmem>> -> memref<1x125x64xf32, #tpu.memory_space<vmem>>
      %dma_wait3A_439 = tpu.memref_squeeze %dma_wait3A_438 : memref<1x125x64xf32, #tpu.memory_space<vmem>> -> memref<125x64xf32, #tpu.memory_space<vmem>>
      %dma_wait3A_440 = arith.constant 0 : i32
      %dma_wait3A_441 = tpu.memref_slice %arg8[%add3A_314, %dma_wait3A_440] : memref<80x125xi32, #tpu.memory_space<vmem>> -> memref<1x125xi32, #tpu.memory_space<vmem>>
      %dma_wait3A_442 = tpu.memref_squeeze %dma_wait3A_441 : memref<1x125xi32, #tpu.memory_space<vmem>> -> memref<125xi32, #tpu.memory_space<vmem>>
      %dma_wait3A_443 = arith.constant 0 : i32
      %dma_wait3A_444 = arith.constant 0 : i32
      %dma_wait3A_445 = tpu.memref_slice %arg3[%dma_wait3A_443, %dma_wait3A_444] : memref<20000x64xf32, #tpu.memory_space<hbm>> -> memref<20000x64xf32, #tpu.memory_space<hbm>>
      %dma_wait3A_446 = tpu.memref_slice %arg16[%dma_wait3A_435] : memref<4x!tpu.dma_semaphore, #tpu.memory_space<semaphore_mem>> -> memref<1x!tpu.dma_semaphore, #tpu.memory_space<semaphore_mem>>
      %dma_wait3A_447 = tpu.memref_squeeze %dma_wait3A_446 : memref<1x!tpu.dma_semaphore, #tpu.memory_space<semaphore_mem>> -> memref<!tpu.dma_semaphore, #tpu.memory_space<semaphore_mem>>
      tpu.wait_indirect_dma semaphore(%dma_wait3A_447 : memref<!tpu.dma_semaphore, #tpu.memory_space<semaphore_mem>>) src(%dma_wait3A_445 : memref<20000x64xf32, #tpu.memory_space<hbm>>) dst(%dma_wait3A_439 : memref<125x64xf32, #tpu.memory_space<vmem>>)
      %dma_start3A_448 = arith.constant 3 : i32
      %dma_start3A_449 = arith.constant 3 : i32
      %dma_start3A_450 = arith.constant 0 : i32
      %dma_start3A_451 = arith.constant 0 : i32
      %dma_start3A_452 = tpu.memref_slice %arg10[%dma_start3A_448, %dma_start3A_450, %dma_start3A_451] : memref<4x125x64xf32, #tpu.memory_space<vmem>> -> memref<1x125x64xf32, #tpu.memory_space<vmem>>
      %dma_start3A_453 = tpu.memref_squeeze %dma_start3A_452 : memref<1x125x64xf32, #tpu.memory_space<vmem>> -> memref<125x64xf32, #tpu.memory_space<vmem>>
      %dma_start3A_454 = arith.constant 0 : i32
      %dma_start3A_455 = tpu.memref_slice %arg9[%add3A_433, %dma_start3A_454] : memref<80x125xi32, #tpu.memory_space<vmem>> -> memref<1x125xi32, #tpu.memory_space<vmem>>
      %dma_start3A_456 = tpu.memref_squeeze %dma_start3A_455 : memref<1x125xi32, #tpu.memory_space<vmem>> -> memref<125xi32, #tpu.memory_space<vmem>>
      %dma_start3A_457 = arith.constant 0 : i32
      %dma_start3A_458 = arith.constant 0 : i32
      %dma_start3A_459 = tpu.memref_slice %arg14[%dma_start3A_457, %dma_start3A_458] : memref<10240x64xf32, #tpu.memory_space<vmem_shared>> -> memref<10240x64xf32, #tpu.memory_space<vmem_shared>>
      %dma_start3A_460 = tpu.memref_slice %arg17[%dma_start3A_449] : memref<4x!tpu.dma_semaphore, #tpu.memory_space<semaphore_mem>> -> memref<1x!tpu.dma_semaphore, #tpu.memory_space<semaphore_mem>>
      %dma_start3A_461 = tpu.memref_squeeze %dma_start3A_460 : memref<1x!tpu.dma_semaphore, #tpu.memory_space<semaphore_mem>> -> memref<!tpu.dma_semaphore, #tpu.memory_space<semaphore_mem>>
      tpu.enqueue_indirect_dma source(%dma_start3A_453 : memref<125x64xf32, #tpu.memory_space<vmem>>) target(%dma_start3A_459 : memref<10240x64xf32, #tpu.memory_space<vmem_shared>>) offsets(%dma_start3A_456 : memref<125xi32, #tpu.memory_space<vmem>>) semaphore(%dma_start3A_461 : memref<!tpu.dma_semaphore, #tpu.memory_space<semaphore_mem>>) {add = true}
    }
    %scan3A_165 = arith.constant 20 : i32
    %dma_wait3A_166 = arith.constant 0 : i32
    %dma_wait3A_167 = arith.constant 0 : i32
    %dma_wait3A_168 = arith.constant 0 : i32
    %dma_wait3A_169 = arith.constant 0 : i32
    %dma_wait3A_170 = tpu.memref_slice %arg10[%dma_wait3A_166, %dma_wait3A_168, %dma_wait3A_169] : memref<4x125x64xf32, #tpu.memory_space<vmem>> -> memref<1x125x64xf32, #tpu.memory_space<vmem>>
    %dma_wait3A_171 = tpu.memref_squeeze %dma_wait3A_170 : memref<1x125x64xf32, #tpu.memory_space<vmem>> -> memref<125x64xf32, #tpu.memory_space<vmem>>
    %dma_wait3A_172 = arith.constant 0 : i32
    %dma_wait3A_173 = arith.constant 0 : i32
    %dma_wait3A_174 = tpu.memref_slice %arg3[%dma_wait3A_172, %dma_wait3A_173] : memref<20000x64xf32, #tpu.memory_space<hbm>> -> memref<125x64xf32, #tpu.memory_space<hbm>>
    %dma_wait3A_175 = tpu.memref_slice %arg17[%dma_wait3A_167] : memref<4x!tpu.dma_semaphore, #tpu.memory_space<semaphore_mem>> -> memref<1x!tpu.dma_semaphore, #tpu.memory_space<semaphore_mem>>
    %dma_wait3A_176 = tpu.memref_squeeze %dma_wait3A_175 : memref<1x!tpu.dma_semaphore, #tpu.memory_space<semaphore_mem>> -> memref<!tpu.dma_semaphore, #tpu.memory_space<semaphore_mem>>
    %dma_wait3A_177 = arith.constant 0 : i32
    %dma_wait3A_178 = arith.constant 0 : i32
    %dma_wait3A_179 = tpu.memref_slice %arg10[%dma_wait3A_166, %dma_wait3A_177, %dma_wait3A_178] : memref<4x125x64xf32, #tpu.memory_space<vmem>> -> memref<1x125x64xf32, #tpu.memory_space<vmem>>
    %dma_wait3A_180 = tpu.memref_squeeze %dma_wait3A_179 : memref<1x125x64xf32, #tpu.memory_space<vmem>> -> memref<125x64xf32, #tpu.memory_space<vmem>>
    %dma_wait3A_181 = arith.constant 0 : i32
    %dma_wait3A_182 = arith.constant 0 : i32
    %dma_wait3A_183 = tpu.memref_slice %arg3[%dma_wait3A_181, %dma_wait3A_182] : memref<20000x64xf32, #tpu.memory_space<hbm>> -> memref<125x64xf32, #tpu.memory_space<hbm>>
    tpu.wait_dma2 semaphore(%dma_wait3A_176 : memref<!tpu.dma_semaphore, #tpu.memory_space<semaphore_mem>>) src(%dma_wait3A_183 : memref<125x64xf32, #tpu.memory_space<hbm>>) dst(%dma_wait3A_180 : memref<125x64xf32, #tpu.memory_space<vmem>>)
    %dma_wait3A_184 = arith.constant 1 : i32
    %dma_wait3A_185 = arith.constant 1 : i32
    %dma_wait3A_186 = arith.constant 0 : i32
    %dma_wait3A_187 = arith.constant 0 : i32
    %dma_wait3A_188 = tpu.memref_slice %arg10[%dma_wait3A_184, %dma_wait3A_186, %dma_wait3A_187] : memref<4x125x64xf32, #tpu.memory_space<vmem>> -> memref<1x125x64xf32, #tpu.memory_space<vmem>>
    %dma_wait3A_189 = tpu.memref_squeeze %dma_wait3A_188 : memref<1x125x64xf32, #tpu.memory_space<vmem>> -> memref<125x64xf32, #tpu.memory_space<vmem>>
    %dma_wait3A_190 = arith.constant 0 : i32
    %dma_wait3A_191 = arith.constant 0 : i32
    %dma_wait3A_192 = tpu.memref_slice %arg3[%dma_wait3A_190, %dma_wait3A_191] : memref<20000x64xf32, #tpu.memory_space<hbm>> -> memref<125x64xf32, #tpu.memory_space<hbm>>
    %dma_wait3A_193 = tpu.memref_slice %arg17[%dma_wait3A_185] : memref<4x!tpu.dma_semaphore, #tpu.memory_space<semaphore_mem>> -> memref<1x!tpu.dma_semaphore, #tpu.memory_space<semaphore_mem>>
    %dma_wait3A_194 = tpu.memref_squeeze %dma_wait3A_193 : memref<1x!tpu.dma_semaphore, #tpu.memory_space<semaphore_mem>> -> memref<!tpu.dma_semaphore, #tpu.memory_space<semaphore_mem>>
    %dma_wait3A_195 = arith.constant 0 : i32
    %dma_wait3A_196 = arith.constant 0 : i32
    %dma_wait3A_197 = tpu.memref_slice %arg10[%dma_wait3A_184, %dma_wait3A_195, %dma_wait3A_196] : memref<4x125x64xf32, #tpu.memory_space<vmem>> -> memref<1x125x64xf32, #tpu.memory_space<vmem>>
    %dma_wait3A_198 = tpu.memref_squeeze %dma_wait3A_197 : memref<1x125x64xf32, #tpu.memory_space<vmem>> -> memref<125x64xf32, #tpu.memory_space<vmem>>
    %dma_wait3A_199 = arith.constant 0 : i32
    %dma_wait3A_200 = arith.constant 0 : i32
    %dma_wait3A_201 = tpu.memref_slice %arg3[%dma_wait3A_199, %dma_wait3A_200] : memref<20000x64xf32, #tpu.memory_space<hbm>> -> memref<125x64xf32, #tpu.memory_space<hbm>>
    tpu.wait_dma2 semaphore(%dma_wait3A_194 : memref<!tpu.dma_semaphore, #tpu.memory_space<semaphore_mem>>) src(%dma_wait3A_201 : memref<125x64xf32, #tpu.memory_space<hbm>>) dst(%dma_wait3A_198 : memref<125x64xf32, #tpu.memory_space<vmem>>)
    %dma_wait3A_202 = arith.constant 2 : i32
    %dma_wait3A_203 = arith.constant 2 : i32
    %dma_wait3A_204 = arith.constant 0 : i32
    %dma_wait3A_205 = arith.constant 0 : i32
    %dma_wait3A_206 = tpu.memref_slice %arg10[%dma_wait3A_202, %dma_wait3A_204, %dma_wait3A_205] : memref<4x125x64xf32, #tpu.memory_space<vmem>> -> memref<1x125x64xf32, #tpu.memory_space<vmem>>
    %dma_wait3A_207 = tpu.memref_squeeze %dma_wait3A_206 : memref<1x125x64xf32, #tpu.memory_space<vmem>> -> memref<125x64xf32, #tpu.memory_space<vmem>>
    %dma_wait3A_208 = arith.constant 0 : i32
    %dma_wait3A_209 = arith.constant 0 : i32
    %dma_wait3A_210 = tpu.memref_slice %arg3[%dma_wait3A_208, %dma_wait3A_209] : memref<20000x64xf32, #tpu.memory_space<hbm>> -> memref<125x64xf32, #tpu.memory_space<hbm>>
    %dma_wait3A_211 = tpu.memref_slice %arg17[%dma_wait3A_203] : memref<4x!tpu.dma_semaphore, #tpu.memory_space<semaphore_mem>> -> memref<1x!tpu.dma_semaphore, #tpu.memory_space<semaphore_mem>>
    %dma_wait3A_212 = tpu.memref_squeeze %dma_wait3A_211 : memref<1x!tpu.dma_semaphore, #tpu.memory_space<semaphore_mem>> -> memref<!tpu.dma_semaphore, #tpu.memory_space<semaphore_mem>>
    %dma_wait3A_213 = arith.constant 0 : i32
    %dma_wait3A_214 = arith.constant 0 : i32
    %dma_wait3A_215 = tpu.memref_slice %arg10[%dma_wait3A_202, %dma_wait3A_213, %dma_wait3A_214] : memref<4x125x64xf32, #tpu.memory_space<vmem>> -> memref<1x125x64xf32, #tpu.memory_space<vmem>>
    %dma_wait3A_216 = tpu.memref_squeeze %dma_wait3A_215 : memref<1x125x64xf32, #tpu.memory_space<vmem>> -> memref<125x64xf32, #tpu.memory_space<vmem>>
    %dma_wait3A_217 = arith.constant 0 : i32
    %dma_wait3A_218 = arith.constant 0 : i32
    %dma_wait3A_219 = tpu.memref_slice %arg3[%dma_wait3A_217, %dma_wait3A_218] : memref<20000x64xf32, #tpu.memory_space<hbm>> -> memref<125x64xf32, #tpu.memory_space<hbm>>
    tpu.wait_dma2 semaphore(%dma_wait3A_212 : memref<!tpu.dma_semaphore, #tpu.memory_space<semaphore_mem>>) src(%dma_wait3A_219 : memref<125x64xf32, #tpu.memory_space<hbm>>) dst(%dma_wait3A_216 : memref<125x64xf32, #tpu.memory_space<vmem>>)
    %dma_wait3A_220 = arith.constant 3 : i32
    %dma_wait3A_221 = arith.constant 3 : i32
    %dma_wait3A_222 = arith.constant 0 : i32
    %dma_wait3A_223 = arith.constant 0 : i32
    %dma_wait3A_224 = tpu.memref_slice %arg10[%dma_wait3A_220, %dma_wait3A_222, %dma_wait3A_223] : memref<4x125x64xf32, #tpu.memory_space<vmem>> -> memref<1x125x64xf32, #tpu.memory_space<vmem>>
    %dma_wait3A_225 = tpu.memref_squeeze %dma_wait3A_224 : memref<1x125x64xf32, #tpu.memory_space<vmem>> -> memref<125x64xf32, #tpu.memory_space<vmem>>
    %dma_wait3A_226 = arith.constant 0 : i32
    %dma_wait3A_227 = arith.constant 0 : i32
    %dma_wait3A_228 = tpu.memref_slice %arg3[%dma_wait3A_226, %dma_wait3A_227] : memref<20000x64xf32, #tpu.memory_space<hbm>> -> memref<125x64xf32, #tpu.memory_space<hbm>>
    %dma_wait3A_229 = tpu.memref_slice %arg17[%dma_wait3A_221] : memref<4x!tpu.dma_semaphore, #tpu.memory_space<semaphore_mem>> -> memref<1x!tpu.dma_semaphore, #tpu.memory_space<semaphore_mem>>
    %dma_wait3A_230 = tpu.memref_squeeze %dma_wait3A_229 : memref<1x!tpu.dma_semaphore, #tpu.memory_space<semaphore_mem>> -> memref<!tpu.dma_semaphore, #tpu.memory_space<semaphore_mem>>
    %dma_wait3A_231 = arith.constant 0 : i32
    %dma_wait3A_232 = arith.constant 0 : i32
    %dma_wait3A_233 = tpu.memref_slice %arg10[%dma_wait3A_220, %dma_wait3A_231, %dma_wait3A_232] : memref<4x125x64xf32, #tpu.memory_space<vmem>> -> memref<1x125x64xf32, #tpu.memory_space<vmem>>
    %dma_wait3A_234 = tpu.memref_squeeze %dma_wait3A_233 : memref<1x125x64xf32, #tpu.memory_space<vmem>> -> memref<125x64xf32, #tpu.memory_space<vmem>>
    %dma_wait3A_235 = arith.constant 0 : i32
    %dma_wait3A_236 = arith.constant 0 : i32
    %dma_wait3A_237 = tpu.memref_slice %arg3[%dma_wait3A_235, %dma_wait3A_236] : memref<20000x64xf32, #tpu.memory_space<hbm>> -> memref<125x64xf32, #tpu.memory_space<hbm>>
    tpu.wait_dma2 semaphore(%dma_wait3A_230 : memref<!tpu.dma_semaphore, #tpu.memory_space<semaphore_mem>>) src(%dma_wait3A_237 : memref<125x64xf32, #tpu.memory_space<hbm>>) dst(%dma_wait3A_234 : memref<125x64xf32, #tpu.memory_space<vmem>>)
    %barrier3A_238 = arith.constant 0 : index
    tpu.barrier barrier_id(%barrier3A_238)
    %mul3A_239 = arith.constant 2 : i32
    %mul3A_240 = arith.muli %mul3A_239, %arg0 : i32
    %add3A_241 = arith.constant 1 : i32
    %add3A_242 = arith.addi %mul3A_240, %add3A_241 : i32
    "tpu.region"() ({
      %run_scoped3A = tpu.sem_alloc : memref<!tpu.dma_semaphore, #tpu.memory_space<semaphore_mem>>
      %dma_start3A = arith.constant 0 : i32
      %dma_start3A_243 = tpu.memref_slice %arg6[%add3A_242, %mul3A_2, %dma_start3A] : memref<4x10240x64xf32, #tpu.memory_space<hbm>> -> memref<1x640x64xf32, #tpu.memory_space<hbm>>
      %dma_start3A_244 = tpu.memref_squeeze %dma_start3A_243 : memref<1x640x64xf32, #tpu.memory_space<hbm>> -> memref<640x64xf32, #tpu.memory_space<hbm>>
      %dma_start3A_245 = arith.constant 0 : i32
      %dma_start3A_246 = tpu.memref_slice %arg14[%mul3A_2, %dma_start3A_245] : memref<10240x64xf32, #tpu.memory_space<vmem_shared>> -> memref<640x64xf32, #tpu.memory_space<vmem_shared>>
      tpu.enqueue_dma source(%dma_start3A_246 : memref<640x64xf32, #tpu.memory_space<vmem_shared>>) target(%dma_start3A_244 : memref<640x64xf32, #tpu.memory_space<hbm>>) target_semaphore(%run_scoped3A : memref<!tpu.dma_semaphore, #tpu.memory_space<semaphore_mem>>)
      %dma_wait3A_247 = arith.constant 0 : i32
      %dma_wait3A_248 = tpu.memref_slice %arg6[%add3A_242, %mul3A_2, %dma_wait3A_247] : memref<4x10240x64xf32, #tpu.memory_space<hbm>> -> memref<1x640x64xf32, #tpu.memory_space<hbm>>
      %dma_wait3A_249 = tpu.memref_squeeze %dma_wait3A_248 : memref<1x640x64xf32, #tpu.memory_space<hbm>> -> memref<640x64xf32, #tpu.memory_space<hbm>>
      %dma_wait3A_250 = arith.constant 0 : i32
      %dma_wait3A_251 = tpu.memref_slice %arg14[%mul3A_2, %dma_wait3A_250] : memref<10240x64xf32, #tpu.memory_space<vmem_shared>> -> memref<640x64xf32, #tpu.memory_space<vmem_shared>>
      tpu.wait_dma2 semaphore(%run_scoped3A : memref<!tpu.dma_semaphore, #tpu.memory_space<semaphore_mem>>) src(%dma_wait3A_251 : memref<640x64xf32, #tpu.memory_space<vmem_shared>>) dst(%dma_wait3A_249 : memref<640x64xf32, #tpu.memory_space<hbm>>)
      tpu.yield
    }) : () -> ()
    return
  }
}

module attributes {stable_mosaic.version = 14 : i64} {
  func.func @_tc_mlp_body(%arg0: i32, %arg1: memref<2000x256xf32, #tpu.memory_space<vmem>>, %arg2: memref<4x2000x64xf32, #tpu.memory_space<vmem>>, %arg3: memref<2000x16xf32, #tpu.memory_space<vmem>>, %arg4: memref<256x256xf32, #tpu.memory_space<vmem>>, %arg5: memref<256xf32, #tpu.memory_space<vmem>>, %arg6: memref<256x256xf32, #tpu.memory_space<vmem>>, %arg7: memref<256xf32, #tpu.memory_space<vmem>>, %arg8: memref<256xf32, #tpu.memory_space<vmem>>, %arg9: memref<256xf32, #tpu.memory_space<vmem>>, %arg10: memref<2000x256xf32, #tpu.memory_space<vmem>>) attributes {dimension_semantics = [#tpu.dimension_semantics<arbitrary>], iteration_bounds = array<i64: 5>, scalar_prefetch = 0 : i64, scratch_operands = 0 : i64, tpu.core_type = #tpu.core_type<tc>, window_params = [{transform_indices = @transform_0, window_bounds = array<i64: 2000, 256>}, {transform_indices = @transform_1, window_bounds = array<i64: 4, 2000, 64>}, {transform_indices = @transform_2, window_bounds = array<i64: 2000, 16>}, {pipeline_mode = #tpu.pipeline_mode<synchronous>, transform_indices = @transform_3, window_bounds = array<i64: 256, 256>}, {pipeline_mode = #tpu.pipeline_mode<synchronous>, transform_indices = @transform_4, window_bounds = array<i64: 256>}, {pipeline_mode = #tpu.pipeline_mode<synchronous>, transform_indices = @transform_5, window_bounds = array<i64: 256, 256>}, {pipeline_mode = #tpu.pipeline_mode<synchronous>, transform_indices = @transform_6, window_bounds = array<i64: 256>}, {pipeline_mode = #tpu.pipeline_mode<synchronous>, transform_indices = @transform_7, window_bounds = array<i64: 256>}, {pipeline_mode = #tpu.pipeline_mode<synchronous>, transform_indices = @transform_8, window_bounds = array<i64: 256>}, {transform_indices = @transform_9, window_bounds = array<i64: 2000, 256>}]} {
    %get3A = arith.constant 0 : index
    %get3A_0 = arith.constant 0 : index
    %get3A_1 = vector.load %arg1[%get3A, %get3A_0] : memref<2000x256xf32, #tpu.memory_space<vmem>>, vector<2000x256xf32>
    %get3A_2 = arith.constant 0 : index
    %get3A_3 = arith.constant 0 : index
    %get3A_4 = vector.load %arg3[%get3A_2, %get3A_3] : memref<2000x16xf32, #tpu.memory_space<vmem>>, vector<2000x16xf32>
    %slice3A = vector.extract_strided_slice %get3A_4 {offsets = [0, 0], sizes = [2000, 1], strides = [1, 1]} : vector<2000x16xf32> to vector<2000x1xf32>
    %max3A = arith.constant 1.000000e+00 : f32
    %max3A_5 = vector.broadcast %max3A : f32 to vector<2000x1xf32>
    %max3A_6 = arith.maximumf %slice3A, %max3A_5 : vector<2000x1xf32>
    %div3A = arith.constant 1.000000e+00 : f32
    %div3A_7 = vector.broadcast %div3A : f32 to vector<2000x1xf32>
    %div3A_8 = arith.divf %div3A_7, %max3A_6 : vector<2000x1xf32>
    %get3A_9 = arith.constant 0 : index
    %get3A_10 = arith.constant 0 : index
    %get3A_11 = vector.load %arg4[%get3A_9, %get3A_10] : memref<256x256xf32, #tpu.memory_space<vmem>>, vector<256x256xf32>
    %get3A_12 = arith.constant 0 : index
    %get3A_13 = vector.load %arg8[%get3A_12] : memref<256xf32, #tpu.memory_space<vmem>>, vector<256xf32>
    %get3A_14 = arith.constant 0 : index
    %get3A_15 = vector.load %arg9[%get3A_14] : memref<256xf32, #tpu.memory_space<vmem>>, vector<256xf32>
    %convert_element_type3A = arith.truncf %get3A_1 : vector<2000x256xf32> to vector<2000x256xbf16>
    %convert_element_type3A_16 = arith.truncf %get3A_11 : vector<256x256xf32> to vector<256x256xbf16>
    %dot_general3A = arith.constant dense<0.000000e+00> : vector<2000x256xf32>
    %dot_general3A_17 = tpu.matmul %convert_element_type3A, %convert_element_type3A_16, %dot_general3A {dimension_numbers = #tpu.dot_dimension_numbers<[1], [0], [0], [1], [0, 0, 1, 1], [], []>, transpose_lhs_hint = false} : vector<2000x256xbf16>, vector<256x256xbf16>, vector<2000x256xf32> -> vector<2000x256xf32>
    %get3A_18 = arith.constant 0 : index
    %get3A_19 = arith.constant 0 : index
    %get3A_20 = arith.constant 0 : index
    %get3A_21 = vector.load %arg2[%get3A_18, %get3A_19, %get3A_20] : memref<4x2000x64xf32, #tpu.memory_space<vmem>>, vector<1x2000x64xf32>
    %get3A_22 = vector.shape_cast %get3A_21 : vector<1x2000x64xf32> to vector<2000x64xf32>
    %mul3A = vector.broadcast %div3A_8 : vector<2000x1xf32> to vector<2000x64xf32>
    %mul3A_23 = arith.mulf %get3A_22, %mul3A : vector<2000x64xf32>
    %slice3A_24 = vector.extract_strided_slice %get3A_11 {offsets = [0, 0], sizes = [64, 256], strides = [1, 1]} : vector<256x256xf32> to vector<64x256xf32>
    %convert_element_type3A_25 = arith.truncf %mul3A_23 : vector<2000x64xf32> to vector<2000x64xbf16>
    %convert_element_type3A_26 = arith.truncf %slice3A_24 : vector<64x256xf32> to vector<64x256xbf16>
    %dot_general3A_27 = arith.constant dense<0.000000e+00> : vector<2000x256xf32>
    %dot_general3A_28 = tpu.matmul %convert_element_type3A_25, %convert_element_type3A_26, %dot_general3A_27 {dimension_numbers = #tpu.dot_dimension_numbers<[1], [0], [0], [1], [0, 0, 1, 1], [], []>, transpose_lhs_hint = false} : vector<2000x64xbf16>, vector<64x256xbf16>, vector<2000x256xf32> -> vector<2000x256xf32>
    %add3A = arith.addf %dot_general3A_17, %dot_general3A_28 : vector<2000x256xf32>
    %get3A_29 = arith.constant 1 : index
    %get3A_30 = arith.constant 0 : index
    %get3A_31 = arith.constant 0 : index
    %get3A_32 = vector.load %arg2[%get3A_29, %get3A_30, %get3A_31] : memref<4x2000x64xf32, #tpu.memory_space<vmem>>, vector<1x2000x64xf32>
    %get3A_33 = vector.shape_cast %get3A_32 : vector<1x2000x64xf32> to vector<2000x64xf32>
    %mul3A_34 = vector.broadcast %div3A_8 : vector<2000x1xf32> to vector<2000x64xf32>
    %mul3A_35 = arith.mulf %get3A_33, %mul3A_34 : vector<2000x64xf32>
    %slice3A_36 = vector.extract_strided_slice %get3A_11 {offsets = [64, 0], sizes = [64, 256], strides = [1, 1]} : vector<256x256xf32> to vector<64x256xf32>
    %convert_element_type3A_37 = arith.truncf %mul3A_35 : vector<2000x64xf32> to vector<2000x64xbf16>
    %convert_element_type3A_38 = arith.truncf %slice3A_36 : vector<64x256xf32> to vector<64x256xbf16>
    %dot_general3A_39 = arith.constant dense<0.000000e+00> : vector<2000x256xf32>
    %dot_general3A_40 = tpu.matmul %convert_element_type3A_37, %convert_element_type3A_38, %dot_general3A_39 {dimension_numbers = #tpu.dot_dimension_numbers<[1], [0], [0], [1], [0, 0, 1, 1], [], []>, transpose_lhs_hint = false} : vector<2000x64xbf16>, vector<64x256xbf16>, vector<2000x256xf32> -> vector<2000x256xf32>
    %add3A_41 = arith.addf %add3A, %dot_general3A_40 : vector<2000x256xf32>
    %get3A_42 = arith.constant 2 : index
    %get3A_43 = arith.constant 0 : index
    %get3A_44 = arith.constant 0 : index
    %get3A_45 = vector.load %arg2[%get3A_42, %get3A_43, %get3A_44] : memref<4x2000x64xf32, #tpu.memory_space<vmem>>, vector<1x2000x64xf32>
    %get3A_46 = vector.shape_cast %get3A_45 : vector<1x2000x64xf32> to vector<2000x64xf32>
    %mul3A_47 = vector.broadcast %div3A_8 : vector<2000x1xf32> to vector<2000x64xf32>
    %mul3A_48 = arith.mulf %get3A_46, %mul3A_47 : vector<2000x64xf32>
    %slice3A_49 = vector.extract_strided_slice %get3A_11 {offsets = [128, 0], sizes = [64, 256], strides = [1, 1]} : vector<256x256xf32> to vector<64x256xf32>
    %convert_element_type3A_50 = arith.truncf %mul3A_48 : vector<2000x64xf32> to vector<2000x64xbf16>
    %convert_element_type3A_51 = arith.truncf %slice3A_49 : vector<64x256xf32> to vector<64x256xbf16>
    %dot_general3A_52 = arith.constant dense<0.000000e+00> : vector<2000x256xf32>
    %dot_general3A_53 = tpu.matmul %convert_element_type3A_50, %convert_element_type3A_51, %dot_general3A_52 {dimension_numbers = #tpu.dot_dimension_numbers<[1], [0], [0], [1], [0, 0, 1, 1], [], []>, transpose_lhs_hint = false} : vector<2000x64xbf16>, vector<64x256xbf16>, vector<2000x256xf32> -> vector<2000x256xf32>
    %add3A_54 = arith.addf %add3A_41, %dot_general3A_53 : vector<2000x256xf32>
    %get3A_55 = arith.constant 3 : index
    %get3A_56 = arith.constant 0 : index
    %get3A_57 = arith.constant 0 : index
    %get3A_58 = vector.load %arg2[%get3A_55, %get3A_56, %get3A_57] : memref<4x2000x64xf32, #tpu.memory_space<vmem>>, vector<1x2000x64xf32>
    %get3A_59 = vector.shape_cast %get3A_58 : vector<1x2000x64xf32> to vector<2000x64xf32>
    %mul3A_60 = vector.broadcast %div3A_8 : vector<2000x1xf32> to vector<2000x64xf32>
    %mul3A_61 = arith.mulf %get3A_59, %mul3A_60 : vector<2000x64xf32>
    %slice3A_62 = vector.extract_strided_slice %get3A_11 {offsets = [192, 0], sizes = [64, 256], strides = [1, 1]} : vector<256x256xf32> to vector<64x256xf32>
    %convert_element_type3A_63 = arith.truncf %mul3A_61 : vector<2000x64xf32> to vector<2000x64xbf16>
    %convert_element_type3A_64 = arith.truncf %slice3A_62 : vector<64x256xf32> to vector<64x256xbf16>
    %dot_general3A_65 = arith.constant dense<0.000000e+00> : vector<2000x256xf32>
    %dot_general3A_66 = tpu.matmul %convert_element_type3A_63, %convert_element_type3A_64, %dot_general3A_65 {dimension_numbers = #tpu.dot_dimension_numbers<[1], [0], [0], [1], [0, 0, 1, 1], [], []>, transpose_lhs_hint = false} : vector<2000x64xbf16>, vector<64x256xbf16>, vector<2000x256xf32> -> vector<2000x256xf32>
    %add3A_67 = arith.addf %add3A_54, %dot_general3A_66 : vector<2000x256xf32>
    %get3A_68 = arith.constant 0 : index
    %get3A_69 = vector.load %arg5[%get3A_68] : memref<256xf32, #tpu.memory_space<vmem>>, vector<256xf32>
    %broadcast_in_dim3A = vector.shape_cast %get3A_69 : vector<256xf32> to vector<1x256xf32>
    %add3A_70 = vector.broadcast %broadcast_in_dim3A : vector<1x256xf32> to vector<2000x256xf32>
    %add3A_71 = arith.addf %add3A_67, %add3A_70 : vector<2000x256xf32>
    %reduce_sum3A = arith.constant dense<0.000000e+00> : vector<2000xf32>
    %reduce_sum3A_72 = vector.multi_reduction <add>, %add3A_71, %reduce_sum3A [1] : vector<2000x256xf32> to vector<2000xf32>
    %broadcast_in_dim3A_73 = vector.shape_cast %reduce_sum3A_72 : vector<2000xf32> to vector<2000x1xf32>
    %div3A_74 = arith.constant 2.560000e+02 : f32
    %div3A_75 = vector.broadcast %div3A_74 : f32 to vector<2000x1xf32>
    %div3A_76 = arith.divf %broadcast_in_dim3A_73, %div3A_75 : vector<2000x1xf32>
    %sub3A = vector.broadcast %div3A_76 : vector<2000x1xf32> to vector<2000x256xf32>
    %sub3A_77 = arith.subf %add3A_71, %sub3A : vector<2000x256xf32>
    %integer_pow3A = arith.mulf %sub3A_77, %sub3A_77 : vector<2000x256xf32>
    %reduce_sum3A_78 = arith.constant dense<0.000000e+00> : vector<2000xf32>
    %reduce_sum3A_79 = vector.multi_reduction <add>, %integer_pow3A, %reduce_sum3A_78 [1] : vector<2000x256xf32> to vector<2000xf32>
    %broadcast_in_dim3A_80 = vector.shape_cast %reduce_sum3A_79 : vector<2000xf32> to vector<2000x1xf32>
    %div3A_81 = arith.constant 2.560000e+02 : f32
    %div3A_82 = vector.broadcast %div3A_81 : f32 to vector<2000x1xf32>
    %div3A_83 = arith.divf %broadcast_in_dim3A_80, %div3A_82 : vector<2000x1xf32>
    %sub3A_84 = vector.broadcast %div3A_76 : vector<2000x1xf32> to vector<2000x256xf32>
    %sub3A_85 = arith.subf %add3A_71, %sub3A_84 : vector<2000x256xf32>
    %add3A_86 = arith.constant 9.99999974E-6 : f32
    %add3A_87 = vector.broadcast %add3A_86 : f32 to vector<2000x1xf32>
    %add3A_88 = arith.addf %div3A_83, %add3A_87 : vector<2000x1xf32>
    %sqrt3A = math.sqrt %add3A_88 : vector<2000x1xf32>
    %div3A_89 = vector.broadcast %sqrt3A : vector<2000x1xf32> to vector<2000x256xf32>
    %div3A_90 = arith.divf %sub3A_85, %div3A_89 : vector<2000x256xf32>
    %broadcast_in_dim3A_91 = vector.shape_cast %get3A_13 : vector<256xf32> to vector<1x256xf32>
    %mul3A_92 = vector.broadcast %broadcast_in_dim3A_91 : vector<1x256xf32> to vector<2000x256xf32>
    %mul3A_93 = arith.mulf %div3A_90, %mul3A_92 : vector<2000x256xf32>
    %broadcast_in_dim3A_94 = vector.shape_cast %get3A_15 : vector<256xf32> to vector<1x256xf32>
    %add3A_95 = vector.broadcast %broadcast_in_dim3A_94 : vector<1x256xf32> to vector<2000x256xf32>
    %add3A_96 = arith.addf %mul3A_93, %add3A_95 : vector<2000x256xf32>
    %max3A_97 = arith.constant 0.000000e+00 : f32
    %max3A_98 = vector.broadcast %max3A_97 : f32 to vector<2000x256xf32>
    %max3A_99 = arith.maximumf %add3A_96, %max3A_98 : vector<2000x256xf32>
    %get3A_100 = arith.constant 0 : index
    %get3A_101 = arith.constant 0 : index
    %get3A_102 = vector.load %arg6[%get3A_100, %get3A_101] : memref<256x256xf32, #tpu.memory_space<vmem>>, vector<256x256xf32>
    %convert_element_type3A_103 = arith.truncf %max3A_99 : vector<2000x256xf32> to vector<2000x256xbf16>
    %convert_element_type3A_104 = arith.truncf %get3A_102 : vector<256x256xf32> to vector<256x256xbf16>
    %dot_general3A_105 = arith.constant dense<0.000000e+00> : vector<2000x256xf32>
    %dot_general3A_106 = tpu.matmul %convert_element_type3A_103, %convert_element_type3A_104, %dot_general3A_105 {dimension_numbers = #tpu.dot_dimension_numbers<[1], [0], [0], [1], [0, 0, 1, 1], [], []>, transpose_lhs_hint = false} : vector<2000x256xbf16>, vector<256x256xbf16>, vector<2000x256xf32> -> vector<2000x256xf32>
    %get3A_107 = arith.constant 0 : index
    %get3A_108 = vector.load %arg7[%get3A_107] : memref<256xf32, #tpu.memory_space<vmem>>, vector<256xf32>
    %broadcast_in_dim3A_109 = vector.shape_cast %get3A_108 : vector<256xf32> to vector<1x256xf32>
    %add3A_110 = vector.broadcast %broadcast_in_dim3A_109 : vector<1x256xf32> to vector<2000x256xf32>
    %add3A_111 = arith.addf %dot_general3A_106, %add3A_110 : vector<2000x256xf32>
    %reduce_sum3A_112 = arith.constant dense<0.000000e+00> : vector<2000xf32>
    %reduce_sum3A_113 = vector.multi_reduction <add>, %add3A_111, %reduce_sum3A_112 [1] : vector<2000x256xf32> to vector<2000xf32>
    %broadcast_in_dim3A_114 = vector.shape_cast %reduce_sum3A_113 : vector<2000xf32> to vector<2000x1xf32>
    %div3A_115 = arith.constant 2.560000e+02 : f32
    %div3A_116 = vector.broadcast %div3A_115 : f32 to vector<2000x1xf32>
    %div3A_117 = arith.divf %broadcast_in_dim3A_114, %div3A_116 : vector<2000x1xf32>
    %sub3A_118 = vector.broadcast %div3A_117 : vector<2000x1xf32> to vector<2000x256xf32>
    %sub3A_119 = arith.subf %add3A_111, %sub3A_118 : vector<2000x256xf32>
    %integer_pow3A_120 = arith.mulf %sub3A_119, %sub3A_119 : vector<2000x256xf32>
    %reduce_sum3A_121 = arith.constant dense<0.000000e+00> : vector<2000xf32>
    %reduce_sum3A_122 = vector.multi_reduction <add>, %integer_pow3A_120, %reduce_sum3A_121 [1] : vector<2000x256xf32> to vector<2000xf32>
    %broadcast_in_dim3A_123 = vector.shape_cast %reduce_sum3A_122 : vector<2000xf32> to vector<2000x1xf32>
    %div3A_124 = arith.constant 2.560000e+02 : f32
    %div3A_125 = vector.broadcast %div3A_124 : f32 to vector<2000x1xf32>
    %div3A_126 = arith.divf %broadcast_in_dim3A_123, %div3A_125 : vector<2000x1xf32>
    %sub3A_127 = vector.broadcast %div3A_117 : vector<2000x1xf32> to vector<2000x256xf32>
    %sub3A_128 = arith.subf %add3A_111, %sub3A_127 : vector<2000x256xf32>
    %add3A_129 = arith.constant 9.99999974E-6 : f32
    %add3A_130 = vector.broadcast %add3A_129 : f32 to vector<2000x1xf32>
    %add3A_131 = arith.addf %div3A_126, %add3A_130 : vector<2000x1xf32>
    %sqrt3A_132 = math.sqrt %add3A_131 : vector<2000x1xf32>
    %div3A_133 = vector.broadcast %sqrt3A_132 : vector<2000x1xf32> to vector<2000x256xf32>
    %div3A_134 = arith.divf %sub3A_128, %div3A_133 : vector<2000x256xf32>
    %broadcast_in_dim3A_135 = vector.shape_cast %get3A_13 : vector<256xf32> to vector<1x256xf32>
    %mul3A_136 = vector.broadcast %broadcast_in_dim3A_135 : vector<1x256xf32> to vector<2000x256xf32>
    %mul3A_137 = arith.mulf %div3A_134, %mul3A_136 : vector<2000x256xf32>
    %broadcast_in_dim3A_138 = vector.shape_cast %get3A_15 : vector<256xf32> to vector<1x256xf32>
    %add3A_139 = vector.broadcast %broadcast_in_dim3A_138 : vector<1x256xf32> to vector<2000x256xf32>
    %add3A_140 = arith.addf %mul3A_137, %add3A_139 : vector<2000x256xf32>
    %max3A_141 = arith.constant 0.000000e+00 : f32
    %max3A_142 = vector.broadcast %max3A_141 : f32 to vector<2000x256xf32>
    %max3A_143 = arith.maximumf %add3A_140, %max3A_142 : vector<2000x256xf32>
    %swap3A = arith.constant 0 : index
    %swap3A_144 = arith.constant 0 : index
    %swap3A_145 = vector.load %arg10[%swap3A, %swap3A_144] : memref<2000x256xf32, #tpu.memory_space<vmem>>, vector<2000x256xf32>
    tpu.vector_store %arg10[%swap3A, %swap3A_144], %max3A_143 {strides = array<i32>} : memref<2000x256xf32, #tpu.memory_space<vmem>>, vector<2000x256xf32>,
    return
  }
  func.func @transform_0(%arg0: i32) -> (i32, i32) {
    %c0_i32 = arith.constant 0 : i32
    %c0_i32_0 = arith.constant 0 : i32
    return %arg0, %c0_i32 : i32, i32
  }
  func.func @transform_1(%arg0: i32) -> (i32, i32, i32) {
    %c0_i32 = arith.constant 0 : i32
    %c0_i32_0 = arith.constant 0 : i32
    %c0_i32_1 = arith.constant 0 : i32
    return %c0_i32, %arg0, %c0_i32_0 : i32, i32, i32
  }
  func.func @transform_2(%arg0: i32) -> (i32, i32) {
    %c0_i32 = arith.constant 0 : i32
    %c0_i32_0 = arith.constant 0 : i32
    return %arg0, %c0_i32 : i32, i32
  }
  func.func @transform_3(%arg0: i32) -> (i32, i32) {
    %c0_i32 = arith.constant 0 : i32
    %c0_i32_0 = arith.constant 0 : i32
    %c0_i32_1 = arith.constant 0 : i32
    return %c0_i32, %c0_i32_0 : i32, i32
  }
  func.func @transform_4(%arg0: i32) -> i32 {
    %c0_i32 = arith.constant 0 : i32
    %c0_i32_0 = arith.constant 0 : i32
    return %c0_i32 : i32
  }
  func.func @transform_5(%arg0: i32) -> (i32, i32) {
    %c0_i32 = arith.constant 0 : i32
    %c0_i32_0 = arith.constant 0 : i32
    %c0_i32_1 = arith.constant 0 : i32
    return %c0_i32, %c0_i32_0 : i32, i32
  }
  func.func @transform_6(%arg0: i32) -> i32 {
    %c0_i32 = arith.constant 0 : i32
    %c0_i32_0 = arith.constant 0 : i32
    return %c0_i32 : i32
  }
  func.func @transform_7(%arg0: i32) -> i32 {
    %c0_i32 = arith.constant 0 : i32
    %c0_i32_0 = arith.constant 0 : i32
    return %c0_i32 : i32
  }
  func.func @transform_8(%arg0: i32) -> i32 {
    %c0_i32 = arith.constant 0 : i32
    %c0_i32_0 = arith.constant 0 : i32
    return %c0_i32 : i32
  }
  func.func @transform_9(%arg0: i32) -> (i32, i32) {
    %c0_i32 = arith.constant 0 : i32
    %c0_i32_0 = arith.constant 0 : i32
    return %arg0, %c0_i32 : i32, i32
  }
}

module attributes {stable_mosaic.version = 14 : i64} {
  func.func @_tc_mlp_combine_body(%arg0: i32, %arg1: memref<2000x256xf32, #tpu.memory_space<vmem>>, %arg2: memref<4x2000x64xf32, #tpu.memory_space<vmem>>, %arg3: memref<2000x16xf32, #tpu.memory_space<vmem>>, %arg4: memref<256x256xf32, #tpu.memory_space<vmem>>, %arg5: memref<256xf32, #tpu.memory_space<vmem>>, %arg6: memref<256x256xf32, #tpu.memory_space<vmem>>, %arg7: memref<256xf32, #tpu.memory_space<vmem>>, %arg8: memref<256xf32, #tpu.memory_space<vmem>>, %arg9: memref<256xf32, #tpu.memory_space<vmem>>, %arg10: memref<2000x256xf32, #tpu.memory_space<vmem>>, %arg11: memref<2x256x16xf32, #tpu.memory_space<vmem>>, %arg12: memref<2x16xf32, #tpu.memory_space<vmem>>, %arg13: memref<1x256xf32, #tpu.memory_space<vmem>>) attributes {dimension_semantics = [#tpu.dimension_semantics<arbitrary>], iteration_bounds = array<i64: 5>, scalar_prefetch = 0 : i64, scratch_operands = 0 : i64, tpu.core_type = #tpu.core_type<tc>, window_params = [{transform_indices = @transform_0, window_bounds = array<i64: 2000, 256>}, {transform_indices = @transform_1, window_bounds = array<i64: 4, 2000, 64>}, {transform_indices = @transform_2, window_bounds = array<i64: 2000, 16>}, {pipeline_mode = #tpu.pipeline_mode<synchronous>, transform_indices = @transform_3, window_bounds = array<i64: 256, 256>}, {pipeline_mode = #tpu.pipeline_mode<synchronous>, transform_indices = @transform_4, window_bounds = array<i64: 256>}, {pipeline_mode = #tpu.pipeline_mode<synchronous>, transform_indices = @transform_5, window_bounds = array<i64: 256, 256>}, {pipeline_mode = #tpu.pipeline_mode<synchronous>, transform_indices = @transform_6, window_bounds = array<i64: 256>}, {pipeline_mode = #tpu.pipeline_mode<synchronous>, transform_indices = @transform_7, window_bounds = array<i64: 256>}, {pipeline_mode = #tpu.pipeline_mode<synchronous>, transform_indices = @transform_8, window_bounds = array<i64: 256>}, {transform_indices = @transform_9, window_bounds = array<i64: 2000, 256>}, {pipeline_mode = #tpu.pipeline_mode<synchronous>, transform_indices = @transform_10, window_bounds = array<i64: 2, 256, 16>}, {pipeline_mode = #tpu.pipeline_mode<synchronous>, transform_indices = @transform_11, window_bounds = array<i64: 2, 16>}, {pipeline_mode = #tpu.pipeline_mode<synchronous>, transform_indices = @transform_12, window_bounds = array<i64: 1, 256>}]} {
    %get3A = arith.constant 0 : index
    %get3A_0 = arith.constant 0 : index
    %get3A_1 = vector.load %arg1[%get3A, %get3A_0] : memref<2000x256xf32, #tpu.memory_space<vmem>>, vector<2000x256xf32>
    %get3A_2 = arith.constant 0 : index
    %get3A_3 = arith.constant 0 : index
    %get3A_4 = vector.load %arg3[%get3A_2, %get3A_3] : memref<2000x16xf32, #tpu.memory_space<vmem>>, vector<2000x16xf32>
    %slice3A = vector.extract_strided_slice %get3A_4 {offsets = [0, 0], sizes = [2000, 1], strides = [1, 1]} : vector<2000x16xf32> to vector<2000x1xf32>
    %max3A = arith.constant 1.000000e+00 : f32
    %max3A_5 = vector.broadcast %max3A : f32 to vector<2000x1xf32>
    %max3A_6 = arith.maximumf %slice3A, %max3A_5 : vector<2000x1xf32>
    %div3A = arith.constant 1.000000e+00 : f32
    %div3A_7 = vector.broadcast %div3A : f32 to vector<2000x1xf32>
    %div3A_8 = arith.divf %div3A_7, %max3A_6 : vector<2000x1xf32>
    %get3A_9 = arith.constant 0 : index
    %get3A_10 = arith.constant 0 : index
    %get3A_11 = vector.load %arg4[%get3A_9, %get3A_10] : memref<256x256xf32, #tpu.memory_space<vmem>>, vector<256x256xf32>
    %get3A_12 = arith.constant 0 : index
    %get3A_13 = vector.load %arg8[%get3A_12] : memref<256xf32, #tpu.memory_space<vmem>>, vector<256xf32>
    %get3A_14 = arith.constant 0 : index
    %get3A_15 = vector.load %arg9[%get3A_14] : memref<256xf32, #tpu.memory_space<vmem>>, vector<256xf32>
    %convert_element_type3A = arith.truncf %get3A_1 : vector<2000x256xf32> to vector<2000x256xbf16>
    %convert_element_type3A_16 = arith.truncf %get3A_11 : vector<256x256xf32> to vector<256x256xbf16>
    %dot_general3A = arith.constant dense<0.000000e+00> : vector<2000x256xf32>
    %dot_general3A_17 = tpu.matmul %convert_element_type3A, %convert_element_type3A_16, %dot_general3A {dimension_numbers = #tpu.dot_dimension_numbers<[1], [0], [0], [1], [0, 0, 1, 1], [], []>, transpose_lhs_hint = false} : vector<2000x256xbf16>, vector<256x256xbf16>, vector<2000x256xf32> -> vector<2000x256xf32>
    %get3A_18 = arith.constant 0 : index
    %get3A_19 = arith.constant 0 : index
    %get3A_20 = arith.constant 0 : index
    %get3A_21 = vector.load %arg2[%get3A_18, %get3A_19, %get3A_20] : memref<4x2000x64xf32, #tpu.memory_space<vmem>>, vector<1x2000x64xf32>
    %get3A_22 = vector.shape_cast %get3A_21 : vector<1x2000x64xf32> to vector<2000x64xf32>
    %mul3A = vector.broadcast %div3A_8 : vector<2000x1xf32> to vector<2000x64xf32>
    %mul3A_23 = arith.mulf %get3A_22, %mul3A : vector<2000x64xf32>
    %slice3A_24 = vector.extract_strided_slice %get3A_11 {offsets = [0, 0], sizes = [64, 256], strides = [1, 1]} : vector<256x256xf32> to vector<64x256xf32>
    %convert_element_type3A_25 = arith.truncf %mul3A_23 : vector<2000x64xf32> to vector<2000x64xbf16>
    %convert_element_type3A_26 = arith.truncf %slice3A_24 : vector<64x256xf32> to vector<64x256xbf16>
    %dot_general3A_27 = arith.constant dense<0.000000e+00> : vector<2000x256xf32>
    %dot_general3A_28 = tpu.matmul %convert_element_type3A_25, %convert_element_type3A_26, %dot_general3A_27 {dimension_numbers = #tpu.dot_dimension_numbers<[1], [0], [0], [1], [0, 0, 1, 1], [], []>, transpose_lhs_hint = false} : vector<2000x64xbf16>, vector<64x256xbf16>, vector<2000x256xf32> -> vector<2000x256xf32>
    %add3A = arith.addf %dot_general3A_17, %dot_general3A_28 : vector<2000x256xf32>
    %get3A_29 = arith.constant 1 : index
    %get3A_30 = arith.constant 0 : index
    %get3A_31 = arith.constant 0 : index
    %get3A_32 = vector.load %arg2[%get3A_29, %get3A_30, %get3A_31] : memref<4x2000x64xf32, #tpu.memory_space<vmem>>, vector<1x2000x64xf32>
    %get3A_33 = vector.shape_cast %get3A_32 : vector<1x2000x64xf32> to vector<2000x64xf32>
    %mul3A_34 = vector.broadcast %div3A_8 : vector<2000x1xf32> to vector<2000x64xf32>
    %mul3A_35 = arith.mulf %get3A_33, %mul3A_34 : vector<2000x64xf32>
    %slice3A_36 = vector.extract_strided_slice %get3A_11 {offsets = [64, 0], sizes = [64, 256], strides = [1, 1]} : vector<256x256xf32> to vector<64x256xf32>
    %convert_element_type3A_37 = arith.truncf %mul3A_35 : vector<2000x64xf32> to vector<2000x64xbf16>
    %convert_element_type3A_38 = arith.truncf %slice3A_36 : vector<64x256xf32> to vector<64x256xbf16>
    %dot_general3A_39 = arith.constant dense<0.000000e+00> : vector<2000x256xf32>
    %dot_general3A_40 = tpu.matmul %convert_element_type3A_37, %convert_element_type3A_38, %dot_general3A_39 {dimension_numbers = #tpu.dot_dimension_numbers<[1], [0], [0], [1], [0, 0, 1, 1], [], []>, transpose_lhs_hint = false} : vector<2000x64xbf16>, vector<64x256xbf16>, vector<2000x256xf32> -> vector<2000x256xf32>
    %add3A_41 = arith.addf %add3A, %dot_general3A_40 : vector<2000x256xf32>
    %get3A_42 = arith.constant 2 : index
    %get3A_43 = arith.constant 0 : index
    %get3A_44 = arith.constant 0 : index
    %get3A_45 = vector.load %arg2[%get3A_42, %get3A_43, %get3A_44] : memref<4x2000x64xf32, #tpu.memory_space<vmem>>, vector<1x2000x64xf32>
    %get3A_46 = vector.shape_cast %get3A_45 : vector<1x2000x64xf32> to vector<2000x64xf32>
    %mul3A_47 = vector.broadcast %div3A_8 : vector<2000x1xf32> to vector<2000x64xf32>
    %mul3A_48 = arith.mulf %get3A_46, %mul3A_47 : vector<2000x64xf32>
    %slice3A_49 = vector.extract_strided_slice %get3A_11 {offsets = [128, 0], sizes = [64, 256], strides = [1, 1]} : vector<256x256xf32> to vector<64x256xf32>
    %convert_element_type3A_50 = arith.truncf %mul3A_48 : vector<2000x64xf32> to vector<2000x64xbf16>
    %convert_element_type3A_51 = arith.truncf %slice3A_49 : vector<64x256xf32> to vector<64x256xbf16>
    %dot_general3A_52 = arith.constant dense<0.000000e+00> : vector<2000x256xf32>
    %dot_general3A_53 = tpu.matmul %convert_element_type3A_50, %convert_element_type3A_51, %dot_general3A_52 {dimension_numbers = #tpu.dot_dimension_numbers<[1], [0], [0], [1], [0, 0, 1, 1], [], []>, transpose_lhs_hint = false} : vector<2000x64xbf16>, vector<64x256xbf16>, vector<2000x256xf32> -> vector<2000x256xf32>
    %add3A_54 = arith.addf %add3A_41, %dot_general3A_53 : vector<2000x256xf32>
    %get3A_55 = arith.constant 3 : index
    %get3A_56 = arith.constant 0 : index
    %get3A_57 = arith.constant 0 : index
    %get3A_58 = vector.load %arg2[%get3A_55, %get3A_56, %get3A_57] : memref<4x2000x64xf32, #tpu.memory_space<vmem>>, vector<1x2000x64xf32>
    %get3A_59 = vector.shape_cast %get3A_58 : vector<1x2000x64xf32> to vector<2000x64xf32>
    %mul3A_60 = vector.broadcast %div3A_8 : vector<2000x1xf32> to vector<2000x64xf32>
    %mul3A_61 = arith.mulf %get3A_59, %mul3A_60 : vector<2000x64xf32>
    %slice3A_62 = vector.extract_strided_slice %get3A_11 {offsets = [192, 0], sizes = [64, 256], strides = [1, 1]} : vector<256x256xf32> to vector<64x256xf32>
    %convert_element_type3A_63 = arith.truncf %mul3A_61 : vector<2000x64xf32> to vector<2000x64xbf16>
    %convert_element_type3A_64 = arith.truncf %slice3A_62 : vector<64x256xf32> to vector<64x256xbf16>
    %dot_general3A_65 = arith.constant dense<0.000000e+00> : vector<2000x256xf32>
    %dot_general3A_66 = tpu.matmul %convert_element_type3A_63, %convert_element_type3A_64, %dot_general3A_65 {dimension_numbers = #tpu.dot_dimension_numbers<[1], [0], [0], [1], [0, 0, 1, 1], [], []>, transpose_lhs_hint = false} : vector<2000x64xbf16>, vector<64x256xbf16>, vector<2000x256xf32> -> vector<2000x256xf32>
    %add3A_67 = arith.addf %add3A_54, %dot_general3A_66 : vector<2000x256xf32>
    %get3A_68 = arith.constant 0 : index
    %get3A_69 = vector.load %arg5[%get3A_68] : memref<256xf32, #tpu.memory_space<vmem>>, vector<256xf32>
    %broadcast_in_dim3A = vector.shape_cast %get3A_69 : vector<256xf32> to vector<1x256xf32>
    %add3A_70 = vector.broadcast %broadcast_in_dim3A : vector<1x256xf32> to vector<2000x256xf32>
    %add3A_71 = arith.addf %add3A_67, %add3A_70 : vector<2000x256xf32>
    %reduce_sum3A = arith.constant dense<0.000000e+00> : vector<2000xf32>
    %reduce_sum3A_72 = vector.multi_reduction <add>, %add3A_71, %reduce_sum3A [1] : vector<2000x256xf32> to vector<2000xf32>
    %broadcast_in_dim3A_73 = vector.shape_cast %reduce_sum3A_72 : vector<2000xf32> to vector<2000x1xf32>
    %div3A_74 = arith.constant 2.560000e+02 : f32
    %div3A_75 = vector.broadcast %div3A_74 : f32 to vector<2000x1xf32>
    %div3A_76 = arith.divf %broadcast_in_dim3A_73, %div3A_75 : vector<2000x1xf32>
    %sub3A = vector.broadcast %div3A_76 : vector<2000x1xf32> to vector<2000x256xf32>
    %sub3A_77 = arith.subf %add3A_71, %sub3A : vector<2000x256xf32>
    %integer_pow3A = arith.mulf %sub3A_77, %sub3A_77 : vector<2000x256xf32>
    %reduce_sum3A_78 = arith.constant dense<0.000000e+00> : vector<2000xf32>
    %reduce_sum3A_79 = vector.multi_reduction <add>, %integer_pow3A, %reduce_sum3A_78 [1] : vector<2000x256xf32> to vector<2000xf32>
    %broadcast_in_dim3A_80 = vector.shape_cast %reduce_sum3A_79 : vector<2000xf32> to vector<2000x1xf32>
    %div3A_81 = arith.constant 2.560000e+02 : f32
    %div3A_82 = vector.broadcast %div3A_81 : f32 to vector<2000x1xf32>
    %div3A_83 = arith.divf %broadcast_in_dim3A_80, %div3A_82 : vector<2000x1xf32>
    %sub3A_84 = vector.broadcast %div3A_76 : vector<2000x1xf32> to vector<2000x256xf32>
    %sub3A_85 = arith.subf %add3A_71, %sub3A_84 : vector<2000x256xf32>
    %add3A_86 = arith.constant 9.99999974E-6 : f32
    %add3A_87 = vector.broadcast %add3A_86 : f32 to vector<2000x1xf32>
    %add3A_88 = arith.addf %div3A_83, %add3A_87 : vector<2000x1xf32>
    %sqrt3A = math.sqrt %add3A_88 : vector<2000x1xf32>
    %div3A_89 = vector.broadcast %sqrt3A : vector<2000x1xf32> to vector<2000x256xf32>
    %div3A_90 = arith.divf %sub3A_85, %div3A_89 : vector<2000x256xf32>
    %broadcast_in_dim3A_91 = vector.shape_cast %get3A_13 : vector<256xf32> to vector<1x256xf32>
    %mul3A_92 = vector.broadcast %broadcast_in_dim3A_91 : vector<1x256xf32> to vector<2000x256xf32>
    %mul3A_93 = arith.mulf %div3A_90, %mul3A_92 : vector<2000x256xf32>
    %broadcast_in_dim3A_94 = vector.shape_cast %get3A_15 : vector<256xf32> to vector<1x256xf32>
    %add3A_95 = vector.broadcast %broadcast_in_dim3A_94 : vector<1x256xf32> to vector<2000x256xf32>
    %add3A_96 = arith.addf %mul3A_93, %add3A_95 : vector<2000x256xf32>
    %max3A_97 = arith.constant 0.000000e+00 : f32
    %max3A_98 = vector.broadcast %max3A_97 : f32 to vector<2000x256xf32>
    %max3A_99 = arith.maximumf %add3A_96, %max3A_98 : vector<2000x256xf32>
    %get3A_100 = arith.constant 0 : index
    %get3A_101 = arith.constant 0 : index
    %get3A_102 = vector.load %arg6[%get3A_100, %get3A_101] : memref<256x256xf32, #tpu.memory_space<vmem>>, vector<256x256xf32>
    %convert_element_type3A_103 = arith.truncf %max3A_99 : vector<2000x256xf32> to vector<2000x256xbf16>
    %convert_element_type3A_104 = arith.truncf %get3A_102 : vector<256x256xf32> to vector<256x256xbf16>
    %dot_general3A_105 = arith.constant dense<0.000000e+00> : vector<2000x256xf32>
    %dot_general3A_106 = tpu.matmul %convert_element_type3A_103, %convert_element_type3A_104, %dot_general3A_105 {dimension_numbers = #tpu.dot_dimension_numbers<[1], [0], [0], [1], [0, 0, 1, 1], [], []>, transpose_lhs_hint = false} : vector<2000x256xbf16>, vector<256x256xbf16>, vector<2000x256xf32> -> vector<2000x256xf32>
    %get3A_107 = arith.constant 0 : index
    %get3A_108 = vector.load %arg7[%get3A_107] : memref<256xf32, #tpu.memory_space<vmem>>, vector<256xf32>
    %broadcast_in_dim3A_109 = vector.shape_cast %get3A_108 : vector<256xf32> to vector<1x256xf32>
    %add3A_110 = vector.broadcast %broadcast_in_dim3A_109 : vector<1x256xf32> to vector<2000x256xf32>
    %add3A_111 = arith.addf %dot_general3A_106, %add3A_110 : vector<2000x256xf32>
    %reduce_sum3A_112 = arith.constant dense<0.000000e+00> : vector<2000xf32>
    %reduce_sum3A_113 = vector.multi_reduction <add>, %add3A_111, %reduce_sum3A_112 [1] : vector<2000x256xf32> to vector<2000xf32>
    %broadcast_in_dim3A_114 = vector.shape_cast %reduce_sum3A_113 : vector<2000xf32> to vector<2000x1xf32>
    %div3A_115 = arith.constant 2.560000e+02 : f32
    %div3A_116 = vector.broadcast %div3A_115 : f32 to vector<2000x1xf32>
    %div3A_117 = arith.divf %broadcast_in_dim3A_114, %div3A_116 : vector<2000x1xf32>
    %sub3A_118 = vector.broadcast %div3A_117 : vector<2000x1xf32> to vector<2000x256xf32>
    %sub3A_119 = arith.subf %add3A_111, %sub3A_118 : vector<2000x256xf32>
    %integer_pow3A_120 = arith.mulf %sub3A_119, %sub3A_119 : vector<2000x256xf32>
    %reduce_sum3A_121 = arith.constant dense<0.000000e+00> : vector<2000xf32>
    %reduce_sum3A_122 = vector.multi_reduction <add>, %integer_pow3A_120, %reduce_sum3A_121 [1] : vector<2000x256xf32> to vector<2000xf32>
    %broadcast_in_dim3A_123 = vector.shape_cast %reduce_sum3A_122 : vector<2000xf32> to vector<2000x1xf32>
    %div3A_124 = arith.constant 2.560000e+02 : f32
    %div3A_125 = vector.broadcast %div3A_124 : f32 to vector<2000x1xf32>
    %div3A_126 = arith.divf %broadcast_in_dim3A_123, %div3A_125 : vector<2000x1xf32>
    %sub3A_127 = vector.broadcast %div3A_117 : vector<2000x1xf32> to vector<2000x256xf32>
    %sub3A_128 = arith.subf %add3A_111, %sub3A_127 : vector<2000x256xf32>
    %add3A_129 = arith.constant 9.99999974E-6 : f32
    %add3A_130 = vector.broadcast %add3A_129 : f32 to vector<2000x1xf32>
    %add3A_131 = arith.addf %div3A_126, %add3A_130 : vector<2000x1xf32>
    %sqrt3A_132 = math.sqrt %add3A_131 : vector<2000x1xf32>
    %div3A_133 = vector.broadcast %sqrt3A_132 : vector<2000x1xf32> to vector<2000x256xf32>
    %div3A_134 = arith.divf %sub3A_128, %div3A_133 : vector<2000x256xf32>
    %broadcast_in_dim3A_135 = vector.shape_cast %get3A_13 : vector<256xf32> to vector<1x256xf32>
    %mul3A_136 = vector.broadcast %broadcast_in_dim3A_135 : vector<1x256xf32> to vector<2000x256xf32>
    %mul3A_137 = arith.mulf %div3A_134, %mul3A_136 : vector<2000x256xf32>
    %broadcast_in_dim3A_138 = vector.shape_cast %get3A_15 : vector<256xf32> to vector<1x256xf32>
    %add3A_139 = vector.broadcast %broadcast_in_dim3A_138 : vector<1x256xf32> to vector<2000x256xf32>
    %add3A_140 = arith.addf %mul3A_137, %add3A_139 : vector<2000x256xf32>
    %max3A_141 = arith.constant 0.000000e+00 : f32
    %max3A_142 = vector.broadcast %max3A_141 : f32 to vector<2000x256xf32>
    %max3A_143 = arith.maximumf %add3A_140, %max3A_142 : vector<2000x256xf32>
    %get3A_144 = arith.constant 0 : index
    %get3A_145 = arith.constant 0 : index
    %get3A_146 = vector.load %arg10[%get3A_144, %get3A_145] : memref<2000x256xf32, #tpu.memory_space<vmem>>, vector<2000x256xf32>
    %get3A_147 = arith.constant 0 : index
    %get3A_148 = arith.constant 0 : index
    %get3A_149 = arith.constant 0 : index
    %get3A_150 = vector.load %arg11[%get3A_147, %get3A_148, %get3A_149] : memref<2x256x16xf32, #tpu.memory_space<vmem>>, vector<1x256x16xf32>
    %get3A_151 = vector.shape_cast %get3A_150 : vector<1x256x16xf32> to vector<256x16xf32>
    %dot_general3A_152 = arith.constant dense<0.000000e+00> : vector<2000x16xf32>
    %dot_general3A_153 = tpu.matmul %get3A_146, %get3A_151, %dot_general3A_152 {dimension_numbers = #tpu.dot_dimension_numbers<[1], [0], [0], [1], [0, 0, 1, 1], [], []>, transpose_lhs_hint = false} : vector<2000x256xf32>, vector<256x16xf32>, vector<2000x16xf32> -> vector<2000x16xf32>
    %tanh3A = math.tanh %dot_general3A_153 : vector<2000x16xf32>
    %get3A_154 = arith.constant 0 : index
    %get3A_155 = arith.constant 0 : index
    %get3A_156 = vector.load %arg12[%get3A_154, %get3A_155] : memref<2x16xf32, #tpu.memory_space<vmem>>, vector<1x16xf32>
    %get3A_157 = vector.shape_cast %get3A_156 : vector<1x16xf32> to vector<16xf32>
    %broadcast_in_dim3A_158 = vector.shape_cast %get3A_157 : vector<16xf32> to vector<16x1xf32>
    %dot_general3A_159 = arith.constant dense<0.000000e+00> : vector<2000x1xf32>
    %dot_general3A_160 = tpu.matmul %tanh3A, %broadcast_in_dim3A_158, %dot_general3A_159 {dimension_numbers = #tpu.dot_dimension_numbers<[1], [0], [0], [1], [0, 0, 1, 1], [], []>, transpose_lhs_hint = false} : vector<2000x16xf32>, vector<16x1xf32>, vector<2000x1xf32> -> vector<2000x1xf32>
    %get3A_161 = arith.constant 1 : index
    %get3A_162 = arith.constant 0 : index
    %get3A_163 = arith.constant 0 : index
    %get3A_164 = vector.load %arg11[%get3A_161, %get3A_162, %get3A_163] : memref<2x256x16xf32, #tpu.memory_space<vmem>>, vector<1x256x16xf32>
    %get3A_165 = vector.shape_cast %get3A_164 : vector<1x256x16xf32> to vector<256x16xf32>
    %dot_general3A_166 = arith.constant dense<0.000000e+00> : vector<2000x16xf32>
    %dot_general3A_167 = tpu.matmul %max3A_143, %get3A_165, %dot_general3A_166 {dimension_numbers = #tpu.dot_dimension_numbers<[1], [0], [0], [1], [0, 0, 1, 1], [], []>, transpose_lhs_hint = false} : vector<2000x256xf32>, vector<256x16xf32>, vector<2000x16xf32> -> vector<2000x16xf32>
    %tanh3A_168 = math.tanh %dot_general3A_167 : vector<2000x16xf32>
    %get3A_169 = arith.constant 1 : index
    %get3A_170 = arith.constant 0 : index
    %get3A_171 = vector.load %arg12[%get3A_169, %get3A_170] : memref<2x16xf32, #tpu.memory_space<vmem>>, vector<1x16xf32>
    %get3A_172 = vector.shape_cast %get3A_171 : vector<1x16xf32> to vector<16xf32>
    %broadcast_in_dim3A_173 = vector.shape_cast %get3A_172 : vector<16xf32> to vector<16x1xf32>
    %dot_general3A_174 = arith.constant dense<0.000000e+00> : vector<2000x1xf32>
    %dot_general3A_175 = tpu.matmul %tanh3A_168, %broadcast_in_dim3A_173, %dot_general3A_174 {dimension_numbers = #tpu.dot_dimension_numbers<[1], [0], [0], [1], [0, 0, 1, 1], [], []>, transpose_lhs_hint = false} : vector<2000x16xf32>, vector<16x1xf32>, vector<2000x1xf32> -> vector<2000x1xf32>
    %max3A_176 = arith.maximumf %dot_general3A_160, %dot_general3A_175 : vector<2000x1xf32>
    %sub3A_177 = arith.subf %dot_general3A_160, %max3A_176 : vector<2000x1xf32>
    %exp3A = math.exp %sub3A_177 : vector<2000x1xf32>
    %sub3A_178 = arith.subf %dot_general3A_175, %max3A_176 : vector<2000x1xf32>
    %exp3A_179 = math.exp %sub3A_178 : vector<2000x1xf32>
    %add3A_180 = arith.addf %exp3A, %exp3A_179 : vector<2000x1xf32>
    %div3A_181 = arith.divf %exp3A, %add3A_180 : vector<2000x1xf32>
    %mul3A_182 = vector.broadcast %div3A_181 : vector<2000x1xf32> to vector<2000x256xf32>
    %mul3A_183 = arith.mulf %mul3A_182, %get3A_146 : vector<2000x256xf32>
    %div3A_184 = arith.divf %exp3A_179, %add3A_180 : vector<2000x1xf32>
    %mul3A_185 = vector.broadcast %div3A_184 : vector<2000x1xf32> to vector<2000x256xf32>
    %mul3A_186 = arith.mulf %mul3A_185, %max3A_143 : vector<2000x256xf32>
    %add3A_187 = arith.addf %mul3A_183, %mul3A_186 : vector<2000x256xf32>
    %reduce_sum3A_188 = arith.constant dense<0.000000e+00> : vector<256xf32>
    %reduce_sum3A_189 = vector.multi_reduction <add>, %add3A_187, %reduce_sum3A_188 [0] : vector<2000x256xf32> to vector<256xf32>
    %broadcast_in_dim3A_190 = vector.shape_cast %reduce_sum3A_189 : vector<256xf32> to vector<1x256xf32>
    %mul3A_191 = arith.constant 9.99999974E-5 : f32
    %mul3A_192 = vector.broadcast %mul3A_191 : f32 to vector<1x256xf32>
    %mul3A_193 = arith.mulf %broadcast_in_dim3A_190, %mul3A_192 : vector<1x256xf32>
    %eq3A = arith.constant 0 : i32
    %eq3A_194 = arith.cmpi eq, %arg0, %eq3A : i32
    %convert_element_type3A_195 = arith.extui %eq3A_194 : i1 to i32
    %cond3A = arith.constant 0 : i32
    %cond3A_196 = arith.cmpi ne, %convert_element_type3A_195, %cond3A : i32
    scf.if %cond3A_196 {
      %broadcast_in_dim3A_203 = arith.constant 0.000000e+00 : f32
      %broadcast_in_dim3A_204 = vector.broadcast %broadcast_in_dim3A_203 : f32 to vector<1x256xf32>
      %swap3A_205 = arith.constant 0 : index
      %swap3A_206 = arith.constant 0 : index
      %swap3A_207 = vector.load %arg13[%swap3A_205, %swap3A_206] : memref<1x256xf32, #tpu.memory_space<vmem>>, vector<1x256xf32>
      tpu.vector_store %arg13[%swap3A_205, %swap3A_206], %broadcast_in_dim3A_204 {strides = array<i32>} : memref<1x256xf32, #tpu.memory_space<vmem>>, vector<1x256xf32>,
    } else {
    }
    %get3A_197 = arith.constant 0 : index
    %get3A_198 = arith.constant 0 : index
    %get3A_199 = vector.load %arg13[%get3A_197, %get3A_198] : memref<1x256xf32, #tpu.memory_space<vmem>>, vector<1x256xf32>
    %add3A_200 = arith.addf %get3A_199, %mul3A_193 : vector<1x256xf32>
    %swap3A = arith.constant 0 : index
    %swap3A_201 = arith.constant 0 : index
    %swap3A_202 = vector.load %arg13[%swap3A, %swap3A_201] : memref<1x256xf32, #tpu.memory_space<vmem>>, vector<1x256xf32>
    tpu.vector_store %arg13[%swap3A, %swap3A_201], %add3A_200 {strides = array<i32>} : memref<1x256xf32, #tpu.memory_space<vmem>>, vector<1x256xf32>,
    return
  }
  func.func @transform_0(%arg0: i32) -> (i32, i32) {
    %c0_i32 = arith.constant 0 : i32
    %c0_i32_0 = arith.constant 0 : i32
    return %arg0, %c0_i32 : i32, i32
  }
  func.func @transform_1(%arg0: i32) -> (i32, i32, i32) {
    %c0_i32 = arith.constant 0 : i32
    %c0_i32_0 = arith.constant 0 : i32
    %c0_i32_1 = arith.constant 0 : i32
    return %c0_i32, %arg0, %c0_i32_0 : i32, i32, i32
  }
  func.func @transform_2(%arg0: i32) -> (i32, i32) {
    %c0_i32 = arith.constant 0 : i32
    %c0_i32_0 = arith.constant 0 : i32
    return %arg0, %c0_i32 : i32, i32
  }
  func.func @transform_3(%arg0: i32) -> (i32, i32) {
    %c0_i32 = arith.constant 0 : i32
    %c0_i32_0 = arith.constant 0 : i32
    %c0_i32_1 = arith.constant 0 : i32
    return %c0_i32, %c0_i32_0 : i32, i32
  }
  func.func @transform_4(%arg0: i32) -> i32 {
    %c0_i32 = arith.constant 0 : i32
    %c0_i32_0 = arith.constant 0 : i32
    return %c0_i32 : i32
  }
  func.func @transform_5(%arg0: i32) -> (i32, i32) {
    %c0_i32 = arith.constant 0 : i32
    %c0_i32_0 = arith.constant 0 : i32
    %c0_i32_1 = arith.constant 0 : i32
    return %c0_i32, %c0_i32_0 : i32, i32
  }
  func.func @transform_6(%arg0: i32) -> i32 {
    %c0_i32 = arith.constant 0 : i32
    %c0_i32_0 = arith.constant 0 : i32
    return %c0_i32 : i32
  }
  func.func @transform_7(%arg0: i32) -> i32 {
    %c0_i32 = arith.constant 0 : i32
    %c0_i32_0 = arith.constant 0 : i32
    return %c0_i32 : i32
  }
  func.func @transform_8(%arg0: i32) -> i32 {
    %c0_i32 = arith.constant 0 : i32
    %c0_i32_0 = arith.constant 0 : i32
    return %c0_i32 : i32
  }
  func.func @transform_9(%arg0: i32) -> (i32, i32) {
    %c0_i32 = arith.constant 0 : i32
    %c0_i32_0 = arith.constant 0 : i32
    return %arg0, %c0_i32 : i32, i32
  }
  func.func @transform_10(%arg0: i32) -> (i32, i32, i32) {
    %c0_i32 = arith.constant 0 : i32
    %c0_i32_0 = arith.constant 0 : i32
    %c0_i32_1 = arith.constant 0 : i32
    %c0_i32_2 = arith.constant 0 : i32
    return %c0_i32, %c0_i32_0, %c0_i32_1 : i32, i32, i32
  }
  func.func @transform_11(%arg0: i32) -> (i32, i32) {
    %c0_i32 = arith.constant 0 : i32
    %c0_i32_0 = arith.constant 0 : i32
    %c0_i32_1 = arith.constant 0 : i32
    return %c0_i32, %c0_i32_0 : i32, i32
  }
  func.func @transform_12(%arg0: i32) -> (i32, i32) {
    %c0_i32 = arith.constant 0 : i32
    %c0_i32_0 = arith.constant 0 : i32
    %c0_i32_1 = arith.constant 0 : i32
    return %c0_i32, %c0_i32_0 : i32, i32
  }
}

</mosaic_0001>

<sc_bundles>
// kernel: kernel.6.cloned.1.call-start
scs
__scs_entry_jumppad:
0x0: {  	(pc) =	sbr.rel $0x88, $3  }
0x1: {  	(tag) =	ssettag $0x0;
	lr =	simm.s32 $0x1  }
0x2: {  	[smem:$0x3F91] =	sst lr;
	_ =	strace $0xD0000000  }
0x3: {  	_ = 	snop  }
0x4: {  	_ = 	snop  }
0x5: {  	_ = 	snop  }
0x6: {  	_ = 	snop  }
0x7: {  	_ = 	snop  }
__scs_overlays_trampoline_lowered:
0x8: {  	[smem:$0x3FA0] =	sst s0  }
0x9: {  	[smem:$0x3FA1] =	sst s1  }
0xa: {  	[smem:$0x3FA2] =	sst s2  }
0xb: {  	[smem:$0x3FA3] =	sst s3  }
0xc: {  	[smem:$0x3FA4] =	sst s4  }
0xd: {  	[smem:$0x3FA5] =	sst s5  }
0xe: {  	[smem:$0x3FA6] =	sst s6  }
0xf: {  	[smem:$0x3FA7] =	sst s7  }
0x10: {  	[smem:$0x3FA8] =	sst s8  }
0x11: {  	[smem:$0x3FA9] =	sst s9;
	s0 =	simm.s32 @!p0 $0x0  }
0x12: {  	s1 =	sld [smem:$0x3F8F];
	s0 =	simm.s32 @p0 $0x1  }
0x13: {  	[smem:$0x3FAA] =	sst s0;
	s0 =	simm.s32 @!p1 $0x0  }
0x14: {  	s2 =	sld [smem:$0x3F8E];
	s0 =	simm.s32 @p1 $0x1  }
0x15: {  	[smem:$0x3FAB] =	sst s0;
	s0 =	simm.s32 @!p2 $0x0  }
0x16: {  	s3 =	sld [smem:$0x3FDB];
	s0 =	simm.s32 @p2 $0x1  }
0x17: {  	s4 =	simm.s32 $0x1BF5;
	[smem:$0x3FAD] =	sst s0  }
0x18: {  	s0 =	sld [smem:$0x3F90];
	_ =	swait.ge [sflag:s4], $0x0  }
0x19: {  	s7 =	sld [smem:$0x3F91]  }
0x1a: {  	s8 =	sadd.s32 $0xFFFFE003, lr  }
0x1b: {  	s9 =	sadd.s32 $0xFFFFFEF7, lr;
	s5 =	simm.s32 $0xFFFFFFFF;
	p2 =	slt.u32 s8, $0xFFFFF086  }
0x1c: {  	p1 =	slt.u32 s9, $0xF7A;
	s5 =	simm.s32 @!p2 $0x0  }
0x1d: {  	s5 =	simm.s32 @p1 $0x1;
	p0 =	seq.s32 s7, s2  }
0x1e: {  	s7 =	smul.u32 @!p0 $0xF7A, s2;
	p2 =	seq.s32 @!p0 s5, $0x0  }
0x1f: {  	s9 =	smul.u32 $0xF7A, s1;
	s8 =	simm.s32 @!p0 $0x1BF5;
	p2 =	por !p2, p0  }
0x20: {  	[sflag:s8] =	ssyncset.s32 @!p0 $0xFFFFF086;
	s6 =	sadd.s32 @!p0 s3, s7;
	s7 =	simm.s32 @!p0 $0x108  }
0x21: {  	s3 =	sadd.s32 s3, s9;
	s6 =	sadd.s32 @!p0 $0x88, s6;
	s7 =	simm.s32 @p2 $0x1082  }
0x22: {  	[simem:s7], [sflag:s8] =	dma.local @!p0 [hbm:s6], $0xF7A  }
0x23: {  	s9 =	sor.u32 $0xD0000000, s2;
	s6 =	simm.s32 $0x108;
	_ =	swait.ge @!p0 [sflag:s8], $0x0  }
0x24: {  	s3 =	sadd.s32 $0x88, s3;
	s6 =	simm.s32 @!p1 $0x1082;
	[sflag:s4] =	ssyncset.s32 $0xFFFFF086  }
0x25: {  	[simem:s6], [sflag:s4] =	dma.local [hbm:s3], $0xF7A  }
0x26: {  	[smem:$0x3F91] =	sst s1;
	(tag) =	ssettag s2;
	_ =	strace s9  }
0x27: {  	s1 =	sld [smem:$0x3FA1]  }
0x28: {  	s2 =	sld [smem:$0x3FA2]  }
0x29: {  	s4 =	sld [smem:$0x3FA4]  }
0x2a: {  	p0 =	seq.s32 s5, $0x0;
	s5 =	sld [smem:$0x3FA5]  }
0x2b: {  	s6 =	sld [smem:$0x3FA6]  }
0x2c: {  	s7 =	sld [smem:$0x3FA7]  }
0x2d: {  	s3 =	simm.s32 $0x108;
	s8 =	sld [smem:$0x3FA8]  }
0x2e: {  	s3 =	simm.s32 @!p0 $0x1082;
	s9 =	sld [smem:$0x3FA9]  }
0x2f: {  	lr =	sadd.s32 s0, s3;
	s0 =	sld [smem:$0x3FA0]  }
0x30: {  	s3 =	sld [smem:$0x3FA3]  }
0x31: {  	[smem:$0x3FAC] =	sst s10  }
0x32: {  	s10 =	sld [smem:$0x3FAA];
	_ =	sdelay $0x3  }
0x33: {  	p0 =	seq.s32 s10, $0x1;
	s10 =	sld [smem:$0x3FAC];
	_ =	sdelay $0x3  }
0x34: {  	[smem:$0x3FAC] =	sst s10  }
0x35: {  	s10 =	sld [smem:$0x3FAB];
	_ =	sdelay $0x3  }
0x36: {  	p1 =	seq.s32 s10, $0x1;
	s10 =	sld [smem:$0x3FAC];
	_ =	sdelay $0x3  }
0x37: {  	[smem:$0x3FAC] =	sst s10  }
0x38: {  	s10 =	sld [smem:$0x3FAD]  }
0x39: {  	_ = 	snop;
	(pc) =	sbr.ind lr, $3  }
0x3a: {  	_ = 	snop  }
0x3b: {  	_ = 	snop  }
0x3c: {  	p2 =	seq.s32 s10, $0x1;
	s10 =	sld [smem:$0x3FAC]  }
0x3d: {  	_ =	shalt  }
0x3e: {  	_ =	shalt  }
0x3f: {  	_ =	shalt  }
0x40: {  	_ =	shalt  }
0x41: {  	_ =	shalt  }
0x42: {  	_ =	shalt  }
0x43: {  	_ =	shalt  }
0x44: {  	_ =	shalt  }
0x45: {  	_ =	shalt  }
0x46: {  	_ =	shalt  }
0x47: {  	_ =	shalt  }
0x48: {  	_ =	shalt  }
0x49: {  	_ =	shalt  }
0x4a: {  	_ =	shalt  }
0x4b: {  	_ =	shalt  }
0x4c: {  	_ =	shalt  }
0x4d: {  	_ =	shalt  }
0x4e: {  	_ =	shalt  }
0x4f: {  	_ =	shalt  }
0x50: {  	_ =	shalt  }
0x51: {  	_ =	shalt  }
0x52: {  	_ =	shalt  }
0x53: {  	_ =	shalt  }
0x54: {  	_ =	shalt  }
0x55: {  	_ =	shalt  }
0x56: {  	_ =	shalt  }
0x57: {  	_ =	shalt  }
0x58: {  	_ =	shalt  }
0x59: {  	_ =	shalt  }
0x5a: {  	_ =	shalt  }
0x5b: {  	_ =	shalt  }
0x5c: {  	_ =	shalt  }
0x5d: {  	_ =	shalt  }
0x5e: {  	_ =	shalt  }
0x5f: {  	_ =	shalt  }
0x60: {  	_ =	shalt  }
0x61: {  	_ =	shalt  }
0x62: {  	_ =	shalt  }
0x63: {  	_ =	shalt  }
0x64: {  	_ =	shalt  }
0x65: {  	_ =	shalt  }
0x66: {  	_ =	shalt  }
0x67: {  	_ =	shalt  }
0x68: {  	_ =	shalt  }
0x69: {  	_ =	shalt  }
0x6a: {  	_ =	shalt  }
0x6b: {  	_ =	shalt  }
0x6c: {  	_ =	shalt  }
0x6d: {  	_ =	shalt  }
0x6e: {  	_ =	shalt  }
0x6f: {  	_ =	shalt  }
0x70: {  	_ =	shalt  }
0x71: {  	_ =	shalt  }
0x72: {  	_ =	shalt  }
0x73: {  	_ =	shalt  }
0x74: {  	_ =	shalt  }
0x75: {  	_ =	shalt  }
0x76: {  	_ =	shalt  }
0x77: {  	_ =	shalt  }
0x78: {  	_ =	shalt  }
0x79: {  	_ =	shalt  }
0x7a: {  	_ =	shalt  }
0x7b: {  	_ =	shalt  }
0x7c: {  	_ =	shalt  }
0x7d: {  	_ =	shalt  }
0x7e: {  	_ =	shalt  }
0x7f: {  	_ =	shalt  }
0x80: {  	_ =	shalt  }
0x81: {  	_ =	shalt  }
0x82: {  	_ =	shalt  }
0x83: {  	_ =	shalt  }
0x84: {  	_ =	shalt  }
0x85: {  	_ =	shalt  }
0x86: {  	_ =	shalt  }
0x87: {  	_ =	shalt  }
.Lfunc_end0:
.L_simem_size_0:
called_computation_lowered:
.L_overlay_start_0:
0x88: {  	s2 =	sld [smem:$0x3FD9]  }
0x89: {  	s3 =	sld [smem:$0x3FFE];
	_ =	sdelay $0x1  }
0x8a: {  	s1 =	srdreg.scid  }
0x8b: {  	s0 =	sand.u32 $0x1, s1  }
0x8c: {  	s16 =	sshll.u32 s0, $0xA;
	s2 =	sadd.s32 s3, s2  }
0x8d: {  	s2 =	sadd.s32 s2, s16  }
0x8e: {  	[smem:$0x3FB8] =	sst s2  }
0x8f: {  	_ = 	snop  }
0x90: {  	(tm) =	ssettm $0x1  }
0x91: {  	s17 =	sld [smem:$0x3FFB];
	_ =	sdelay $0x3  }
0x92: {  	_ =	strace s17  }
0x93: {  	s2 =	sld [smem:$0x3FFC];
	_ =	sdelay $0x3  }
0x94: {  	_ =	strace s2  }
0x95: {  	s2 =	sld [smem:$0x3FFD];
	_ =	sdelay $0x3  }
0x96: {  	_ =	strace s2  }
0x97: {  	_ =	strace $0x8FFFFFFF  }
0x98: {  	s18 =	sld [smem:$0x3FDB];
	_ =	sdelay $0x1  }
0x99: {  	s19 =	simm.s32 $_scs_section_size  }
0x9a: {  	s4 =	simm.s32 $_size__tile_overlayer_lowered;
	s5 =	simm.s32 $_tile_overlayer_lowered  }
0x9b: {  	s22 =	simm.s32 $0x1BFF;
	s21 =	sshll.u32 s5, $0x1;
	s2 =	sadd.s32 s19, s18  }
0x9c: {  	s6 =	simm.s32 $0x0;
	s20 =	sshll.u32 s4, $0x1;
	s4 =	sadd.s32 s21, s2  }
0x9d: {  	[timem:s6], [sflag:s22] =	dma.local [hbm:s4], s20  }
0x9e: {  	_ =	swait.ge [sflag:s22], s20  }
0x9f: {  	s3 =	ssub.s32 $0x0, s20;
	[sflag:s22] =	ssyncset.done $0x0  }
0xa0: {  	[sflag:s22] =	ssyncadd.s32 s3;
	_ =	sdelay $0x1  }
0xa1: {  	s23 =	simm.s32 $0x1B8B  }
0xa2: {  	_ =	swait.ge [sflag:s23], $0x1  }
0xa3: {  	[sflag:s23] =	ssyncset.done $0x0  }
0xa4: {  	s25 =	simm.s32 $0x1B8E;
	s24 =	sld [smem:$0x3FFE];
	[sflag:s23] =	ssyncadd.s32 $0xFFFFFFFF  }
0xa5: {  	s26 =	simm.s32 $execute0_lowered;
	[smem:$0x3FD2] =	sst s25  }
0xa6: {  	s4 =	sshll.u32 s26, $0x1;
	_ =	strace $0x80000046;
	[dreg:$0x1] =	wrdreg $0xFFFFFFFF  }
0xa7: {  	s28 =	simm.s32 $_size_execute0_lowered;
	s2 =	sadd.s32 s2, s4;
	[dreg:$0x0] =	wrdreg $0x0  }
0xa8: {  	s4 =	sshll.u32 s28, $0x1;
	[dreg:$0x2] =	wrdreg s2  }
0xa9: {  	[dreg:$0x3] =	wrdreg s4  }
0xaa: {  	[dreg:$0x4] =	wrdreg $0xC0  }
0xab: {  	_ =	task [dreg:s6], $0x5FFFF  }
0xac: {  	[dreg:$0x1] =	wrdreg $0xFFFFFFFF  }
0xad: {  	[dreg:$0x0] =	wrdreg $0x60  }
0xae: {  	[dreg:$0x2] =	wrdreg s24  }
0xaf: {  	[dreg:$0x3] =	wrdreg $0x11CD00  }
0xb0: {  	[dreg:$0x4] =	wrdreg $0x1BCD00  }
0xb1: {  	[dreg:$0x5] =	wrdreg $0x9  }
0xb2: {  	_ =	task.clear_ibuf [dreg:s6], $0x6FFFF;
	_ =	strace $0x90000046  }
0xb3: {  	s29 =	simm.s32 $0x9;
	_ =	strace $0x80000048  }
0xb4: {  	_ =	swait.ge [sflag:s29], $0x1  }
0xb5: {  	[sflag:s29] =	ssyncadd.s32 $0xFFFFFFFF  }
0xb6: {  	_ =	strace $0x90000048  }
0xb7: {  	_ =	sfence  }
0xb8: {  	s30 =	sld [smem:$0x0];
	_ =	sdelay $0x2  }
0xb9: {  	s31 =	sshll.u32 s1, $0xD;
	s1 =	sshrl.u32 s1, $0x2  }
0xba: {  	s3 =	sand.u32 $0x4000, s31;
	s1 =	sadd.s32 s1, s30  }
0xbb: {  	s0 =	sor.u32 s3, s0;
	s1 =	sshll.u32 s1, $0x11  }
0xbc: {  	s0 =	sor.u32 s1, s0  }
0xbd: {  	s0 =	sadd.s32 $0x8F2B, s0  }
0xbe: {  	[sflag:s0] =	ssyncadd.remote.s32 $0x1  }
0xbf: {  	_ =	sfence.sel $0xFFFF  }
0xc0: {  	[dreg:$0x0] =	wrdreg $0xFFFFFFFF;
	(pc) =	sbr.abs _section_cstart, $3  }
0xc1: {  	[dreg:$0x1] =	wrdreg $0xFFFFFFFF  }
0xc2: {  	_ =	task.clear_ibuf [dreg:s6], $0x2FFFF;
	_ =	strace $0x9FFFFFFF  }
0xc3: {  	(tm) =	ssettm $0x7FFFFFFF  }
tec
execute0_lowered:
.L_overlay_start_1:
0x0: {  	(tag) =	ssettag $0x1  }
0x1: {  	s0 =	rddreg [dreg:$0x0]  }
0x2: {  	s2 =	rddreg [dreg:$0x1]  }
0x3: {  	s3 =	rddreg [dreg:$0x2];
	s13 =	stileid.u32  }
0x4: {  	s1 =	srdreg.scid;
	s4 =	simm.s32 $0x0;
	s7 =	smul.u32 $0xA000, s13  }
0x5: {  	s29 =	simm.s32 $0x8E80;
	s31 =	simm.s32 $0xADC0;
	s8 =	smul.u32 $0x500, s13  }
0x6: {  	s28 =	simm.s32 $0x9;
	s30 =	simm.s32 $0xA;
	s10 =	smul.u32 $0x2800, s13  }
0x7: {  	s1 =	sand.u32 $0x1, s1;
	[smem:$0x7FF] =	sst s4;
	s13 =	smul.u32 $0x28000, s13  }
0x8: {  	s5 =	sadd.s32 $0x2B800, s0;
	s6 =	smul.u32 $0x140000, s1;
	_ =	strace $0x80000047  }
0x9: {  	s12 =	ssub.s32 $0x2, s1;
	s16 =	smul.u32 $0x2710, s1;
	p0 =	sne.s32 s1, $0x0  }
0xa: {  	s1 =	simm.s32 $0x2;
	s8 =	sadd.s32 s8, s0;
	s11 =	sshrl.u32 s10, $0x3  }
0xb: {  	s17 =	sshrl.u32 s13, $0x2;
	s9 =	sadd.s32 s7, s6;
	s6 =	sadd.s32 $0x4600, s0  }
0xc: {  	s18 =	sadd.s32 $0x57A00, s8;
	s8 =	sadd.s32 $0x52A00, s8;
	s19 =	sadd.s32 s17, s2  }
0xd: {  	s17 =	simm.s32 $0x5;
	v0 =	vmov s16;
	s16 =	simm.s32 $0x8;
	[dreg:$0x4] =	wrdreg s18  }
0xe: {  	s9 =	sshrl.u32 s9, $0x3;
	[dreg:$0x5] =	wrdreg s8;
	s20 =	sadd.s32 $0x2000, s19  }
0xf: {  	s21 =	sadd.s32 $0x4000, s19;
	s22 =	sadd.s32 $0x6000, s19;
	s23 =	sadd.s32 $0x8000, s19  }
0x10: {  	s19 =	simm.s32 $0xD;
	s8 =	simm.s32 $0x3;
	s18 =	simm.s32 $0x6  }
0x11: {  	s14 =	sadd.s32 s9, s0;
	s0 =	sadd.s32 s11, s0;
	[dreg:$0x6] =	wrdreg s21  }
0x12: {  	s11 =	sshrl.u32 s12, $0x1;
	s9 =	sadd.s32 s7, s2;
	[dreg:$0x7] =	wrdreg s22  }
0x13: {  	[dreg:$0x8] =	wrdreg s23;
	s21 =	sadd.s32 s10, s3;
	s23 =	simm.s32 $0x7D  }
0x14: {  	s22 =	simm.s32 $0xCD00;
	s24 =	sadd.s32 $0x5CA00, s14;
	[dreg:$0x9] =	wrdreg s21  }
0x15: {  	s7 =	simm.s32 $0x7;
	s0 =	sadd.s32 $0xACA00, s0;
	[dreg:$0xa] =	wrdreg s24  }
0x16: {  	s15 =	ssub.s32 s12, s11;
	s25 =	sadd.s32 $0x70A00, s14;
	[dreg:$0xb] =	wrdreg s0  }
0x17: {  	s10 =	simm.s32 $0xC;
	[dreg:$0xc] =	wrdreg s25;
	s26 =	smax.u32 s15, $0x1  }
0x18: {  	s24 =	simm.s32 $0x5000;
	s0 =	simm.s32 $0x1;
	s25 =	simm.s32 $0x4  }
0x19: {  	v1 =	vimm.f32 $1.000000000e+00;
	v2 =	vimm.f32 $0.0e+00;
	vm0 =	vmmov $0x7;
	s15 =	simm.s32 $0xB;
	[dreg:$0xd] =	wrdreg s26;
	s26 =	simm.s32 $0x6F40  }
.LBB2_1:
0x1a: {  	s11 =	simm.s32 $0x40;
	s12 =	simm.s32 $0x0  }
.LBB2_2:
0x1b: {  	p1 =	sne.s32 s11, $0x1F00;
	[tilespmem:s12+$0xCD00] =	vst v1;
	s12 =	smov.u32 s11;
	s11 =	sadd.s32 $0x40, s11  }
.Ltmp0:
0x1c: {  	(pc) =	sbr.rel @p1 .LBB2_2-.Ltmp0, $2  }
0x1d: {  	_ =	sdelay $0x2  }
0x1e: {  	s12 =	sshra.s32 s12, $0x2  }
0x1f: {  	s11 =	simm.s32 $0x0  }
0x20: {  	s13 =	sand.u32 $0x7F00, s11  }
0x21: {  	s14 =	sand.u32 $0x30, s11;
	s13 =	sshrl.u32 s13, $0x2  }
0x22: {  	[tilespmem:s12+$0xCD00] =	vst v1;
	s12 =	simm.s32 $0x40;
	s13 =	sor.u32 s14, s13  }
.LBB2_4:
0x23: {  	p1 =	sne.s32 s12, $0x7FC0  }
0x24: {  	[tilespmem:s13+$0xD4D0] =	vst v2;
	s11 =	sadd.s32 $0x10, s11;
	s13 =	smov.u32 s12;
	s12 =	sadd.s32 $0x40, s12  }
.Ltmp1:
0x25: {  	(pc) =	sbr.rel @p1 .LBB2_4-.Ltmp1, $4  }
0x26: {  	_ = 	snop  }
0x27: {  	s13 =	sand.u32 $0x7F00, s13  }
0x28: {  	s14 =	sand.u32 $0x30, s11;
	s13 =	sshrl.u32 s13, $0x2  }
0x29: {  	s13 =	sor.u32 s14, s13  }
0x2a: {  	[tilespmem:s13+$0xD4D0] =	vst v2;
	s11 =	simm.s32 $0x40;
	s12 =	simm.s32 $0x0  }
.LBB2_6:
0x2b: {  	p1 =	sne.s32 s11, $0x9FC0;
	[tilespmem:s12+$0xF4D0] =	vst v2;
	s12 =	smov.u32 s11;
	s11 =	sadd.s32 $0x40, s11  }
.Ltmp2:
0x2c: {  	(pc) =	sbr.rel @p1 .LBB2_6-.Ltmp2, $2  }
0x2d: {  	_ =	sdelay $0x2  }
0x2e: {  	s12 =	sshra.s32 s12, $0x2  }
0x2f: {  	[tilespmem:s12+$0xF4D0] =	vst v2;
	s11 =	simm.s32 $0x0;
	s13 =	rddreg [dreg:$0x4]  }
0x30: {  	[tilespmem:s11], [sflag:$0xD] =	stream.linear.gather [hbm4b:s13+s11], $0x2800, $0x38;
	[tilespmem:$0x1E4D0] =	vst v63  }
0x31: {  	_ =	swait.ge [sflag:s19], $0x2800  }
0x32: {  	[sflag:s19] =	ssyncset.done $0x0  }
0x33: {  	s13 =	simm.s32 $0x2800;
	s14 =	rddreg [dreg:$0x5];
	[sflag:s19] =	ssyncadd.s32 $0xFFFFD800  }
0x34: {  	[tilespmem:s13], [sflag:$0xD] =	stream.linear.gather [hbm4b:s14+s11], $0x2800, $0x38;
	[tilespmem:$0x1E4D0] =	vst v63  }
0x35: {  	_ =	swait.ge [sflag:s19], $0x2800  }
0x36: {  	[sflag:s19] =	ssyncset.done $0x0  }
0x37: {  	s11 =	simm.s32 $0x0;
	[sflag:s19] =	ssyncadd.s32 $0xFFFFD800  }
0x38: {  	v3 =	vld [tilespmem:s11+$0x60]  }
0x39: {  	v4 =	vld [tilespmem:s11+$0x0]  }
0x3a: {  	v5 =	vld [tilespmem:s11+$0x10]  }
0x3b: {  	v6 =	vld [tilespmem:s11+$0x20]  }
0x3c: {  	v7 =	vld [tilespmem:s11+$0x30]  }
0x3d: {  	v8 =	vld [tilespmem:s11+$0x40];
	v3 =	vadd.s32 v0, v3  }
0x3e: {  	v9 =	vld [tilespmem:s11+$0x50];
	[tilespmem:s11+$0x60] =	vst v3  }
0x3f: {  	v4 =	vadd.s32 v0, v4;
	v3 =	vld [tilespmem:s11+$0x6D]  }
0x40: {  	[tilespmem:s11+$0x0] =	vst v4;
	v4 =	vadd.s32 v0, v5  }
0x41: {  	[tilespmem:s11+$0x10] =	vst v4;
	v4 =	vadd.s32 v0, v6  }
0x42: {  	[tilespmem:s11+$0x20] =	vst v4;
	v4 =	vadd.s32 v0, v7  }
0x43: {  	[tilespmem:s11+$0x30] =	vst v4;
	v4 =	vadd.s32 v0, v8  }
0x44: {  	[tilespmem:s11+$0x40] =	vst v4;
	v4 =	vadd.s32 v0, v9;
	v5 =	vadd.s32 v0, v3  }
0x45: {  	s12 =	simm.s32 $0x200;
	s13 =	simm.s32 $0x400;
	[tilespmem:s11+$0x50] =	vst v4;
	v3 =	vsel vm0, v3, v5  }
.LBB2_8:
0x46: {  	p1 =	sne.s32 s13, $0x9E00  }
0x47: {  	[tilespmem:s11+$0x6D] =	vst v3;
	s11 =	sshra.s32 s12, $0x2;
	s12 =	smov.u32 s13;
	s13 =	sadd.s32 $0x200, s13  }
0x48: {  	v3 =	vld [tilespmem:s11+$0x60]  }
0x49: {  	v4 =	vld [tilespmem:s11+$0x0]  }
0x4a: {  	v5 =	vld [tilespmem:s11+$0x10]  }
0x4b: {  	v6 =	vld [tilespmem:s11+$0x20]  }
0x4c: {  	v7 =	vld [tilespmem:s11+$0x30]  }
0x4d: {  	v8 =	vld [tilespmem:s11+$0x40];
	v3 =	vadd.s32 v0, v3  }
0x4e: {  	v4 =	vadd.s32 v0, v4;
	v9 =	vld [tilespmem:s11+$0x50];
	[tilespmem:s11+$0x60] =	vst v3  }
0x4f: {  	[tilespmem:s11+$0x0] =	vst v4;
	v3 =	vadd.s32 v0, v5;
	v4 =	vld [tilespmem:s11+$0x6D]  }
0x50: {  	[tilespmem:s11+$0x10] =	vst v3;
	v3 =	vadd.s32 v0, v6  }
.Ltmp3:
0x51: {  	[tilespmem:s11+$0x20] =	vst v3;
	v3 =	vadd.s32 v0, v7;
	(pc) =	sbr.rel @p1 .LBB2_8-.Ltmp3, $4  }
0x52: {  	[tilespmem:s11+$0x30] =	vst v3;
	v3 =	vadd.s32 v0, v8  }
0x53: {  	[tilespmem:s11+$0x40] =	vst v3;
	v3 =	vadd.s32 v0, v9  }
0x54: {  	[tilespmem:s11+$0x50] =	vst v3;
	v3 =	vadd.s32 v0, v4  }
0x55: {  	v3 =	vsel vm0, v4, v3  }
0x56: {  	s12 =	sshra.s32 s12, $0x2;
	[tilespmem:s11+$0x6D] =	vst v3  }
0x57: {  	v3 =	vld [tilespmem:s12+$0x60]  }
0x58: {  	v4 =	vld [tilespmem:s12+$0x0]  }
0x59: {  	v5 =	vld [tilespmem:s12+$0x10]  }
0x5a: {  	v6 =	vld [tilespmem:s12+$0x20]  }
0x5b: {  	v7 =	vld [tilespmem:s12+$0x30]  }
0x5c: {  	v8 =	vld [tilespmem:s12+$0x40];
	v3 =	vadd.s32 v0, v3  }
0x5d: {  	v9 =	vld [tilespmem:s12+$0x50];
	[tilespmem:s12+$0x60] =	vst v3  }
0x5e: {  	v3 =	vadd.s32 v0, v4;
	v62 =	vld [tilespmem:s12+$0x6D]  }
0x5f: {  	[tilespmem:s12+$0x0] =	vst v3;
	v3 =	vadd.s32 v0, v5  }
0x60: {  	[tilespmem:s12+$0x10] =	vst v3;
	v3 =	vadd.s32 v0, v6  }
0x61: {  	[tilespmem:s12+$0x20] =	vst v3;
	v3 =	vadd.s32 v0, v7  }
0x62: {  	[tilespmem:s12+$0x30] =	vst v3;
	v3 =	vadd.s32 v0, v8  }
0x63: {  	[tilespmem:s12+$0x40] =	vst v3;
	v3 =	vadd.s32 v0, v9;
	v63 =	vadd.s32 v0, v62  }
0x64: {  	[tilespmem:s12+$0x50] =	vst v3;
	v3 =	vsel vm0, v62, v63  }
0x65: {  	[tilespmem:s12+$0x6D] =	vst v3;
	s12 =	simm.s32 $0xD4D0  }
0x66: {  	[spmem:s9] =	stream.linear.scatter [tilespmem:s12], [sflag:$0xD], $0x2000, $0x38;
	[tilespmem:$0x1E4D0] =	vst v63  }
0x67: {  	_ =	swait.ge [sflag:s19], $0x2000  }
0x68: {  	[sflag:s19] =	ssyncset.done $0x0  }
0x69: {  	[sflag:s19] =	ssyncadd.s32 $0xFFFFE000  }
0x6a: {  	[spmem:s20] =	stream.linear.scatter [tilespmem:s12], [sflag:$0xD], $0x2000, $0x38;
	[tilespmem:$0x1E4D0] =	vst v63  }
0x6b: {  	_ =	swait.ge [sflag:s19], $0x2000  }
0x6c: {  	[sflag:s19] =	ssyncset.done $0x0  }
0x6d: {  	s13 =	rddreg [dreg:$0x6];
	[sflag:s19] =	ssyncadd.s32 $0xFFFFE000  }
0x6e: {  	[spmem:s13] =	stream.linear.scatter [tilespmem:s12], [sflag:$0xD], $0x2000, $0x38;
	[tilespmem:$0x1E4D0] =	vst v63  }
0x6f: {  	_ =	swait.ge [sflag:s19], $0x2000  }
0x70: {  	[sflag:s19] =	ssyncset.done $0x0  }
0x71: {  	s14 =	rddreg [dreg:$0x7];
	[sflag:s19] =	ssyncadd.s32 $0xFFFFE000  }
0x72: {  	[spmem:s14] =	stream.linear.scatter [tilespmem:s12], [sflag:$0xD], $0x2000, $0x38;
	[tilespmem:$0x1E4D0] =	vst v63  }
0x73: {  	_ =	swait.ge [sflag:s19], $0x2000  }
0x74: {  	[sflag:s19] =	ssyncset.done $0x0  }
0x75: {  	s13 =	rddreg [dreg:$0x8];
	[sflag:s19] =	ssyncadd.s32 $0xFFFFE000  }
0x76: {  	[spmem:s13] =	stream.linear.scatter [tilespmem:s12], [sflag:$0xD], $0x2000, $0x38;
	[tilespmem:$0x1E4D0] =	vst v63  }
0x77: {  	_ =	swait.ge [sflag:s19], $0x2000  }
0x78: {  	[sflag:s19] =	ssyncset.done $0x0  }
0x79: {  	s14 =	simm.s32 $0xF4D0;
	[sflag:s19] =	ssyncadd.s32 $0xFFFFE000  }
0x7a: {  	[spmem:s21] =	stream.linear.scatter [tilespmem:s14], [sflag:$0xD], $0x2800, $0x38;
	[tilespmem:$0x1E4D0] =	vst v63  }
0x7b: {  	_ =	swait.ge [sflag:s19], $0x2800  }
0x7c: {  	[sflag:s19] =	ssyncset.done $0x0  }
0x7d: {  	[sflag:s19] =	ssyncadd.s32 $0xFFFFD800  }
0x7e: {  	s12 =	simm.s32 $0x0;
	[bflag:$0x0] =	sbarrier.arrive $0xFFFF  }
0x7f: {  	[tilespmem:s24], [sflag:$0x1] =	stream.indirect.gather [hbm4b:s5+s23], $0x40, s12, s23, $0xb8;
	[tilespmem:$0x1E4D0] =	vst v63  }
0x80: {  	s13 =	simm.s32 $0x80  }
0x81: {  	[tilespmem:s26], [sflag:$0x2] =	stream.indirect.gather [hbm4b:s5+s23], $0x40, s13, s23, $0xb8;
	[tilespmem:$0x1E4D0] =	vst v63  }
0x82: {  	s14 =	simm.s32 $0x100  }
0x83: {  	[tilespmem:s29], [sflag:$0x3] =	stream.indirect.gather [hbm4b:s5+s23], $0x40, s14, s23, $0xb8;
	[tilespmem:$0x1E4D0] =	vst v63  }
0x84: {  	s12 =	simm.s32 $0x180  }
0x85: {  	[tilespmem:s31], [sflag:$0x4] =	stream.indirect.gather [hbm4b:s5+s23], $0x40, s12, s23, $0xb8;
	[tilespmem:$0x1E4D0] =	vst v63  }
0x86: {  	_ =	swait.ge [sflag:s0], $0x1F40  }
0x87: {  	[sflag:s0] =	ssyncset.done $0x0  }
0x88: {  	s13 =	simm.s32 $0x2800;
	[sflag:s0] =	ssyncadd.s32 $0xFFFFE0C0  }
0x89: {  	[spmem:s2] =	stream.indirect.scatter.add.f32 [tilespmem:s24], [sflag:$0x5], $0x40, s13, s23, $0xb8;
	[tilespmem:$0x1E4D0] =	vst v63  }
0x8a: {  	_ = 	snop  }
0x8b: {  	[spmem:s3] =	stream.indirect.scatter.add.f32 [tilespmem:s22], [sflag:$0x9], $0x10, s13, s23, $0xb8;
	[tilespmem:$0x1E4D0] =	vst v63  }
0x8c: {  	_ =	swait.ge [sflag:s1], $0x1F40  }
0x8d: {  	[sflag:s1] =	ssyncset.done $0x0  }
0x8e: {  	s14 =	simm.s32 $0x2880;
	[sflag:s1] =	ssyncadd.s32 $0xFFFFE0C0  }
0x8f: {  	[spmem:s2] =	stream.indirect.scatter.add.f32 [tilespmem:s26], [sflag:$0x6], $0x40, s14, s23, $0xb8;
	[tilespmem:$0x1E4D0] =	vst v63  }
0x90: {  	_ = 	snop  }
0x91: {  	[spmem:s3] =	stream.indirect.scatter.add.f32 [tilespmem:s22], [sflag:$0xA], $0x10, s14, s23, $0xb8;
	[tilespmem:$0x1E4D0] =	vst v63  }
0x92: {  	_ =	swait.ge [sflag:s8], $0x1F40  }
0x93: {  	[sflag:s8] =	ssyncset.done $0x0  }
0x94: {  	s12 =	simm.s32 $0x2900;
	[sflag:s8] =	ssyncadd.s32 $0xFFFFE0C0  }
0x95: {  	[spmem:s2] =	stream.indirect.scatter.add.f32 [tilespmem:s29], [sflag:$0x7], $0x40, s12, s23, $0xb8;
	[tilespmem:$0x1E4D0] =	vst v63  }
0x96: {  	_ = 	snop  }
0x97: {  	[spmem:s3] =	stream.indirect.scatter.add.f32 [tilespmem:s22], [sflag:$0xB], $0x10, s12, s23, $0xb8;
	[tilespmem:$0x1E4D0] =	vst v63  }
0x98: {  	_ =	swait.ge [sflag:s25], $0x1F40  }
0x99: {  	[sflag:s25] =	ssyncset.done $0x0  }
0x9a: {  	s13 =	simm.s32 $0x2980;
	[sflag:s25] =	ssyncadd.s32 $0xFFFFE0C0  }
0x9b: {  	[spmem:s2] =	stream.indirect.scatter.add.f32 [tilespmem:s31], [sflag:$0x8], $0x40, s13, s23, $0xb8;
	[tilespmem:$0x1E4D0] =	vst v63  }
0x9c: {  	_ = 	snop  }
0x9d: {  	[spmem:s3] =	stream.indirect.scatter.add.f32 [tilespmem:s22], [sflag:$0xC], $0x10, s13, s23, $0xb8;
	[tilespmem:$0x1E4D0] =	vst v63  }
0x9e: {  	_ =	swait.ge [sflag:s17], $0x1F40  }
0x9f: {  	[sflag:s17] =	ssyncset.done $0x0  }
0xa0: {  	[sflag:s17] =	ssyncadd.s32 $0xFFFFE0C0  }
0xa1: {  	_ =	swait.ge [sflag:s28], $0x7D0  }
0xa2: {  	[sflag:s28] =	ssyncset.done $0x0  }
0xa3: {  	s14 =	simm.s32 $0x200;
	[sflag:s28] =	ssyncadd.s32 $0xFFFFF830  }
0xa4: {  	[tilespmem:s24], [sflag:$0x1] =	stream.indirect.gather [hbm4b:s5+s23], $0x40, s14, s23, $0xb8;
	[tilespmem:$0x1E4D0] =	vst v63  }
0xa5: {  	_ =	swait.ge [sflag:s18], $0x1F40  }
0xa6: {  	[sflag:s18] =	ssyncset.done $0x0  }
0xa7: {  	[sflag:s18] =	ssyncadd.s32 $0xFFFFE0C0  }
0xa8: {  	_ =	swait.ge [sflag:s30], $0x7D0  }
0xa9: {  	[sflag:s30] =	ssyncset.done $0x0  }
0xaa: {  	s12 =	simm.s32 $0x280;
	[sflag:s30] =	ssyncadd.s32 $0xFFFFF830  }
0xab: {  	[tilespmem:s26], [sflag:$0x2] =	stream.indirect.gather [hbm4b:s5+s23], $0x40, s12, s23, $0xb8;
	[tilespmem:$0x1E4D0] =	vst v63  }
0xac: {  	_ =	swait.ge [sflag:s7], $0x1F40  }
0xad: {  	[sflag:s7] =	ssyncset.done $0x0  }
0xae: {  	[sflag:s7] =	ssyncadd.s32 $0xFFFFE0C0  }
0xaf: {  	_ =	swait.ge [sflag:s15], $0x7D0  }
0xb0: {  	[sflag:s15] =	ssyncset.done $0x0  }
0xb1: {  	s13 =	simm.s32 $0x300;
	[sflag:s15] =	ssyncadd.s32 $0xFFFFF830  }
0xb2: {  	[tilespmem:s29], [sflag:$0x3] =	stream.indirect.gather [hbm4b:s5+s23], $0x40, s13, s23, $0xb8;
	[tilespmem:$0x1E4D0] =	vst v63  }
0xb3: {  	_ =	swait.ge [sflag:s16], $0x1F40  }
0xb4: {  	[sflag:s16] =	ssyncset.done $0x0  }
0xb5: {  	[sflag:s16] =	ssyncadd.s32 $0xFFFFE0C0  }
0xb6: {  	_ =	swait.ge [sflag:s10], $0x7D0  }
0xb7: {  	[sflag:s10] =	ssyncset.done $0x0  }
0xb8: {  	s14 =	simm.s32 $0x380;
	[sflag:s10] =	ssyncadd.s32 $0xFFFFF830  }
0xb9: {  	[tilespmem:s31], [sflag:$0x4] =	stream.indirect.gather [hbm4b:s5+s23], $0x40, s14, s23, $0xb8;
	[tilespmem:$0x1E4D0] =	vst v63  }
0xba: {  	_ =	swait.ge [sflag:s0], $0x1F40  }
0xbb: {  	[sflag:s0] =	ssyncset.done $0x0  }
0xbc: {  	s12 =	simm.s32 $0x2A00;
	[sflag:s0] =	ssyncadd.s32 $0xFFFFE0C0  }
0xbd: {  	[spmem:s2] =	stream.indirect.scatter.add.f32 [tilespmem:s24], [sflag:$0x5], $0x40, s12, s23, $0xb8;
	[tilespmem:$0x1E4D0] =	vst v63  }
0xbe: {  	_ = 	snop  }
0xbf: {  	[spmem:s3] =	stream.indirect.scatter.add.f32 [tilespmem:s22], [sflag:$0x9], $0x10, s12, s23, $0xb8;
	[tilespmem:$0x1E4D0] =	vst v63  }
0xc0: {  	_ =	swait.ge [sflag:s1], $0x1F40  }
0xc1: {  	[sflag:s1] =	ssyncset.done $0x0  }
0xc2: {  	s13 =	simm.s32 $0x2A80;
	[sflag:s1] =	ssyncadd.s32 $0xFFFFE0C0  }
0xc3: {  	[spmem:s2] =	stream.indirect.scatter.add.f32 [tilespmem:s26], [sflag:$0x6], $0x40, s13, s23, $0xb8;
	[tilespmem:$0x1E4D0] =	vst v63  }
0xc4: {  	_ = 	snop  }
0xc5: {  	[spmem:s3] =	stream.indirect.scatter.add.f32 [tilespmem:s22], [sflag:$0xA], $0x10, s13, s23, $0xb8;
	[tilespmem:$0x1E4D0] =	vst v63  }
0xc6: {  	_ =	swait.ge [sflag:s8], $0x1F40  }
0xc7: {  	[sflag:s8] =	ssyncset.done $0x0  }
0xc8: {  	s14 =	simm.s32 $0x2B00;
	[sflag:s8] =	ssyncadd.s32 $0xFFFFE0C0  }
0xc9: {  	[spmem:s2] =	stream.indirect.scatter.add.f32 [tilespmem:s29], [sflag:$0x7], $0x40, s14, s23, $0xb8;
	[tilespmem:$0x1E4D0] =	vst v63  }
0xca: {  	_ = 	snop  }
0xcb: {  	[spmem:s3] =	stream.indirect.scatter.add.f32 [tilespmem:s22], [sflag:$0xB], $0x10, s14, s23, $0xb8;
	[tilespmem:$0x1E4D0] =	vst v63  }
0xcc: {  	_ =	swait.ge [sflag:s25], $0x1F40  }
0xcd: {  	[sflag:s25] =	ssyncset.done $0x0  }
0xce: {  	s11 =	simm.s32 $0x800;
	s12 =	simm.s32 $0x2B80;
	[sflag:s25] =	ssyncadd.s32 $0xFFFFE0C0  }
0xcf: {  	[spmem:s2] =	stream.indirect.scatter.add.f32 [tilespmem:s31], [sflag:$0x8], $0x40, s12, s23, $0xb8;
	[tilespmem:$0x1E4D0] =	vst v63  }
.LBB2_10:
0xd0: {  	[spmem:s3] =	stream.indirect.scatter.add.f32 [tilespmem:s22], [sflag:$0xC], $0x10, s12, s23, $0xb8;
	[tilespmem:$0x1E4D0] =	vst v63  }
0xd1: {  	s12 =	smov.u32 s11  }
0xd2: {  	p1 =	sne.s32 s11, $0x9000;
	s11 =	sadd.s32 $0x800, s11;
	_ =	swait.ge [sflag:s17], $0x1F40  }
0xd3: {  	[sflag:s17] =	ssyncset.done $0x0  }
0xd4: {  	[sflag:s17] =	ssyncadd.s32 $0xFFFFE0C0  }
0xd5: {  	_ =	swait.ge [sflag:s28], $0x7D0  }
0xd6: {  	s12 =	sshra.s32 s12, $0x2;
	[sflag:s28] =	ssyncset.done $0x0  }
0xd7: {  	s13 =	sadd.s32 $0x200, s12;
	[sflag:s28] =	ssyncadd.s32 $0xFFFFF830  }
0xd8: {  	[tilespmem:s24], [sflag:$0x1] =	stream.indirect.gather [hbm4b:s5+s23], $0x40, s13, s23, $0xb8;
	[tilespmem:$0x1E4D0] =	vst v63  }
0xd9: {  	_ =	swait.ge [sflag:s18], $0x1F40  }
0xda: {  	[sflag:s18] =	ssyncset.done $0x0  }
0xdb: {  	[sflag:s18] =	ssyncadd.s32 $0xFFFFE0C0  }
0xdc: {  	_ =	swait.ge [sflag:s30], $0x7D0  }
0xdd: {  	[sflag:s30] =	ssyncset.done $0x0  }
0xde: {  	s13 =	sadd.s32 $0x280, s12;
	[sflag:s30] =	ssyncadd.s32 $0xFFFFF830  }
0xdf: {  	[tilespmem:s26], [sflag:$0x2] =	stream.indirect.gather [hbm4b:s5+s23], $0x40, s13, s23, $0xb8;
	[tilespmem:$0x1E4D0] =	vst v63  }
0xe0: {  	_ =	swait.ge [sflag:s7], $0x1F40  }
0xe1: {  	[sflag:s7] =	ssyncset.done $0x0  }
0xe2: {  	[sflag:s7] =	ssyncadd.s32 $0xFFFFE0C0  }
0xe3: {  	_ =	swait.ge [sflag:s15], $0x7D0  }
0xe4: {  	[sflag:s15] =	ssyncset.done $0x0  }
0xe5: {  	s13 =	sadd.s32 $0x300, s12;
	[sflag:s15] =	ssyncadd.s32 $0xFFFFF830  }
0xe6: {  	[tilespmem:s29], [sflag:$0x3] =	stream.indirect.gather [hbm4b:s5+s23], $0x40, s13, s23, $0xb8;
	[tilespmem:$0x1E4D0] =	vst v63  }
0xe7: {  	_ =	swait.ge [sflag:s16], $0x1F40  }
0xe8: {  	[sflag:s16] =	ssyncset.done $0x0  }
0xe9: {  	[sflag:s16] =	ssyncadd.s32 $0xFFFFE0C0  }
0xea: {  	_ =	swait.ge [sflag:s10], $0x7D0  }
0xeb: {  	[sflag:s10] =	ssyncset.done $0x0  }
0xec: {  	s13 =	sadd.s32 $0x380, s12;
	[sflag:s10] =	ssyncadd.s32 $0xFFFFF830  }
0xed: {  	[tilespmem:s31], [sflag:$0x4] =	stream.indirect.gather [hbm4b:s5+s23], $0x40, s13, s23, $0xb8;
	[tilespmem:$0x1E4D0] =	vst v63  }
0xee: {  	_ =	swait.ge [sflag:s0], $0x1F40  }
0xef: {  	[sflag:s0] =	ssyncset.done $0x0  }
0xf0: {  	s13 =	sadd.s32 $0x2A00, s12;
	[sflag:s0] =	ssyncadd.s32 $0xFFFFE0C0  }
0xf1: {  	[spmem:s2] =	stream.indirect.scatter.add.f32 [tilespmem:s24], [sflag:$0x5], $0x40, s13, s23, $0xb8;
	[tilespmem:$0x1E4D0] =	vst v63  }
0xf2: {  	_ = 	snop  }
0xf3: {  	[spmem:s3] =	stream.indirect.scatter.add.f32 [tilespmem:s22], [sflag:$0x9], $0x10, s13, s23, $0xb8;
	[tilespmem:$0x1E4D0] =	vst v63  }
0xf4: {  	_ =	swait.ge [sflag:s1], $0x1F40  }
0xf5: {  	[sflag:s1] =	ssyncset.done $0x0  }
0xf6: {  	s13 =	sadd.s32 $0x2A80, s12;
	[sflag:s1] =	ssyncadd.s32 $0xFFFFE0C0  }
0xf7: {  	[spmem:s2] =	stream.indirect.scatter.add.f32 [tilespmem:s26], [sflag:$0x6], $0x40, s13, s23, $0xb8;
	[tilespmem:$0x1E4D0] =	vst v63  }
0xf8: {  	_ = 	snop  }
0xf9: {  	[spmem:s3] =	stream.indirect.scatter.add.f32 [tilespmem:s22], [sflag:$0xA], $0x10, s13, s23, $0xb8;
	[tilespmem:$0x1E4D0] =	vst v63  }
0xfa: {  	_ =	swait.ge [sflag:s8], $0x1F40  }
0xfb: {  	[sflag:s8] =	ssyncset.done $0x0  }
0xfc: {  	s13 =	sadd.s32 $0x2B00, s12;
	[sflag:s8] =	ssyncadd.s32 $0xFFFFE0C0  }
0xfd: {  	[spmem:s2] =	stream.indirect.scatter.add.f32 [tilespmem:s29], [sflag:$0x7], $0x40, s13, s23, $0xb8;
	[tilespmem:$0x1E4D0] =	vst v63  }
0xfe: {  	_ = 	snop  }
0xff: {  	[spmem:s3] =	stream.indirect.scatter.add.f32 [tilespmem:s22], [sflag:$0xB], $0x10, s13, s23, $0xb8;
	[tilespmem:$0x1E4D0] =	vst v63  }
.Ltmp4:
0x100: {  	_ = 	snop;
	(pc) =	sbr.rel @p1 .LBB2_10-.Ltmp4, $4  }
0x101: {  	_ =	swait.ge [sflag:s25], $0x1F40  }
0x102: {  	[sflag:s25] =	ssyncset.done $0x0  }
0x103: {  	s12 =	sadd.s32 $0x2B80, s12;
	[sflag:s25] =	ssyncadd.s32 $0xFFFFE0C0  }
0x104: {  	[spmem:s2] =	stream.indirect.scatter.add.f32 [tilespmem:s31], [sflag:$0x8], $0x40, s12, s23, $0xb8;
	[tilespmem:$0x1E4D0] =	vst v63  }
0x105: {  	[spmem:s3] =	stream.indirect.scatter.add.f32 [tilespmem:s22], [sflag:$0xC], $0x10, s12, s23, $0xb8;
	[tilespmem:$0x1E4D0] =	vst v63  }
0x106: {  	_ =	swait.ge [sflag:s17], $0x1F40  }
0x107: {  	[sflag:s17] =	ssyncset.done $0x0  }
0x108: {  	[sflag:s17] =	ssyncadd.s32 $0xFFFFE0C0  }
0x109: {  	_ =	swait.ge [sflag:s28], $0x7D0  }
0x10a: {  	[sflag:s28] =	ssyncset.done $0x0  }
0x10b: {  	[sflag:s28] =	ssyncadd.s32 $0xFFFFF830  }
0x10c: {  	_ =	swait.ge [sflag:s18], $0x1F40  }
0x10d: {  	[sflag:s18] =	ssyncset.done $0x0  }
0x10e: {  	[sflag:s18] =	ssyncadd.s32 $0xFFFFE0C0  }
0x10f: {  	_ =	swait.ge [sflag:s30], $0x7D0  }
0x110: {  	[sflag:s30] =	ssyncset.done $0x0  }
0x111: {  	[sflag:s30] =	ssyncadd.s32 $0xFFFFF830  }
0x112: {  	_ =	swait.ge [sflag:s7], $0x1F40  }
0x113: {  	[sflag:s7] =	ssyncset.done $0x0  }
0x114: {  	[sflag:s7] =	ssyncadd.s32 $0xFFFFE0C0  }
0x115: {  	_ =	swait.ge [sflag:s15], $0x7D0  }
0x116: {  	[sflag:s15] =	ssyncset.done $0x0  }
0x117: {  	[sflag:s15] =	ssyncadd.s32 $0xFFFFF830  }
0x118: {  	_ =	swait.ge [sflag:s16], $0x1F40  }
0x119: {  	[sflag:s16] =	ssyncset.done $0x0  }
0x11a: {  	[sflag:s16] =	ssyncadd.s32 $0xFFFFE0C0  }
0x11b: {  	_ =	swait.ge [sflag:s10], $0x7D0  }
0x11c: {  	[sflag:s10] =	ssyncset.done $0x0  }
0x11d: {  	s11 =	stileid.u32;
	[sflag:s10] =	ssyncadd.s32 $0xFFFFF830  }
0x11e: {  	s11 =	sshll.u32 s11, $0x6;
	[bflag:$0x0] =	sbarrier.arrive $0xFFFF  }
0x11f: {  	s12 =	sshrl.u32 s9, $0x3;
	s11 =	sor.u32 $0x1C0D, s11;
	s13 =	rddreg [dreg:$0xa]  }
0x120: {  	[hbm:s13], [sflag:s11] =	dma.local [spmem:s12], $0x1400  }
0x121: {  	_ =	swait.ge [sflag:s19], $0x1400  }
0x122: {  	[sflag:s19] =	ssyncset.done $0x0  }
0x123: {  	s13 =	sshrl.u32 @!p0 s21, $0x3;
	s14 =	rddreg [dreg:$0xb];
	[sflag:s19] =	ssyncadd.s32 $0xFFFFEC00  }
0x124: {  	[hbm:s14], [sflag:s11] =	dma.local @!p0 [spmem:s13], $0x500  }
0x125: {  	s13 =	simm.s32 @!p0 $0xD  }
0x126: {  	_ =	swait.ge @!p0 [sflag:s13], $0x500  }
0x127: {  	[sflag:s13] =	ssyncset.done @!p0 $0x0  }
0x128: {  	s14 =	simm.s32 $0xD4D0;
	[sflag:s13] =	ssyncadd.s32 @!p0 $0xFFFFFB00  }
0x129: {  	[spmem:s9] =	stream.linear.scatter [tilespmem:s14], [sflag:$0xD], $0x2000, $0x38;
	[tilespmem:$0x1E4D0] =	vst v63  }
0x12a: {  	_ =	swait.ge [sflag:s19], $0x2000  }
0x12b: {  	[sflag:s19] =	ssyncset.done $0x0  }
0x12c: {  	[sflag:s19] =	ssyncadd.s32 $0xFFFFE000  }
0x12d: {  	[spmem:s20] =	stream.linear.scatter [tilespmem:s14], [sflag:$0xD], $0x2000, $0x38;
	[tilespmem:$0x1E4D0] =	vst v63  }
0x12e: {  	_ =	swait.ge [sflag:s19], $0x2000  }
0x12f: {  	s21 =	smov.u32 s9;
	[sflag:s19] =	ssyncset.done $0x0  }
0x130: {  	s9 =	smov.u32 s20;
	s20 =	rddreg [dreg:$0x6];
	[sflag:s19] =	ssyncadd.s32 $0xFFFFE000  }
0x131: {  	[spmem:s20] =	stream.linear.scatter [tilespmem:s14], [sflag:$0xD], $0x2000, $0x38;
	[tilespmem:$0x1E4D0] =	vst v63  }
0x132: {  	_ =	swait.ge [sflag:s19], $0x2000  }
0x133: {  	[sflag:s19] =	ssyncset.done $0x0  }
0x134: {  	s20 =	rddreg [dreg:$0x7];
	[sflag:s19] =	ssyncadd.s32 $0xFFFFE000  }
0x135: {  	[spmem:s20] =	stream.linear.scatter [tilespmem:s14], [sflag:$0xD], $0x2000, $0x38;
	[tilespmem:$0x1E4D0] =	vst v63  }
0x136: {  	_ =	swait.ge [sflag:s19], $0x2000  }
0x137: {  	[sflag:s19] =	ssyncset.done $0x0  }
0x138: {  	s20 =	rddreg [dreg:$0x8];
	[sflag:s19] =	ssyncadd.s32 $0xFFFFE000  }
0x139: {  	[spmem:s20] =	stream.linear.scatter [tilespmem:s14], [sflag:$0xD], $0x2000, $0x38;
	[tilespmem:$0x1E4D0] =	vst v63  }
0x13a: {  	_ =	swait.ge [sflag:s19], $0x2000  }
0x13b: {  	[sflag:s19] =	ssyncset.done $0x0  }
0x13c: {  	[sflag:s19] =	ssyncadd.s32 $0xFFFFE000  }
0x13d: {  	s20 =	simm.s32 $0x0;
	[bflag:$0x0] =	sbarrier.arrive $0xFFFF  }
0x13e: {  	[tilespmem:s24], [sflag:$0x1] =	stream.indirect.gather [hbm4b:s6+s23], $0x40, s20, s23, $0xb8;
	[tilespmem:$0x1E4D0] =	vst v63  }
0x13f: {  	s14 =	simm.s32 $0x80  }
0x140: {  	[tilespmem:s26], [sflag:$0x2] =	stream.indirect.gather [hbm4b:s6+s23], $0x40, s14, s23, $0xb8;
	[tilespmem:$0x1E4D0] =	vst v63  }
0x141: {  	s20 =	simm.s32 $0x100  }
0x142: {  	[tilespmem:s29], [sflag:$0x3] =	stream.indirect.gather [hbm4b:s6+s23], $0x40, s20, s23, $0xb8;
	[tilespmem:$0x1E4D0] =	vst v63  }
0x143: {  	s14 =	simm.s32 $0x180  }
0x144: {  	[tilespmem:s31], [sflag:$0x4] =	stream.indirect.gather [hbm4b:s6+s23], $0x40, s14, s23, $0xb8;
	[tilespmem:$0x1E4D0] =	vst v63  }
0x145: {  	_ =	swait.ge [sflag:s0], $0x1F40  }
0x146: {  	[sflag:s0] =	ssyncset.done $0x0  }
0x147: {  	s20 =	simm.s32 $0x2800;
	[sflag:s0] =	ssyncadd.s32 $0xFFFFE0C0  }
0x148: {  	[spmem:s2] =	stream.indirect.scatter.add.f32 [tilespmem:s24], [sflag:$0x5], $0x40, s20, s23, $0xb8;
	[tilespmem:$0x1E4D0] =	vst v63  }
0x149: {  	_ =	swait.ge [sflag:s1], $0x1F40  }
0x14a: {  	[sflag:s1] =	ssyncset.done $0x0  }
0x14b: {  	s14 =	simm.s32 $0x2880;
	[sflag:s1] =	ssyncadd.s32 $0xFFFFE0C0  }
0x14c: {  	[spmem:s2] =	stream.indirect.scatter.add.f32 [tilespmem:s26], [sflag:$0x6], $0x40, s14, s23, $0xb8;
	[tilespmem:$0x1E4D0] =	vst v63  }
0x14d: {  	_ =	swait.ge [sflag:s8], $0x1F40  }
0x14e: {  	[sflag:s8] =	ssyncset.done $0x0  }
0x14f: {  	s20 =	simm.s32 $0x2900;
	[sflag:s8] =	ssyncadd.s32 $0xFFFFE0C0  }
0x150: {  	[spmem:s2] =	stream.indirect.scatter.add.f32 [tilespmem:s29], [sflag:$0x7], $0x40, s20, s23, $0xb8;
	[tilespmem:$0x1E4D0] =	vst v63  }
0x151: {  	_ =	swait.ge [sflag:s25], $0x1F40  }
0x152: {  	[sflag:s25] =	ssyncset.done $0x0  }
0x153: {  	s14 =	simm.s32 $0x2980;
	[sflag:s25] =	ssyncadd.s32 $0xFFFFE0C0  }
0x154: {  	[spmem:s2] =	stream.indirect.scatter.add.f32 [tilespmem:s31], [sflag:$0x8], $0x40, s14, s23, $0xb8;
	[tilespmem:$0x1E4D0] =	vst v63  }
0x155: {  	_ =	swait.ge [sflag:s17], $0x1F40  }
0x156: {  	[sflag:s17] =	ssyncset.done $0x0  }
0x157: {  	s20 =	simm.s32 $0x200;
	[sflag:s17] =	ssyncadd.s32 $0xFFFFE0C0  }
0x158: {  	[tilespmem:s24], [sflag:$0x1] =	stream.indirect.gather [hbm4b:s6+s23], $0x40, s20, s23, $0xb8;
	[tilespmem:$0x1E4D0] =	vst v63  }
0x159: {  	_ =	swait.ge [sflag:s18], $0x1F40  }
0x15a: {  	[sflag:s18] =	ssyncset.done $0x0  }
0x15b: {  	s14 =	simm.s32 $0x280;
	[sflag:s18] =	ssyncadd.s32 $0xFFFFE0C0  }
0x15c: {  	[tilespmem:s26], [sflag:$0x2] =	stream.indirect.gather [hbm4b:s6+s23], $0x40, s14, s23, $0xb8;
	[tilespmem:$0x1E4D0] =	vst v63  }
0x15d: {  	_ =	swait.ge [sflag:s7], $0x1F40  }
0x15e: {  	[sflag:s7] =	ssyncset.done $0x0  }
0x15f: {  	s20 =	simm.s32 $0x300;
	[sflag:s7] =	ssyncadd.s32 $0xFFFFE0C0  }
0x160: {  	[tilespmem:s29], [sflag:$0x3] =	stream.indirect.gather [hbm4b:s6+s23], $0x40, s20, s23, $0xb8;
	[tilespmem:$0x1E4D0] =	vst v63  }
0x161: {  	_ =	swait.ge [sflag:s16], $0x1F40  }
0x162: {  	[sflag:s16] =	ssyncset.done $0x0  }
0x163: {  	s14 =	simm.s32 $0x380;
	[sflag:s16] =	ssyncadd.s32 $0xFFFFE0C0  }
0x164: {  	[tilespmem:s31], [sflag:$0x4] =	stream.indirect.gather [hbm4b:s6+s23], $0x40, s14, s23, $0xb8;
	[tilespmem:$0x1E4D0] =	vst v63  }
0x165: {  	_ =	swait.ge [sflag:s0], $0x1F40  }
0x166: {  	[sflag:s0] =	ssyncset.done $0x0  }
0x167: {  	s20 =	simm.s32 $0x2A00;
	[sflag:s0] =	ssyncadd.s32 $0xFFFFE0C0  }
0x168: {  	[spmem:s2] =	stream.indirect.scatter.add.f32 [tilespmem:s24], [sflag:$0x5], $0x40, s20, s23, $0xb8;
	[tilespmem:$0x1E4D0] =	vst v63  }
0x169: {  	_ =	swait.ge [sflag:s1], $0x1F40  }
0x16a: {  	[sflag:s1] =	ssyncset.done $0x0  }
0x16b: {  	s14 =	simm.s32 $0x2A80;
	[sflag:s1] =	ssyncadd.s32 $0xFFFFE0C0  }
0x16c: {  	[spmem:s2] =	stream.indirect.scatter.add.f32 [tilespmem:s26], [sflag:$0x6], $0x40, s14, s23, $0xb8;
	[tilespmem:$0x1E4D0] =	vst v63  }
0x16d: {  	_ =	swait.ge [sflag:s8], $0x1F40  }
0x16e: {  	[sflag:s8] =	ssyncset.done $0x0  }
0x16f: {  	s20 =	simm.s32 $0x2B00;
	[sflag:s8] =	ssyncadd.s32 $0xFFFFE0C0  }
0x170: {  	[spmem:s2] =	stream.indirect.scatter.add.f32 [tilespmem:s29], [sflag:$0x7], $0x40, s20, s23, $0xb8;
	[tilespmem:$0x1E4D0] =	vst v63  }
0x171: {  	_ =	swait.ge [sflag:s25], $0x1F40  }
0x172: {  	[sflag:s25] =	ssyncset.done $0x0  }
0x173: {  	s13 =	simm.s32 $0x800;
	s14 =	simm.s32 $0x2B80;
	[sflag:s25] =	ssyncadd.s32 $0xFFFFE0C0  }
.LBB2_12:
0x174: {  	[spmem:s2] =	stream.indirect.scatter.add.f32 [tilespmem:s31], [sflag:$0x8], $0x40, s14, s23, $0xb8;
	[tilespmem:$0x1E4D0] =	vst v63  }
0x175: {  	s14 =	smov.u32 s13  }
0x176: {  	p1 =	sne.s32 s13, $0x9000;
	s13 =	sadd.s32 $0x800, s13;
	_ =	swait.ge [sflag:s17], $0x1F40  }
0x177: {  	s14 =	sshra.s32 s14, $0x2;
	[sflag:s17] =	ssyncset.done $0x0  }
0x178: {  	s20 =	sadd.s32 $0x200, s14;
	[sflag:s17] =	ssyncadd.s32 $0xFFFFE0C0  }
0x179: {  	[tilespmem:s24], [sflag:$0x1] =	stream.indirect.gather [hbm4b:s6+s23], $0x40, s20, s23, $0xb8;
	[tilespmem:$0x1E4D0] =	vst v63  }
0x17a: {  	_ =	swait.ge [sflag:s18], $0x1F40  }
0x17b: {  	[sflag:s18] =	ssyncset.done $0x0  }
0x17c: {  	s20 =	sadd.s32 $0x280, s14;
	[sflag:s18] =	ssyncadd.s32 $0xFFFFE0C0  }
0x17d: {  	[tilespmem:s26], [sflag:$0x2] =	stream.indirect.gather [hbm4b:s6+s23], $0x40, s20, s23, $0xb8;
	[tilespmem:$0x1E4D0] =	vst v63  }
0x17e: {  	_ =	swait.ge [sflag:s7], $0x1F40  }
0x17f: {  	[sflag:s7] =	ssyncset.done $0x0  }
0x180: {  	s20 =	sadd.s32 $0x300, s14;
	[sflag:s7] =	ssyncadd.s32 $0xFFFFE0C0  }
0x181: {  	[tilespmem:s29], [sflag:$0x3] =	stream.indirect.gather [hbm4b:s6+s23], $0x40, s20, s23, $0xb8;
	[tilespmem:$0x1E4D0] =	vst v63  }
0x182: {  	_ =	swait.ge [sflag:s16], $0x1F40  }
0x183: {  	[sflag:s16] =	ssyncset.done $0x0  }
0x184: {  	s20 =	sadd.s32 $0x380, s14;
	[sflag:s16] =	ssyncadd.s32 $0xFFFFE0C0  }
0x185: {  	[tilespmem:s31], [sflag:$0x4] =	stream.indirect.gather [hbm4b:s6+s23], $0x40, s20, s23, $0xb8;
	[tilespmem:$0x1E4D0] =	vst v63  }
0x186: {  	_ =	swait.ge [sflag:s0], $0x1F40  }
0x187: {  	[sflag:s0] =	ssyncset.done $0x0  }
0x188: {  	s20 =	sadd.s32 $0x2A00, s14;
	[sflag:s0] =	ssyncadd.s32 $0xFFFFE0C0  }
0x189: {  	[spmem:s2] =	stream.indirect.scatter.add.f32 [tilespmem:s24], [sflag:$0x5], $0x40, s20, s23, $0xb8;
	[tilespmem:$0x1E4D0] =	vst v63  }
0x18a: {  	_ =	swait.ge [sflag:s1], $0x1F40  }
0x18b: {  	[sflag:s1] =	ssyncset.done $0x0  }
0x18c: {  	s20 =	sadd.s32 $0x2A80, s14;
	[sflag:s1] =	ssyncadd.s32 $0xFFFFE0C0  }
0x18d: {  	[spmem:s2] =	stream.indirect.scatter.add.f32 [tilespmem:s26], [sflag:$0x6], $0x40, s20, s23, $0xb8;
	[tilespmem:$0x1E4D0] =	vst v63  }
0x18e: {  	_ =	swait.ge [sflag:s8], $0x1F40  }
0x18f: {  	[sflag:s8] =	ssyncset.done $0x0  }
.Ltmp5:
0x190: {  	s20 =	sadd.s32 $0x2B00, s14;
	[sflag:s8] =	ssyncadd.s32 $0xFFFFE0C0;
	(pc) =	sbr.rel @p1 .LBB2_12-.Ltmp5, $4  }
0x191: {  	[spmem:s2] =	stream.indirect.scatter.add.f32 [tilespmem:s29], [sflag:$0x7], $0x40, s20, s23, $0xb8;
	[tilespmem:$0x1E4D0] =	vst v63  }
0x192: {  	_ =	swait.ge [sflag:s25], $0x1F40  }
0x193: {  	[sflag:s25] =	ssyncset.done $0x0  }
0x194: {  	s14 =	sadd.s32 $0x2B80, s14;
	[sflag:s25] =	ssyncadd.s32 $0xFFFFE0C0  }
0x195: {  	[spmem:s2] =	stream.indirect.scatter.add.f32 [tilespmem:s31], [sflag:$0x8], $0x40, s14, s23, $0xb8;
	[tilespmem:$0x1E4D0] =	vst v63  }
0x196: {  	_ =	swait.ge [sflag:s17], $0x1F40  }
0x197: {  	[sflag:s17] =	ssyncset.done $0x0  }
0x198: {  	[sflag:s17] =	ssyncadd.s32 $0xFFFFE0C0  }
0x199: {  	_ =	swait.ge [sflag:s18], $0x1F40  }
0x19a: {  	[sflag:s18] =	ssyncset.done $0x0  }
0x19b: {  	[sflag:s18] =	ssyncadd.s32 $0xFFFFE0C0  }
0x19c: {  	_ =	swait.ge [sflag:s7], $0x1F40  }
0x19d: {  	[sflag:s7] =	ssyncset.done $0x0  }
0x19e: {  	[sflag:s7] =	ssyncadd.s32 $0xFFFFE0C0  }
0x19f: {  	_ =	swait.ge [sflag:s16], $0x1F40  }
0x1a0: {  	[sflag:s16] =	ssyncset.done $0x0  }
0x1a1: {  	[sflag:s16] =	ssyncadd.s32 $0xFFFFE0C0  }
0x1a2: {  	[bflag:$0x0] =	sbarrier.arrive $0xFFFF  }
0x1a3: {  	s13 =	rddreg [dreg:$0xc]  }
0x1a4: {  	[hbm:s13], [sflag:s11] =	dma.local [spmem:s12], $0x1400  }
0x1a5: {  	_ =	swait.ge [sflag:s19], $0x1400  }
0x1a6: {  	s4 =	sadd.s32 $0x1, s4;
	s20 =	rddreg [dreg:$0xd]  }
0x1a7: {  	p1 =	sne.s32 s4, s20  }
.Ltmp6:
0x1a8: {  	_ = 	snop;
	(pc) =	sbr.rel @p1 .LBB2_1-.Ltmp6, $4  }
0x1a9: {  	_ = 	snop  }
0x1aa: {  	[sflag:s19] =	ssyncset.done $0x0  }
0x1ab: {  	[sflag:s19] =	ssyncadd.s32 $0xFFFFEC00  }
0x1ac: {  	s20 =	smov.u32 s9;
	s9 =	smov.u32 s21;
	s21 =	rddreg [dreg:$0x9]  }
0x1ad: {  	_ =	sfence.sel $0x180000  }
0x1ae: {  	[bflag:$0x0] =	sbarrier.arrive $0xFFFF  }
0x1af: {  	_ =	strace $0x90000047  }
0x1b0: {  	s0 =	stileid.u32;
	[bflag:$0x2] =	sbarrier.arrive $0xFFFF  }
0x1b1: {  	p0 =	sne.s32 s0, $0x0;
	s0 =	rddreg [dreg:$0x3]  }
0x1b2: {  	s0 =	sadd.s32 @!p0 $0x100000, s0  }
0x1b3: {  	[sflag:s0] =	ssyncadd.tile.s32 @!p0 $0x1;
	_ =	shalt  }
.Lfunc_end2:
_tile_overlayer_lowered:
.L_overlay_start_2:
0x1b4: {  	(tag) =	ssettag $0x2  }
0x1b5: {  	s0 =	rddreg [dreg:$0x0];
	s2 =	stileid.u32  }
0x1b6: {  	s1 =	rddreg [dreg:$0x1];
	p0 =	sne.s32 s2, $0x0  }
0x1b7: {  	s3 =	rddreg [dreg:$0x2];
	[bflag:$0x3] =	sbarrier.arrive $0xFFFF;
	s2 =	simm.s32 @!p0 $0x1C0D  }
0x1b8: {  	[timem:s3], [sflag:s2] =	dma.local @!p0 [hbm:s0], s1  }
0x1b9: {  	s0 =	simm.s32 @!p0 $0xD  }
0x1ba: {  	_ =	swait.ge @!p0 [sflag:s0], s1  }
0x1bb: {  	s1 =	ssub.s32 @!p0 $0x0, s1;
	[sflag:s0] =	ssyncset.done @!p0 $0x0  }
0x1bc: {  	[sflag:s0] =	ssyncadd.s32 @!p0 s1  }
0x1bd: {  	[bflag:$0x3] =	sbarrier.arrive $0xFFFF  }
0x1be: {  	_ =	shalt  }

// kernel: kernel.9.cloned.1.call-start
scs
__scs_entry_jumppad:
0x0: {  	(pc) =	sbr.rel $0x88, $3  }
0x1: {  	(tag) =	ssettag $0x0;
	lr =	simm.s32 $0x1  }
0x2: {  	[smem:$0x3F91] =	sst lr;
	_ =	strace $0xD0000000  }
0x3: {  	_ = 	snop  }
0x4: {  	_ = 	snop  }
0x5: {  	_ = 	snop  }
0x6: {  	_ = 	snop  }
0x7: {  	_ = 	snop  }
__scs_overlays_trampoline_lowered:
0x8: {  	[smem:$0x3FA0] =	sst s0  }
0x9: {  	[smem:$0x3FA1] =	sst s1  }
0xa: {  	[smem:$0x3FA2] =	sst s2  }
0xb: {  	[smem:$0x3FA3] =	sst s3  }
0xc: {  	[smem:$0x3FA4] =	sst s4  }
0xd: {  	[smem:$0x3FA5] =	sst s5  }
0xe: {  	[smem:$0x3FA6] =	sst s6  }
0xf: {  	[smem:$0x3FA7] =	sst s7  }
0x10: {  	[smem:$0x3FA8] =	sst s8  }
0x11: {  	[smem:$0x3FA9] =	sst s9;
	s0 =	simm.s32 @!p0 $0x0  }
0x12: {  	s1 =	sld [smem:$0x3F8F];
	s0 =	simm.s32 @p0 $0x1  }
0x13: {  	[smem:$0x3FAA] =	sst s0;
	s0 =	simm.s32 @!p1 $0x0  }
0x14: {  	s2 =	sld [smem:$0x3F8E];
	s0 =	simm.s32 @p1 $0x1  }
0x15: {  	[smem:$0x3FAB] =	sst s0;
	s0 =	simm.s32 @!p2 $0x0  }
0x16: {  	s3 =	sld [smem:$0x3FDB];
	s0 =	simm.s32 @p2 $0x1  }
0x17: {  	s4 =	simm.s32 $0x1BF5;
	[smem:$0x3FAD] =	sst s0  }
0x18: {  	s0 =	sld [smem:$0x3F90];
	_ =	swait.ge [sflag:s4], $0x0  }
0x19: {  	s7 =	sld [smem:$0x3F91]  }
0x1a: {  	s8 =	sadd.s32 $0xFFFFE003, lr  }
0x1b: {  	s9 =	sadd.s32 $0xFFFFFEF7, lr;
	s5 =	simm.s32 $0xFFFFFFFF;
	p2 =	slt.u32 s8, $0xFFFFF086  }
0x1c: {  	p1 =	slt.u32 s9, $0xF7A;
	s5 =	simm.s32 @!p2 $0x0  }
0x1d: {  	s5 =	simm.s32 @p1 $0x1;
	p0 =	seq.s32 s7, s2  }
0x1e: {  	s7 =	smul.u32 @!p0 $0xF7A, s2;
	p2 =	seq.s32 @!p0 s5, $0x0  }
0x1f: {  	s9 =	smul.u32 $0xF7A, s1;
	s8 =	simm.s32 @!p0 $0x1BF5;
	p2 =	por !p2, p0  }
0x20: {  	[sflag:s8] =	ssyncset.s32 @!p0 $0xFFFFF086;
	s6 =	sadd.s32 @!p0 s3, s7;
	s7 =	simm.s32 @!p0 $0x108  }
0x21: {  	s3 =	sadd.s32 s3, s9;
	s6 =	sadd.s32 @!p0 $0x88, s6;
	s7 =	simm.s32 @p2 $0x1082  }
0x22: {  	[simem:s7], [sflag:s8] =	dma.local @!p0 [hbm:s6], $0xF7A  }
0x23: {  	s9 =	sor.u32 $0xD0000000, s2;
	s6 =	simm.s32 $0x108;
	_ =	swait.ge @!p0 [sflag:s8], $0x0  }
0x24: {  	s3 =	sadd.s32 $0x88, s3;
	s6 =	simm.s32 @!p1 $0x1082;
	[sflag:s4] =	ssyncset.s32 $0xFFFFF086  }
0x25: {  	[simem:s6], [sflag:s4] =	dma.local [hbm:s3], $0xF7A  }
0x26: {  	[smem:$0x3F91] =	sst s1;
	(tag) =	ssettag s2;
	_ =	strace s9  }
0x27: {  	s1 =	sld [smem:$0x3FA1]  }
0x28: {  	s2 =	sld [smem:$0x3FA2]  }
0x29: {  	s4 =	sld [smem:$0x3FA4]  }
0x2a: {  	p0 =	seq.s32 s5, $0x0;
	s5 =	sld [smem:$0x3FA5]  }
0x2b: {  	s6 =	sld [smem:$0x3FA6]  }
0x2c: {  	s7 =	sld [smem:$0x3FA7]  }
0x2d: {  	s3 =	simm.s32 $0x108;
	s8 =	sld [smem:$0x3FA8]  }
0x2e: {  	s3 =	simm.s32 @!p0 $0x1082;
	s9 =	sld [smem:$0x3FA9]  }
0x2f: {  	lr =	sadd.s32 s0, s3;
	s0 =	sld [smem:$0x3FA0]  }
0x30: {  	s3 =	sld [smem:$0x3FA3]  }
0x31: {  	[smem:$0x3FAC] =	sst s10  }
0x32: {  	s10 =	sld [smem:$0x3FAA];
	_ =	sdelay $0x3  }
0x33: {  	p0 =	seq.s32 s10, $0x1;
	s10 =	sld [smem:$0x3FAC];
	_ =	sdelay $0x3  }
0x34: {  	[smem:$0x3FAC] =	sst s10  }
0x35: {  	s10 =	sld [smem:$0x3FAB];
	_ =	sdelay $0x3  }
0x36: {  	p1 =	seq.s32 s10, $0x1;
	s10 =	sld [smem:$0x3FAC];
	_ =	sdelay $0x3  }
0x37: {  	[smem:$0x3FAC] =	sst s10  }
0x38: {  	s10 =	sld [smem:$0x3FAD]  }
0x39: {  	_ = 	snop;
	(pc) =	sbr.ind lr, $3  }
0x3a: {  	_ = 	snop  }
0x3b: {  	_ = 	snop  }
0x3c: {  	p2 =	seq.s32 s10, $0x1;
	s10 =	sld [smem:$0x3FAC]  }
0x3d: {  	_ =	shalt  }
0x3e: {  	_ =	shalt  }
0x3f: {  	_ =	shalt  }
0x40: {  	_ =	shalt  }
0x41: {  	_ =	shalt  }
0x42: {  	_ =	shalt  }
0x43: {  	_ =	shalt  }
0x44: {  	_ =	shalt  }
0x45: {  	_ =	shalt  }
0x46: {  	_ =	shalt  }
0x47: {  	_ =	shalt  }
0x48: {  	_ =	shalt  }
0x49: {  	_ =	shalt  }
0x4a: {  	_ =	shalt  }
0x4b: {  	_ =	shalt  }
0x4c: {  	_ =	shalt  }
0x4d: {  	_ =	shalt  }
0x4e: {  	_ =	shalt  }
0x4f: {  	_ =	shalt  }
0x50: {  	_ =	shalt  }
0x51: {  	_ =	shalt  }
0x52: {  	_ =	shalt  }
0x53: {  	_ =	shalt  }
0x54: {  	_ =	shalt  }
0x55: {  	_ =	shalt  }
0x56: {  	_ =	shalt  }
0x57: {  	_ =	shalt  }
0x58: {  	_ =	shalt  }
0x59: {  	_ =	shalt  }
0x5a: {  	_ =	shalt  }
0x5b: {  	_ =	shalt  }
0x5c: {  	_ =	shalt  }
0x5d: {  	_ =	shalt  }
0x5e: {  	_ =	shalt  }
0x5f: {  	_ =	shalt  }
0x60: {  	_ =	shalt  }
0x61: {  	_ =	shalt  }
0x62: {  	_ =	shalt  }
0x63: {  	_ =	shalt  }
0x64: {  	_ =	shalt  }
0x65: {  	_ =	shalt  }
0x66: {  	_ =	shalt  }
0x67: {  	_ =	shalt  }
0x68: {  	_ =	shalt  }
0x69: {  	_ =	shalt  }
0x6a: {  	_ =	shalt  }
0x6b: {  	_ =	shalt  }
0x6c: {  	_ =	shalt  }
0x6d: {  	_ =	shalt  }
0x6e: {  	_ =	shalt  }
0x6f: {  	_ =	shalt  }
0x70: {  	_ =	shalt  }
0x71: {  	_ =	shalt  }
0x72: {  	_ =	shalt  }
0x73: {  	_ =	shalt  }
0x74: {  	_ =	shalt  }
0x75: {  	_ =	shalt  }
0x76: {  	_ =	shalt  }
0x77: {  	_ =	shalt  }
0x78: {  	_ =	shalt  }
0x79: {  	_ =	shalt  }
0x7a: {  	_ =	shalt  }
0x7b: {  	_ =	shalt  }
0x7c: {  	_ =	shalt  }
0x7d: {  	_ =	shalt  }
0x7e: {  	_ =	shalt  }
0x7f: {  	_ =	shalt  }
0x80: {  	_ =	shalt  }
0x81: {  	_ =	shalt  }
0x82: {  	_ =	shalt  }
0x83: {  	_ =	shalt  }
0x84: {  	_ =	shalt  }
0x85: {  	_ =	shalt  }
0x86: {  	_ =	shalt  }
0x87: {  	_ =	shalt  }
.Lfunc_end0:
.L_simem_size_0:
called_computation.1_lowered:
.L_overlay_start_0:
0x88: {  	s2 =	sld [smem:$0x3FD9]  }
0x89: {  	s3 =	sld [smem:$0x3FFE];
	_ =	sdelay $0x1  }
0x8a: {  	s1 =	srdreg.scid  }
0x8b: {  	s0 =	sand.u32 $0x1, s1  }
0x8c: {  	s17 =	sshll.u32 s0, $0xA;
	s2 =	sadd.s32 s3, s2  }
0x8d: {  	s2 =	sadd.s32 s2, s17  }
0x8e: {  	[smem:$0x3FB8] =	sst s2  }
0x8f: {  	_ = 	snop  }
0x90: {  	(tm) =	ssettm $0x1  }
0x91: {  	s18 =	sld [smem:$0x3FFB];
	_ =	sdelay $0x3  }
0x92: {  	_ =	strace s18  }
0x93: {  	s2 =	sld [smem:$0x3FFC];
	_ =	sdelay $0x3  }
0x94: {  	_ =	strace s2  }
0x95: {  	s2 =	sld [smem:$0x3FFD];
	_ =	sdelay $0x3  }
0x96: {  	_ =	strace s2  }
0x97: {  	_ =	strace $0x8FFFFFFF  }
0x98: {  	s19 =	sld [smem:$0x3FDB];
	_ =	sdelay $0x1  }
0x99: {  	s20 =	simm.s32 $_scs_section_size  }
0x9a: {  	s4 =	simm.s32 $_size__tile_overlayer_lowered;
	s5 =	simm.s32 $_tile_overlayer_lowered  }
0x9b: {  	s6 =	simm.s32 $0x1BFF;
	s21 =	sshll.u32 s5, $0x1;
	s3 =	sadd.s32 s20, s19  }
0x9c: {  	s22 =	simm.s32 $0x0;
	s4 =	sshll.u32 s4, $0x1;
	s5 =	sadd.s32 s21, s3  }
0x9d: {  	[timem:s22], [sflag:s6] =	dma.local [hbm:s5], s4  }
0x9e: {  	_ =	swait.ge [sflag:s6], s4  }
0x9f: {  	s4 =	ssub.s32 $0x0, s4;
	[sflag:s6] =	ssyncset.done $0x0  }
0xa0: {  	[sflag:s6] =	ssyncadd.s32 s4;
	_ =	sdelay $0x1  }
0xa1: {  	s23 =	simm.s32 $0x1B8B  }
0xa2: {  	_ =	swait.ge [sflag:s23], $0x1  }
0xa3: {  	[sflag:s23] =	ssyncset.done $0x0  }
0xa4: {  	[sflag:s23] =	ssyncadd.s32 $0xFFFFFFFF  }
0xa5: {  	s4 =	sld [smem:$0x0]  }
0xa6: {  	s5 =	sand.u32 $0xFFFFFFFE, s1  }
0xa7: {  	p0 =	sne.s32 s1, s5  }
0xa8: {  	s5 =	sshll.u32 @p0 s5, $0xE  }
0xa9: {  	s5 =	sadd.s32 @p0 $0x11B8D, s5;
	s6 =	sshll.u32 @p0 s4, $0x11  }
0xaa: {  	s5 =	sor.u32 @p0 s6, s5  }
0xab: {  	[sflag:s5] =	ssyncadd.remote.s32 @p0 $0x1;
	_ =	sdelay $0x1  }
0xac: {  	s5 =	simm.s32 @p0 $0x1B8D  }
0xad: {  	_ =	swait.eq @p0 [sflag:s5], $0x1  }
0xae: {  	[sflag:s5] =	ssyncadd.s32 @p0 $0xFFFFFFFF  }
0xaf: {  	s6 =	sshll.u32 @!p0 s1, $0xE  }
0xb0: {  	s6 =	sor.u32 @!p0 $0x4000, s6;
	s5 =	simm.s32 @!p0 $0x1B8D  }
0xb1: {  	s4 =	sshll.u32 @!p0 s4, $0x11;
	s6 =	sadd.s32 @!p0 $0x11B8D, s6;
	_ =	swait.eq @!p0 [sflag:s5], $0x1  }
0xb2: {  	s4 =	sor.u32 @!p0 s4, s6;
	[sflag:s5] =	ssyncadd.s32 @!p0 $0xFFFFFFFF  }
0xb3: {  	s25 =	simm.s32 $0x1B8E;
	s24 =	sld [smem:$0x3FFE];
	[sflag:s4] =	ssyncadd.remote.s32 @!p0 $0x1  }
0xb4: {  	s26 =	simm.s32 $execute0_lowered;
	[smem:$0x3FD2] =	sst s25  }
0xb5: {  	s5 =	sshll.u32 s26, $0x1;
	_ =	strace $0x80000049;
	[dreg:$0x1] =	wrdreg $0xFFFFFFFF  }
0xb6: {  	s28 =	simm.s32 $_size_execute0_lowered;
	s3 =	sadd.s32 s3, s5;
	[dreg:$0x0] =	wrdreg $0x0  }
0xb7: {  	s5 =	sshll.u32 s28, $0x1;
	[dreg:$0x2] =	wrdreg s3  }
0xb8: {  	[dreg:$0x3] =	wrdreg s5  }
0xb9: {  	[dreg:$0x4] =	wrdreg $0xC0  }
0xba: {  	_ =	task [dreg:s22], $0x5FFFF  }
0xbb: {  	[dreg:$0x1] =	wrdreg $0xFFFFFFFF  }
0xbc: {  	[dreg:$0x0] =	wrdreg $0x60  }
0xbd: {  	[dreg:$0x2] =	wrdreg s24  }
0xbe: {  	[dreg:$0x3] =	wrdreg $0x11CD00  }
0xbf: {  	[dreg:$0x4] =	wrdreg $0x1BCD00  }
0xc0: {  	[dreg:$0x5] =	wrdreg $0xA  }
0xc1: {  	_ =	task.clear_ibuf [dreg:s22], $0x6FFFF;
	_ =	strace $0x90000049  }
0xc2: {  	s29 =	simm.s32 $0xA;
	_ =	strace $0x8000004B  }
0xc3: {  	_ =	swait.ge [sflag:s29], $0x1  }
0xc4: {  	[sflag:s29] =	ssyncadd.s32 $0xFFFFFFFF  }
0xc5: {  	_ =	strace $0x9000004B  }
0xc6: {  	_ =	sfence  }
0xc7: {  	s30 =	sld [smem:$0x0];
	_ =	sdelay $0x2  }
0xc8: {  	s31 =	sshll.u32 s1, $0xD;
	s1 =	sshrl.u32 s1, $0x2  }
0xc9: {  	s4 =	sand.u32 $0x4000, s31;
	s1 =	sadd.s32 s1, s30  }
0xca: {  	s0 =	sor.u32 s4, s0;
	s1 =	sshll.u32 s1, $0x11  }
0xcb: {  	s0 =	sor.u32 s1, s0  }
0xcc: {  	s0 =	sadd.s32 $0x8F2B, s0  }
0xcd: {  	[sflag:s0] =	ssyncadd.remote.s32 $0x1  }
0xce: {  	_ =	sfence.sel $0xFFFF  }
0xcf: {  	[dreg:$0x0] =	wrdreg $0xFFFFFFFF;
	(pc) =	sbr.abs _section_cstart, $3  }
0xd0: {  	[dreg:$0x1] =	wrdreg $0xFFFFFFFF  }
0xd1: {  	_ =	task.clear_ibuf [dreg:s22], $0x2FFFF;
	_ =	strace $0x9FFFFFFF  }
0xd2: {  	(tm) =	ssettm $0x7FFFFFFF  }
0xd3: {  	_ =	shalt  }
tec
execute0_lowered:
.L_overlay_start_1:
0x0: {  	(tag) =	ssettag $0x1  }
0x1: {  	s0 =	rddreg [dreg:$0x0]  }
0x2: {  	s2 =	rddreg [dreg:$0x1]  }
0x3: {  	s3 =	rddreg [dreg:$0x2];
	s13 =	stileid.u32  }
0x4: {  	s1 =	srdreg.scid;
	s4 =	simm.s32 $0x0;
	s7 =	smul.u32 $0xA000, s13  }
0x5: {  	s29 =	simm.s32 $0x8E80;
	s31 =	simm.s32 $0xADC0;
	s8 =	smul.u32 $0x500, s13  }
0x6: {  	s28 =	simm.s32 $0x9;
	s30 =	simm.s32 $0xA;
	s10 =	smul.u32 $0x2800, s13  }
0x7: {  	s1 =	sand.u32 $0x1, s1;
	[smem:$0x7FF] =	sst s4;
	s13 =	smul.u32 $0x28000, s13  }
0x8: {  	s5 =	sadd.s32 $0x2B800, s0;
	s6 =	smul.u32 $0x140000, s1;
	_ =	strace $0x8000004A  }
0x9: {  	s12 =	ssub.s32 $0x2, s1;
	s16 =	smul.u32 $0x2710, s1;
	p0 =	sne.s32 s1, $0x0  }
0xa: {  	s1 =	simm.s32 $0x2;
	s8 =	sadd.s32 s8, s0;
	s11 =	sshrl.u32 s10, $0x3  }
0xb: {  	s17 =	sshrl.u32 s13, $0x2;
	s9 =	sadd.s32 s7, s6;
	s6 =	sadd.s32 $0x4600, s0  }
0xc: {  	s18 =	sadd.s32 $0xB6A00, s8;
	s8 =	sadd.s32 $0xB1A00, s8;
	s19 =	sadd.s32 s17, s2  }
0xd: {  	s17 =	simm.s32 $0x5;
	v0 =	vmov s16;
	s16 =	simm.s32 $0x8;
	[dreg:$0x4] =	wrdreg s18  }
0xe: {  	s9 =	sshrl.u32 s9, $0x3;
	[dreg:$0x5] =	wrdreg s8;
	s20 =	sadd.s32 $0x2000, s19  }
0xf: {  	s21 =	sadd.s32 $0x4000, s19;
	s22 =	sadd.s32 $0x6000, s19;
	s23 =	sadd.s32 $0x8000, s19  }
0x10: {  	s19 =	simm.s32 $0xD;
	s8 =	simm.s32 $0x3;
	s18 =	simm.s32 $0x6  }
0x11: {  	s14 =	sadd.s32 s9, s0;
	s0 =	sadd.s32 s11, s0;
	[dreg:$0x6] =	wrdreg s21  }
0x12: {  	s11 =	sshrl.u32 s12, $0x1;
	s9 =	sadd.s32 s7, s2;
	[dreg:$0x7] =	wrdreg s22  }
0x13: {  	[dreg:$0x8] =	wrdreg s23;
	s21 =	sadd.s32 s10, s3;
	s23 =	simm.s32 $0x7D  }
0x14: {  	s22 =	simm.s32 $0xCD00;
	s24 =	sadd.s32 $0xBBA00, s14;
	[dreg:$0x9] =	wrdreg s21  }
0x15: {  	s7 =	simm.s32 $0x7;
	s0 =	sadd.s32 $0x10BA00, s0;
	[dreg:$0xa] =	wrdreg s24  }
0x16: {  	s15 =	ssub.s32 s12, s11;
	s25 =	sadd.s32 $0xCFA00, s14;
	[dreg:$0xb] =	wrdreg s0  }
0x17: {  	s10 =	simm.s32 $0xC;
	[dreg:$0xc] =	wrdreg s25;
	s26 =	smax.u32 s15, $0x1  }
0x18: {  	s24 =	simm.s32 $0x5000;
	s0 =	simm.s32 $0x1;
	s25 =	simm.s32 $0x4  }
0x19: {  	v1 =	vimm.f32 $1.000000000e+00;
	v2 =	vimm.f32 $0.0e+00;
	vm0 =	vmmov $0x7;
	s15 =	simm.s32 $0xB;
	[dreg:$0xd] =	wrdreg s26;
	s26 =	simm.s32 $0x6F40  }
.LBB2_1:
0x1a: {  	s11 =	simm.s32 $0x40;
	s12 =	simm.s32 $0x0  }
.LBB2_2:
0x1b: {  	p1 =	sne.s32 s11, $0x1F00;
	[tilespmem:s12+$0xCD00] =	vst v1;
	s12 =	smov.u32 s11;
	s11 =	sadd.s32 $0x40, s11  }
.Ltmp0:
0x1c: {  	(pc) =	sbr.rel @p1 .LBB2_2-.Ltmp0, $2  }
0x1d: {  	_ =	sdelay $0x2  }
0x1e: {  	s12 =	sshra.s32 s12, $0x2  }
0x1f: {  	s11 =	simm.s32 $0x0  }
0x20: {  	s13 =	sand.u32 $0x7F00, s11  }
0x21: {  	s14 =	sand.u32 $0x30, s11;
	s13 =	sshrl.u32 s13, $0x2  }
0x22: {  	[tilespmem:s12+$0xCD00] =	vst v1;
	s12 =	simm.s32 $0x40;
	s13 =	sor.u32 s14, s13  }
.LBB2_4:
0x23: {  	p1 =	sne.s32 s12, $0x7FC0  }
0x24: {  	[tilespmem:s13+$0xD4D0] =	vst v2;
	s11 =	sadd.s32 $0x10, s11;
	s13 =	smov.u32 s12;
	s12 =	sadd.s32 $0x40, s12  }
.Ltmp1:
0x25: {  	(pc) =	sbr.rel @p1 .LBB2_4-.Ltmp1, $4  }
0x26: {  	_ = 	snop  }
0x27: {  	s13 =	sand.u32 $0x7F00, s13  }
0x28: {  	s14 =	sand.u32 $0x30, s11;
	s13 =	sshrl.u32 s13, $0x2  }
0x29: {  	s13 =	sor.u32 s14, s13  }
0x2a: {  	[tilespmem:s13+$0xD4D0] =	vst v2;
	s11 =	simm.s32 $0x40;
	s12 =	simm.s32 $0x0  }
.LBB2_6:
0x2b: {  	p1 =	sne.s32 s11, $0x9FC0;
	[tilespmem:s12+$0xF4D0] =	vst v2;
	s12 =	smov.u32 s11;
	s11 =	sadd.s32 $0x40, s11  }
.Ltmp2:
0x2c: {  	(pc) =	sbr.rel @p1 .LBB2_6-.Ltmp2, $2  }
0x2d: {  	_ =	sdelay $0x2  }
0x2e: {  	s12 =	sshra.s32 s12, $0x2  }
0x2f: {  	[tilespmem:s12+$0xF4D0] =	vst v2;
	s11 =	simm.s32 $0x0;
	s13 =	rddreg [dreg:$0x4]  }
0x30: {  	[tilespmem:s11], [sflag:$0xD] =	stream.linear.gather [hbm4b:s13+s11], $0x2800, $0x38;
	[tilespmem:$0x1E4D0] =	vst v63  }
0x31: {  	_ =	swait.ge [sflag:s19], $0x2800  }
0x32: {  	[sflag:s19] =	ssyncset.done $0x0  }
0x33: {  	s13 =	simm.s32 $0x2800;
	s14 =	rddreg [dreg:$0x5];
	[sflag:s19] =	ssyncadd.s32 $0xFFFFD800  }
0x34: {  	[tilespmem:s13], [sflag:$0xD] =	stream.linear.gather [hbm4b:s14+s11], $0x2800, $0x38;
	[tilespmem:$0x1E4D0] =	vst v63  }
0x35: {  	_ =	swait.ge [sflag:s19], $0x2800  }
0x36: {  	[sflag:s19] =	ssyncset.done $0x0  }
0x37: {  	s11 =	simm.s32 $0x0;
	[sflag:s19] =	ssyncadd.s32 $0xFFFFD800  }
0x38: {  	v3 =	vld [tilespmem:s11+$0x60]  }
0x39: {  	v4 =	vld [tilespmem:s11+$0x0]  }
0x3a: {  	v5 =	vld [tilespmem:s11+$0x10]  }
0x3b: {  	v6 =	vld [tilespmem:s11+$0x20]  }
0x3c: {  	v7 =	vld [tilespmem:s11+$0x30]  }
0x3d: {  	v8 =	vld [tilespmem:s11+$0x40];
	v3 =	vadd.s32 v0, v3  }
0x3e: {  	v9 =	vld [tilespmem:s11+$0x50];
	[tilespmem:s11+$0x60] =	vst v3  }
0x3f: {  	v4 =	vadd.s32 v0, v4;
	v3 =	vld [tilespmem:s11+$0x6D]  }
0x40: {  	[tilespmem:s11+$0x0] =	vst v4;
	v4 =	vadd.s32 v0, v5  }
0x41: {  	[tilespmem:s11+$0x10] =	vst v4;
	v4 =	vadd.s32 v0, v6  }
0x42: {  	[tilespmem:s11+$0x20] =	vst v4;
	v4 =	vadd.s32 v0, v7  }
0x43: {  	[tilespmem:s11+$0x30] =	vst v4;
	v4 =	vadd.s32 v0, v8  }
0x44: {  	[tilespmem:s11+$0x40] =	vst v4;
	v4 =	vadd.s32 v0, v9;
	v5 =	vadd.s32 v0, v3  }
0x45: {  	s12 =	simm.s32 $0x200;
	s13 =	simm.s32 $0x400;
	[tilespmem:s11+$0x50] =	vst v4;
	v3 =	vsel vm0, v3, v5  }
.LBB2_8:
0x46: {  	p1 =	sne.s32 s13, $0x9E00  }
0x47: {  	[tilespmem:s11+$0x6D] =	vst v3;
	s11 =	sshra.s32 s12, $0x2;
	s12 =	smov.u32 s13;
	s13 =	sadd.s32 $0x200, s13  }
0x48: {  	v3 =	vld [tilespmem:s11+$0x60]  }
0x49: {  	v4 =	vld [tilespmem:s11+$0x0]  }
0x4a: {  	v5 =	vld [tilespmem:s11+$0x10]  }
0x4b: {  	v6 =	vld [tilespmem:s11+$0x20]  }
0x4c: {  	v7 =	vld [tilespmem:s11+$0x30]  }
0x4d: {  	v8 =	vld [tilespmem:s11+$0x40];
	v3 =	vadd.s32 v0, v3  }
0x4e: {  	v4 =	vadd.s32 v0, v4;
	v9 =	vld [tilespmem:s11+$0x50];
	[tilespmem:s11+$0x60] =	vst v3  }
0x4f: {  	[tilespmem:s11+$0x0] =	vst v4;
	v3 =	vadd.s32 v0, v5;
	v4 =	vld [tilespmem:s11+$0x6D]  }
0x50: {  	[tilespmem:s11+$0x10] =	vst v3;
	v3 =	vadd.s32 v0, v6  }
.Ltmp3:
0x51: {  	[tilespmem:s11+$0x20] =	vst v3;
	v3 =	vadd.s32 v0, v7;
	(pc) =	sbr.rel @p1 .LBB2_8-.Ltmp3, $4  }
0x52: {  	[tilespmem:s11+$0x30] =	vst v3;
	v3 =	vadd.s32 v0, v8  }
0x53: {  	[tilespmem:s11+$0x40] =	vst v3;
	v3 =	vadd.s32 v0, v9  }
0x54: {  	[tilespmem:s11+$0x50] =	vst v3;
	v3 =	vadd.s32 v0, v4  }
0x55: {  	v3 =	vsel vm0, v4, v3  }
0x56: {  	s12 =	sshra.s32 s12, $0x2;
	[tilespmem:s11+$0x6D] =	vst v3  }
0x57: {  	v3 =	vld [tilespmem:s12+$0x60]  }
0x58: {  	v4 =	vld [tilespmem:s12+$0x0]  }
0x59: {  	v5 =	vld [tilespmem:s12+$0x10]  }
0x5a: {  	v6 =	vld [tilespmem:s12+$0x20]  }
0x5b: {  	v7 =	vld [tilespmem:s12+$0x30]  }
0x5c: {  	v8 =	vld [tilespmem:s12+$0x40];
	v3 =	vadd.s32 v0, v3  }
0x5d: {  	v9 =	vld [tilespmem:s12+$0x50];
	[tilespmem:s12+$0x60] =	vst v3  }
0x5e: {  	v3 =	vadd.s32 v0, v4;
	v62 =	vld [tilespmem:s12+$0x6D]  }
0x5f: {  	[tilespmem:s12+$0x0] =	vst v3;
	v3 =	vadd.s32 v0, v5  }
0x60: {  	[tilespmem:s12+$0x10] =	vst v3;
	v3 =	vadd.s32 v0, v6  }
0x61: {  	[tilespmem:s12+$0x20] =	vst v3;
	v3 =	vadd.s32 v0, v7  }
0x62: {  	[tilespmem:s12+$0x30] =	vst v3;
	v3 =	vadd.s32 v0, v8  }
0x63: {  	[tilespmem:s12+$0x40] =	vst v3;
	v3 =	vadd.s32 v0, v9;
	v63 =	vadd.s32 v0, v62  }
0x64: {  	[tilespmem:s12+$0x50] =	vst v3;
	v3 =	vsel vm0, v62, v63  }
0x65: {  	[tilespmem:s12+$0x6D] =	vst v3;
	s12 =	simm.s32 $0xD4D0  }
0x66: {  	[spmem:s9] =	stream.linear.scatter [tilespmem:s12], [sflag:$0xD], $0x2000, $0x38;
	[tilespmem:$0x1E4D0] =	vst v63  }
0x67: {  	_ =	swait.ge [sflag:s19], $0x2000  }
0x68: {  	[sflag:s19] =	ssyncset.done $0x0  }
0x69: {  	[sflag:s19] =	ssyncadd.s32 $0xFFFFE000  }
0x6a: {  	[spmem:s20] =	stream.linear.scatter [tilespmem:s12], [sflag:$0xD], $0x2000, $0x38;
	[tilespmem:$0x1E4D0] =	vst v63  }
0x6b: {  	_ =	swait.ge [sflag:s19], $0x2000  }
0x6c: {  	[sflag:s19] =	ssyncset.done $0x0  }
0x6d: {  	s13 =	rddreg [dreg:$0x6];
	[sflag:s19] =	ssyncadd.s32 $0xFFFFE000  }
0x6e: {  	[spmem:s13] =	stream.linear.scatter [tilespmem:s12], [sflag:$0xD], $0x2000, $0x38;
	[tilespmem:$0x1E4D0] =	vst v63  }
0x6f: {  	_ =	swait.ge [sflag:s19], $0x2000  }
0x70: {  	[sflag:s19] =	ssyncset.done $0x0  }
0x71: {  	s14 =	rddreg [dreg:$0x7];
	[sflag:s19] =	ssyncadd.s32 $0xFFFFE000  }
0x72: {  	[spmem:s14] =	stream.linear.scatter [tilespmem:s12], [sflag:$0xD], $0x2000, $0x38;
	[tilespmem:$0x1E4D0] =	vst v63  }
0x73: {  	_ =	swait.ge [sflag:s19], $0x2000  }
0x74: {  	[sflag:s19] =	ssyncset.done $0x0  }
0x75: {  	s13 =	rddreg [dreg:$0x8];
	[sflag:s19] =	ssyncadd.s32 $0xFFFFE000  }
0x76: {  	[spmem:s13] =	stream.linear.scatter [tilespmem:s12], [sflag:$0xD], $0x2000, $0x38;
	[tilespmem:$0x1E4D0] =	vst v63  }
0x77: {  	_ =	swait.ge [sflag:s19], $0x2000  }
0x78: {  	[sflag:s19] =	ssyncset.done $0x0  }
0x79: {  	s14 =	simm.s32 $0xF4D0;
	[sflag:s19] =	ssyncadd.s32 $0xFFFFE000  }
0x7a: {  	[spmem:s21] =	stream.linear.scatter [tilespmem:s14], [sflag:$0xD], $0x2800, $0x38;
	[tilespmem:$0x1E4D0] =	vst v63  }
0x7b: {  	_ =	swait.ge [sflag:s19], $0x2800  }
0x7c: {  	[sflag:s19] =	ssyncset.done $0x0  }
0x7d: {  	[sflag:s19] =	ssyncadd.s32 $0xFFFFD800  }
0x7e: {  	s12 =	simm.s32 $0x0;
	[bflag:$0x0] =	sbarrier.arrive $0xFFFF  }
0x7f: {  	[tilespmem:s24], [sflag:$0x1] =	stream.indirect.gather [hbm4b:s5+s23], $0x40, s12, s23, $0xb8;
	[tilespmem:$0x1E4D0] =	vst v63  }
0x80: {  	s13 =	simm.s32 $0x80  }
0x81: {  	[tilespmem:s26], [sflag:$0x2] =	stream.indirect.gather [hbm4b:s5+s23], $0x40, s13, s23, $0xb8;
	[tilespmem:$0x1E4D0] =	vst v63  }
0x82: {  	s14 =	simm.s32 $0x100  }
0x83: {  	[tilespmem:s29], [sflag:$0x3] =	stream.indirect.gather [hbm4b:s5+s23], $0x40, s14, s23, $0xb8;
	[tilespmem:$0x1E4D0] =	vst v63  }
0x84: {  	s12 =	simm.s32 $0x180  }
0x85: {  	[tilespmem:s31], [sflag:$0x4] =	stream.indirect.gather [hbm4b:s5+s23], $0x40, s12, s23, $0xb8;
	[tilespmem:$0x1E4D0] =	vst v63  }
0x86: {  	_ =	swait.ge [sflag:s0], $0x1F40  }
0x87: {  	[sflag:s0] =	ssyncset.done $0x0  }
0x88: {  	s13 =	simm.s32 $0x2800;
	[sflag:s0] =	ssyncadd.s32 $0xFFFFE0C0  }
0x89: {  	[spmem:s2] =	stream.indirect.scatter.add.f32 [tilespmem:s24], [sflag:$0x5], $0x40, s13, s23, $0xb8;
	[tilespmem:$0x1E4D0] =	vst v63  }
0x8a: {  	_ = 	snop  }
0x8b: {  	[spmem:s3] =	stream.indirect.scatter.add.f32 [tilespmem:s22], [sflag:$0x9], $0x10, s13, s23, $0xb8;
	[tilespmem:$0x1E4D0] =	vst v63  }
0x8c: {  	_ =	swait.ge [sflag:s1], $0x1F40  }
0x8d: {  	[sflag:s1] =	ssyncset.done $0x0  }
0x8e: {  	s14 =	simm.s32 $0x2880;
	[sflag:s1] =	ssyncadd.s32 $0xFFFFE0C0  }
0x8f: {  	[spmem:s2] =	stream.indirect.scatter.add.f32 [tilespmem:s26], [sflag:$0x6], $0x40, s14, s23, $0xb8;
	[tilespmem:$0x1E4D0] =	vst v63  }
0x90: {  	_ = 	snop  }
0x91: {  	[spmem:s3] =	stream.indirect.scatter.add.f32 [tilespmem:s22], [sflag:$0xA], $0x10, s14, s23, $0xb8;
	[tilespmem:$0x1E4D0] =	vst v63  }
0x92: {  	_ =	swait.ge [sflag:s8], $0x1F40  }
0x93: {  	[sflag:s8] =	ssyncset.done $0x0  }
0x94: {  	s12 =	simm.s32 $0x2900;
	[sflag:s8] =	ssyncadd.s32 $0xFFFFE0C0  }
0x95: {  	[spmem:s2] =	stream.indirect.scatter.add.f32 [tilespmem:s29], [sflag:$0x7], $0x40, s12, s23, $0xb8;
	[tilespmem:$0x1E4D0] =	vst v63  }
0x96: {  	_ = 	snop  }
0x97: {  	[spmem:s3] =	stream.indirect.scatter.add.f32 [tilespmem:s22], [sflag:$0xB], $0x10, s12, s23, $0xb8;
	[tilespmem:$0x1E4D0] =	vst v63  }
0x98: {  	_ =	swait.ge [sflag:s25], $0x1F40  }
0x99: {  	[sflag:s25] =	ssyncset.done $0x0  }
0x9a: {  	s13 =	simm.s32 $0x2980;
	[sflag:s25] =	ssyncadd.s32 $0xFFFFE0C0  }
0x9b: {  	[spmem:s2] =	stream.indirect.scatter.add.f32 [tilespmem:s31], [sflag:$0x8], $0x40, s13, s23, $0xb8;
	[tilespmem:$0x1E4D0] =	vst v63  }
0x9c: {  	_ = 	snop  }
0x9d: {  	[spmem:s3] =	stream.indirect.scatter.add.f32 [tilespmem:s22], [sflag:$0xC], $0x10, s13, s23, $0xb8;
	[tilespmem:$0x1E4D0] =	vst v63  }
0x9e: {  	_ =	swait.ge [sflag:s17], $0x1F40  }
0x9f: {  	[sflag:s17] =	ssyncset.done $0x0  }
0xa0: {  	[sflag:s17] =	ssyncadd.s32 $0xFFFFE0C0  }
0xa1: {  	_ =	swait.ge [sflag:s28], $0x7D0  }
0xa2: {  	[sflag:s28] =	ssyncset.done $0x0  }
0xa3: {  	s14 =	simm.s32 $0x200;
	[sflag:s28] =	ssyncadd.s32 $0xFFFFF830  }
0xa4: {  	[tilespmem:s24], [sflag:$0x1] =	stream.indirect.gather [hbm4b:s5+s23], $0x40, s14, s23, $0xb8;
	[tilespmem:$0x1E4D0] =	vst v63  }
0xa5: {  	_ =	swait.ge [sflag:s18], $0x1F40  }
0xa6: {  	[sflag:s18] =	ssyncset.done $0x0  }
0xa7: {  	[sflag:s18] =	ssyncadd.s32 $0xFFFFE0C0  }
0xa8: {  	_ =	swait.ge [sflag:s30], $0x7D0  }
0xa9: {  	[sflag:s30] =	ssyncset.done $0x0  }
0xaa: {  	s12 =	simm.s32 $0x280;
	[sflag:s30] =	ssyncadd.s32 $0xFFFFF830  }
0xab: {  	[tilespmem:s26], [sflag:$0x2] =	stream.indirect.gather [hbm4b:s5+s23], $0x40, s12, s23, $0xb8;
	[tilespmem:$0x1E4D0] =	vst v63  }
0xac: {  	_ =	swait.ge [sflag:s7], $0x1F40  }
0xad: {  	[sflag:s7] =	ssyncset.done $0x0  }
0xae: {  	[sflag:s7] =	ssyncadd.s32 $0xFFFFE0C0  }
0xaf: {  	_ =	swait.ge [sflag:s15], $0x7D0  }
0xb0: {  	[sflag:s15] =	ssyncset.done $0x0  }
0xb1: {  	s13 =	simm.s32 $0x300;
	[sflag:s15] =	ssyncadd.s32 $0xFFFFF830  }
0xb2: {  	[tilespmem:s29], [sflag:$0x3] =	stream.indirect.gather [hbm4b:s5+s23], $0x40, s13, s23, $0xb8;
	[tilespmem:$0x1E4D0] =	vst v63  }
0xb3: {  	_ =	swait.ge [sflag:s16], $0x1F40  }
0xb4: {  	[sflag:s16] =	ssyncset.done $0x0  }
0xb5: {  	[sflag:s16] =	ssyncadd.s32 $0xFFFFE0C0  }
0xb6: {  	_ =	swait.ge [sflag:s10], $0x7D0  }
0xb7: {  	[sflag:s10] =	ssyncset.done $0x0  }
0xb8: {  	s14 =	simm.s32 $0x380;
	[sflag:s10] =	ssyncadd.s32 $0xFFFFF830  }
0xb9: {  	[tilespmem:s31], [sflag:$0x4] =	stream.indirect.gather [hbm4b:s5+s23], $0x40, s14, s23, $0xb8;
	[tilespmem:$0x1E4D0] =	vst v63  }
0xba: {  	_ =	swait.ge [sflag:s0], $0x1F40  }
0xbb: {  	[sflag:s0] =	ssyncset.done $0x0  }
0xbc: {  	s12 =	simm.s32 $0x2A00;
	[sflag:s0] =	ssyncadd.s32 $0xFFFFE0C0  }
0xbd: {  	[spmem:s2] =	stream.indirect.scatter.add.f32 [tilespmem:s24], [sflag:$0x5], $0x40, s12, s23, $0xb8;
	[tilespmem:$0x1E4D0] =	vst v63  }
0xbe: {  	_ = 	snop  }
0xbf: {  	[spmem:s3] =	stream.indirect.scatter.add.f32 [tilespmem:s22], [sflag:$0x9], $0x10, s12, s23, $0xb8;
	[tilespmem:$0x1E4D0] =	vst v63  }
0xc0: {  	_ =	swait.ge [sflag:s1], $0x1F40  }
0xc1: {  	[sflag:s1] =	ssyncset.done $0x0  }
0xc2: {  	s13 =	simm.s32 $0x2A80;
	[sflag:s1] =	ssyncadd.s32 $0xFFFFE0C0  }
0xc3: {  	[spmem:s2] =	stream.indirect.scatter.add.f32 [tilespmem:s26], [sflag:$0x6], $0x40, s13, s23, $0xb8;
	[tilespmem:$0x1E4D0] =	vst v63  }
0xc4: {  	_ = 	snop  }
0xc5: {  	[spmem:s3] =	stream.indirect.scatter.add.f32 [tilespmem:s22], [sflag:$0xA], $0x10, s13, s23, $0xb8;
	[tilespmem:$0x1E4D0] =	vst v63  }
0xc6: {  	_ =	swait.ge [sflag:s8], $0x1F40  }
0xc7: {  	[sflag:s8] =	ssyncset.done $0x0  }
0xc8: {  	s14 =	simm.s32 $0x2B00;
	[sflag:s8] =	ssyncadd.s32 $0xFFFFE0C0  }
0xc9: {  	[spmem:s2] =	stream.indirect.scatter.add.f32 [tilespmem:s29], [sflag:$0x7], $0x40, s14, s23, $0xb8;
	[tilespmem:$0x1E4D0] =	vst v63  }
0xca: {  	_ = 	snop  }
0xcb: {  	[spmem:s3] =	stream.indirect.scatter.add.f32 [tilespmem:s22], [sflag:$0xB], $0x10, s14, s23, $0xb8;
	[tilespmem:$0x1E4D0] =	vst v63  }
0xcc: {  	_ =	swait.ge [sflag:s25], $0x1F40  }
0xcd: {  	[sflag:s25] =	ssyncset.done $0x0  }
0xce: {  	s11 =	simm.s32 $0x800;
	s12 =	simm.s32 $0x2B80;
	[sflag:s25] =	ssyncadd.s32 $0xFFFFE0C0  }
0xcf: {  	[spmem:s2] =	stream.indirect.scatter.add.f32 [tilespmem:s31], [sflag:$0x8], $0x40, s12, s23, $0xb8;
	[tilespmem:$0x1E4D0] =	vst v63  }
.LBB2_10:
0xd0: {  	[spmem:s3] =	stream.indirect.scatter.add.f32 [tilespmem:s22], [sflag:$0xC], $0x10, s12, s23, $0xb8;
	[tilespmem:$0x1E4D0] =	vst v63  }
0xd1: {  	s12 =	smov.u32 s11  }
0xd2: {  	p1 =	sne.s32 s11, $0x9000;
	s11 =	sadd.s32 $0x800, s11;
	_ =	swait.ge [sflag:s17], $0x1F40  }
0xd3: {  	[sflag:s17] =	ssyncset.done $0x0  }
0xd4: {  	[sflag:s17] =	ssyncadd.s32 $0xFFFFE0C0  }
0xd5: {  	_ =	swait.ge [sflag:s28], $0x7D0  }
0xd6: {  	s12 =	sshra.s32 s12, $0x2;
	[sflag:s28] =	ssyncset.done $0x0  }
0xd7: {  	s13 =	sadd.s32 $0x200, s12;
	[sflag:s28] =	ssyncadd.s32 $0xFFFFF830  }
0xd8: {  	[tilespmem:s24], [sflag:$0x1] =	stream.indirect.gather [hbm4b:s5+s23], $0x40, s13, s23, $0xb8;
	[tilespmem:$0x1E4D0] =	vst v63  }
0xd9: {  	_ =	swait.ge [sflag:s18], $0x1F40  }
0xda: {  	[sflag:s18] =	ssyncset.done $0x0  }
0xdb: {  	[sflag:s18] =	ssyncadd.s32 $0xFFFFE0C0  }
0xdc: {  	_ =	swait.ge [sflag:s30], $0x7D0  }
0xdd: {  	[sflag:s30] =	ssyncset.done $0x0  }
0xde: {  	s13 =	sadd.s32 $0x280, s12;
	[sflag:s30] =	ssyncadd.s32 $0xFFFFF830  }
0xdf: {  	[tilespmem:s26], [sflag:$0x2] =	stream.indirect.gather [hbm4b:s5+s23], $0x40, s13, s23, $0xb8;
	[tilespmem:$0x1E4D0] =	vst v63  }
0xe0: {  	_ =	swait.ge [sflag:s7], $0x1F40  }
0xe1: {  	[sflag:s7] =	ssyncset.done $0x0  }
0xe2: {  	[sflag:s7] =	ssyncadd.s32 $0xFFFFE0C0  }
0xe3: {  	_ =	swait.ge [sflag:s15], $0x7D0  }
0xe4: {  	[sflag:s15] =	ssyncset.done $0x0  }
0xe5: {  	s13 =	sadd.s32 $0x300, s12;
	[sflag:s15] =	ssyncadd.s32 $0xFFFFF830  }
0xe6: {  	[tilespmem:s29], [sflag:$0x3] =	stream.indirect.gather [hbm4b:s5+s23], $0x40, s13, s23, $0xb8;
	[tilespmem:$0x1E4D0] =	vst v63  }
0xe7: {  	_ =	swait.ge [sflag:s16], $0x1F40  }
0xe8: {  	[sflag:s16] =	ssyncset.done $0x0  }
0xe9: {  	[sflag:s16] =	ssyncadd.s32 $0xFFFFE0C0  }
0xea: {  	_ =	swait.ge [sflag:s10], $0x7D0  }
0xeb: {  	[sflag:s10] =	ssyncset.done $0x0  }
0xec: {  	s13 =	sadd.s32 $0x380, s12;
	[sflag:s10] =	ssyncadd.s32 $0xFFFFF830  }
0xed: {  	[tilespmem:s31], [sflag:$0x4] =	stream.indirect.gather [hbm4b:s5+s23], $0x40, s13, s23, $0xb8;
	[tilespmem:$0x1E4D0] =	vst v63  }
0xee: {  	_ =	swait.ge [sflag:s0], $0x1F40  }
0xef: {  	[sflag:s0] =	ssyncset.done $0x0  }
0xf0: {  	s13 =	sadd.s32 $0x2A00, s12;
	[sflag:s0] =	ssyncadd.s32 $0xFFFFE0C0  }
0xf1: {  	[spmem:s2] =	stream.indirect.scatter.add.f32 [tilespmem:s24], [sflag:$0x5], $0x40, s13, s23, $0xb8;
	[tilespmem:$0x1E4D0] =	vst v63  }
0xf2: {  	_ = 	snop  }
0xf3: {  	[spmem:s3] =	stream.indirect.scatter.add.f32 [tilespmem:s22], [sflag:$0x9], $0x10, s13, s23, $0xb8;
	[tilespmem:$0x1E4D0] =	vst v63  }
0xf4: {  	_ =	swait.ge [sflag:s1], $0x1F40  }
0xf5: {  	[sflag:s1] =	ssyncset.done $0x0  }
0xf6: {  	s13 =	sadd.s32 $0x2A80, s12;
	[sflag:s1] =	ssyncadd.s32 $0xFFFFE0C0  }
0xf7: {  	[spmem:s2] =	stream.indirect.scatter.add.f32 [tilespmem:s26], [sflag:$0x6], $0x40, s13, s23, $0xb8;
	[tilespmem:$0x1E4D0] =	vst v63  }
0xf8: {  	_ = 	snop  }
0xf9: {  	[spmem:s3] =	stream.indirect.scatter.add.f32 [tilespmem:s22], [sflag:$0xA], $0x10, s13, s23, $0xb8;
	[tilespmem:$0x1E4D0] =	vst v63  }
0xfa: {  	_ =	swait.ge [sflag:s8], $0x1F40  }
0xfb: {  	[sflag:s8] =	ssyncset.done $0x0  }
0xfc: {  	s13 =	sadd.s32 $0x2B00, s12;
	[sflag:s8] =	ssyncadd.s32 $0xFFFFE0C0  }
0xfd: {  	[spmem:s2] =	stream.indirect.scatter.add.f32 [tilespmem:s29], [sflag:$0x7], $0x40, s13, s23, $0xb8;
	[tilespmem:$0x1E4D0] =	vst v63  }
0xfe: {  	_ = 	snop  }
0xff: {  	[spmem:s3] =	stream.indirect.scatter.add.f32 [tilespmem:s22], [sflag:$0xB], $0x10, s13, s23, $0xb8;
	[tilespmem:$0x1E4D0] =	vst v63  }
.Ltmp4:
0x100: {  	_ = 	snop;
	(pc) =	sbr.rel @p1 .LBB2_10-.Ltmp4, $4  }
0x101: {  	_ =	swait.ge [sflag:s25], $0x1F40  }
0x102: {  	[sflag:s25] =	ssyncset.done $0x0  }
0x103: {  	s12 =	sadd.s32 $0x2B80, s12;
	[sflag:s25] =	ssyncadd.s32 $0xFFFFE0C0  }
0x104: {  	[spmem:s2] =	stream.indirect.scatter.add.f32 [tilespmem:s31], [sflag:$0x8], $0x40, s12, s23, $0xb8;
	[tilespmem:$0x1E4D0] =	vst v63  }
0x105: {  	[spmem:s3] =	stream.indirect.scatter.add.f32 [tilespmem:s22], [sflag:$0xC], $0x10, s12, s23, $0xb8;
	[tilespmem:$0x1E4D0] =	vst v63  }
0x106: {  	_ =	swait.ge [sflag:s17], $0x1F40  }
0x107: {  	[sflag:s17] =	ssyncset.done $0x0  }
0x108: {  	[sflag:s17] =	ssyncadd.s32 $0xFFFFE0C0  }
0x109: {  	_ =	swait.ge [sflag:s28], $0x7D0  }
0x10a: {  	[sflag:s28] =	ssyncset.done $0x0  }
0x10b: {  	[sflag:s28] =	ssyncadd.s32 $0xFFFFF830  }
0x10c: {  	_ =	swait.ge [sflag:s18], $0x1F40  }
0x10d: {  	[sflag:s18] =	ssyncset.done $0x0  }
0x10e: {  	[sflag:s18] =	ssyncadd.s32 $0xFFFFE0C0  }
0x10f: {  	_ =	swait.ge [sflag:s30], $0x7D0  }
0x110: {  	[sflag:s30] =	ssyncset.done $0x0  }
0x111: {  	[sflag:s30] =	ssyncadd.s32 $0xFFFFF830  }
0x112: {  	_ =	swait.ge [sflag:s7], $0x1F40  }
0x113: {  	[sflag:s7] =	ssyncset.done $0x0  }
0x114: {  	[sflag:s7] =	ssyncadd.s32 $0xFFFFE0C0  }
0x115: {  	_ =	swait.ge [sflag:s15], $0x7D0  }
0x116: {  	[sflag:s15] =	ssyncset.done $0x0  }
0x117: {  	[sflag:s15] =	ssyncadd.s32 $0xFFFFF830  }
0x118: {  	_ =	swait.ge [sflag:s16], $0x1F40  }
0x119: {  	[sflag:s16] =	ssyncset.done $0x0  }
0x11a: {  	[sflag:s16] =	ssyncadd.s32 $0xFFFFE0C0  }
0x11b: {  	_ =	swait.ge [sflag:s10], $0x7D0  }
0x11c: {  	[sflag:s10] =	ssyncset.done $0x0  }
0x11d: {  	s11 =	stileid.u32;
	[sflag:s10] =	ssyncadd.s32 $0xFFFFF830  }
0x11e: {  	s11 =	sshll.u32 s11, $0x6;
	[bflag:$0x0] =	sbarrier.arrive $0xFFFF  }
0x11f: {  	s12 =	sshrl.u32 s9, $0x3;
	s11 =	sor.u32 $0x1C0D, s11;
	s13 =	rddreg [dreg:$0xa]  }
0x120: {  	[hbm:s13], [sflag:s11] =	dma.local [spmem:s12], $0x1400  }
0x121: {  	_ =	swait.ge [sflag:s19], $0x1400  }
0x122: {  	[sflag:s19] =	ssyncset.done $0x0  }
0x123: {  	s13 =	sshrl.u32 @!p0 s21, $0x3;
	s14 =	rddreg [dreg:$0xb];
	[sflag:s19] =	ssyncadd.s32 $0xFFFFEC00  }
0x124: {  	[hbm:s14], [sflag:s11] =	dma.local @!p0 [spmem:s13], $0x500  }
0x125: {  	s13 =	simm.s32 @!p0 $0xD  }
0x126: {  	_ =	swait.ge @!p0 [sflag:s13], $0x500  }
0x127: {  	[sflag:s13] =	ssyncset.done @!p0 $0x0  }
0x128: {  	s14 =	simm.s32 $0xD4D0;
	[sflag:s13] =	ssyncadd.s32 @!p0 $0xFFFFFB00  }
0x129: {  	[spmem:s9] =	stream.linear.scatter [tilespmem:s14], [sflag:$0xD], $0x2000, $0x38;
	[tilespmem:$0x1E4D0] =	vst v63  }
0x12a: {  	_ =	swait.ge [sflag:s19], $0x2000  }
0x12b: {  	[sflag:s19] =	ssyncset.done $0x0  }
0x12c: {  	[sflag:s19] =	ssyncadd.s32 $0xFFFFE000  }
0x12d: {  	[spmem:s20] =	stream.linear.scatter [tilespmem:s14], [sflag:$0xD], $0x2000, $0x38;
	[tilespmem:$0x1E4D0] =	vst v63  }
0x12e: {  	_ =	swait.ge [sflag:s19], $0x2000  }
0x12f: {  	s21 =	smov.u32 s9;
	[sflag:s19] =	ssyncset.done $0x0  }
0x130: {  	s9 =	smov.u32 s20;
	s20 =	rddreg [dreg:$0x6];
	[sflag:s19] =	ssyncadd.s32 $0xFFFFE000  }
0x131: {  	[spmem:s20] =	stream.linear.scatter [tilespmem:s14], [sflag:$0xD], $0x2000, $0x38;
	[tilespmem:$0x1E4D0] =	vst v63  }
0x132: {  	_ =	swait.ge [sflag:s19], $0x2000  }
0x133: {  	[sflag:s19] =	ssyncset.done $0x0  }
0x134: {  	s20 =	rddreg [dreg:$0x7];
	[sflag:s19] =	ssyncadd.s32 $0xFFFFE000  }
0x135: {  	[spmem:s20] =	stream.linear.scatter [tilespmem:s14], [sflag:$0xD], $0x2000, $0x38;
	[tilespmem:$0x1E4D0] =	vst v63  }
0x136: {  	_ =	swait.ge [sflag:s19], $0x2000  }
0x137: {  	[sflag:s19] =	ssyncset.done $0x0  }
0x138: {  	s20 =	rddreg [dreg:$0x8];
	[sflag:s19] =	ssyncadd.s32 $0xFFFFE000  }
0x139: {  	[spmem:s20] =	stream.linear.scatter [tilespmem:s14], [sflag:$0xD], $0x2000, $0x38;
	[tilespmem:$0x1E4D0] =	vst v63  }
0x13a: {  	_ =	swait.ge [sflag:s19], $0x2000  }
0x13b: {  	[sflag:s19] =	ssyncset.done $0x0  }
0x13c: {  	[sflag:s19] =	ssyncadd.s32 $0xFFFFE000  }
0x13d: {  	s20 =	simm.s32 $0x0;
	[bflag:$0x0] =	sbarrier.arrive $0xFFFF  }
0x13e: {  	[tilespmem:s24], [sflag:$0x1] =	stream.indirect.gather [hbm4b:s6+s23], $0x40, s20, s23, $0xb8;
	[tilespmem:$0x1E4D0] =	vst v63  }
0x13f: {  	s14 =	simm.s32 $0x80  }
0x140: {  	[tilespmem:s26], [sflag:$0x2] =	stream.indirect.gather [hbm4b:s6+s23], $0x40, s14, s23, $0xb8;
	[tilespmem:$0x1E4D0] =	vst v63  }
0x141: {  	s20 =	simm.s32 $0x100  }
0x142: {  	[tilespmem:s29], [sflag:$0x3] =	stream.indirect.gather [hbm4b:s6+s23], $0x40, s20, s23, $0xb8;
	[tilespmem:$0x1E4D0] =	vst v63  }
0x143: {  	s14 =	simm.s32 $0x180  }
0x144: {  	[tilespmem:s31], [sflag:$0x4] =	stream.indirect.gather [hbm4b:s6+s23], $0x40, s14, s23, $0xb8;
	[tilespmem:$0x1E4D0] =	vst v63  }
0x145: {  	_ =	swait.ge [sflag:s0], $0x1F40  }
0x146: {  	[sflag:s0] =	ssyncset.done $0x0  }
0x147: {  	s20 =	simm.s32 $0x2800;
	[sflag:s0] =	ssyncadd.s32 $0xFFFFE0C0  }
0x148: {  	[spmem:s2] =	stream.indirect.scatter.add.f32 [tilespmem:s24], [sflag:$0x5], $0x40, s20, s23, $0xb8;
	[tilespmem:$0x1E4D0] =	vst v63  }
0x149: {  	_ =	swait.ge [sflag:s1], $0x1F40  }
0x14a: {  	[sflag:s1] =	ssyncset.done $0x0  }
0x14b: {  	s14 =	simm.s32 $0x2880;
	[sflag:s1] =	ssyncadd.s32 $0xFFFFE0C0  }
0x14c: {  	[spmem:s2] =	stream.indirect.scatter.add.f32 [tilespmem:s26], [sflag:$0x6], $0x40, s14, s23, $0xb8;
	[tilespmem:$0x1E4D0] =	vst v63  }
0x14d: {  	_ =	swait.ge [sflag:s8], $0x1F40  }
0x14e: {  	[sflag:s8] =	ssyncset.done $0x0  }
0x14f: {  	s20 =	simm.s32 $0x2900;
	[sflag:s8] =	ssyncadd.s32 $0xFFFFE0C0  }
0x150: {  	[spmem:s2] =	stream.indirect.scatter.add.f32 [tilespmem:s29], [sflag:$0x7], $0x40, s20, s23, $0xb8;
	[tilespmem:$0x1E4D0] =	vst v63  }
0x151: {  	_ =	swait.ge [sflag:s25], $0x1F40  }
0x152: {  	[sflag:s25] =	ssyncset.done $0x0  }
0x153: {  	s14 =	simm.s32 $0x2980;
	[sflag:s25] =	ssyncadd.s32 $0xFFFFE0C0  }
0x154: {  	[spmem:s2] =	stream.indirect.scatter.add.f32 [tilespmem:s31], [sflag:$0x8], $0x40, s14, s23, $0xb8;
	[tilespmem:$0x1E4D0] =	vst v63  }
0x155: {  	_ =	swait.ge [sflag:s17], $0x1F40  }
0x156: {  	[sflag:s17] =	ssyncset.done $0x0  }
0x157: {  	s20 =	simm.s32 $0x200;
	[sflag:s17] =	ssyncadd.s32 $0xFFFFE0C0  }
0x158: {  	[tilespmem:s24], [sflag:$0x1] =	stream.indirect.gather [hbm4b:s6+s23], $0x40, s20, s23, $0xb8;
	[tilespmem:$0x1E4D0] =	vst v63  }
0x159: {  	_ =	swait.ge [sflag:s18], $0x1F40  }
0x15a: {  	[sflag:s18] =	ssyncset.done $0x0  }
0x15b: {  	s14 =	simm.s32 $0x280;
	[sflag:s18] =	ssyncadd.s32 $0xFFFFE0C0  }
0x15c: {  	[tilespmem:s26], [sflag:$0x2] =	stream.indirect.gather [hbm4b:s6+s23], $0x40, s14, s23, $0xb8;
	[tilespmem:$0x1E4D0] =	vst v63  }
0x15d: {  	_ =	swait.ge [sflag:s7], $0x1F40  }
0x15e: {  	[sflag:s7] =	ssyncset.done $0x0  }
0x15f: {  	s20 =	simm.s32 $0x300;
	[sflag:s7] =	ssyncadd.s32 $0xFFFFE0C0  }
0x160: {  	[tilespmem:s29], [sflag:$0x3] =	stream.indirect.gather [hbm4b:s6+s23], $0x40, s20, s23, $0xb8;
	[tilespmem:$0x1E4D0] =	vst v63  }
0x161: {  	_ =	swait.ge [sflag:s16], $0x1F40  }
0x162: {  	[sflag:s16] =	ssyncset.done $0x0  }
0x163: {  	s14 =	simm.s32 $0x380;
	[sflag:s16] =	ssyncadd.s32 $0xFFFFE0C0  }
0x164: {  	[tilespmem:s31], [sflag:$0x4] =	stream.indirect.gather [hbm4b:s6+s23], $0x40, s14, s23, $0xb8;
	[tilespmem:$0x1E4D0] =	vst v63  }
0x165: {  	_ =	swait.ge [sflag:s0], $0x1F40  }
0x166: {  	[sflag:s0] =	ssyncset.done $0x0  }
0x167: {  	s20 =	simm.s32 $0x2A00;
	[sflag:s0] =	ssyncadd.s32 $0xFFFFE0C0  }
0x168: {  	[spmem:s2] =	stream.indirect.scatter.add.f32 [tilespmem:s24], [sflag:$0x5], $0x40, s20, s23, $0xb8;
	[tilespmem:$0x1E4D0] =	vst v63  }
0x169: {  	_ =	swait.ge [sflag:s1], $0x1F40  }
0x16a: {  	[sflag:s1] =	ssyncset.done $0x0  }
0x16b: {  	s14 =	simm.s32 $0x2A80;
	[sflag:s1] =	ssyncadd.s32 $0xFFFFE0C0  }
0x16c: {  	[spmem:s2] =	stream.indirect.scatter.add.f32 [tilespmem:s26], [sflag:$0x6], $0x40, s14, s23, $0xb8;
	[tilespmem:$0x1E4D0] =	vst v63  }
0x16d: {  	_ =	swait.ge [sflag:s8], $0x1F40  }
0x16e: {  	[sflag:s8] =	ssyncset.done $0x0  }
0x16f: {  	s20 =	simm.s32 $0x2B00;
	[sflag:s8] =	ssyncadd.s32 $0xFFFFE0C0  }
0x170: {  	[spmem:s2] =	stream.indirect.scatter.add.f32 [tilespmem:s29], [sflag:$0x7], $0x40, s20, s23, $0xb8;
	[tilespmem:$0x1E4D0] =	vst v63  }
0x171: {  	_ =	swait.ge [sflag:s25], $0x1F40  }
0x172: {  	[sflag:s25] =	ssyncset.done $0x0  }
0x173: {  	s13 =	simm.s32 $0x800;
	s14 =	simm.s32 $0x2B80;
	[sflag:s25] =	ssyncadd.s32 $0xFFFFE0C0  }
.LBB2_12:
0x174: {  	[spmem:s2] =	stream.indirect.scatter.add.f32 [tilespmem:s31], [sflag:$0x8], $0x40, s14, s23, $0xb8;
	[tilespmem:$0x1E4D0] =	vst v63  }
0x175: {  	s14 =	smov.u32 s13  }
0x176: {  	p1 =	sne.s32 s13, $0x9000;
	s13 =	sadd.s32 $0x800, s13;
	_ =	swait.ge [sflag:s17], $0x1F40  }
0x177: {  	s14 =	sshra.s32 s14, $0x2;
	[sflag:s17] =	ssyncset.done $0x0  }
0x178: {  	s20 =	sadd.s32 $0x200, s14;
	[sflag:s17] =	ssyncadd.s32 $0xFFFFE0C0  }
0x179: {  	[tilespmem:s24], [sflag:$0x1] =	stream.indirect.gather [hbm4b:s6+s23], $0x40, s20, s23, $0xb8;
	[tilespmem:$0x1E4D0] =	vst v63  }
0x17a: {  	_ =	swait.ge [sflag:s18], $0x1F40  }
0x17b: {  	[sflag:s18] =	ssyncset.done $0x0  }
0x17c: {  	s20 =	sadd.s32 $0x280, s14;
	[sflag:s18] =	ssyncadd.s32 $0xFFFFE0C0  }
0x17d: {  	[tilespmem:s26], [sflag:$0x2] =	stream.indirect.gather [hbm4b:s6+s23], $0x40, s20, s23, $0xb8;
	[tilespmem:$0x1E4D0] =	vst v63  }
0x17e: {  	_ =	swait.ge [sflag:s7], $0x1F40  }
0x17f: {  	[sflag:s7] =	ssyncset.done $0x0  }
0x180: {  	s20 =	sadd.s32 $0x300, s14;
	[sflag:s7] =	ssyncadd.s32 $0xFFFFE0C0  }
0x181: {  	[tilespmem:s29], [sflag:$0x3] =	stream.indirect.gather [hbm4b:s6+s23], $0x40, s20, s23, $0xb8;
	[tilespmem:$0x1E4D0] =	vst v63  }
0x182: {  	_ =	swait.ge [sflag:s16], $0x1F40  }
0x183: {  	[sflag:s16] =	ssyncset.done $0x0  }
0x184: {  	s20 =	sadd.s32 $0x380, s14;
	[sflag:s16] =	ssyncadd.s32 $0xFFFFE0C0  }
0x185: {  	[tilespmem:s31], [sflag:$0x4] =	stream.indirect.gather [hbm4b:s6+s23], $0x40, s20, s23, $0xb8;
	[tilespmem:$0x1E4D0] =	vst v63  }
0x186: {  	_ =	swait.ge [sflag:s0], $0x1F40  }
0x187: {  	[sflag:s0] =	ssyncset.done $0x0  }
0x188: {  	s20 =	sadd.s32 $0x2A00, s14;
	[sflag:s0] =	ssyncadd.s32 $0xFFFFE0C0  }
0x189: {  	[spmem:s2] =	stream.indirect.scatter.add.f32 [tilespmem:s24], [sflag:$0x5], $0x40, s20, s23, $0xb8;
	[tilespmem:$0x1E4D0] =	vst v63  }
0x18a: {  	_ =	swait.ge [sflag:s1], $0x1F40  }
0x18b: {  	[sflag:s1] =	ssyncset.done $0x0  }
0x18c: {  	s20 =	sadd.s32 $0x2A80, s14;
	[sflag:s1] =	ssyncadd.s32 $0xFFFFE0C0  }
0x18d: {  	[spmem:s2] =	stream.indirect.scatter.add.f32 [tilespmem:s26], [sflag:$0x6], $0x40, s20, s23, $0xb8;
	[tilespmem:$0x1E4D0] =	vst v63  }
0x18e: {  	_ =	swait.ge [sflag:s8], $0x1F40  }
0x18f: {  	[sflag:s8] =	ssyncset.done $0x0  }
.Ltmp5:
0x190: {  	s20 =	sadd.s32 $0x2B00, s14;
	[sflag:s8] =	ssyncadd.s32 $0xFFFFE0C0;
	(pc) =	sbr.rel @p1 .LBB2_12-.Ltmp5, $4  }
0x191: {  	[spmem:s2] =	stream.indirect.scatter.add.f32 [tilespmem:s29], [sflag:$0x7], $0x40, s20, s23, $0xb8;
	[tilespmem:$0x1E4D0] =	vst v63  }
0x192: {  	_ =	swait.ge [sflag:s25], $0x1F40  }
0x193: {  	[sflag:s25] =	ssyncset.done $0x0  }
0x194: {  	s14 =	sadd.s32 $0x2B80, s14;
	[sflag:s25] =	ssyncadd.s32 $0xFFFFE0C0  }
0x195: {  	[spmem:s2] =	stream.indirect.scatter.add.f32 [tilespmem:s31], [sflag:$0x8], $0x40, s14, s23, $0xb8;
	[tilespmem:$0x1E4D0] =	vst v63  }
0x196: {  	_ =	swait.ge [sflag:s17], $0x1F40  }
0x197: {  	[sflag:s17] =	ssyncset.done $0x0  }
0x198: {  	[sflag:s17] =	ssyncadd.s32 $0xFFFFE0C0  }
0x199: {  	_ =	swait.ge [sflag:s18], $0x1F40  }
0x19a: {  	[sflag:s18] =	ssyncset.done $0x0  }
0x19b: {  	[sflag:s18] =	ssyncadd.s32 $0xFFFFE0C0  }
0x19c: {  	_ =	swait.ge [sflag:s7], $0x1F40  }
0x19d: {  	[sflag:s7] =	ssyncset.done $0x0  }
0x19e: {  	[sflag:s7] =	ssyncadd.s32 $0xFFFFE0C0  }
0x19f: {  	_ =	swait.ge [sflag:s16], $0x1F40  }
0x1a0: {  	[sflag:s16] =	ssyncset.done $0x0  }
0x1a1: {  	[sflag:s16] =	ssyncadd.s32 $0xFFFFE0C0  }
0x1a2: {  	[bflag:$0x0] =	sbarrier.arrive $0xFFFF  }
0x1a3: {  	s13 =	rddreg [dreg:$0xc]  }
0x1a4: {  	[hbm:s13], [sflag:s11] =	dma.local [spmem:s12], $0x1400  }
0x1a5: {  	_ =	swait.ge [sflag:s19], $0x1400  }
0x1a6: {  	s4 =	sadd.s32 $0x1, s4;
	s20 =	rddreg [dreg:$0xd]  }
0x1a7: {  	p1 =	sne.s32 s4, s20  }
.Ltmp6:
0x1a8: {  	_ = 	snop;
	(pc) =	sbr.rel @p1 .LBB2_1-.Ltmp6, $4  }
0x1a9: {  	_ = 	snop  }
0x1aa: {  	[sflag:s19] =	ssyncset.done $0x0  }
0x1ab: {  	[sflag:s19] =	ssyncadd.s32 $0xFFFFEC00  }
0x1ac: {  	s20 =	smov.u32 s9;
	s9 =	smov.u32 s21;
	s21 =	rddreg [dreg:$0x9]  }
0x1ad: {  	_ =	sfence.sel $0x180000  }
0x1ae: {  	[bflag:$0x0] =	sbarrier.arrive $0xFFFF  }
0x1af: {  	_ =	strace $0x9000004A  }
0x1b0: {  	s0 =	stileid.u32;
	[bflag:$0x2] =	sbarrier.arrive $0xFFFF  }
0x1b1: {  	p0 =	sne.s32 s0, $0x0;
	s0 =	rddreg [dreg:$0x3]  }
0x1b2: {  	s0 =	sadd.s32 @!p0 $0x100000, s0  }
0x1b3: {  	[sflag:s0] =	ssyncadd.tile.s32 @!p0 $0x1;
	_ =	shalt  }
.Lfunc_end2:
_tile_overlayer_lowered:
.L_overlay_start_2:
0x1b4: {  	(tag) =	ssettag $0x2  }
0x1b5: {  	s0 =	rddreg [dreg:$0x0];
	s2 =	stileid.u32  }
0x1b6: {  	s1 =	rddreg [dreg:$0x1];
	p0 =	sne.s32 s2, $0x0  }
0x1b7: {  	s3 =	rddreg [dreg:$0x2];
	[bflag:$0x3] =	sbarrier.arrive $0xFFFF;
	s2 =	simm.s32 @!p0 $0x1C0D  }
0x1b8: {  	[timem:s3], [sflag:s2] =	dma.local @!p0 [hbm:s0], s1  }
0x1b9: {  	s0 =	simm.s32 @!p0 $0xD  }
0x1ba: {  	_ =	swait.ge @!p0 [sflag:s0], s1  }
0x1bb: {  	s1 =	ssub.s32 @!p0 $0x0, s1;
	[sflag:s0] =	ssyncset.done @!p0 $0x0  }
0x1bc: {  	[sflag:s0] =	ssyncadd.s32 @!p0 s1  }
0x1bd: {  	[bflag:$0x3] =	sbarrier.arrive $0xFFFF  }
0x1be: {  	_ =	shalt  }

</sc_bundles>
